<compile_context>
chip_gen: v7x
topology: tpu7x:2x2x1
jax: 0.10.2.dev20260603
libtpu: 0.0.44.dev20260713+nightly
codegen_flags: <defaults>
</compile_context>

<pallas_src>
import functools

import jax
import jax.numpy as jnp
import numpy as np
from jax import lax
from jax.experimental import pallas as pl
from jax.experimental.pallas import tpu as pltpu
from jax.experimental.pallas import tpu_sc as plsc

N = 10000
E = 320000
F = 128
ROW = 144
NPAD = 10240

NC = 2
NS = 16
NW = NC * NS
C = 64
CHUNKS = 157
EPW = C * CHUNKS
EPAD = NW * EPW
RPT = NPAD // NS



def _pre_body(x_ref, w1_ref, b1_ref, p_ref, q_ref):
    x = x_ref[...]
    w1a = w1_ref[:F, :]
    w1b = w1_ref[F:, :]
    q_ref[...] = jnp.dot(x, w1b,
                         preferred_element_type=jnp.float32).astype(jnp.bfloat16)
    p_ref[...] = (jnp.dot(x, w1a - w1b, preferred_element_type=jnp.float32)
                  + b1_ref[...]).astype(jnp.bfloat16)


def _pre(x, w1, b1):
    return pl.pallas_call(
        _pre_body,
        out_shape=(
            jax.ShapeDtypeStruct((NPAD, F), jnp.bfloat16),
            jax.ShapeDtypeStruct((NPAD, F), jnp.bfloat16),
        ),
    )(x, w1, b1)



def _edge_body(p_hbm, q_hbm, src_hbm, dst_hbm, zeros_hbm, out_hbm,
               idx0, idx1, idx2, idx3,
               prow0, qrow0, orow0, prow1, qrow1, orow1, acc,
               sem_i0, sem_i1, sem_i2, sem_i3,
               sem_p0, sem_q0, sem_s0, sem_p1, sem_q1, sem_s1):
    c = lax.axis_index("c")
    s = lax.axis_index("s")
    wid = c * NS + s
    ebase = wid * EPW

    pltpu.sync_copy(zeros_hbm.at[pl.ds(s * RPT, RPT)],
                    acc.at[pl.ds(s * RPT, RPT)])

    lane = lax.iota(jnp.int32, 16)
    count_pat = jnp.where(lane == 0, 1.0, 0.0).astype(jnp.float32)

    @plsc.parallel_loop(0, C)
    def _(r):
        orow0[r, pl.ds(F, 16)] = count_pat
        orow1[r, pl.ds(F, 16)] = count_pat

    plsc.subcore_barrier()

    ibufs = ((idx0, sem_i0), (idx1, sem_i1), (idx2, sem_i2), (idx3, sem_i3))
    dbufs = ((prow0, qrow0, orow0, sem_p0, sem_q0, sem_s0),
             (prow1, qrow1, orow1, sem_p1, sem_q1, sem_s1))

    def issue_idx(i, ib):
        idx, sem = ibufs[ib]
        base = ebase + i * C
        pltpu.async_copy(src_hbm.at[pl.ds(base, C)], idx.at[0], sem)
        pltpu.async_copy(dst_hbm.at[pl.ds(base, C)], idx.at[1], sem)

    def wait_idx(i, ib):
        idx, sem = ibufs[ib]
        base = ebase + i * C
        pltpu.make_async_copy(src_hbm.at[pl.ds(base, C)], idx.at[0], sem).wait()
        pltpu.make_async_copy(dst_hbm.at[pl.ds(base, C)], idx.at[1], sem).wait()

    def issue_gather(ib, db):
        idx = ibufs[ib][0]
        prow, qrow, _, sem_p, sem_q, _ = dbufs[db]
        pltpu.async_copy(p_hbm.at[idx.at[1]], prow, sem_p)
        pltpu.async_copy(q_hbm.at[idx.at[0]], qrow, sem_q)

    def wait_gather(ib, db):
        idx = ibufs[ib][0]
        prow, qrow, _, sem_p, sem_q, _ = dbufs[db]
        pltpu.make_async_copy(p_hbm.at[idx.at[1]], prow, sem_p).wait()
        pltpu.make_async_copy(q_hbm.at[idx.at[0]], qrow, sem_q).wait()

    def compute(db):
        prow, qrow, orow = dbufs[db][0], dbufs[db][1], dbufs[db][2]

        @plsc.parallel_loop(0, C, unroll=4)
        def _(r):
            for k in range(F // 32):
                sl = pl.ds(k * 32, 32)
                pe, po = plsc.unpack(prow[r, sl],
                                     format=plsc.PackFormat.INTERLEAVED,
                                     preferred_element_type=jnp.float32)
                qe, qo = plsc.unpack(qrow[r, sl],
                                     format=plsc.PackFormat.INTERLEAVED,
                                     preferred_element_type=jnp.float32)
                orow[r, pl.ds(k * 32, 16)] = jnp.maximum(pe + qe, 0.0)
                orow[r, pl.ds(k * 32 + 16, 16)] = jnp.maximum(po + qo, 0.0)

    def issue_scatter(ib, db):
        idx = ibufs[ib][0]
        orow, sem_s = dbufs[db][2], dbufs[db][5]
        pltpu.async_copy(orow, acc.at[idx.at[1]], sem_s, add=True)

    def wait_scatter(ib, db):
        idx = ibufs[ib][0]
        orow, sem_s = dbufs[db][2], dbufs[db][5]
        pltpu.make_async_copy(orow, acc.at[idx.at[1]], sem_s).wait()

    issue_idx(0, 0)
    issue_idx(1, 1)
    issue_idx(2, 2)
    issue_idx(3, 3)
    wait_idx(0, 0)
    issue_gather(0, 0)
    wait_idx(1, 1)
    issue_gather(1, 1)
    wait_gather(0, 0)
    compute(0)
    issue_scatter(0, 0)
    wait_idx(2, 2)
    issue_gather(2, 0)
    wait_gather(1, 1)
    compute(1)
    wait_scatter(0, 0)
    issue_scatter(1, 1)
    issue_idx(4, 0)
    wait_idx(3, 3)
    issue_gather(3, 1)

    def generic(i, ib, db, do_idx, do_gather):
        wait_gather(ib, db)
        compute(db)
        wait_scatter((ib - 1) % 4, 1 - db)
        issue_scatter(ib, db)
        if do_idx:
            issue_idx(i + 3, (ib + 3) % 4)
        if do_gather:
            wait_idx(i + 2, (ib + 2) % 4)
            issue_gather((ib + 2) % 4, db)

    def quad(u, carry):
        i0 = 4 * u + 2
        generic(i0, 2, 0, True, True)
        generic(i0 + 1, 3, 1, True, True)
        generic(i0 + 2, 0, 0, True, True)
        generic(i0 + 3, 1, 1, True, True)
        return carry

    lax.fori_loop(0, 38, quad, 0)

    generic(154, 2, 0, False, True)
    generic(155, 3, 1, False, False)
    generic(156, 0, 0, False, False)
    wait_scatter(0, 0)

    plsc.subcore_barrier()

    pltpu.sync_copy(acc.at[pl.ds(s * RPT, RPT)],
                    out_hbm.at[c, pl.ds(s * RPT, RPT)])


_edge = pl.kernel(
    _edge_body,
    out_type=jax.ShapeDtypeStruct((NC, NPAD, ROW), jnp.float32),
    mesh=plsc.VectorSubcoreMesh(core_axis_name="c", subcore_axis_name="s"),
    compiler_params=pltpu.CompilerParams(use_tc_tiling_on_sc=False,
                                         needs_layout_passes=False),
    scratch_types=[
        pltpu.VMEM((2, C), jnp.int32),
        pltpu.VMEM((2, C), jnp.int32),
        pltpu.VMEM((2, C), jnp.int32),
        pltpu.VMEM((2, C), jnp.int32),
        pltpu.VMEM((C, F), jnp.bfloat16),
        pltpu.VMEM((C, F), jnp.bfloat16),
        pltpu.VMEM((C, ROW), jnp.float32),
        pltpu.VMEM((C, F), jnp.bfloat16),
        pltpu.VMEM((C, F), jnp.bfloat16),
        pltpu.VMEM((C, ROW), jnp.float32),
        pltpu.VMEM_SHARED((NPAD, ROW), jnp.float32),
        pltpu.SemaphoreType.DMA,
        pltpu.SemaphoreType.DMA,
        pltpu.SemaphoreType.DMA,
        pltpu.SemaphoreType.DMA,
        pltpu.SemaphoreType.DMA,
        pltpu.SemaphoreType.DMA,
        pltpu.SemaphoreType.DMA,
        pltpu.SemaphoreType.DMA,
        pltpu.SemaphoreType.DMA,
        pltpu.SemaphoreType.DMA,
    ],
)



def _post_body(acc_ref, w2_ref, b2_ref, w3_ref, b3_ref, w4_ref, b4_ref,
               out_ref):
    a = acc_ref[0, :N, :] + acc_ref[1, :N, :]
    h_sum = a[:, :F]
    cnt = jnp.sum(a[:, F:ROW], axis=1, keepdims=True)
    denom = jnp.maximum(cnt, 1.0)
    summed = jnp.dot(h_sum, w2_ref[...], preferred_element_type=jnp.float32)
    agg = (summed + cnt * b2_ref[...]) / denom
    agg = jnp.maximum(agg, 0.0)
    h = jnp.maximum(
        jnp.dot(agg, w3_ref[...], preferred_element_type=jnp.float32)
        + b3_ref[...], 0.0)
    out_ref[...] = (jnp.dot(h, w4_ref[...], preferred_element_type=jnp.float32)
                    + b4_ref[...])


def _post(acc, w2, b2, w3, b3, w4, b4):
    return pl.pallas_call(
        _post_body,
        out_shape=jax.ShapeDtypeStruct((N, F), jnp.float32),
    )(acc, w2, b2, w3, b3, w4, b4)



_COLMAP = np.concatenate(
    [np.concatenate([32 * g + 2 * np.arange(16),
                     32 * g + 2 * np.arange(16) + 1]) for g in range(F // 32)])


def kernel(x, edge_index, W1, b1, W2, b2, W3, b3, W4, b4):
    src = edge_index[0].astype(jnp.int32)
    dst = edge_index[1].astype(jnp.int32)
    W2 = W2[_COLMAP, :]
    npad_e = EPAD - E
    pad_rows = (N + jnp.arange(npad_e, dtype=jnp.int32) % (NPAD - N))
    src = jnp.concatenate([src, pad_rows])
    dst = jnp.concatenate([dst, pad_rows])
    xp = jnp.concatenate([x, jnp.zeros((NPAD - N, F), x.dtype)])
    p, q = _pre(xp, W1, b1.reshape(1, F))
    zeros = jnp.zeros((NPAD, ROW), dtype=jnp.float32)
    acc = _edge(p, q, src, dst, zeros)
    return _post(acc, W2, b2.reshape(1, F), W3, b3.reshape(1, F // 2),
                 W4, b4.reshape(1, F))

# --- scband reference (transcript-rebuilt; emitter-appended) ---
"""Pipeline reference for scband-block-9801115369805 (READ-ONLY COPY).

The authoritative reference and input builder live on the scoring server;
editing this copy changes nothing except your own understanding.
"""

import jax, jax.numpy as jnp
import numpy as np

N = 10000
E = 320000
F_IN = 128
F_OUT = 128


def setup_inputs(seed: int = 0) -> dict:
    key = jax.random.key(seed)
    ks = jax.random.split(key, 12)
    x = jax.random.normal(ks[0], (N, F_IN), dtype=jnp.float32)
    edge_index = jax.random.randint(ks[1], (2, E), 0, N, dtype=jnp.int64)
    # EdgeConv inner MLP: Linear(2*F_in, F_out) -> ReLU -> Linear(F_out, F_out)
    W1 = jax.random.normal(ks[2], (2 * F_IN, F_OUT), dtype=jnp.float32) * (1.0 / np.sqrt(2 * F_IN))
    b1 = jnp.zeros((F_OUT,), dtype=jnp.float32)
    W2 = jax.random.normal(ks[3], (F_OUT, F_OUT), dtype=jnp.float32) * (1.0 / np.sqrt(F_OUT))
    b2 = jnp.zeros((F_OUT,), dtype=jnp.float32)
    # Outer MLP: Linear(F_out, F_out//2) -> ReLU -> Linear(F_out//2, F_out)
    W3 = jax.random.normal(ks[4], (F_OUT, F_OUT // 2), dtype=jnp.float32) * (1.0 / np.sqrt(F_OUT))
    b3 = jnp.zeros((F_OUT // 2,), dtype=jnp.float32)
    W4 = jax.random.normal(ks[5], (F_OUT // 2, F_OUT), dtype=jnp.float32) * (1.0 / np.sqrt(F_OUT // 2))
    b4 = jnp.zeros((F_OUT,), dtype=jnp.float32)
    return {"x": x, "edge_index": edge_index, "W1": W1, "b1": b1, "W2": W2, "b2": b2,
            "W3": W3, "b3": b3, "W4": W4, "b4": b4}


def reference(x, edge_index, W1, b1, W2, b2, W3, b3, W4, b4):
    src = edge_index[0]
    dst = edge_index[1]
    x_i = jnp.take(x, dst, axis=0)          # central (target) node features [E, F_in]
    x_j = jnp.take(x, src, axis=0)          # neighbor (source) node features [E, F_in]
    msg_in = jnp.concatenate([x_i, x_j - x_i], axis=-1)  # [E, 2*F_in]
    h = jnp.maximum(msg_in @ W1 + b1, 0.0)
    msg = h @ W2 + b2                        # [E, F_out]
    # mean aggregation over incoming edges per target node
    summed = jax.ops.segment_sum(msg, dst, num_segments=N)
    counts = jax.ops.segment_sum(jnp.ones((E,), dtype=jnp.float32), dst, num_segments=N)
    denom = jnp.maximum(counts, 1.0)[:, None]
    agg = summed / denom                     # [N, F_out]
    out = jnp.maximum(agg, 0.0)              # F.relu
    out = jnp.maximum(out @ W3 + b3, 0.0)
    out = out @ W4 + b4
    return out

if __name__ == "__main__":
    import jax
    _d = setup_inputs()
    print(jax.jit(kernel)(*tuple(_d.values())))

</pallas_src>

<mosaic_0001>
#map = affine_map<(d0, d1) -> (0, 0)>
#map1 = affine_map<(d0, d1) -> (0)>
#map2 = affine_map<(d0, d1) -> (0, 0, 0)>
module attributes {stable_mosaic.version = 14 : i64} {
  func.func @_edge_body(%arg0: i32, %arg1: i32, %arg2: memref<10240x128xbf16, #tpu.memory_space<hbm>>, %arg3: memref<10240x128xbf16, #tpu.memory_space<hbm>>, %arg4: memref<321536xi32, #tpu.memory_space<hbm>>, %arg5: memref<321536xi32, #tpu.memory_space<hbm>>, %arg6: memref<10240x144xf32, #tpu.memory_space<hbm>>, %arg7: memref<2x10240x144xf32, #tpu.memory_space<hbm>>, %arg8: memref<2x64xi32, #tpu.memory_space<vmem>>, %arg9: memref<2x64xi32, #tpu.memory_space<vmem>>, %arg10: memref<2x64xi32, #tpu.memory_space<vmem>>, %arg11: memref<2x64xi32, #tpu.memory_space<vmem>>, %arg12: memref<64x128xbf16, #tpu.memory_space<vmem>>, %arg13: memref<64x128xbf16, #tpu.memory_space<vmem>>, %arg14: memref<64x144xf32, #tpu.memory_space<vmem>>, %arg15: memref<64x128xbf16, #tpu.memory_space<vmem>>, %arg16: memref<64x128xbf16, #tpu.memory_space<vmem>>, %arg17: memref<64x144xf32, #tpu.memory_space<vmem>>, %arg18: memref<10240x144xf32, #tpu.memory_space<vmem_shared>>, %arg19: memref<!tpu.dma_semaphore, #tpu.memory_space<semaphore_mem>>, %arg20: memref<!tpu.dma_semaphore, #tpu.memory_space<semaphore_mem>>, %arg21: memref<!tpu.dma_semaphore, #tpu.memory_space<semaphore_mem>>, %arg22: memref<!tpu.dma_semaphore, #tpu.memory_space<semaphore_mem>>, %arg23: memref<!tpu.dma_semaphore, #tpu.memory_space<semaphore_mem>>, %arg24: memref<!tpu.dma_semaphore, #tpu.memory_space<semaphore_mem>>, %arg25: memref<!tpu.dma_semaphore, #tpu.memory_space<semaphore_mem>>, %arg26: memref<!tpu.dma_semaphore, #tpu.memory_space<semaphore_mem>>, %arg27: memref<!tpu.dma_semaphore, #tpu.memory_space<semaphore_mem>>, %arg28: memref<!tpu.dma_semaphore, #tpu.memory_space<semaphore_mem>>) attributes {dimension_semantics = [#tpu.dimension_semantics<core_parallel>, #tpu.dimension_semantics<subcore_parallel>], iteration_bounds = array<i64: 2, 16>, scalar_prefetch = 0 : i64, scratch_operands = 21 : i64, tpu.core_type = #tpu.core_type<sc_vector_subcore>, window_params = [{transform_indices = #map}, {transform_indices = #map}, {transform_indices = #map1}, {transform_indices = #map1}, {transform_indices = #map}, {transform_indices = #map2}]} {
    %mul3A = arith.constant 16 : i32
    %mul3A_0 = arith.muli %arg0, %mul3A : i32
    %add3A = arith.addi %mul3A_0, %arg1 : i32
    %mul3A_1 = arith.constant 10048 : i32
    %mul3A_2 = arith.muli %add3A, %mul3A_1 : i32
    %mul3A_3 = arith.constant 640 : i32
    %mul3A_4 = arith.muli %arg1, %mul3A_3 : i32
    %mul3A_5 = arith.constant 640 : i32
    %mul3A_6 = arith.muli %arg1, %mul3A_5 : i32
    "tpu.region"() ({
      %run_scoped3A = tpu.sem_alloc : memref<!tpu.dma_semaphore, #tpu.memory_space<semaphore_mem>>
      %dma_start3A_446 = arith.constant 0 : i32
      %dma_start3A_447 = tpu.memref_slice %arg18[%mul3A_6, %dma_start3A_446] : memref<10240x144xf32, #tpu.memory_space<vmem_shared>> -> memref<640x144xf32, #tpu.memory_space<vmem_shared>>
      %dma_start3A_448 = arith.constant 0 : i32
      %dma_start3A_449 = tpu.memref_slice %arg6[%mul3A_4, %dma_start3A_448] : memref<10240x144xf32, #tpu.memory_space<hbm>> -> memref<640x144xf32, #tpu.memory_space<hbm>>
      tpu.enqueue_dma source(%dma_start3A_449 : memref<640x144xf32, #tpu.memory_space<hbm>>) target(%dma_start3A_447 : memref<640x144xf32, #tpu.memory_space<vmem_shared>>) target_semaphore(%run_scoped3A : memref<!tpu.dma_semaphore, #tpu.memory_space<semaphore_mem>>)
      %dma_wait3A_450 = arith.constant 0 : i32
      %dma_wait3A_451 = tpu.memref_slice %arg18[%mul3A_6, %dma_wait3A_450] : memref<10240x144xf32, #tpu.memory_space<vmem_shared>> -> memref<640x144xf32, #tpu.memory_space<vmem_shared>>
      %dma_wait3A_452 = arith.constant 0 : i32
      %dma_wait3A_453 = tpu.memref_slice %arg6[%mul3A_4, %dma_wait3A_452] : memref<10240x144xf32, #tpu.memory_space<hbm>> -> memref<640x144xf32, #tpu.memory_space<hbm>>
      tpu.wait_dma2 semaphore(%run_scoped3A : memref<!tpu.dma_semaphore, #tpu.memory_space<semaphore_mem>>) src(%dma_wait3A_453 : memref<640x144xf32, #tpu.memory_space<hbm>>) dst(%dma_wait3A_451 : memref<640x144xf32, #tpu.memory_space<vmem_shared>>)
      tpu.yield
    }) : () -> ()
    %iota3A = tpu.iota {dimensions = array<i32: 0>} : vector<16xi32>
    %eq3A = arith.constant 0 : i32
    %eq3A_7 = vector.broadcast %eq3A : i32 to vector<16xi32>
    %eq3A_8 = arith.cmpi eq, %iota3A, %eq3A_7 : vector<16xi32>
    %jit3A = arith.constant 1.000000e+00 : f32
    %jit3A_9 = arith.constant 0.000000e+00 : f32
    %broadcast_in_dim3A = vector.broadcast %jit3A : f32 to vector<16xf32>
    %broadcast_in_dim3A_10 = vector.broadcast %jit3A_9 : f32 to vector<16xf32>
    %select_n3A = arith.select %eq3A_8, %broadcast_in_dim3A, %broadcast_in_dim3A_10 : vector<16xi1>, vector<16xf32>
    %parallel_loop3A = arith.constant 0 : i32
    %parallel_loop3A_11 = arith.constant 64 : i32
    %parallel_loop3A_12 = arith.constant 1 : i32
    scf.for %parallel_loop3A_446 = %parallel_loop3A to %parallel_loop3A_11 step %parallel_loop3A_12  : i32 {
      %parallel_loop3A_447 = arith.index_cast %parallel_loop3A_446 : i32 to index
      %parallel_loop3A_448 = arith.constant 128 : index
      %parallel_loop3A_449 = tpu.vector_load %arg14[%parallel_loop3A_447, %parallel_loop3A_448] {strides = array<i32>} : memref<64x144xf32, #tpu.memory_space<vmem>>, vector<16xf32>,
      tpu.vector_store %arg14[%parallel_loop3A_447, %parallel_loop3A_448], %select_n3A {strides = array<i32>} : memref<64x144xf32, #tpu.memory_space<vmem>>, vector<16xf32>,
      %parallel_loop3A_450 = arith.index_cast %parallel_loop3A_446 : i32 to index
      %parallel_loop3A_451 = arith.constant 128 : index
      %parallel_loop3A_452 = tpu.vector_load %arg17[%parallel_loop3A_450, %parallel_loop3A_451] {strides = array<i32>} : memref<64x144xf32, #tpu.memory_space<vmem>>, vector<16xf32>,
      tpu.vector_store %arg17[%parallel_loop3A_450, %parallel_loop3A_451], %select_n3A {strides = array<i32>} : memref<64x144xf32, #tpu.memory_space<vmem>>, vector<16xf32>,
    } {sc.loop_unroll_factor = 1 : i64, sc.parallel_access}
    %barrier3A = arith.constant 0 : index
    tpu.barrier barrier_id(%barrier3A)
    %add3A_13 = arith.constant 0 : i32
    %add3A_14 = arith.addi %mul3A_2, %add3A_13 : i32
    %dma_start3A = arith.constant 0 : i32
    %dma_start3A_15 = arith.constant 0 : i32
    %dma_start3A_16 = tpu.memref_slice %arg8[%dma_start3A, %dma_start3A_15] : memref<2x64xi32, #tpu.memory_space<vmem>> -> memref<1x64xi32, #tpu.memory_space<vmem>>
    %dma_start3A_17 = tpu.memref_squeeze %dma_start3A_16 : memref<1x64xi32, #tpu.memory_space<vmem>> -> memref<64xi32, #tpu.memory_space<vmem>>
    %dma_start3A_18 = tpu.memref_slice %arg4[%add3A_14] : memref<321536xi32, #tpu.memory_space<hbm>> -> memref<64xi32, #tpu.memory_space<hbm>>
    %dma_start3A_19 = arith.constant 0 : i32
    %dma_start3A_20 = tpu.memref_slice %arg8[%dma_start3A, %dma_start3A_19] : memref<2x64xi32, #tpu.memory_space<vmem>> -> memref<1x64xi32, #tpu.memory_space<vmem>>
    %dma_start3A_21 = tpu.memref_squeeze %dma_start3A_20 : memref<1x64xi32, #tpu.memory_space<vmem>> -> memref<64xi32, #tpu.memory_space<vmem>>
    %dma_start3A_22 = tpu.memref_slice %arg4[%add3A_14] : memref<321536xi32, #tpu.memory_space<hbm>> -> memref<64xi32, #tpu.memory_space<hbm>>
    tpu.enqueue_dma source(%dma_start3A_22 : memref<64xi32, #tpu.memory_space<hbm>>) target(%dma_start3A_21 : memref<64xi32, #tpu.memory_space<vmem>>) target_semaphore(%arg19 : memref<!tpu.dma_semaphore, #tpu.memory_space<semaphore_mem>>)
    %dma_start3A_23 = arith.constant 1 : i32
    %dma_start3A_24 = arith.constant 0 : i32
    %dma_start3A_25 = tpu.memref_slice %arg8[%dma_start3A_23, %dma_start3A_24] : memref<2x64xi32, #tpu.memory_space<vmem>> -> memref<1x64xi32, #tpu.memory_space<vmem>>
    %dma_start3A_26 = tpu.memref_squeeze %dma_start3A_25 : memref<1x64xi32, #tpu.memory_space<vmem>> -> memref<64xi32, #tpu.memory_space<vmem>>
    %dma_start3A_27 = tpu.memref_slice %arg5[%add3A_14] : memref<321536xi32, #tpu.memory_space<hbm>> -> memref<64xi32, #tpu.memory_space<hbm>>
    %dma_start3A_28 = arith.constant 0 : i32
    %dma_start3A_29 = tpu.memref_slice %arg8[%dma_start3A_23, %dma_start3A_28] : memref<2x64xi32, #tpu.memory_space<vmem>> -> memref<1x64xi32, #tpu.memory_space<vmem>>
    %dma_start3A_30 = tpu.memref_squeeze %dma_start3A_29 : memref<1x64xi32, #tpu.memory_space<vmem>> -> memref<64xi32, #tpu.memory_space<vmem>>
    %dma_start3A_31 = tpu.memref_slice %arg5[%add3A_14] : memref<321536xi32, #tpu.memory_space<hbm>> -> memref<64xi32, #tpu.memory_space<hbm>>
    tpu.enqueue_dma source(%dma_start3A_31 : memref<64xi32, #tpu.memory_space<hbm>>) target(%dma_start3A_30 : memref<64xi32, #tpu.memory_space<vmem>>) target_semaphore(%arg19 : memref<!tpu.dma_semaphore, #tpu.memory_space<semaphore_mem>>)
    %add3A_32 = arith.constant 64 : i32
    %add3A_33 = arith.addi %mul3A_2, %add3A_32 : i32
    %dma_start3A_34 = arith.constant 0 : i32
    %dma_start3A_35 = arith.constant 0 : i32
    %dma_start3A_36 = tpu.memref_slice %arg9[%dma_start3A_34, %dma_start3A_35] : memref<2x64xi32, #tpu.memory_space<vmem>> -> memref<1x64xi32, #tpu.memory_space<vmem>>
    %dma_start3A_37 = tpu.memref_squeeze %dma_start3A_36 : memref<1x64xi32, #tpu.memory_space<vmem>> -> memref<64xi32, #tpu.memory_space<vmem>>
    %dma_start3A_38 = tpu.memref_slice %arg4[%add3A_33] : memref<321536xi32, #tpu.memory_space<hbm>> -> memref<64xi32, #tpu.memory_space<hbm>>
    %dma_start3A_39 = arith.constant 0 : i32
    %dma_start3A_40 = tpu.memref_slice %arg9[%dma_start3A_34, %dma_start3A_39] : memref<2x64xi32, #tpu.memory_space<vmem>> -> memref<1x64xi32, #tpu.memory_space<vmem>>
    %dma_start3A_41 = tpu.memref_squeeze %dma_start3A_40 : memref<1x64xi32, #tpu.memory_space<vmem>> -> memref<64xi32, #tpu.memory_space<vmem>>
    %dma_start3A_42 = tpu.memref_slice %arg4[%add3A_33] : memref<321536xi32, #tpu.memory_space<hbm>> -> memref<64xi32, #tpu.memory_space<hbm>>
    tpu.enqueue_dma source(%dma_start3A_42 : memref<64xi32, #tpu.memory_space<hbm>>) target(%dma_start3A_41 : memref<64xi32, #tpu.memory_space<vmem>>) target_semaphore(%arg20 : memref<!tpu.dma_semaphore, #tpu.memory_space<semaphore_mem>>)
    %dma_start3A_43 = arith.constant 1 : i32
    %dma_start3A_44 = arith.constant 0 : i32
    %dma_start3A_45 = tpu.memref_slice %arg9[%dma_start3A_43, %dma_start3A_44] : memref<2x64xi32, #tpu.memory_space<vmem>> -> memref<1x64xi32, #tpu.memory_space<vmem>>
    %dma_start3A_46 = tpu.memref_squeeze %dma_start3A_45 : memref<1x64xi32, #tpu.memory_space<vmem>> -> memref<64xi32, #tpu.memory_space<vmem>>
    %dma_start3A_47 = tpu.memref_slice %arg5[%add3A_33] : memref<321536xi32, #tpu.memory_space<hbm>> -> memref<64xi32, #tpu.memory_space<hbm>>
    %dma_start3A_48 = arith.constant 0 : i32
    %dma_start3A_49 = tpu.memref_slice %arg9[%dma_start3A_43, %dma_start3A_48] : memref<2x64xi32, #tpu.memory_space<vmem>> -> memref<1x64xi32, #tpu.memory_space<vmem>>
    %dma_start3A_50 = tpu.memref_squeeze %dma_start3A_49 : memref<1x64xi32, #tpu.memory_space<vmem>> -> memref<64xi32, #tpu.memory_space<vmem>>
    %dma_start3A_51 = tpu.memref_slice %arg5[%add3A_33] : memref<321536xi32, #tpu.memory_space<hbm>> -> memref<64xi32, #tpu.memory_space<hbm>>
    tpu.enqueue_dma source(%dma_start3A_51 : memref<64xi32, #tpu.memory_space<hbm>>) target(%dma_start3A_50 : memref<64xi32, #tpu.memory_space<vmem>>) target_semaphore(%arg20 : memref<!tpu.dma_semaphore, #tpu.memory_space<semaphore_mem>>)
    %add3A_52 = arith.constant 128 : i32
    %add3A_53 = arith.addi %mul3A_2, %add3A_52 : i32
    %dma_start3A_54 = arith.constant 0 : i32
    %dma_start3A_55 = arith.constant 0 : i32
    %dma_start3A_56 = tpu.memref_slice %arg10[%dma_start3A_54, %dma_start3A_55] : memref<2x64xi32, #tpu.memory_space<vmem>> -> memref<1x64xi32, #tpu.memory_space<vmem>>
    %dma_start3A_57 = tpu.memref_squeeze %dma_start3A_56 : memref<1x64xi32, #tpu.memory_space<vmem>> -> memref<64xi32, #tpu.memory_space<vmem>>
    %dma_start3A_58 = tpu.memref_slice %arg4[%add3A_53] : memref<321536xi32, #tpu.memory_space<hbm>> -> memref<64xi32, #tpu.memory_space<hbm>>
    %dma_start3A_59 = arith.constant 0 : i32
    %dma_start3A_60 = tpu.memref_slice %arg10[%dma_start3A_54, %dma_start3A_59] : memref<2x64xi32, #tpu.memory_space<vmem>> -> memref<1x64xi32, #tpu.memory_space<vmem>>
    %dma_start3A_61 = tpu.memref_squeeze %dma_start3A_60 : memref<1x64xi32, #tpu.memory_space<vmem>> -> memref<64xi32, #tpu.memory_space<vmem>>
    %dma_start3A_62 = tpu.memref_slice %arg4[%add3A_53] : memref<321536xi32, #tpu.memory_space<hbm>> -> memref<64xi32, #tpu.memory_space<hbm>>
    tpu.enqueue_dma source(%dma_start3A_62 : memref<64xi32, #tpu.memory_space<hbm>>) target(%dma_start3A_61 : memref<64xi32, #tpu.memory_space<vmem>>) target_semaphore(%arg21 : memref<!tpu.dma_semaphore, #tpu.memory_space<semaphore_mem>>)
    %dma_start3A_63 = arith.constant 1 : i32
    %dma_start3A_64 = arith.constant 0 : i32
    %dma_start3A_65 = tpu.memref_slice %arg10[%dma_start3A_63, %dma_start3A_64] : memref<2x64xi32, #tpu.memory_space<vmem>> -> memref<1x64xi32, #tpu.memory_space<vmem>>
    %dma_start3A_66 = tpu.memref_squeeze %dma_start3A_65 : memref<1x64xi32, #tpu.memory_space<vmem>> -> memref<64xi32, #tpu.memory_space<vmem>>
    %dma_start3A_67 = tpu.memref_slice %arg5[%add3A_53] : memref<321536xi32, #tpu.memory_space<hbm>> -> memref<64xi32, #tpu.memory_space<hbm>>
    %dma_start3A_68 = arith.constant 0 : i32
    %dma_start3A_69 = tpu.memref_slice %arg10[%dma_start3A_63, %dma_start3A_68] : memref<2x64xi32, #tpu.memory_space<vmem>> -> memref<1x64xi32, #tpu.memory_space<vmem>>
    %dma_start3A_70 = tpu.memref_squeeze %dma_start3A_69 : memref<1x64xi32, #tpu.memory_space<vmem>> -> memref<64xi32, #tpu.memory_space<vmem>>
    %dma_start3A_71 = tpu.memref_slice %arg5[%add3A_53] : memref<321536xi32, #tpu.memory_space<hbm>> -> memref<64xi32, #tpu.memory_space<hbm>>
    tpu.enqueue_dma source(%dma_start3A_71 : memref<64xi32, #tpu.memory_space<hbm>>) target(%dma_start3A_70 : memref<64xi32, #tpu.memory_space<vmem>>) target_semaphore(%arg21 : memref<!tpu.dma_semaphore, #tpu.memory_space<semaphore_mem>>)
    %add3A_72 = arith.constant 192 : i32
    %add3A_73 = arith.addi %mul3A_2, %add3A_72 : i32
    %dma_start3A_74 = arith.constant 0 : i32
    %dma_start3A_75 = arith.constant 0 : i32
    %dma_start3A_76 = tpu.memref_slice %arg11[%dma_start3A_74, %dma_start3A_75] : memref<2x64xi32, #tpu.memory_space<vmem>> -> memref<1x64xi32, #tpu.memory_space<vmem>>
    %dma_start3A_77 = tpu.memref_squeeze %dma_start3A_76 : memref<1x64xi32, #tpu.memory_space<vmem>> -> memref<64xi32, #tpu.memory_space<vmem>>
    %dma_start3A_78 = tpu.memref_slice %arg4[%add3A_73] : memref<321536xi32, #tpu.memory_space<hbm>> -> memref<64xi32, #tpu.memory_space<hbm>>
    %dma_start3A_79 = arith.constant 0 : i32
    %dma_start3A_80 = tpu.memref_slice %arg11[%dma_start3A_74, %dma_start3A_79] : memref<2x64xi32, #tpu.memory_space<vmem>> -> memref<1x64xi32, #tpu.memory_space<vmem>>
    %dma_start3A_81 = tpu.memref_squeeze %dma_start3A_80 : memref<1x64xi32, #tpu.memory_space<vmem>> -> memref<64xi32, #tpu.memory_space<vmem>>
    %dma_start3A_82 = tpu.memref_slice %arg4[%add3A_73] : memref<321536xi32, #tpu.memory_space<hbm>> -> memref<64xi32, #tpu.memory_space<hbm>>
    tpu.enqueue_dma source(%dma_start3A_82 : memref<64xi32, #tpu.memory_space<hbm>>) target(%dma_start3A_81 : memref<64xi32, #tpu.memory_space<vmem>>) target_semaphore(%arg22 : memref<!tpu.dma_semaphore, #tpu.memory_space<semaphore_mem>>)
    %dma_start3A_83 = arith.constant 1 : i32
    %dma_start3A_84 = arith.constant 0 : i32
    %dma_start3A_85 = tpu.memref_slice %arg11[%dma_start3A_83, %dma_start3A_84] : memref<2x64xi32, #tpu.memory_space<vmem>> -> memref<1x64xi32, #tpu.memory_space<vmem>>
    %dma_start3A_86 = tpu.memref_squeeze %dma_start3A_85 : memref<1x64xi32, #tpu.memory_space<vmem>> -> memref<64xi32, #tpu.memory_space<vmem>>
    %dma_start3A_87 = tpu.memref_slice %arg5[%add3A_73] : memref<321536xi32, #tpu.memory_space<hbm>> -> memref<64xi32, #tpu.memory_space<hbm>>
    %dma_start3A_88 = arith.constant 0 : i32
    %dma_start3A_89 = tpu.memref_slice %arg11[%dma_start3A_83, %dma_start3A_88] : memref<2x64xi32, #tpu.memory_space<vmem>> -> memref<1x64xi32, #tpu.memory_space<vmem>>
    %dma_start3A_90 = tpu.memref_squeeze %dma_start3A_89 : memref<1x64xi32, #tpu.memory_space<vmem>> -> memref<64xi32, #tpu.memory_space<vmem>>
    %dma_start3A_91 = tpu.memref_slice %arg5[%add3A_73] : memref<321536xi32, #tpu.memory_space<hbm>> -> memref<64xi32, #tpu.memory_space<hbm>>
    tpu.enqueue_dma source(%dma_start3A_91 : memref<64xi32, #tpu.memory_space<hbm>>) target(%dma_start3A_90 : memref<64xi32, #tpu.memory_space<vmem>>) target_semaphore(%arg22 : memref<!tpu.dma_semaphore, #tpu.memory_space<semaphore_mem>>)
    %add3A_92 = arith.constant 0 : i32
    %add3A_93 = arith.addi %mul3A_2, %add3A_92 : i32
    %dma_wait3A = arith.constant 0 : i32
    %dma_wait3A_94 = arith.constant 0 : i32
    %dma_wait3A_95 = tpu.memref_slice %arg8[%dma_wait3A, %dma_wait3A_94] : memref<2x64xi32, #tpu.memory_space<vmem>> -> memref<1x64xi32, #tpu.memory_space<vmem>>
    %dma_wait3A_96 = tpu.memref_squeeze %dma_wait3A_95 : memref<1x64xi32, #tpu.memory_space<vmem>> -> memref<64xi32, #tpu.memory_space<vmem>>
    %dma_wait3A_97 = tpu.memref_slice %arg4[%add3A_93] : memref<321536xi32, #tpu.memory_space<hbm>> -> memref<64xi32, #tpu.memory_space<hbm>>
    %dma_wait3A_98 = arith.constant 0 : i32
    %dma_wait3A_99 = tpu.memref_slice %arg8[%dma_wait3A, %dma_wait3A_98] : memref<2x64xi32, #tpu.memory_space<vmem>> -> memref<1x64xi32, #tpu.memory_space<vmem>>
    %dma_wait3A_100 = tpu.memref_squeeze %dma_wait3A_99 : memref<1x64xi32, #tpu.memory_space<vmem>> -> memref<64xi32, #tpu.memory_space<vmem>>
    %dma_wait3A_101 = tpu.memref_slice %arg4[%add3A_93] : memref<321536xi32, #tpu.memory_space<hbm>> -> memref<64xi32, #tpu.memory_space<hbm>>
    tpu.wait_dma2 semaphore(%arg19 : memref<!tpu.dma_semaphore, #tpu.memory_space<semaphore_mem>>) src(%dma_wait3A_101 : memref<64xi32, #tpu.memory_space<hbm>>) dst(%dma_wait3A_100 : memref<64xi32, #tpu.memory_space<vmem>>)
    %dma_wait3A_102 = arith.constant 1 : i32
    %dma_wait3A_103 = arith.constant 0 : i32
    %dma_wait3A_104 = tpu.memref_slice %arg8[%dma_wait3A_102, %dma_wait3A_103] : memref<2x64xi32, #tpu.memory_space<vmem>> -> memref<1x64xi32, #tpu.memory_space<vmem>>
    %dma_wait3A_105 = tpu.memref_squeeze %dma_wait3A_104 : memref<1x64xi32, #tpu.memory_space<vmem>> -> memref<64xi32, #tpu.memory_space<vmem>>
    %dma_wait3A_106 = tpu.memref_slice %arg5[%add3A_93] : memref<321536xi32, #tpu.memory_space<hbm>> -> memref<64xi32, #tpu.memory_space<hbm>>
    %dma_wait3A_107 = arith.constant 0 : i32
    %dma_wait3A_108 = tpu.memref_slice %arg8[%dma_wait3A_102, %dma_wait3A_107] : memref<2x64xi32, #tpu.memory_space<vmem>> -> memref<1x64xi32, #tpu.memory_space<vmem>>
    %dma_wait3A_109 = tpu.memref_squeeze %dma_wait3A_108 : memref<1x64xi32, #tpu.memory_space<vmem>> -> memref<64xi32, #tpu.memory_space<vmem>>
    %dma_wait3A_110 = tpu.memref_slice %arg5[%add3A_93] : memref<321536xi32, #tpu.memory_space<hbm>> -> memref<64xi32, #tpu.memory_space<hbm>>
    tpu.wait_dma2 semaphore(%arg19 : memref<!tpu.dma_semaphore, #tpu.memory_space<semaphore_mem>>) src(%dma_wait3A_110 : memref<64xi32, #tpu.memory_space<hbm>>) dst(%dma_wait3A_109 : memref<64xi32, #tpu.memory_space<vmem>>)
    %dma_start3A_111 = arith.constant 1 : i32
    %dma_start3A_112 = arith.constant 0 : i32
    %dma_start3A_113 = tpu.memref_slice %arg8[%dma_start3A_111, %dma_start3A_112] : memref<2x64xi32, #tpu.memory_space<vmem>> -> memref<1x64xi32, #tpu.memory_space<vmem>>
    %dma_start3A_114 = tpu.memref_squeeze %dma_start3A_113 : memref<1x64xi32, #tpu.memory_space<vmem>> -> memref<64xi32, #tpu.memory_space<vmem>>
    %dma_start3A_115 = arith.constant 0 : i32
    %dma_start3A_116 = arith.constant 0 : i32
    %dma_start3A_117 = tpu.memref_slice %arg2[%dma_start3A_115, %dma_start3A_116] : memref<10240x128xbf16, #tpu.memory_space<hbm>> -> memref<10240x128xbf16, #tpu.memory_space<hbm>>
    tpu.enqueue_indirect_dma source(%dma_start3A_117 : memref<10240x128xbf16, #tpu.memory_space<hbm>>) target(%arg12 : memref<64x128xbf16, #tpu.memory_space<vmem>>) offsets(%dma_start3A_114 : memref<64xi32, #tpu.memory_space<vmem>>) semaphore(%arg23 : memref<!tpu.dma_semaphore, #tpu.memory_space<semaphore_mem>>)
    %dma_start3A_118 = arith.constant 0 : i32
    %dma_start3A_119 = arith.constant 0 : i32
    %dma_start3A_120 = tpu.memref_slice %arg8[%dma_start3A_118, %dma_start3A_119] : memref<2x64xi32, #tpu.memory_space<vmem>> -> memref<1x64xi32, #tpu.memory_space<vmem>>
    %dma_start3A_121 = tpu.memref_squeeze %dma_start3A_120 : memref<1x64xi32, #tpu.memory_space<vmem>> -> memref<64xi32, #tpu.memory_space<vmem>>
    %dma_start3A_122 = arith.constant 0 : i32
    %dma_start3A_123 = arith.constant 0 : i32
    %dma_start3A_124 = tpu.memref_slice %arg3[%dma_start3A_122, %dma_start3A_123] : memref<10240x128xbf16, #tpu.memory_space<hbm>> -> memref<10240x128xbf16, #tpu.memory_space<hbm>>
    tpu.enqueue_indirect_dma source(%dma_start3A_124 : memref<10240x128xbf16, #tpu.memory_space<hbm>>) target(%arg13 : memref<64x128xbf16, #tpu.memory_space<vmem>>) offsets(%dma_start3A_121 : memref<64xi32, #tpu.memory_space<vmem>>) semaphore(%arg24 : memref<!tpu.dma_semaphore, #tpu.memory_space<semaphore_mem>>)
    %add3A_125 = arith.constant 64 : i32
    %add3A_126 = arith.addi %mul3A_2, %add3A_125 : i32
    %dma_wait3A_127 = arith.constant 0 : i32
    %dma_wait3A_128 = arith.constant 0 : i32
    %dma_wait3A_129 = tpu.memref_slice %arg9[%dma_wait3A_127, %dma_wait3A_128] : memref<2x64xi32, #tpu.memory_space<vmem>> -> memref<1x64xi32, #tpu.memory_space<vmem>>
    %dma_wait3A_130 = tpu.memref_squeeze %dma_wait3A_129 : memref<1x64xi32, #tpu.memory_space<vmem>> -> memref<64xi32, #tpu.memory_space<vmem>>
    %dma_wait3A_131 = tpu.memref_slice %arg4[%add3A_126] : memref<321536xi32, #tpu.memory_space<hbm>> -> memref<64xi32, #tpu.memory_space<hbm>>
    %dma_wait3A_132 = arith.constant 0 : i32
    %dma_wait3A_133 = tpu.memref_slice %arg9[%dma_wait3A_127, %dma_wait3A_132] : memref<2x64xi32, #tpu.memory_space<vmem>> -> memref<1x64xi32, #tpu.memory_space<vmem>>
    %dma_wait3A_134 = tpu.memref_squeeze %dma_wait3A_133 : memref<1x64xi32, #tpu.memory_space<vmem>> -> memref<64xi32, #tpu.memory_space<vmem>>
    %dma_wait3A_135 = tpu.memref_slice %arg4[%add3A_126] : memref<321536xi32, #tpu.memory_space<hbm>> -> memref<64xi32, #tpu.memory_space<hbm>>
    tpu.wait_dma2 semaphore(%arg20 : memref<!tpu.dma_semaphore, #tpu.memory_space<semaphore_mem>>) src(%dma_wait3A_135 : memref<64xi32, #tpu.memory_space<hbm>>) dst(%dma_wait3A_134 : memref<64xi32, #tpu.memory_space<vmem>>)
    %dma_wait3A_136 = arith.constant 1 : i32
    %dma_wait3A_137 = arith.constant 0 : i32
    %dma_wait3A_138 = tpu.memref_slice %arg9[%dma_wait3A_136, %dma_wait3A_137] : memref<2x64xi32, #tpu.memory_space<vmem>> -> memref<1x64xi32, #tpu.memory_space<vmem>>
    %dma_wait3A_139 = tpu.memref_squeeze %dma_wait3A_138 : memref<1x64xi32, #tpu.memory_space<vmem>> -> memref<64xi32, #tpu.memory_space<vmem>>
    %dma_wait3A_140 = tpu.memref_slice %arg5[%add3A_126] : memref<321536xi32, #tpu.memory_space<hbm>> -> memref<64xi32, #tpu.memory_space<hbm>>
    %dma_wait3A_141 = arith.constant 0 : i32
    %dma_wait3A_142 = tpu.memref_slice %arg9[%dma_wait3A_136, %dma_wait3A_141] : memref<2x64xi32, #tpu.memory_space<vmem>> -> memref<1x64xi32, #tpu.memory_space<vmem>>
    %dma_wait3A_143 = tpu.memref_squeeze %dma_wait3A_142 : memref<1x64xi32, #tpu.memory_space<vmem>> -> memref<64xi32, #tpu.memory_space<vmem>>
    %dma_wait3A_144 = tpu.memref_slice %arg5[%add3A_126] : memref<321536xi32, #tpu.memory_space<hbm>> -> memref<64xi32, #tpu.memory_space<hbm>>
    tpu.wait_dma2 semaphore(%arg20 : memref<!tpu.dma_semaphore, #tpu.memory_space<semaphore_mem>>) src(%dma_wait3A_144 : memref<64xi32, #tpu.memory_space<hbm>>) dst(%dma_wait3A_143 : memref<64xi32, #tpu.memory_space<vmem>>)
    %dma_start3A_145 = arith.constant 1 : i32
    %dma_start3A_146 = arith.constant 0 : i32
    %dma_start3A_147 = tpu.memref_slice %arg9[%dma_start3A_145, %dma_start3A_146] : memref<2x64xi32, #tpu.memory_space<vmem>> -> memref<1x64xi32, #tpu.memory_space<vmem>>
    %dma_start3A_148 = tpu.memref_squeeze %dma_start3A_147 : memref<1x64xi32, #tpu.memory_space<vmem>> -> memref<64xi32, #tpu.memory_space<vmem>>
    %dma_start3A_149 = arith.constant 0 : i32
    %dma_start3A_150 = arith.constant 0 : i32
    %dma_start3A_151 = tpu.memref_slice %arg2[%dma_start3A_149, %dma_start3A_150] : memref<10240x128xbf16, #tpu.memory_space<hbm>> -> memref<10240x128xbf16, #tpu.memory_space<hbm>>
    tpu.enqueue_indirect_dma source(%dma_start3A_151 : memref<10240x128xbf16, #tpu.memory_space<hbm>>) target(%arg15 : memref<64x128xbf16, #tpu.memory_space<vmem>>) offsets(%dma_start3A_148 : memref<64xi32, #tpu.memory_space<vmem>>) semaphore(%arg26 : memref<!tpu.dma_semaphore, #tpu.memory_space<semaphore_mem>>)
    %dma_start3A_152 = arith.constant 0 : i32
    %dma_start3A_153 = arith.constant 0 : i32
    %dma_start3A_154 = tpu.memref_slice %arg9[%dma_start3A_152, %dma_start3A_153] : memref<2x64xi32, #tpu.memory_space<vmem>> -> memref<1x64xi32, #tpu.memory_space<vmem>>
    %dma_start3A_155 = tpu.memref_squeeze %dma_start3A_154 : memref<1x64xi32, #tpu.memory_space<vmem>> -> memref<64xi32, #tpu.memory_space<vmem>>
    %dma_start3A_156 = arith.constant 0 : i32
    %dma_start3A_157 = arith.constant 0 : i32
    %dma_start3A_158 = tpu.memref_slice %arg3[%dma_start3A_156, %dma_start3A_157] : memref<10240x128xbf16, #tpu.memory_space<hbm>> -> memref<10240x128xbf16, #tpu.memory_space<hbm>>
    tpu.enqueue_indirect_dma source(%dma_start3A_158 : memref<10240x128xbf16, #tpu.memory_space<hbm>>) target(%arg16 : memref<64x128xbf16, #tpu.memory_space<vmem>>) offsets(%dma_start3A_155 : memref<64xi32, #tpu.memory_space<vmem>>) semaphore(%arg27 : memref<!tpu.dma_semaphore, #tpu.memory_space<semaphore_mem>>)
    %dma_wait3A_159 = arith.constant 1 : i32
    %dma_wait3A_160 = arith.constant 0 : i32
    %dma_wait3A_161 = tpu.memref_slice %arg8[%dma_wait3A_159, %dma_wait3A_160] : memref<2x64xi32, #tpu.memory_space<vmem>> -> memref<1x64xi32, #tpu.memory_space<vmem>>
    %dma_wait3A_162 = tpu.memref_squeeze %dma_wait3A_161 : memref<1x64xi32, #tpu.memory_space<vmem>> -> memref<64xi32, #tpu.memory_space<vmem>>
    %dma_wait3A_163 = arith.constant 0 : i32
    %dma_wait3A_164 = arith.constant 0 : i32
    %dma_wait3A_165 = tpu.memref_slice %arg2[%dma_wait3A_163, %dma_wait3A_164] : memref<10240x128xbf16, #tpu.memory_space<hbm>> -> memref<10240x128xbf16, #tpu.memory_space<hbm>>
    tpu.wait_indirect_dma semaphore(%arg23 : memref<!tpu.dma_semaphore, #tpu.memory_space<semaphore_mem>>) src(%dma_wait3A_165 : memref<10240x128xbf16, #tpu.memory_space<hbm>>) dst(%arg12 : memref<64x128xbf16, #tpu.memory_space<vmem>>)
    %dma_wait3A_166 = arith.constant 0 : i32
    %dma_wait3A_167 = arith.constant 0 : i32
    %dma_wait3A_168 = tpu.memref_slice %arg8[%dma_wait3A_166, %dma_wait3A_167] : memref<2x64xi32, #tpu.memory_space<vmem>> -> memref<1x64xi32, #tpu.memory_space<vmem>>
    %dma_wait3A_169 = tpu.memref_squeeze %dma_wait3A_168 : memref<1x64xi32, #tpu.memory_space<vmem>> -> memref<64xi32, #tpu.memory_space<vmem>>
    %dma_wait3A_170 = arith.constant 0 : i32
    %dma_wait3A_171 = arith.constant 0 : i32
    %dma_wait3A_172 = tpu.memref_slice %arg3[%dma_wait3A_170, %dma_wait3A_171] : memref<10240x128xbf16, #tpu.memory_space<hbm>> -> memref<10240x128xbf16, #tpu.memory_space<hbm>>
    tpu.wait_indirect_dma semaphore(%arg24 : memref<!tpu.dma_semaphore, #tpu.memory_space<semaphore_mem>>) src(%dma_wait3A_172 : memref<10240x128xbf16, #tpu.memory_space<hbm>>) dst(%arg13 : memref<64x128xbf16, #tpu.memory_space<vmem>>)
    %parallel_loop3A_173 = arith.constant 0 : i32
    %parallel_loop3A_174 = arith.constant 64 : i32
    %parallel_loop3A_175 = arith.constant 1 : i32
    scf.for %parallel_loop3A_446 = %parallel_loop3A_173 to %parallel_loop3A_174 step %parallel_loop3A_175  : i32 {
      %parallel_loop3A_447 = arith.index_cast %parallel_loop3A_446 : i32 to index
      %parallel_loop3A_448 = arith.constant 0 : index
      %parallel_loop3A_449 = tpu.vector_load %arg12[%parallel_loop3A_447, %parallel_loop3A_448] {strides = array<i32>} : memref<64x128xbf16, #tpu.memory_space<vmem>>, vector<32xbf16>,
      %parallel_loop3A_450 = tpu.unpack_subelements %parallel_loop3A_449, 0 {pack_format = #tpu.pack_format<interleaved>} : vector<32xbf16> -> vector<16xf32>
      %parallel_loop3A_451 = tpu.unpack_subelements %parallel_loop3A_449, 1 {pack_format = #tpu.pack_format<interleaved>} : vector<32xbf16> -> vector<16xf32>
      %parallel_loop3A_452 = arith.index_cast %parallel_loop3A_446 : i32 to index
      %parallel_loop3A_453 = arith.constant 0 : index
      %parallel_loop3A_454 = tpu.vector_load %arg13[%parallel_loop3A_452, %parallel_loop3A_453] {strides = array<i32>} : memref<64x128xbf16, #tpu.memory_space<vmem>>, vector<32xbf16>,
      %parallel_loop3A_455 = tpu.unpack_subelements %parallel_loop3A_454, 0 {pack_format = #tpu.pack_format<interleaved>} : vector<32xbf16> -> vector<16xf32>
      %parallel_loop3A_456 = tpu.unpack_subelements %parallel_loop3A_454, 1 {pack_format = #tpu.pack_format<interleaved>} : vector<32xbf16> -> vector<16xf32>
      %parallel_loop3A_457 = arith.addf %parallel_loop3A_450, %parallel_loop3A_455 : vector<16xf32>
      %parallel_loop3A_458 = arith.constant 0.000000e+00 : f32
      %parallel_loop3A_459 = vector.broadcast %parallel_loop3A_458 : f32 to vector<16xf32>
      %parallel_loop3A_460 = arith.maximumf %parallel_loop3A_457, %parallel_loop3A_459 : vector<16xf32>
      %parallel_loop3A_461 = arith.index_cast %parallel_loop3A_446 : i32 to index
      %parallel_loop3A_462 = arith.constant 0 : index
      %parallel_loop3A_463 = tpu.vector_load %arg14[%parallel_loop3A_461, %parallel_loop3A_462] {strides = array<i32>} : memref<64x144xf32, #tpu.memory_space<vmem>>, vector<16xf32>,
      tpu.vector_store %arg14[%parallel_loop3A_461, %parallel_loop3A_462], %parallel_loop3A_460 {strides = array<i32>} : memref<64x144xf32, #tpu.memory_space<vmem>>, vector<16xf32>,
      %parallel_loop3A_464 = arith.addf %parallel_loop3A_451, %parallel_loop3A_456 : vector<16xf32>
      %parallel_loop3A_465 = arith.constant 0.000000e+00 : f32
      %parallel_loop3A_466 = vector.broadcast %parallel_loop3A_465 : f32 to vector<16xf32>
      %parallel_loop3A_467 = arith.maximumf %parallel_loop3A_464, %parallel_loop3A_466 : vector<16xf32>
      %parallel_loop3A_468 = arith.index_cast %parallel_loop3A_446 : i32 to index
      %parallel_loop3A_469 = arith.constant 16 : index
      %parallel_loop3A_470 = tpu.vector_load %arg14[%parallel_loop3A_468, %parallel_loop3A_469] {strides = array<i32>} : memref<64x144xf32, #tpu.memory_space<vmem>>, vector<16xf32>,
      tpu.vector_store %arg14[%parallel_loop3A_468, %parallel_loop3A_469], %parallel_loop3A_467 {strides = array<i32>} : memref<64x144xf32, #tpu.memory_space<vmem>>, vector<16xf32>,
      %parallel_loop3A_471 = arith.index_cast %parallel_loop3A_446 : i32 to index
      %parallel_loop3A_472 = arith.constant 32 : index
      %parallel_loop3A_473 = tpu.vector_load %arg12[%parallel_loop3A_471, %parallel_loop3A_472] {strides = array<i32>} : memref<64x128xbf16, #tpu.memory_space<vmem>>, vector<32xbf16>,
      %parallel_loop3A_474 = tpu.unpack_subelements %parallel_loop3A_473, 0 {pack_format = #tpu.pack_format<interleaved>} : vector<32xbf16> -> vector<16xf32>
      %parallel_loop3A_475 = tpu.unpack_subelements %parallel_loop3A_473, 1 {pack_format = #tpu.pack_format<interleaved>} : vector<32xbf16> -> vector<16xf32>
      %parallel_loop3A_476 = arith.index_cast %parallel_loop3A_446 : i32 to index
      %parallel_loop3A_477 = arith.constant 32 : index
      %parallel_loop3A_478 = tpu.vector_load %arg13[%parallel_loop3A_476, %parallel_loop3A_477] {strides = array<i32>} : memref<64x128xbf16, #tpu.memory_space<vmem>>, vector<32xbf16>,
      %parallel_loop3A_479 = tpu.unpack_subelements %parallel_loop3A_478, 0 {pack_format = #tpu.pack_format<interleaved>} : vector<32xbf16> -> vector<16xf32>
      %parallel_loop3A_480 = tpu.unpack_subelements %parallel_loop3A_478, 1 {pack_format = #tpu.pack_format<interleaved>} : vector<32xbf16> -> vector<16xf32>
      %parallel_loop3A_481 = arith.addf %parallel_loop3A_474, %parallel_loop3A_479 : vector<16xf32>
      %parallel_loop3A_482 = arith.constant 0.000000e+00 : f32
      %parallel_loop3A_483 = vector.broadcast %parallel_loop3A_482 : f32 to vector<16xf32>
      %parallel_loop3A_484 = arith.maximumf %parallel_loop3A_481, %parallel_loop3A_483 : vector<16xf32>
      %parallel_loop3A_485 = arith.index_cast %parallel_loop3A_446 : i32 to index
      %parallel_loop3A_486 = arith.constant 32 : index
      %parallel_loop3A_487 = tpu.vector_load %arg14[%parallel_loop3A_485, %parallel_loop3A_486] {strides = array<i32>} : memref<64x144xf32, #tpu.memory_space<vmem>>, vector<16xf32>,
      tpu.vector_store %arg14[%parallel_loop3A_485, %parallel_loop3A_486], %parallel_loop3A_484 {strides = array<i32>} : memref<64x144xf32, #tpu.memory_space<vmem>>, vector<16xf32>,
      %parallel_loop3A_488 = arith.addf %parallel_loop3A_475, %parallel_loop3A_480 : vector<16xf32>
      %parallel_loop3A_489 = arith.constant 0.000000e+00 : f32
      %parallel_loop3A_490 = vector.broadcast %parallel_loop3A_489 : f32 to vector<16xf32>
      %parallel_loop3A_491 = arith.maximumf %parallel_loop3A_488, %parallel_loop3A_490 : vector<16xf32>
      %parallel_loop3A_492 = arith.index_cast %parallel_loop3A_446 : i32 to index
      %parallel_loop3A_493 = arith.constant 48 : index
      %parallel_loop3A_494 = tpu.vector_load %arg14[%parallel_loop3A_492, %parallel_loop3A_493] {strides = array<i32>} : memref<64x144xf32, #tpu.memory_space<vmem>>, vector<16xf32>,
      tpu.vector_store %arg14[%parallel_loop3A_492, %parallel_loop3A_493], %parallel_loop3A_491 {strides = array<i32>} : memref<64x144xf32, #tpu.memory_space<vmem>>, vector<16xf32>,
      %parallel_loop3A_495 = arith.index_cast %parallel_loop3A_446 : i32 to index
      %parallel_loop3A_496 = arith.constant 64 : index
      %parallel_loop3A_497 = tpu.vector_load %arg12[%parallel_loop3A_495, %parallel_loop3A_496] {strides = array<i32>} : memref<64x128xbf16, #tpu.memory_space<vmem>>, vector<32xbf16>,
      %parallel_loop3A_498 = tpu.unpack_subelements %parallel_loop3A_497, 0 {pack_format = #tpu.pack_format<interleaved>} : vector<32xbf16> -> vector<16xf32>
      %parallel_loop3A_499 = tpu.unpack_subelements %parallel_loop3A_497, 1 {pack_format = #tpu.pack_format<interleaved>} : vector<32xbf16> -> vector<16xf32>
      %parallel_loop3A_500 = arith.index_cast %parallel_loop3A_446 : i32 to index
      %parallel_loop3A_501 = arith.constant 64 : index
      %parallel_loop3A_502 = tpu.vector_load %arg13[%parallel_loop3A_500, %parallel_loop3A_501] {strides = array<i32>} : memref<64x128xbf16, #tpu.memory_space<vmem>>, vector<32xbf16>,
      %parallel_loop3A_503 = tpu.unpack_subelements %parallel_loop3A_502, 0 {pack_format = #tpu.pack_format<interleaved>} : vector<32xbf16> -> vector<16xf32>
      %parallel_loop3A_504 = tpu.unpack_subelements %parallel_loop3A_502, 1 {pack_format = #tpu.pack_format<interleaved>} : vector<32xbf16> -> vector<16xf32>
      %parallel_loop3A_505 = arith.addf %parallel_loop3A_498, %parallel_loop3A_503 : vector<16xf32>
      %parallel_loop3A_506 = arith.constant 0.000000e+00 : f32
      %parallel_loop3A_507 = vector.broadcast %parallel_loop3A_506 : f32 to vector<16xf32>
      %parallel_loop3A_508 = arith.maximumf %parallel_loop3A_505, %parallel_loop3A_507 : vector<16xf32>
      %parallel_loop3A_509 = arith.index_cast %parallel_loop3A_446 : i32 to index
      %parallel_loop3A_510 = arith.constant 64 : index
      %parallel_loop3A_511 = tpu.vector_load %arg14[%parallel_loop3A_509, %parallel_loop3A_510] {strides = array<i32>} : memref<64x144xf32, #tpu.memory_space<vmem>>, vector<16xf32>,
      tpu.vector_store %arg14[%parallel_loop3A_509, %parallel_loop3A_510], %parallel_loop3A_508 {strides = array<i32>} : memref<64x144xf32, #tpu.memory_space<vmem>>, vector<16xf32>,
      %parallel_loop3A_512 = arith.addf %parallel_loop3A_499, %parallel_loop3A_504 : vector<16xf32>
      %parallel_loop3A_513 = arith.constant 0.000000e+00 : f32
      %parallel_loop3A_514 = vector.broadcast %parallel_loop3A_513 : f32 to vector<16xf32>
      %parallel_loop3A_515 = arith.maximumf %parallel_loop3A_512, %parallel_loop3A_514 : vector<16xf32>
      %parallel_loop3A_516 = arith.index_cast %parallel_loop3A_446 : i32 to index
      %parallel_loop3A_517 = arith.constant 80 : index
      %parallel_loop3A_518 = tpu.vector_load %arg14[%parallel_loop3A_516, %parallel_loop3A_517] {strides = array<i32>} : memref<64x144xf32, #tpu.memory_space<vmem>>, vector<16xf32>,
      tpu.vector_store %arg14[%parallel_loop3A_516, %parallel_loop3A_517], %parallel_loop3A_515 {strides = array<i32>} : memref<64x144xf32, #tpu.memory_space<vmem>>, vector<16xf32>,
      %parallel_loop3A_519 = arith.index_cast %parallel_loop3A_446 : i32 to index
      %parallel_loop3A_520 = arith.constant 96 : index
      %parallel_loop3A_521 = tpu.vector_load %arg12[%parallel_loop3A_519, %parallel_loop3A_520] {strides = array<i32>} : memref<64x128xbf16, #tpu.memory_space<vmem>>, vector<32xbf16>,
      %parallel_loop3A_522 = tpu.unpack_subelements %parallel_loop3A_521, 0 {pack_format = #tpu.pack_format<interleaved>} : vector<32xbf16> -> vector<16xf32>
      %parallel_loop3A_523 = tpu.unpack_subelements %parallel_loop3A_521, 1 {pack_format = #tpu.pack_format<interleaved>} : vector<32xbf16> -> vector<16xf32>
      %parallel_loop3A_524 = arith.index_cast %parallel_loop3A_446 : i32 to index
      %parallel_loop3A_525 = arith.constant 96 : index
      %parallel_loop3A_526 = tpu.vector_load %arg13[%parallel_loop3A_524, %parallel_loop3A_525] {strides = array<i32>} : memref<64x128xbf16, #tpu.memory_space<vmem>>, vector<32xbf16>,
      %parallel_loop3A_527 = tpu.unpack_subelements %parallel_loop3A_526, 0 {pack_format = #tpu.pack_format<interleaved>} : vector<32xbf16> -> vector<16xf32>
      %parallel_loop3A_528 = tpu.unpack_subelements %parallel_loop3A_526, 1 {pack_format = #tpu.pack_format<interleaved>} : vector<32xbf16> -> vector<16xf32>
      %parallel_loop3A_529 = arith.addf %parallel_loop3A_522, %parallel_loop3A_527 : vector<16xf32>
      %parallel_loop3A_530 = arith.constant 0.000000e+00 : f32
      %parallel_loop3A_531 = vector.broadcast %parallel_loop3A_530 : f32 to vector<16xf32>
      %parallel_loop3A_532 = arith.maximumf %parallel_loop3A_529, %parallel_loop3A_531 : vector<16xf32>
      %parallel_loop3A_533 = arith.index_cast %parallel_loop3A_446 : i32 to index
      %parallel_loop3A_534 = arith.constant 96 : index
      %parallel_loop3A_535 = tpu.vector_load %arg14[%parallel_loop3A_533, %parallel_loop3A_534] {strides = array<i32>} : memref<64x144xf32, #tpu.memory_space<vmem>>, vector<16xf32>,
      tpu.vector_store %arg14[%parallel_loop3A_533, %parallel_loop3A_534], %parallel_loop3A_532 {strides = array<i32>} : memref<64x144xf32, #tpu.memory_space<vmem>>, vector<16xf32>,
      %parallel_loop3A_536 = arith.addf %parallel_loop3A_523, %parallel_loop3A_528 : vector<16xf32>
      %parallel_loop3A_537 = arith.constant 0.000000e+00 : f32
      %parallel_loop3A_538 = vector.broadcast %parallel_loop3A_537 : f32 to vector<16xf32>
      %parallel_loop3A_539 = arith.maximumf %parallel_loop3A_536, %parallel_loop3A_538 : vector<16xf32>
      %parallel_loop3A_540 = arith.index_cast %parallel_loop3A_446 : i32 to index
      %parallel_loop3A_541 = arith.constant 112 : index
      %parallel_loop3A_542 = tpu.vector_load %arg14[%parallel_loop3A_540, %parallel_loop3A_541] {strides = array<i32>} : memref<64x144xf32, #tpu.memory_space<vmem>>, vector<16xf32>,
      tpu.vector_store %arg14[%parallel_loop3A_540, %parallel_loop3A_541], %parallel_loop3A_539 {strides = array<i32>} : memref<64x144xf32, #tpu.memory_space<vmem>>, vector<16xf32>,
    } {sc.loop_unroll_factor = 4 : i64, sc.parallel_access}
    %dma_start3A_176 = arith.constant 1 : i32
    %dma_start3A_177 = arith.constant 0 : i32
    %dma_start3A_178 = tpu.memref_slice %arg8[%dma_start3A_176, %dma_start3A_177] : memref<2x64xi32, #tpu.memory_space<vmem>> -> memref<1x64xi32, #tpu.memory_space<vmem>>
    %dma_start3A_179 = tpu.memref_squeeze %dma_start3A_178 : memref<1x64xi32, #tpu.memory_space<vmem>> -> memref<64xi32, #tpu.memory_space<vmem>>
    %dma_start3A_180 = arith.constant 0 : i32
    %dma_start3A_181 = arith.constant 0 : i32
    %dma_start3A_182 = tpu.memref_slice %arg18[%dma_start3A_180, %dma_start3A_181] : memref<10240x144xf32, #tpu.memory_space<vmem_shared>> -> memref<10240x144xf32, #tpu.memory_space<vmem_shared>>
    tpu.enqueue_indirect_dma source(%arg14 : memref<64x144xf32, #tpu.memory_space<vmem>>) target(%dma_start3A_182 : memref<10240x144xf32, #tpu.memory_space<vmem_shared>>) offsets(%dma_start3A_179 : memref<64xi32, #tpu.memory_space<vmem>>) semaphore(%arg25 : memref<!tpu.dma_semaphore, #tpu.memory_space<semaphore_mem>>) {add = true}
    %add3A_183 = arith.constant 128 : i32
    %add3A_184 = arith.addi %mul3A_2, %add3A_183 : i32
    %dma_wait3A_185 = arith.constant 0 : i32
    %dma_wait3A_186 = arith.constant 0 : i32
    %dma_wait3A_187 = tpu.memref_slice %arg10[%dma_wait3A_185, %dma_wait3A_186] : memref<2x64xi32, #tpu.memory_space<vmem>> -> memref<1x64xi32, #tpu.memory_space<vmem>>
    %dma_wait3A_188 = tpu.memref_squeeze %dma_wait3A_187 : memref<1x64xi32, #tpu.memory_space<vmem>> -> memref<64xi32, #tpu.memory_space<vmem>>
    %dma_wait3A_189 = tpu.memref_slice %arg4[%add3A_184] : memref<321536xi32, #tpu.memory_space<hbm>> -> memref<64xi32, #tpu.memory_space<hbm>>
    %dma_wait3A_190 = arith.constant 0 : i32
    %dma_wait3A_191 = tpu.memref_slice %arg10[%dma_wait3A_185, %dma_wait3A_190] : memref<2x64xi32, #tpu.memory_space<vmem>> -> memref<1x64xi32, #tpu.memory_space<vmem>>
    %dma_wait3A_192 = tpu.memref_squeeze %dma_wait3A_191 : memref<1x64xi32, #tpu.memory_space<vmem>> -> memref<64xi32, #tpu.memory_space<vmem>>
    %dma_wait3A_193 = tpu.memref_slice %arg4[%add3A_184] : memref<321536xi32, #tpu.memory_space<hbm>> -> memref<64xi32, #tpu.memory_space<hbm>>
    tpu.wait_dma2 semaphore(%arg21 : memref<!tpu.dma_semaphore, #tpu.memory_space<semaphore_mem>>) src(%dma_wait3A_193 : memref<64xi32, #tpu.memory_space<hbm>>) dst(%dma_wait3A_192 : memref<64xi32, #tpu.memory_space<vmem>>)
    %dma_wait3A_194 = arith.constant 1 : i32
    %dma_wait3A_195 = arith.constant 0 : i32
    %dma_wait3A_196 = tpu.memref_slice %arg10[%dma_wait3A_194, %dma_wait3A_195] : memref<2x64xi32, #tpu.memory_space<vmem>> -> memref<1x64xi32, #tpu.memory_space<vmem>>
    %dma_wait3A_197 = tpu.memref_squeeze %dma_wait3A_196 : memref<1x64xi32, #tpu.memory_space<vmem>> -> memref<64xi32, #tpu.memory_space<vmem>>
    %dma_wait3A_198 = tpu.memref_slice %arg5[%add3A_184] : memref<321536xi32, #tpu.memory_space<hbm>> -> memref<64xi32, #tpu.memory_space<hbm>>
    %dma_wait3A_199 = arith.constant 0 : i32
    %dma_wait3A_200 = tpu.memref_slice %arg10[%dma_wait3A_194, %dma_wait3A_199] : memref<2x64xi32, #tpu.memory_space<vmem>> -> memref<1x64xi32, #tpu.memory_space<vmem>>
    %dma_wait3A_201 = tpu.memref_squeeze %dma_wait3A_200 : memref<1x64xi32, #tpu.memory_space<vmem>> -> memref<64xi32, #tpu.memory_space<vmem>>
    %dma_wait3A_202 = tpu.memref_slice %arg5[%add3A_184] : memref<321536xi32, #tpu.memory_space<hbm>> -> memref<64xi32, #tpu.memory_space<hbm>>
    tpu.wait_dma2 semaphore(%arg21 : memref<!tpu.dma_semaphore, #tpu.memory_space<semaphore_mem>>) src(%dma_wait3A_202 : memref<64xi32, #tpu.memory_space<hbm>>) dst(%dma_wait3A_201 : memref<64xi32, #tpu.memory_space<vmem>>)
    %dma_start3A_203 = arith.constant 1 : i32
    %dma_start3A_204 = arith.constant 0 : i32
    %dma_start3A_205 = tpu.memref_slice %arg10[%dma_start3A_203, %dma_start3A_204] : memref<2x64xi32, #tpu.memory_space<vmem>> -> memref<1x64xi32, #tpu.memory_space<vmem>>
    %dma_start3A_206 = tpu.memref_squeeze %dma_start3A_205 : memref<1x64xi32, #tpu.memory_space<vmem>> -> memref<64xi32, #tpu.memory_space<vmem>>
    %dma_start3A_207 = arith.constant 0 : i32
    %dma_start3A_208 = arith.constant 0 : i32
    %dma_start3A_209 = tpu.memref_slice %arg2[%dma_start3A_207, %dma_start3A_208] : memref<10240x128xbf16, #tpu.memory_space<hbm>> -> memref<10240x128xbf16, #tpu.memory_space<hbm>>
    tpu.enqueue_indirect_dma source(%dma_start3A_209 : memref<10240x128xbf16, #tpu.memory_space<hbm>>) target(%arg12 : memref<64x128xbf16, #tpu.memory_space<vmem>>) offsets(%dma_start3A_206 : memref<64xi32, #tpu.memory_space<vmem>>) semaphore(%arg23 : memref<!tpu.dma_semaphore, #tpu.memory_space<semaphore_mem>>)
    %dma_start3A_210 = arith.constant 0 : i32
    %dma_start3A_211 = arith.constant 0 : i32
    %dma_start3A_212 = tpu.memref_slice %arg10[%dma_start3A_210, %dma_start3A_211] : memref<2x64xi32, #tpu.memory_space<vmem>> -> memref<1x64xi32, #tpu.memory_space<vmem>>
    %dma_start3A_213 = tpu.memref_squeeze %dma_start3A_212 : memref<1x64xi32, #tpu.memory_space<vmem>> -> memref<64xi32, #tpu.memory_space<vmem>>
    %dma_start3A_214 = arith.constant 0 : i32
    %dma_start3A_215 = arith.constant 0 : i32
    %dma_start3A_216 = tpu.memref_slice %arg3[%dma_start3A_214, %dma_start3A_215] : memref<10240x128xbf16, #tpu.memory_space<hbm>> -> memref<10240x128xbf16, #tpu.memory_space<hbm>>
    tpu.enqueue_indirect_dma source(%dma_start3A_216 : memref<10240x128xbf16, #tpu.memory_space<hbm>>) target(%arg13 : memref<64x128xbf16, #tpu.memory_space<vmem>>) offsets(%dma_start3A_213 : memref<64xi32, #tpu.memory_space<vmem>>) semaphore(%arg24 : memref<!tpu.dma_semaphore, #tpu.memory_space<semaphore_mem>>)
    %dma_wait3A_217 = arith.constant 1 : i32
    %dma_wait3A_218 = arith.constant 0 : i32
    %dma_wait3A_219 = tpu.memref_slice %arg9[%dma_wait3A_217, %dma_wait3A_218] : memref<2x64xi32, #tpu.memory_space<vmem>> -> memref<1x64xi32, #tpu.memory_space<vmem>>
    %dma_wait3A_220 = tpu.memref_squeeze %dma_wait3A_219 : memref<1x64xi32, #tpu.memory_space<vmem>> -> memref<64xi32, #tpu.memory_space<vmem>>
    %dma_wait3A_221 = arith.constant 0 : i32
    %dma_wait3A_222 = arith.constant 0 : i32
    %dma_wait3A_223 = tpu.memref_slice %arg2[%dma_wait3A_221, %dma_wait3A_222] : memref<10240x128xbf16, #tpu.memory_space<hbm>> -> memref<10240x128xbf16, #tpu.memory_space<hbm>>
    tpu.wait_indirect_dma semaphore(%arg26 : memref<!tpu.dma_semaphore, #tpu.memory_space<semaphore_mem>>) src(%dma_wait3A_223 : memref<10240x128xbf16, #tpu.memory_space<hbm>>) dst(%arg15 : memref<64x128xbf16, #tpu.memory_space<vmem>>)
    %dma_wait3A_224 = arith.constant 0 : i32
    %dma_wait3A_225 = arith.constant 0 : i32
    %dma_wait3A_226 = tpu.memref_slice %arg9[%dma_wait3A_224, %dma_wait3A_225] : memref<2x64xi32, #tpu.memory_space<vmem>> -> memref<1x64xi32, #tpu.memory_space<vmem>>
    %dma_wait3A_227 = tpu.memref_squeeze %dma_wait3A_226 : memref<1x64xi32, #tpu.memory_space<vmem>> -> memref<64xi32, #tpu.memory_space<vmem>>
    %dma_wait3A_228 = arith.constant 0 : i32
    %dma_wait3A_229 = arith.constant 0 : i32
    %dma_wait3A_230 = tpu.memref_slice %arg3[%dma_wait3A_228, %dma_wait3A_229] : memref<10240x128xbf16, #tpu.memory_space<hbm>> -> memref<10240x128xbf16, #tpu.memory_space<hbm>>
    tpu.wait_indirect_dma semaphore(%arg27 : memref<!tpu.dma_semaphore, #tpu.memory_space<semaphore_mem>>) src(%dma_wait3A_230 : memref<10240x128xbf16, #tpu.memory_space<hbm>>) dst(%arg16 : memref<64x128xbf16, #tpu.memory_space<vmem>>)
    %parallel_loop3A_231 = arith.constant 0 : i32
    %parallel_loop3A_232 = arith.constant 64 : i32
    %parallel_loop3A_233 = arith.constant 1 : i32
    scf.for %parallel_loop3A_446 = %parallel_loop3A_231 to %parallel_loop3A_232 step %parallel_loop3A_233  : i32 {
      %parallel_loop3A_447 = arith.index_cast %parallel_loop3A_446 : i32 to index
      %parallel_loop3A_448 = arith.constant 0 : index
      %parallel_loop3A_449 = tpu.vector_load %arg15[%parallel_loop3A_447, %parallel_loop3A_448] {strides = array<i32>} : memref<64x128xbf16, #tpu.memory_space<vmem>>, vector<32xbf16>,
      %parallel_loop3A_450 = tpu.unpack_subelements %parallel_loop3A_449, 0 {pack_format = #tpu.pack_format<interleaved>} : vector<32xbf16> -> vector<16xf32>
      %parallel_loop3A_451 = tpu.unpack_subelements %parallel_loop3A_449, 1 {pack_format = #tpu.pack_format<interleaved>} : vector<32xbf16> -> vector<16xf32>
      %parallel_loop3A_452 = arith.index_cast %parallel_loop3A_446 : i32 to index
      %parallel_loop3A_453 = arith.constant 0 : index
      %parallel_loop3A_454 = tpu.vector_load %arg16[%parallel_loop3A_452, %parallel_loop3A_453] {strides = array<i32>} : memref<64x128xbf16, #tpu.memory_space<vmem>>, vector<32xbf16>,
      %parallel_loop3A_455 = tpu.unpack_subelements %parallel_loop3A_454, 0 {pack_format = #tpu.pack_format<interleaved>} : vector<32xbf16> -> vector<16xf32>
      %parallel_loop3A_456 = tpu.unpack_subelements %parallel_loop3A_454, 1 {pack_format = #tpu.pack_format<interleaved>} : vector<32xbf16> -> vector<16xf32>
      %parallel_loop3A_457 = arith.addf %parallel_loop3A_450, %parallel_loop3A_455 : vector<16xf32>
      %parallel_loop3A_458 = arith.constant 0.000000e+00 : f32
      %parallel_loop3A_459 = vector.broadcast %parallel_loop3A_458 : f32 to vector<16xf32>
      %parallel_loop3A_460 = arith.maximumf %parallel_loop3A_457, %parallel_loop3A_459 : vector<16xf32>
      %parallel_loop3A_461 = arith.index_cast %parallel_loop3A_446 : i32 to index
      %parallel_loop3A_462 = arith.constant 0 : index
      %parallel_loop3A_463 = tpu.vector_load %arg17[%parallel_loop3A_461, %parallel_loop3A_462] {strides = array<i32>} : memref<64x144xf32, #tpu.memory_space<vmem>>, vector<16xf32>,
      tpu.vector_store %arg17[%parallel_loop3A_461, %parallel_loop3A_462], %parallel_loop3A_460 {strides = array<i32>} : memref<64x144xf32, #tpu.memory_space<vmem>>, vector<16xf32>,
      %parallel_loop3A_464 = arith.addf %parallel_loop3A_451, %parallel_loop3A_456 : vector<16xf32>
      %parallel_loop3A_465 = arith.constant 0.000000e+00 : f32
      %parallel_loop3A_466 = vector.broadcast %parallel_loop3A_465 : f32 to vector<16xf32>
      %parallel_loop3A_467 = arith.maximumf %parallel_loop3A_464, %parallel_loop3A_466 : vector<16xf32>
      %parallel_loop3A_468 = arith.index_cast %parallel_loop3A_446 : i32 to index
      %parallel_loop3A_469 = arith.constant 16 : index
      %parallel_loop3A_470 = tpu.vector_load %arg17[%parallel_loop3A_468, %parallel_loop3A_469] {strides = array<i32>} : memref<64x144xf32, #tpu.memory_space<vmem>>, vector<16xf32>,
      tpu.vector_store %arg17[%parallel_loop3A_468, %parallel_loop3A_469], %parallel_loop3A_467 {strides = array<i32>} : memref<64x144xf32, #tpu.memory_space<vmem>>, vector<16xf32>,
      %parallel_loop3A_471 = arith.index_cast %parallel_loop3A_446 : i32 to index
      %parallel_loop3A_472 = arith.constant 32 : index
      %parallel_loop3A_473 = tpu.vector_load %arg15[%parallel_loop3A_471, %parallel_loop3A_472] {strides = array<i32>} : memref<64x128xbf16, #tpu.memory_space<vmem>>, vector<32xbf16>,
      %parallel_loop3A_474 = tpu.unpack_subelements %parallel_loop3A_473, 0 {pack_format = #tpu.pack_format<interleaved>} : vector<32xbf16> -> vector<16xf32>
      %parallel_loop3A_475 = tpu.unpack_subelements %parallel_loop3A_473, 1 {pack_format = #tpu.pack_format<interleaved>} : vector<32xbf16> -> vector<16xf32>
      %parallel_loop3A_476 = arith.index_cast %parallel_loop3A_446 : i32 to index
      %parallel_loop3A_477 = arith.constant 32 : index
      %parallel_loop3A_478 = tpu.vector_load %arg16[%parallel_loop3A_476, %parallel_loop3A_477] {strides = array<i32>} : memref<64x128xbf16, #tpu.memory_space<vmem>>, vector<32xbf16>,
      %parallel_loop3A_479 = tpu.unpack_subelements %parallel_loop3A_478, 0 {pack_format = #tpu.pack_format<interleaved>} : vector<32xbf16> -> vector<16xf32>
      %parallel_loop3A_480 = tpu.unpack_subelements %parallel_loop3A_478, 1 {pack_format = #tpu.pack_format<interleaved>} : vector<32xbf16> -> vector<16xf32>
      %parallel_loop3A_481 = arith.addf %parallel_loop3A_474, %parallel_loop3A_479 : vector<16xf32>
      %parallel_loop3A_482 = arith.constant 0.000000e+00 : f32
      %parallel_loop3A_483 = vector.broadcast %parallel_loop3A_482 : f32 to vector<16xf32>
      %parallel_loop3A_484 = arith.maximumf %parallel_loop3A_481, %parallel_loop3A_483 : vector<16xf32>
      %parallel_loop3A_485 = arith.index_cast %parallel_loop3A_446 : i32 to index
      %parallel_loop3A_486 = arith.constant 32 : index
      %parallel_loop3A_487 = tpu.vector_load %arg17[%parallel_loop3A_485, %parallel_loop3A_486] {strides = array<i32>} : memref<64x144xf32, #tpu.memory_space<vmem>>, vector<16xf32>,
      tpu.vector_store %arg17[%parallel_loop3A_485, %parallel_loop3A_486], %parallel_loop3A_484 {strides = array<i32>} : memref<64x144xf32, #tpu.memory_space<vmem>>, vector<16xf32>,
      %parallel_loop3A_488 = arith.addf %parallel_loop3A_475, %parallel_loop3A_480 : vector<16xf32>
      %parallel_loop3A_489 = arith.constant 0.000000e+00 : f32
      %parallel_loop3A_490 = vector.broadcast %parallel_loop3A_489 : f32 to vector<16xf32>
      %parallel_loop3A_491 = arith.maximumf %parallel_loop3A_488, %parallel_loop3A_490 : vector<16xf32>
      %parallel_loop3A_492 = arith.index_cast %parallel_loop3A_446 : i32 to index
      %parallel_loop3A_493 = arith.constant 48 : index
      %parallel_loop3A_494 = tpu.vector_load %arg17[%parallel_loop3A_492, %parallel_loop3A_493] {strides = array<i32>} : memref<64x144xf32, #tpu.memory_space<vmem>>, vector<16xf32>,
      tpu.vector_store %arg17[%parallel_loop3A_492, %parallel_loop3A_493], %parallel_loop3A_491 {strides = array<i32>} : memref<64x144xf32, #tpu.memory_space<vmem>>, vector<16xf32>,
      %parallel_loop3A_495 = arith.index_cast %parallel_loop3A_446 : i32 to index
      %parallel_loop3A_496 = arith.constant 64 : index
      %parallel_loop3A_497 = tpu.vector_load %arg15[%parallel_loop3A_495, %parallel_loop3A_496] {strides = array<i32>} : memref<64x128xbf16, #tpu.memory_space<vmem>>, vector<32xbf16>,
      %parallel_loop3A_498 = tpu.unpack_subelements %parallel_loop3A_497, 0 {pack_format = #tpu.pack_format<interleaved>} : vector<32xbf16> -> vector<16xf32>
      %parallel_loop3A_499 = tpu.unpack_subelements %parallel_loop3A_497, 1 {pack_format = #tpu.pack_format<interleaved>} : vector<32xbf16> -> vector<16xf32>
      %parallel_loop3A_500 = arith.index_cast %parallel_loop3A_446 : i32 to index
      %parallel_loop3A_501 = arith.constant 64 : index
      %parallel_loop3A_502 = tpu.vector_load %arg16[%parallel_loop3A_500, %parallel_loop3A_501] {strides = array<i32>} : memref<64x128xbf16, #tpu.memory_space<vmem>>, vector<32xbf16>,
      %parallel_loop3A_503 = tpu.unpack_subelements %parallel_loop3A_502, 0 {pack_format = #tpu.pack_format<interleaved>} : vector<32xbf16> -> vector<16xf32>
      %parallel_loop3A_504 = tpu.unpack_subelements %parallel_loop3A_502, 1 {pack_format = #tpu.pack_format<interleaved>} : vector<32xbf16> -> vector<16xf32>
      %parallel_loop3A_505 = arith.addf %parallel_loop3A_498, %parallel_loop3A_503 : vector<16xf32>
      %parallel_loop3A_506 = arith.constant 0.000000e+00 : f32
      %parallel_loop3A_507 = vector.broadcast %parallel_loop3A_506 : f32 to vector<16xf32>
      %parallel_loop3A_508 = arith.maximumf %parallel_loop3A_505, %parallel_loop3A_507 : vector<16xf32>
      %parallel_loop3A_509 = arith.index_cast %parallel_loop3A_446 : i32 to index
      %parallel_loop3A_510 = arith.constant 64 : index
      %parallel_loop3A_511 = tpu.vector_load %arg17[%parallel_loop3A_509, %parallel_loop3A_510] {strides = array<i32>} : memref<64x144xf32, #tpu.memory_space<vmem>>, vector<16xf32>,
      tpu.vector_store %arg17[%parallel_loop3A_509, %parallel_loop3A_510], %parallel_loop3A_508 {strides = array<i32>} : memref<64x144xf32, #tpu.memory_space<vmem>>, vector<16xf32>,
      %parallel_loop3A_512 = arith.addf %parallel_loop3A_499, %parallel_loop3A_504 : vector<16xf32>
      %parallel_loop3A_513 = arith.constant 0.000000e+00 : f32
      %parallel_loop3A_514 = vector.broadcast %parallel_loop3A_513 : f32 to vector<16xf32>
      %parallel_loop3A_515 = arith.maximumf %parallel_loop3A_512, %parallel_loop3A_514 : vector<16xf32>
      %parallel_loop3A_516 = arith.index_cast %parallel_loop3A_446 : i32 to index
      %parallel_loop3A_517 = arith.constant 80 : index
      %parallel_loop3A_518 = tpu.vector_load %arg17[%parallel_loop3A_516, %parallel_loop3A_517] {strides = array<i32>} : memref<64x144xf32, #tpu.memory_space<vmem>>, vector<16xf32>,
      tpu.vector_store %arg17[%parallel_loop3A_516, %parallel_loop3A_517], %parallel_loop3A_515 {strides = array<i32>} : memref<64x144xf32, #tpu.memory_space<vmem>>, vector<16xf32>,
      %parallel_loop3A_519 = arith.index_cast %parallel_loop3A_446 : i32 to index
      %parallel_loop3A_520 = arith.constant 96 : index
      %parallel_loop3A_521 = tpu.vector_load %arg15[%parallel_loop3A_519, %parallel_loop3A_520] {strides = array<i32>} : memref<64x128xbf16, #tpu.memory_space<vmem>>, vector<32xbf16>,
      %parallel_loop3A_522 = tpu.unpack_subelements %parallel_loop3A_521, 0 {pack_format = #tpu.pack_format<interleaved>} : vector<32xbf16> -> vector<16xf32>
      %parallel_loop3A_523 = tpu.unpack_subelements %parallel_loop3A_521, 1 {pack_format = #tpu.pack_format<interleaved>} : vector<32xbf16> -> vector<16xf32>
      %parallel_loop3A_524 = arith.index_cast %parallel_loop3A_446 : i32 to index
      %parallel_loop3A_525 = arith.constant 96 : index
      %parallel_loop3A_526 = tpu.vector_load %arg16[%parallel_loop3A_524, %parallel_loop3A_525] {strides = array<i32>} : memref<64x128xbf16, #tpu.memory_space<vmem>>, vector<32xbf16>,
      %parallel_loop3A_527 = tpu.unpack_subelements %parallel_loop3A_526, 0 {pack_format = #tpu.pack_format<interleaved>} : vector<32xbf16> -> vector<16xf32>
      %parallel_loop3A_528 = tpu.unpack_subelements %parallel_loop3A_526, 1 {pack_format = #tpu.pack_format<interleaved>} : vector<32xbf16> -> vector<16xf32>
      %parallel_loop3A_529 = arith.addf %parallel_loop3A_522, %parallel_loop3A_527 : vector<16xf32>
      %parallel_loop3A_530 = arith.constant 0.000000e+00 : f32
      %parallel_loop3A_531 = vector.broadcast %parallel_loop3A_530 : f32 to vector<16xf32>
      %parallel_loop3A_532 = arith.maximumf %parallel_loop3A_529, %parallel_loop3A_531 : vector<16xf32>
      %parallel_loop3A_533 = arith.index_cast %parallel_loop3A_446 : i32 to index
      %parallel_loop3A_534 = arith.constant 96 : index
      %parallel_loop3A_535 = tpu.vector_load %arg17[%parallel_loop3A_533, %parallel_loop3A_534] {strides = array<i32>} : memref<64x144xf32, #tpu.memory_space<vmem>>, vector<16xf32>,
      tpu.vector_store %arg17[%parallel_loop3A_533, %parallel_loop3A_534], %parallel_loop3A_532 {strides = array<i32>} : memref<64x144xf32, #tpu.memory_space<vmem>>, vector<16xf32>,
      %parallel_loop3A_536 = arith.addf %parallel_loop3A_523, %parallel_loop3A_528 : vector<16xf32>
      %parallel_loop3A_537 = arith.constant 0.000000e+00 : f32
      %parallel_loop3A_538 = vector.broadcast %parallel_loop3A_537 : f32 to vector<16xf32>
      %parallel_loop3A_539 = arith.maximumf %parallel_loop3A_536, %parallel_loop3A_538 : vector<16xf32>
      %parallel_loop3A_540 = arith.index_cast %parallel_loop3A_446 : i32 to index
      %parallel_loop3A_541 = arith.constant 112 : index
      %parallel_loop3A_542 = tpu.vector_load %arg17[%parallel_loop3A_540, %parallel_loop3A_541] {strides = array<i32>} : memref<64x144xf32, #tpu.memory_space<vmem>>, vector<16xf32>,
      tpu.vector_store %arg17[%parallel_loop3A_540, %parallel_loop3A_541], %parallel_loop3A_539 {strides = array<i32>} : memref<64x144xf32, #tpu.memory_space<vmem>>, vector<16xf32>,
    } {sc.loop_unroll_factor = 4 : i64, sc.parallel_access}
    %dma_wait3A_234 = arith.constant 1 : i32
    %dma_wait3A_235 = arith.constant 0 : i32
    %dma_wait3A_236 = tpu.memref_slice %arg8[%dma_wait3A_234, %dma_wait3A_235] : memref<2x64xi32, #tpu.memory_space<vmem>> -> memref<1x64xi32, #tpu.memory_space<vmem>>
    %dma_wait3A_237 = tpu.memref_squeeze %dma_wait3A_236 : memref<1x64xi32, #tpu.memory_space<vmem>> -> memref<64xi32, #tpu.memory_space<vmem>>
    %dma_wait3A_238 = arith.constant 0 : i32
    %dma_wait3A_239 = arith.constant 0 : i32
    %dma_wait3A_240 = tpu.memref_slice %arg18[%dma_wait3A_238, %dma_wait3A_239] : memref<10240x144xf32, #tpu.memory_space<vmem_shared>> -> memref<10240x144xf32, #tpu.memory_space<vmem_shared>>
    tpu.wait_indirect_dma semaphore(%arg25 : memref<!tpu.dma_semaphore, #tpu.memory_space<semaphore_mem>>) src(%arg14 : memref<64x144xf32, #tpu.memory_space<vmem>>) dst(%dma_wait3A_240 : memref<10240x144xf32, #tpu.memory_space<vmem_shared>>)
    %dma_start3A_241 = arith.constant 1 : i32
    %dma_start3A_242 = arith.constant 0 : i32
    %dma_start3A_243 = tpu.memref_slice %arg9[%dma_start3A_241, %dma_start3A_242] : memref<2x64xi32, #tpu.memory_space<vmem>> -> memref<1x64xi32, #tpu.memory_space<vmem>>
    %dma_start3A_244 = tpu.memref_squeeze %dma_start3A_243 : memref<1x64xi32, #tpu.memory_space<vmem>> -> memref<64xi32, #tpu.memory_space<vmem>>
    %dma_start3A_245 = arith.constant 0 : i32
    %dma_start3A_246 = arith.constant 0 : i32
    %dma_start3A_247 = tpu.memref_slice %arg18[%dma_start3A_245, %dma_start3A_246] : memref<10240x144xf32, #tpu.memory_space<vmem_shared>> -> memref<10240x144xf32, #tpu.memory_space<vmem_shared>>
    tpu.enqueue_indirect_dma source(%arg17 : memref<64x144xf32, #tpu.memory_space<vmem>>) target(%dma_start3A_247 : memref<10240x144xf32, #tpu.memory_space<vmem_shared>>) offsets(%dma_start3A_244 : memref<64xi32, #tpu.memory_space<vmem>>) semaphore(%arg28 : memref<!tpu.dma_semaphore, #tpu.memory_space<semaphore_mem>>) {add = true}
    %add3A_248 = arith.constant 256 : i32
    %add3A_249 = arith.addi %mul3A_2, %add3A_248 : i32
    %dma_start3A_250 = arith.constant 0 : i32
    %dma_start3A_251 = arith.constant 0 : i32
    %dma_start3A_252 = tpu.memref_slice %arg8[%dma_start3A_250, %dma_start3A_251] : memref<2x64xi32, #tpu.memory_space<vmem>> -> memref<1x64xi32, #tpu.memory_space<vmem>>
    %dma_start3A_253 = tpu.memref_squeeze %dma_start3A_252 : memref<1x64xi32, #tpu.memory_space<vmem>> -> memref<64xi32, #tpu.memory_space<vmem>>
    %dma_start3A_254 = tpu.memref_slice %arg4[%add3A_249] : memref<321536xi32, #tpu.memory_space<hbm>> -> memref<64xi32, #tpu.memory_space<hbm>>
    %dma_start3A_255 = arith.constant 0 : i32
    %dma_start3A_256 = tpu.memref_slice %arg8[%dma_start3A_250, %dma_start3A_255] : memref<2x64xi32, #tpu.memory_space<vmem>> -> memref<1x64xi32, #tpu.memory_space<vmem>>
    %dma_start3A_257 = tpu.memref_squeeze %dma_start3A_256 : memref<1x64xi32, #tpu.memory_space<vmem>> -> memref<64xi32, #tpu.memory_space<vmem>>
    %dma_start3A_258 = tpu.memref_slice %arg4[%add3A_249] : memref<321536xi32, #tpu.memory_space<hbm>> -> memref<64xi32, #tpu.memory_space<hbm>>
    tpu.enqueue_dma source(%dma_start3A_258 : memref<64xi32, #tpu.memory_space<hbm>>) target(%dma_start3A_257 : memref<64xi32, #tpu.memory_space<vmem>>) target_semaphore(%arg19 : memref<!tpu.dma_semaphore, #tpu.memory_space<semaphore_mem>>)
    %dma_start3A_259 = arith.constant 1 : i32
    %dma_start3A_260 = arith.constant 0 : i32
    %dma_start3A_261 = tpu.memref_slice %arg8[%dma_start3A_259, %dma_start3A_260] : memref<2x64xi32, #tpu.memory_space<vmem>> -> memref<1x64xi32, #tpu.memory_space<vmem>>
    %dma_start3A_262 = tpu.memref_squeeze %dma_start3A_261 : memref<1x64xi32, #tpu.memory_space<vmem>> -> memref<64xi32, #tpu.memory_space<vmem>>
    %dma_start3A_263 = tpu.memref_slice %arg5[%add3A_249] : memref<321536xi32, #tpu.memory_space<hbm>> -> memref<64xi32, #tpu.memory_space<hbm>>
    %dma_start3A_264 = arith.constant 0 : i32
    %dma_start3A_265 = tpu.memref_slice %arg8[%dma_start3A_259, %dma_start3A_264] : memref<2x64xi32, #tpu.memory_space<vmem>> -> memref<1x64xi32, #tpu.memory_space<vmem>>
    %dma_start3A_266 = tpu.memref_squeeze %dma_start3A_265 : memref<1x64xi32, #tpu.memory_space<vmem>> -> memref<64xi32, #tpu.memory_space<vmem>>
    %dma_start3A_267 = tpu.memref_slice %arg5[%add3A_249] : memref<321536xi32, #tpu.memory_space<hbm>> -> memref<64xi32, #tpu.memory_space<hbm>>
    tpu.enqueue_dma source(%dma_start3A_267 : memref<64xi32, #tpu.memory_space<hbm>>) target(%dma_start3A_266 : memref<64xi32, #tpu.memory_space<vmem>>) target_semaphore(%arg19 : memref<!tpu.dma_semaphore, #tpu.memory_space<semaphore_mem>>)
    %add3A_268 = arith.constant 192 : i32
    %add3A_269 = arith.addi %mul3A_2, %add3A_268 : i32
    %dma_wait3A_270 = arith.constant 0 : i32
    %dma_wait3A_271 = arith.constant 0 : i32
    %dma_wait3A_272 = tpu.memref_slice %arg11[%dma_wait3A_270, %dma_wait3A_271] : memref<2x64xi32, #tpu.memory_space<vmem>> -> memref<1x64xi32, #tpu.memory_space<vmem>>
    %dma_wait3A_273 = tpu.memref_squeeze %dma_wait3A_272 : memref<1x64xi32, #tpu.memory_space<vmem>> -> memref<64xi32, #tpu.memory_space<vmem>>
    %dma_wait3A_274 = tpu.memref_slice %arg4[%add3A_269] : memref<321536xi32, #tpu.memory_space<hbm>> -> memref<64xi32, #tpu.memory_space<hbm>>
    %dma_wait3A_275 = arith.constant 0 : i32
    %dma_wait3A_276 = tpu.memref_slice %arg11[%dma_wait3A_270, %dma_wait3A_275] : memref<2x64xi32, #tpu.memory_space<vmem>> -> memref<1x64xi32, #tpu.memory_space<vmem>>
    %dma_wait3A_277 = tpu.memref_squeeze %dma_wait3A_276 : memref<1x64xi32, #tpu.memory_space<vmem>> -> memref<64xi32, #tpu.memory_space<vmem>>
    %dma_wait3A_278 = tpu.memref_slice %arg4[%add3A_269] : memref<321536xi32, #tpu.memory_space<hbm>> -> memref<64xi32, #tpu.memory_space<hbm>>
    tpu.wait_dma2 semaphore(%arg22 : memref<!tpu.dma_semaphore, #tpu.memory_space<semaphore_mem>>) src(%dma_wait3A_278 : memref<64xi32, #tpu.memory_space<hbm>>) dst(%dma_wait3A_277 : memref<64xi32, #tpu.memory_space<vmem>>)
    %dma_wait3A_279 = arith.constant 1 : i32
    %dma_wait3A_280 = arith.constant 0 : i32
    %dma_wait3A_281 = tpu.memref_slice %arg11[%dma_wait3A_279, %dma_wait3A_280] : memref<2x64xi32, #tpu.memory_space<vmem>> -> memref<1x64xi32, #tpu.memory_space<vmem>>
    %dma_wait3A_282 = tpu.memref_squeeze %dma_wait3A_281 : memref<1x64xi32, #tpu.memory_space<vmem>> -> memref<64xi32, #tpu.memory_space<vmem>>
    %dma_wait3A_283 = tpu.memref_slice %arg5[%add3A_269] : memref<321536xi32, #tpu.memory_space<hbm>> -> memref<64xi32, #tpu.memory_space<hbm>>
    %dma_wait3A_284 = arith.constant 0 : i32
    %dma_wait3A_285 = tpu.memref_slice %arg11[%dma_wait3A_279, %dma_wait3A_284] : memref<2x64xi32, #tpu.memory_space<vmem>> -> memref<1x64xi32, #tpu.memory_space<vmem>>
    %dma_wait3A_286 = tpu.memref_squeeze %dma_wait3A_285 : memref<1x64xi32, #tpu.memory_space<vmem>> -> memref<64xi32, #tpu.memory_space<vmem>>
    %dma_wait3A_287 = tpu.memref_slice %arg5[%add3A_269] : memref<321536xi32, #tpu.memory_space<hbm>> -> memref<64xi32, #tpu.memory_space<hbm>>
    tpu.wait_dma2 semaphore(%arg22 : memref<!tpu.dma_semaphore, #tpu.memory_space<semaphore_mem>>) src(%dma_wait3A_287 : memref<64xi32, #tpu.memory_space<hbm>>) dst(%dma_wait3A_286 : memref<64xi32, #tpu.memory_space<vmem>>)
    %dma_start3A_288 = arith.constant 1 : i32
    %dma_start3A_289 = arith.constant 0 : i32
    %dma_start3A_290 = tpu.memref_slice %arg11[%dma_start3A_288, %dma_start3A_289] : memref<2x64xi32, #tpu.memory_space<vmem>> -> memref<1x64xi32, #tpu.memory_space<vmem>>
    %dma_start3A_291 = tpu.memref_squeeze %dma_start3A_290 : memref<1x64xi32, #tpu.memory_space<vmem>> -> memref<64xi32, #tpu.memory_space<vmem>>
    %dma_start3A_292 = arith.constant 0 : i32
    %dma_start3A_293 = arith.constant 0 : i32
    %dma_start3A_294 = tpu.memref_slice %arg2[%dma_start3A_292, %dma_start3A_293] : memref<10240x128xbf16, #tpu.memory_space<hbm>> -> memref<10240x128xbf16, #tpu.memory_space<hbm>>
    tpu.enqueue_indirect_dma source(%dma_start3A_294 : memref<10240x128xbf16, #tpu.memory_space<hbm>>) target(%arg15 : memref<64x128xbf16, #tpu.memory_space<vmem>>) offsets(%dma_start3A_291 : memref<64xi32, #tpu.memory_space<vmem>>) semaphore(%arg26 : memref<!tpu.dma_semaphore, #tpu.memory_space<semaphore_mem>>)
    %dma_start3A_295 = arith.constant 0 : i32
    %dma_start3A_296 = arith.constant 0 : i32
    %dma_start3A_297 = tpu.memref_slice %arg11[%dma_start3A_295, %dma_start3A_296] : memref<2x64xi32, #tpu.memory_space<vmem>> -> memref<1x64xi32, #tpu.memory_space<vmem>>
    %dma_start3A_298 = tpu.memref_squeeze %dma_start3A_297 : memref<1x64xi32, #tpu.memory_space<vmem>> -> memref<64xi32, #tpu.memory_space<vmem>>
    %dma_start3A_299 = arith.constant 0 : i32
    %dma_start3A_300 = arith.constant 0 : i32
    %dma_start3A_301 = tpu.memref_slice %arg3[%dma_start3A_299, %dma_start3A_300] : memref<10240x128xbf16, #tpu.memory_space<hbm>> -> memref<10240x128xbf16, #tpu.memory_space<hbm>>
    tpu.enqueue_indirect_dma source(%dma_start3A_301 : memref<10240x128xbf16, #tpu.memory_space<hbm>>) target(%arg16 : memref<64x128xbf16, #tpu.memory_space<vmem>>) offsets(%dma_start3A_298 : memref<64xi32, #tpu.memory_space<vmem>>) semaphore(%arg27 : memref<!tpu.dma_semaphore, #tpu.memory_space<semaphore_mem>>)
    %scan3A = arith.constant 0 : i32
    %scan3A_302 = arith.constant 0 : i32
    %scan3A_303 = arith.constant 38 : i32
    %scan3A_304 = arith.addi %scan3A_302, %scan3A_303 : i32
    %scan3A_305 = arith.constant 1 : i32
    scf.for %scan3A_446 = %scan3A_302 to %scan3A_304 step %scan3A_305  : i32 {
      %mul3A_447 = arith.constant 4 : i32
      %mul3A_448 = arith.muli %mul3A_447, %scan3A_446 : i32
      %add3A_449 = arith.constant 2 : i32
      %add3A_450 = arith.addi %mul3A_448, %add3A_449 : i32
      %dma_wait3A_451 = arith.constant 1 : i32
      %dma_wait3A_452 = arith.constant 0 : i32
      %dma_wait3A_453 = tpu.memref_slice %arg10[%dma_wait3A_451, %dma_wait3A_452] : memref<2x64xi32, #tpu.memory_space<vmem>> -> memref<1x64xi32, #tpu.memory_space<vmem>>
      %dma_wait3A_454 = tpu.memref_squeeze %dma_wait3A_453 : memref<1x64xi32, #tpu.memory_space<vmem>> -> memref<64xi32, #tpu.memory_space<vmem>>
      %dma_wait3A_455 = arith.constant 0 : i32
      %dma_wait3A_456 = arith.constant 0 : i32
      %dma_wait3A_457 = tpu.memref_slice %arg2[%dma_wait3A_455, %dma_wait3A_456] : memref<10240x128xbf16, #tpu.memory_space<hbm>> -> memref<10240x128xbf16, #tpu.memory_space<hbm>>
      tpu.wait_indirect_dma semaphore(%arg23 : memref<!tpu.dma_semaphore, #tpu.memory_space<semaphore_mem>>) src(%dma_wait3A_457 : memref<10240x128xbf16, #tpu.memory_space<hbm>>) dst(%arg12 : memref<64x128xbf16, #tpu.memory_space<vmem>>)
      %dma_wait3A_458 = arith.constant 0 : i32
      %dma_wait3A_459 = arith.constant 0 : i32
      %dma_wait3A_460 = tpu.memref_slice %arg10[%dma_wait3A_458, %dma_wait3A_459] : memref<2x64xi32, #tpu.memory_space<vmem>> -> memref<1x64xi32, #tpu.memory_space<vmem>>
      %dma_wait3A_461 = tpu.memref_squeeze %dma_wait3A_460 : memref<1x64xi32, #tpu.memory_space<vmem>> -> memref<64xi32, #tpu.memory_space<vmem>>
      %dma_wait3A_462 = arith.constant 0 : i32
      %dma_wait3A_463 = arith.constant 0 : i32
      %dma_wait3A_464 = tpu.memref_slice %arg3[%dma_wait3A_462, %dma_wait3A_463] : memref<10240x128xbf16, #tpu.memory_space<hbm>> -> memref<10240x128xbf16, #tpu.memory_space<hbm>>
      tpu.wait_indirect_dma semaphore(%arg24 : memref<!tpu.dma_semaphore, #tpu.memory_space<semaphore_mem>>) src(%dma_wait3A_464 : memref<10240x128xbf16, #tpu.memory_space<hbm>>) dst(%arg13 : memref<64x128xbf16, #tpu.memory_space<vmem>>)
      %parallel_loop3A_465 = arith.constant 0 : i32
      %parallel_loop3A_466 = arith.constant 64 : i32
      %parallel_loop3A_467 = arith.constant 1 : i32
      scf.for %parallel_loop3A_821 = %parallel_loop3A_465 to %parallel_loop3A_466 step %parallel_loop3A_467  : i32 {
        %parallel_loop3A_822 = arith.index_cast %parallel_loop3A_821 : i32 to index
        %parallel_loop3A_823 = arith.constant 0 : index
        %parallel_loop3A_824 = tpu.vector_load %arg12[%parallel_loop3A_822, %parallel_loop3A_823] {strides = array<i32>} : memref<64x128xbf16, #tpu.memory_space<vmem>>, vector<32xbf16>,
        %parallel_loop3A_825 = tpu.unpack_subelements %parallel_loop3A_824, 0 {pack_format = #tpu.pack_format<interleaved>} : vector<32xbf16> -> vector<16xf32>
        %parallel_loop3A_826 = tpu.unpack_subelements %parallel_loop3A_824, 1 {pack_format = #tpu.pack_format<interleaved>} : vector<32xbf16> -> vector<16xf32>
        %parallel_loop3A_827 = arith.index_cast %parallel_loop3A_821 : i32 to index
        %parallel_loop3A_828 = arith.constant 0 : index
        %parallel_loop3A_829 = tpu.vector_load %arg13[%parallel_loop3A_827, %parallel_loop3A_828] {strides = array<i32>} : memref<64x128xbf16, #tpu.memory_space<vmem>>, vector<32xbf16>,
        %parallel_loop3A_830 = tpu.unpack_subelements %parallel_loop3A_829, 0 {pack_format = #tpu.pack_format<interleaved>} : vector<32xbf16> -> vector<16xf32>
        %parallel_loop3A_831 = tpu.unpack_subelements %parallel_loop3A_829, 1 {pack_format = #tpu.pack_format<interleaved>} : vector<32xbf16> -> vector<16xf32>
        %parallel_loop3A_832 = arith.addf %parallel_loop3A_825, %parallel_loop3A_830 : vector<16xf32>
        %parallel_loop3A_833 = arith.constant 0.000000e+00 : f32
        %parallel_loop3A_834 = vector.broadcast %parallel_loop3A_833 : f32 to vector<16xf32>
        %parallel_loop3A_835 = arith.maximumf %parallel_loop3A_832, %parallel_loop3A_834 : vector<16xf32>
        %parallel_loop3A_836 = arith.index_cast %parallel_loop3A_821 : i32 to index
        %parallel_loop3A_837 = arith.constant 0 : index
        %parallel_loop3A_838 = tpu.vector_load %arg14[%parallel_loop3A_836, %parallel_loop3A_837] {strides = array<i32>} : memref<64x144xf32, #tpu.memory_space<vmem>>, vector<16xf32>,
        tpu.vector_store %arg14[%parallel_loop3A_836, %parallel_loop3A_837], %parallel_loop3A_835 {strides = array<i32>} : memref<64x144xf32, #tpu.memory_space<vmem>>, vector<16xf32>,
        %parallel_loop3A_839 = arith.addf %parallel_loop3A_826, %parallel_loop3A_831 : vector<16xf32>
        %parallel_loop3A_840 = arith.constant 0.000000e+00 : f32
        %parallel_loop3A_841 = vector.broadcast %parallel_loop3A_840 : f32 to vector<16xf32>
        %parallel_loop3A_842 = arith.maximumf %parallel_loop3A_839, %parallel_loop3A_841 : vector<16xf32>
        %parallel_loop3A_843 = arith.index_cast %parallel_loop3A_821 : i32 to index
        %parallel_loop3A_844 = arith.constant 16 : index
        %parallel_loop3A_845 = tpu.vector_load %arg14[%parallel_loop3A_843, %parallel_loop3A_844] {strides = array<i32>} : memref<64x144xf32, #tpu.memory_space<vmem>>, vector<16xf32>,
        tpu.vector_store %arg14[%parallel_loop3A_843, %parallel_loop3A_844], %parallel_loop3A_842 {strides = array<i32>} : memref<64x144xf32, #tpu.memory_space<vmem>>, vector<16xf32>,
        %parallel_loop3A_846 = arith.index_cast %parallel_loop3A_821 : i32 to index
        %parallel_loop3A_847 = arith.constant 32 : index
        %parallel_loop3A_848 = tpu.vector_load %arg12[%parallel_loop3A_846, %parallel_loop3A_847] {strides = array<i32>} : memref<64x128xbf16, #tpu.memory_space<vmem>>, vector<32xbf16>,
        %parallel_loop3A_849 = tpu.unpack_subelements %parallel_loop3A_848, 0 {pack_format = #tpu.pack_format<interleaved>} : vector<32xbf16> -> vector<16xf32>
        %parallel_loop3A_850 = tpu.unpack_subelements %parallel_loop3A_848, 1 {pack_format = #tpu.pack_format<interleaved>} : vector<32xbf16> -> vector<16xf32>
        %parallel_loop3A_851 = arith.index_cast %parallel_loop3A_821 : i32 to index
        %parallel_loop3A_852 = arith.constant 32 : index
        %parallel_loop3A_853 = tpu.vector_load %arg13[%parallel_loop3A_851, %parallel_loop3A_852] {strides = array<i32>} : memref<64x128xbf16, #tpu.memory_space<vmem>>, vector<32xbf16>,
        %parallel_loop3A_854 = tpu.unpack_subelements %parallel_loop3A_853, 0 {pack_format = #tpu.pack_format<interleaved>} : vector<32xbf16> -> vector<16xf32>
        %parallel_loop3A_855 = tpu.unpack_subelements %parallel_loop3A_853, 1 {pack_format = #tpu.pack_format<interleaved>} : vector<32xbf16> -> vector<16xf32>
        %parallel_loop3A_856 = arith.addf %parallel_loop3A_849, %parallel_loop3A_854 : vector<16xf32>
        %parallel_loop3A_857 = arith.constant 0.000000e+00 : f32
        %parallel_loop3A_858 = vector.broadcast %parallel_loop3A_857 : f32 to vector<16xf32>
        %parallel_loop3A_859 = arith.maximumf %parallel_loop3A_856, %parallel_loop3A_858 : vector<16xf32>
        %parallel_loop3A_860 = arith.index_cast %parallel_loop3A_821 : i32 to index
        %parallel_loop3A_861 = arith.constant 32 : index
        %parallel_loop3A_862 = tpu.vector_load %arg14[%parallel_loop3A_860, %parallel_loop3A_861] {strides = array<i32>} : memref<64x144xf32, #tpu.memory_space<vmem>>, vector<16xf32>,
        tpu.vector_store %arg14[%parallel_loop3A_860, %parallel_loop3A_861], %parallel_loop3A_859 {strides = array<i32>} : memref<64x144xf32, #tpu.memory_space<vmem>>, vector<16xf32>,
        %parallel_loop3A_863 = arith.addf %parallel_loop3A_850, %parallel_loop3A_855 : vector<16xf32>
        %parallel_loop3A_864 = arith.constant 0.000000e+00 : f32
        %parallel_loop3A_865 = vector.broadcast %parallel_loop3A_864 : f32 to vector<16xf32>
        %parallel_loop3A_866 = arith.maximumf %parallel_loop3A_863, %parallel_loop3A_865 : vector<16xf32>
        %parallel_loop3A_867 = arith.index_cast %parallel_loop3A_821 : i32 to index
        %parallel_loop3A_868 = arith.constant 48 : index
        %parallel_loop3A_869 = tpu.vector_load %arg14[%parallel_loop3A_867, %parallel_loop3A_868] {strides = array<i32>} : memref<64x144xf32, #tpu.memory_space<vmem>>, vector<16xf32>,
        tpu.vector_store %arg14[%parallel_loop3A_867, %parallel_loop3A_868], %parallel_loop3A_866 {strides = array<i32>} : memref<64x144xf32, #tpu.memory_space<vmem>>, vector<16xf32>,
        %parallel_loop3A_870 = arith.index_cast %parallel_loop3A_821 : i32 to index
        %parallel_loop3A_871 = arith.constant 64 : index
        %parallel_loop3A_872 = tpu.vector_load %arg12[%parallel_loop3A_870, %parallel_loop3A_871] {strides = array<i32>} : memref<64x128xbf16, #tpu.memory_space<vmem>>, vector<32xbf16>,
        %parallel_loop3A_873 = tpu.unpack_subelements %parallel_loop3A_872, 0 {pack_format = #tpu.pack_format<interleaved>} : vector<32xbf16> -> vector<16xf32>
        %parallel_loop3A_874 = tpu.unpack_subelements %parallel_loop3A_872, 1 {pack_format = #tpu.pack_format<interleaved>} : vector<32xbf16> -> vector<16xf32>
        %parallel_loop3A_875 = arith.index_cast %parallel_loop3A_821 : i32 to index
        %parallel_loop3A_876 = arith.constant 64 : index
        %parallel_loop3A_877 = tpu.vector_load %arg13[%parallel_loop3A_875, %parallel_loop3A_876] {strides = array<i32>} : memref<64x128xbf16, #tpu.memory_space<vmem>>, vector<32xbf16>,
        %parallel_loop3A_878 = tpu.unpack_subelements %parallel_loop3A_877, 0 {pack_format = #tpu.pack_format<interleaved>} : vector<32xbf16> -> vector<16xf32>
        %parallel_loop3A_879 = tpu.unpack_subelements %parallel_loop3A_877, 1 {pack_format = #tpu.pack_format<interleaved>} : vector<32xbf16> -> vector<16xf32>
        %parallel_loop3A_880 = arith.addf %parallel_loop3A_873, %parallel_loop3A_878 : vector<16xf32>
        %parallel_loop3A_881 = arith.constant 0.000000e+00 : f32
        %parallel_loop3A_882 = vector.broadcast %parallel_loop3A_881 : f32 to vector<16xf32>
        %parallel_loop3A_883 = arith.maximumf %parallel_loop3A_880, %parallel_loop3A_882 : vector<16xf32>
        %parallel_loop3A_884 = arith.index_cast %parallel_loop3A_821 : i32 to index
        %parallel_loop3A_885 = arith.constant 64 : index
        %parallel_loop3A_886 = tpu.vector_load %arg14[%parallel_loop3A_884, %parallel_loop3A_885] {strides = array<i32>} : memref<64x144xf32, #tpu.memory_space<vmem>>, vector<16xf32>,
        tpu.vector_store %arg14[%parallel_loop3A_884, %parallel_loop3A_885], %parallel_loop3A_883 {strides = array<i32>} : memref<64x144xf32, #tpu.memory_space<vmem>>, vector<16xf32>,
        %parallel_loop3A_887 = arith.addf %parallel_loop3A_874, %parallel_loop3A_879 : vector<16xf32>
        %parallel_loop3A_888 = arith.constant 0.000000e+00 : f32
        %parallel_loop3A_889 = vector.broadcast %parallel_loop3A_888 : f32 to vector<16xf32>
        %parallel_loop3A_890 = arith.maximumf %parallel_loop3A_887, %parallel_loop3A_889 : vector<16xf32>
        %parallel_loop3A_891 = arith.index_cast %parallel_loop3A_821 : i32 to index
        %parallel_loop3A_892 = arith.constant 80 : index
        %parallel_loop3A_893 = tpu.vector_load %arg14[%parallel_loop3A_891, %parallel_loop3A_892] {strides = array<i32>} : memref<64x144xf32, #tpu.memory_space<vmem>>, vector<16xf32>,
        tpu.vector_store %arg14[%parallel_loop3A_891, %parallel_loop3A_892], %parallel_loop3A_890 {strides = array<i32>} : memref<64x144xf32, #tpu.memory_space<vmem>>, vector<16xf32>,
        %parallel_loop3A_894 = arith.index_cast %parallel_loop3A_821 : i32 to index
        %parallel_loop3A_895 = arith.constant 96 : index
        %parallel_loop3A_896 = tpu.vector_load %arg12[%parallel_loop3A_894, %parallel_loop3A_895] {strides = array<i32>} : memref<64x128xbf16, #tpu.memory_space<vmem>>, vector<32xbf16>,
        %parallel_loop3A_897 = tpu.unpack_subelements %parallel_loop3A_896, 0 {pack_format = #tpu.pack_format<interleaved>} : vector<32xbf16> -> vector<16xf32>
        %parallel_loop3A_898 = tpu.unpack_subelements %parallel_loop3A_896, 1 {pack_format = #tpu.pack_format<interleaved>} : vector<32xbf16> -> vector<16xf32>
        %parallel_loop3A_899 = arith.index_cast %parallel_loop3A_821 : i32 to index
        %parallel_loop3A_900 = arith.constant 96 : index
        %parallel_loop3A_901 = tpu.vector_load %arg13[%parallel_loop3A_899, %parallel_loop3A_900] {strides = array<i32>} : memref<64x128xbf16, #tpu.memory_space<vmem>>, vector<32xbf16>,
        %parallel_loop3A_902 = tpu.unpack_subelements %parallel_loop3A_901, 0 {pack_format = #tpu.pack_format<interleaved>} : vector<32xbf16> -> vector<16xf32>
        %parallel_loop3A_903 = tpu.unpack_subelements %parallel_loop3A_901, 1 {pack_format = #tpu.pack_format<interleaved>} : vector<32xbf16> -> vector<16xf32>
        %parallel_loop3A_904 = arith.addf %parallel_loop3A_897, %parallel_loop3A_902 : vector<16xf32>
        %parallel_loop3A_905 = arith.constant 0.000000e+00 : f32
        %parallel_loop3A_906 = vector.broadcast %parallel_loop3A_905 : f32 to vector<16xf32>
        %parallel_loop3A_907 = arith.maximumf %parallel_loop3A_904, %parallel_loop3A_906 : vector<16xf32>
        %parallel_loop3A_908 = arith.index_cast %parallel_loop3A_821 : i32 to index
        %parallel_loop3A_909 = arith.constant 96 : index
        %parallel_loop3A_910 = tpu.vector_load %arg14[%parallel_loop3A_908, %parallel_loop3A_909] {strides = array<i32>} : memref<64x144xf32, #tpu.memory_space<vmem>>, vector<16xf32>,
        tpu.vector_store %arg14[%parallel_loop3A_908, %parallel_loop3A_909], %parallel_loop3A_907 {strides = array<i32>} : memref<64x144xf32, #tpu.memory_space<vmem>>, vector<16xf32>,
        %parallel_loop3A_911 = arith.addf %parallel_loop3A_898, %parallel_loop3A_903 : vector<16xf32>
        %parallel_loop3A_912 = arith.constant 0.000000e+00 : f32
        %parallel_loop3A_913 = vector.broadcast %parallel_loop3A_912 : f32 to vector<16xf32>
        %parallel_loop3A_914 = arith.maximumf %parallel_loop3A_911, %parallel_loop3A_913 : vector<16xf32>
        %parallel_loop3A_915 = arith.index_cast %parallel_loop3A_821 : i32 to index
        %parallel_loop3A_916 = arith.constant 112 : index
        %parallel_loop3A_917 = tpu.vector_load %arg14[%parallel_loop3A_915, %parallel_loop3A_916] {strides = array<i32>} : memref<64x144xf32, #tpu.memory_space<vmem>>, vector<16xf32>,
        tpu.vector_store %arg14[%parallel_loop3A_915, %parallel_loop3A_916], %parallel_loop3A_914 {strides = array<i32>} : memref<64x144xf32, #tpu.memory_space<vmem>>, vector<16xf32>,
      } {sc.loop_unroll_factor = 4 : i64, sc.parallel_access}
      %dma_wait3A_468 = arith.constant 1 : i32
      %dma_wait3A_469 = arith.constant 0 : i32
      %dma_wait3A_470 = tpu.memref_slice %arg9[%dma_wait3A_468, %dma_wait3A_469] : memref<2x64xi32, #tpu.memory_space<vmem>> -> memref<1x64xi32, #tpu.memory_space<vmem>>
      %dma_wait3A_471 = tpu.memref_squeeze %dma_wait3A_470 : memref<1x64xi32, #tpu.memory_space<vmem>> -> memref<64xi32, #tpu.memory_space<vmem>>
      %dma_wait3A_472 = arith.constant 0 : i32
      %dma_wait3A_473 = arith.constant 0 : i32
      %dma_wait3A_474 = tpu.memref_slice %arg18[%dma_wait3A_472, %dma_wait3A_473] : memref<10240x144xf32, #tpu.memory_space<vmem_shared>> -> memref<10240x144xf32, #tpu.memory_space<vmem_shared>>
      tpu.wait_indirect_dma semaphore(%arg28 : memref<!tpu.dma_semaphore, #tpu.memory_space<semaphore_mem>>) src(%arg17 : memref<64x144xf32, #tpu.memory_space<vmem>>) dst(%dma_wait3A_474 : memref<10240x144xf32, #tpu.memory_space<vmem_shared>>)
      %dma_start3A_475 = arith.constant 1 : i32
      %dma_start3A_476 = arith.constant 0 : i32
      %dma_start3A_477 = tpu.memref_slice %arg10[%dma_start3A_475, %dma_start3A_476] : memref<2x64xi32, #tpu.memory_space<vmem>> -> memref<1x64xi32, #tpu.memory_space<vmem>>
      %dma_start3A_478 = tpu.memref_squeeze %dma_start3A_477 : memref<1x64xi32, #tpu.memory_space<vmem>> -> memref<64xi32, #tpu.memory_space<vmem>>
      %dma_start3A_479 = arith.constant 0 : i32
      %dma_start3A_480 = arith.constant 0 : i32
      %dma_start3A_481 = tpu.memref_slice %arg18[%dma_start3A_479, %dma_start3A_480] : memref<10240x144xf32, #tpu.memory_space<vmem_shared>> -> memref<10240x144xf32, #tpu.memory_space<vmem_shared>>
      tpu.enqueue_indirect_dma source(%arg14 : memref<64x144xf32, #tpu.memory_space<vmem>>) target(%dma_start3A_481 : memref<10240x144xf32, #tpu.memory_space<vmem_shared>>) offsets(%dma_start3A_478 : memref<64xi32, #tpu.memory_space<vmem>>) semaphore(%arg25 : memref<!tpu.dma_semaphore, #tpu.memory_space<semaphore_mem>>) {add = true}
      %add3A_482 = arith.constant 3 : i32
      %add3A_483 = arith.addi %add3A_450, %add3A_482 : i32
      %mul3A_484 = arith.constant 64 : i32
      %mul3A_485 = arith.muli %add3A_483, %mul3A_484 : i32
      %add3A_486 = arith.addi %mul3A_2, %mul3A_485 : i32
      %dma_start3A_487 = arith.constant 0 : i32
      %dma_start3A_488 = arith.constant 0 : i32
      %dma_start3A_489 = tpu.memref_slice %arg9[%dma_start3A_487, %dma_start3A_488] : memref<2x64xi32, #tpu.memory_space<vmem>> -> memref<1x64xi32, #tpu.memory_space<vmem>>
      %dma_start3A_490 = tpu.memref_squeeze %dma_start3A_489 : memref<1x64xi32, #tpu.memory_space<vmem>> -> memref<64xi32, #tpu.memory_space<vmem>>
      %dma_start3A_491 = tpu.memref_slice %arg4[%add3A_486] : memref<321536xi32, #tpu.memory_space<hbm>> -> memref<64xi32, #tpu.memory_space<hbm>>
      %dma_start3A_492 = arith.constant 0 : i32
      %dma_start3A_493 = tpu.memref_slice %arg9[%dma_start3A_487, %dma_start3A_492] : memref<2x64xi32, #tpu.memory_space<vmem>> -> memref<1x64xi32, #tpu.memory_space<vmem>>
      %dma_start3A_494 = tpu.memref_squeeze %dma_start3A_493 : memref<1x64xi32, #tpu.memory_space<vmem>> -> memref<64xi32, #tpu.memory_space<vmem>>
      %dma_start3A_495 = tpu.memref_slice %arg4[%add3A_486] : memref<321536xi32, #tpu.memory_space<hbm>> -> memref<64xi32, #tpu.memory_space<hbm>>
      tpu.enqueue_dma source(%dma_start3A_495 : memref<64xi32, #tpu.memory_space<hbm>>) target(%dma_start3A_494 : memref<64xi32, #tpu.memory_space<vmem>>) target_semaphore(%arg20 : memref<!tpu.dma_semaphore, #tpu.memory_space<semaphore_mem>>)
      %dma_start3A_496 = arith.constant 1 : i32
      %dma_start3A_497 = arith.constant 0 : i32
      %dma_start3A_498 = tpu.memref_slice %arg9[%dma_start3A_496, %dma_start3A_497] : memref<2x64xi32, #tpu.memory_space<vmem>> -> memref<1x64xi32, #tpu.memory_space<vmem>>
      %dma_start3A_499 = tpu.memref_squeeze %dma_start3A_498 : memref<1x64xi32, #tpu.memory_space<vmem>> -> memref<64xi32, #tpu.memory_space<vmem>>
      %dma_start3A_500 = tpu.memref_slice %arg5[%add3A_486] : memref<321536xi32, #tpu.memory_space<hbm>> -> memref<64xi32, #tpu.memory_space<hbm>>
      %dma_start3A_501 = arith.constant 0 : i32
      %dma_start3A_502 = tpu.memref_slice %arg9[%dma_start3A_496, %dma_start3A_501] : memref<2x64xi32, #tpu.memory_space<vmem>> -> memref<1x64xi32, #tpu.memory_space<vmem>>
      %dma_start3A_503 = tpu.memref_squeeze %dma_start3A_502 : memref<1x64xi32, #tpu.memory_space<vmem>> -> memref<64xi32, #tpu.memory_space<vmem>>
      %dma_start3A_504 = tpu.memref_slice %arg5[%add3A_486] : memref<321536xi32, #tpu.memory_space<hbm>> -> memref<64xi32, #tpu.memory_space<hbm>>
      tpu.enqueue_dma source(%dma_start3A_504 : memref<64xi32, #tpu.memory_space<hbm>>) target(%dma_start3A_503 : memref<64xi32, #tpu.memory_space<vmem>>) target_semaphore(%arg20 : memref<!tpu.dma_semaphore, #tpu.memory_space<semaphore_mem>>)
      %add3A_505 = arith.constant 2 : i32
      %add3A_506 = arith.addi %add3A_450, %add3A_505 : i32
      %mul3A_507 = arith.constant 64 : i32
      %mul3A_508 = arith.muli %add3A_506, %mul3A_507 : i32
      %add3A_509 = arith.addi %mul3A_2, %mul3A_508 : i32
      %dma_wait3A_510 = arith.constant 0 : i32
      %dma_wait3A_511 = arith.constant 0 : i32
      %dma_wait3A_512 = tpu.memref_slice %arg8[%dma_wait3A_510, %dma_wait3A_511] : memref<2x64xi32, #tpu.memory_space<vmem>> -> memref<1x64xi32, #tpu.memory_space<vmem>>
      %dma_wait3A_513 = tpu.memref_squeeze %dma_wait3A_512 : memref<1x64xi32, #tpu.memory_space<vmem>> -> memref<64xi32, #tpu.memory_space<vmem>>
      %dma_wait3A_514 = tpu.memref_slice %arg4[%add3A_509] : memref<321536xi32, #tpu.memory_space<hbm>> -> memref<64xi32, #tpu.memory_space<hbm>>
      %dma_wait3A_515 = arith.constant 0 : i32
      %dma_wait3A_516 = tpu.memref_slice %arg8[%dma_wait3A_510, %dma_wait3A_515] : memref<2x64xi32, #tpu.memory_space<vmem>> -> memref<1x64xi32, #tpu.memory_space<vmem>>
      %dma_wait3A_517 = tpu.memref_squeeze %dma_wait3A_516 : memref<1x64xi32, #tpu.memory_space<vmem>> -> memref<64xi32, #tpu.memory_space<vmem>>
      %dma_wait3A_518 = tpu.memref_slice %arg4[%add3A_509] : memref<321536xi32, #tpu.memory_space<hbm>> -> memref<64xi32, #tpu.memory_space<hbm>>
      tpu.wait_dma2 semaphore(%arg19 : memref<!tpu.dma_semaphore, #tpu.memory_space<semaphore_mem>>) src(%dma_wait3A_518 : memref<64xi32, #tpu.memory_space<hbm>>) dst(%dma_wait3A_517 : memref<64xi32, #tpu.memory_space<vmem>>)
      %dma_wait3A_519 = arith.constant 1 : i32
      %dma_wait3A_520 = arith.constant 0 : i32
      %dma_wait3A_521 = tpu.memref_slice %arg8[%dma_wait3A_519, %dma_wait3A_520] : memref<2x64xi32, #tpu.memory_space<vmem>> -> memref<1x64xi32, #tpu.memory_space<vmem>>
      %dma_wait3A_522 = tpu.memref_squeeze %dma_wait3A_521 : memref<1x64xi32, #tpu.memory_space<vmem>> -> memref<64xi32, #tpu.memory_space<vmem>>
      %dma_wait3A_523 = tpu.memref_slice %arg5[%add3A_509] : memref<321536xi32, #tpu.memory_space<hbm>> -> memref<64xi32, #tpu.memory_space<hbm>>
      %dma_wait3A_524 = arith.constant 0 : i32
      %dma_wait3A_525 = tpu.memref_slice %arg8[%dma_wait3A_519, %dma_wait3A_524] : memref<2x64xi32, #tpu.memory_space<vmem>> -> memref<1x64xi32, #tpu.memory_space<vmem>>
      %dma_wait3A_526 = tpu.memref_squeeze %dma_wait3A_525 : memref<1x64xi32, #tpu.memory_space<vmem>> -> memref<64xi32, #tpu.memory_space<vmem>>
      %dma_wait3A_527 = tpu.memref_slice %arg5[%add3A_509] : memref<321536xi32, #tpu.memory_space<hbm>> -> memref<64xi32, #tpu.memory_space<hbm>>
      tpu.wait_dma2 semaphore(%arg19 : memref<!tpu.dma_semaphore, #tpu.memory_space<semaphore_mem>>) src(%dma_wait3A_527 : memref<64xi32, #tpu.memory_space<hbm>>) dst(%dma_wait3A_526 : memref<64xi32, #tpu.memory_space<vmem>>)
      %dma_start3A_528 = arith.constant 1 : i32
      %dma_start3A_529 = arith.constant 0 : i32
      %dma_start3A_530 = tpu.memref_slice %arg8[%dma_start3A_528, %dma_start3A_529] : memref<2x64xi32, #tpu.memory_space<vmem>> -> memref<1x64xi32, #tpu.memory_space<vmem>>
      %dma_start3A_531 = tpu.memref_squeeze %dma_start3A_530 : memref<1x64xi32, #tpu.memory_space<vmem>> -> memref<64xi32, #tpu.memory_space<vmem>>
      %dma_start3A_532 = arith.constant 0 : i32
      %dma_start3A_533 = arith.constant 0 : i32
      %dma_start3A_534 = tpu.memref_slice %arg2[%dma_start3A_532, %dma_start3A_533] : memref<10240x128xbf16, #tpu.memory_space<hbm>> -> memref<10240x128xbf16, #tpu.memory_space<hbm>>
      tpu.enqueue_indirect_dma source(%dma_start3A_534 : memref<10240x128xbf16, #tpu.memory_space<hbm>>) target(%arg12 : memref<64x128xbf16, #tpu.memory_space<vmem>>) offsets(%dma_start3A_531 : memref<64xi32, #tpu.memory_space<vmem>>) semaphore(%arg23 : memref<!tpu.dma_semaphore, #tpu.memory_space<semaphore_mem>>)
      %dma_start3A_535 = arith.constant 0 : i32
      %dma_start3A_536 = arith.constant 0 : i32
      %dma_start3A_537 = tpu.memref_slice %arg8[%dma_start3A_535, %dma_start3A_536] : memref<2x64xi32, #tpu.memory_space<vmem>> -> memref<1x64xi32, #tpu.memory_space<vmem>>
      %dma_start3A_538 = tpu.memref_squeeze %dma_start3A_537 : memref<1x64xi32, #tpu.memory_space<vmem>> -> memref<64xi32, #tpu.memory_space<vmem>>
      %dma_start3A_539 = arith.constant 0 : i32
      %dma_start3A_540 = arith.constant 0 : i32
      %dma_start3A_541 = tpu.memref_slice %arg3[%dma_start3A_539, %dma_start3A_540] : memref<10240x128xbf16, #tpu.memory_space<hbm>> -> memref<10240x128xbf16, #tpu.memory_space<hbm>>
      tpu.enqueue_indirect_dma source(%dma_start3A_541 : memref<10240x128xbf16, #tpu.memory_space<hbm>>) target(%arg13 : memref<64x128xbf16, #tpu.memory_space<vmem>>) offsets(%dma_start3A_538 : memref<64xi32, #tpu.memory_space<vmem>>) semaphore(%arg24 : memref<!tpu.dma_semaphore, #tpu.memory_space<semaphore_mem>>)
      %add3A_542 = arith.constant 1 : i32
      %add3A_543 = arith.addi %add3A_450, %add3A_542 : i32
      %dma_wait3A_544 = arith.constant 1 : i32
      %dma_wait3A_545 = arith.constant 0 : i32
      %dma_wait3A_546 = tpu.memref_slice %arg11[%dma_wait3A_544, %dma_wait3A_545] : memref<2x64xi32, #tpu.memory_space<vmem>> -> memref<1x64xi32, #tpu.memory_space<vmem>>
      %dma_wait3A_547 = tpu.memref_squeeze %dma_wait3A_546 : memref<1x64xi32, #tpu.memory_space<vmem>> -> memref<64xi32, #tpu.memory_space<vmem>>
      %dma_wait3A_548 = arith.constant 0 : i32
      %dma_wait3A_549 = arith.constant 0 : i32
      %dma_wait3A_550 = tpu.memref_slice %arg2[%dma_wait3A_548, %dma_wait3A_549] : memref<10240x128xbf16, #tpu.memory_space<hbm>> -> memref<10240x128xbf16, #tpu.memory_space<hbm>>
      tpu.wait_indirect_dma semaphore(%arg26 : memref<!tpu.dma_semaphore, #tpu.memory_space<semaphore_mem>>) src(%dma_wait3A_550 : memref<10240x128xbf16, #tpu.memory_space<hbm>>) dst(%arg15 : memref<64x128xbf16, #tpu.memory_space<vmem>>)
      %dma_wait3A_551 = arith.constant 0 : i32
      %dma_wait3A_552 = arith.constant 0 : i32
      %dma_wait3A_553 = tpu.memref_slice %arg11[%dma_wait3A_551, %dma_wait3A_552] : memref<2x64xi32, #tpu.memory_space<vmem>> -> memref<1x64xi32, #tpu.memory_space<vmem>>
      %dma_wait3A_554 = tpu.memref_squeeze %dma_wait3A_553 : memref<1x64xi32, #tpu.memory_space<vmem>> -> memref<64xi32, #tpu.memory_space<vmem>>
      %dma_wait3A_555 = arith.constant 0 : i32
      %dma_wait3A_556 = arith.constant 0 : i32
      %dma_wait3A_557 = tpu.memref_slice %arg3[%dma_wait3A_555, %dma_wait3A_556] : memref<10240x128xbf16, #tpu.memory_space<hbm>> -> memref<10240x128xbf16, #tpu.memory_space<hbm>>
      tpu.wait_indirect_dma semaphore(%arg27 : memref<!tpu.dma_semaphore, #tpu.memory_space<semaphore_mem>>) src(%dma_wait3A_557 : memref<10240x128xbf16, #tpu.memory_space<hbm>>) dst(%arg16 : memref<64x128xbf16, #tpu.memory_space<vmem>>)
      %parallel_loop3A_558 = arith.constant 0 : i32
      %parallel_loop3A_559 = arith.constant 64 : i32
      %parallel_loop3A_560 = arith.constant 1 : i32
      scf.for %parallel_loop3A_821 = %parallel_loop3A_558 to %parallel_loop3A_559 step %parallel_loop3A_560  : i32 {
        %parallel_loop3A_822 = arith.index_cast %parallel_loop3A_821 : i32 to index
        %parallel_loop3A_823 = arith.constant 0 : index
        %parallel_loop3A_824 = tpu.vector_load %arg15[%parallel_loop3A_822, %parallel_loop3A_823] {strides = array<i32>} : memref<64x128xbf16, #tpu.memory_space<vmem>>, vector<32xbf16>,
        %parallel_loop3A_825 = tpu.unpack_subelements %parallel_loop3A_824, 0 {pack_format = #tpu.pack_format<interleaved>} : vector<32xbf16> -> vector<16xf32>
        %parallel_loop3A_826 = tpu.unpack_subelements %parallel_loop3A_824, 1 {pack_format = #tpu.pack_format<interleaved>} : vector<32xbf16> -> vector<16xf32>
        %parallel_loop3A_827 = arith.index_cast %parallel_loop3A_821 : i32 to index
        %parallel_loop3A_828 = arith.constant 0 : index
        %parallel_loop3A_829 = tpu.vector_load %arg16[%parallel_loop3A_827, %parallel_loop3A_828] {strides = array<i32>} : memref<64x128xbf16, #tpu.memory_space<vmem>>, vector<32xbf16>,
        %parallel_loop3A_830 = tpu.unpack_subelements %parallel_loop3A_829, 0 {pack_format = #tpu.pack_format<interleaved>} : vector<32xbf16> -> vector<16xf32>
        %parallel_loop3A_831 = tpu.unpack_subelements %parallel_loop3A_829, 1 {pack_format = #tpu.pack_format<interleaved>} : vector<32xbf16> -> vector<16xf32>
        %parallel_loop3A_832 = arith.addf %parallel_loop3A_825, %parallel_loop3A_830 : vector<16xf32>
        %parallel_loop3A_833 = arith.constant 0.000000e+00 : f32
        %parallel_loop3A_834 = vector.broadcast %parallel_loop3A_833 : f32 to vector<16xf32>
        %parallel_loop3A_835 = arith.maximumf %parallel_loop3A_832, %parallel_loop3A_834 : vector<16xf32>
        %parallel_loop3A_836 = arith.index_cast %parallel_loop3A_821 : i32 to index
        %parallel_loop3A_837 = arith.constant 0 : index
        %parallel_loop3A_838 = tpu.vector_load %arg17[%parallel_loop3A_836, %parallel_loop3A_837] {strides = array<i32>} : memref<64x144xf32, #tpu.memory_space<vmem>>, vector<16xf32>,
        tpu.vector_store %arg17[%parallel_loop3A_836, %parallel_loop3A_837], %parallel_loop3A_835 {strides = array<i32>} : memref<64x144xf32, #tpu.memory_space<vmem>>, vector<16xf32>,
        %parallel_loop3A_839 = arith.addf %parallel_loop3A_826, %parallel_loop3A_831 : vector<16xf32>
        %parallel_loop3A_840 = arith.constant 0.000000e+00 : f32
        %parallel_loop3A_841 = vector.broadcast %parallel_loop3A_840 : f32 to vector<16xf32>
        %parallel_loop3A_842 = arith.maximumf %parallel_loop3A_839, %parallel_loop3A_841 : vector<16xf32>
        %parallel_loop3A_843 = arith.index_cast %parallel_loop3A_821 : i32 to index
        %parallel_loop3A_844 = arith.constant 16 : index
        %parallel_loop3A_845 = tpu.vector_load %arg17[%parallel_loop3A_843, %parallel_loop3A_844] {strides = array<i32>} : memref<64x144xf32, #tpu.memory_space<vmem>>, vector<16xf32>,
        tpu.vector_store %arg17[%parallel_loop3A_843, %parallel_loop3A_844], %parallel_loop3A_842 {strides = array<i32>} : memref<64x144xf32, #tpu.memory_space<vmem>>, vector<16xf32>,
        %parallel_loop3A_846 = arith.index_cast %parallel_loop3A_821 : i32 to index
        %parallel_loop3A_847 = arith.constant 32 : index
        %parallel_loop3A_848 = tpu.vector_load %arg15[%parallel_loop3A_846, %parallel_loop3A_847] {strides = array<i32>} : memref<64x128xbf16, #tpu.memory_space<vmem>>, vector<32xbf16>,
        %parallel_loop3A_849 = tpu.unpack_subelements %parallel_loop3A_848, 0 {pack_format = #tpu.pack_format<interleaved>} : vector<32xbf16> -> vector<16xf32>
        %parallel_loop3A_850 = tpu.unpack_subelements %parallel_loop3A_848, 1 {pack_format = #tpu.pack_format<interleaved>} : vector<32xbf16> -> vector<16xf32>
        %parallel_loop3A_851 = arith.index_cast %parallel_loop3A_821 : i32 to index
        %parallel_loop3A_852 = arith.constant 32 : index
        %parallel_loop3A_853 = tpu.vector_load %arg16[%parallel_loop3A_851, %parallel_loop3A_852] {strides = array<i32>} : memref<64x128xbf16, #tpu.memory_space<vmem>>, vector<32xbf16>,
        %parallel_loop3A_854 = tpu.unpack_subelements %parallel_loop3A_853, 0 {pack_format = #tpu.pack_format<interleaved>} : vector<32xbf16> -> vector<16xf32>
        %parallel_loop3A_855 = tpu.unpack_subelements %parallel_loop3A_853, 1 {pack_format = #tpu.pack_format<interleaved>} : vector<32xbf16> -> vector<16xf32>
        %parallel_loop3A_856 = arith.addf %parallel_loop3A_849, %parallel_loop3A_854 : vector<16xf32>
        %parallel_loop3A_857 = arith.constant 0.000000e+00 : f32
        %parallel_loop3A_858 = vector.broadcast %parallel_loop3A_857 : f32 to vector<16xf32>
        %parallel_loop3A_859 = arith.maximumf %parallel_loop3A_856, %parallel_loop3A_858 : vector<16xf32>
        %parallel_loop3A_860 = arith.index_cast %parallel_loop3A_821 : i32 to index
        %parallel_loop3A_861 = arith.constant 32 : index
        %parallel_loop3A_862 = tpu.vector_load %arg17[%parallel_loop3A_860, %parallel_loop3A_861] {strides = array<i32>} : memref<64x144xf32, #tpu.memory_space<vmem>>, vector<16xf32>,
        tpu.vector_store %arg17[%parallel_loop3A_860, %parallel_loop3A_861], %parallel_loop3A_859 {strides = array<i32>} : memref<64x144xf32, #tpu.memory_space<vmem>>, vector<16xf32>,
        %parallel_loop3A_863 = arith.addf %parallel_loop3A_850, %parallel_loop3A_855 : vector<16xf32>
        %parallel_loop3A_864 = arith.constant 0.000000e+00 : f32
        %parallel_loop3A_865 = vector.broadcast %parallel_loop3A_864 : f32 to vector<16xf32>
        %parallel_loop3A_866 = arith.maximumf %parallel_loop3A_863, %parallel_loop3A_865 : vector<16xf32>
        %parallel_loop3A_867 = arith.index_cast %parallel_loop3A_821 : i32 to index
        %parallel_loop3A_868 = arith.constant 48 : index
        %parallel_loop3A_869 = tpu.vector_load %arg17[%parallel_loop3A_867, %parallel_loop3A_868] {strides = array<i32>} : memref<64x144xf32, #tpu.memory_space<vmem>>, vector<16xf32>,
        tpu.vector_store %arg17[%parallel_loop3A_867, %parallel_loop3A_868], %parallel_loop3A_866 {strides = array<i32>} : memref<64x144xf32, #tpu.memory_space<vmem>>, vector<16xf32>,
        %parallel_loop3A_870 = arith.index_cast %parallel_loop3A_821 : i32 to index
        %parallel_loop3A_871 = arith.constant 64 : index
        %parallel_loop3A_872 = tpu.vector_load %arg15[%parallel_loop3A_870, %parallel_loop3A_871] {strides = array<i32>} : memref<64x128xbf16, #tpu.memory_space<vmem>>, vector<32xbf16>,
        %parallel_loop3A_873 = tpu.unpack_subelements %parallel_loop3A_872, 0 {pack_format = #tpu.pack_format<interleaved>} : vector<32xbf16> -> vector<16xf32>
        %parallel_loop3A_874 = tpu.unpack_subelements %parallel_loop3A_872, 1 {pack_format = #tpu.pack_format<interleaved>} : vector<32xbf16> -> vector<16xf32>
        %parallel_loop3A_875 = arith.index_cast %parallel_loop3A_821 : i32 to index
        %parallel_loop3A_876 = arith.constant 64 : index
        %parallel_loop3A_877 = tpu.vector_load %arg16[%parallel_loop3A_875, %parallel_loop3A_876] {strides = array<i32>} : memref<64x128xbf16, #tpu.memory_space<vmem>>, vector<32xbf16>,
        %parallel_loop3A_878 = tpu.unpack_subelements %parallel_loop3A_877, 0 {pack_format = #tpu.pack_format<interleaved>} : vector<32xbf16> -> vector<16xf32>
        %parallel_loop3A_879 = tpu.unpack_subelements %parallel_loop3A_877, 1 {pack_format = #tpu.pack_format<interleaved>} : vector<32xbf16> -> vector<16xf32>
        %parallel_loop3A_880 = arith.addf %parallel_loop3A_873, %parallel_loop3A_878 : vector<16xf32>
        %parallel_loop3A_881 = arith.constant 0.000000e+00 : f32
        %parallel_loop3A_882 = vector.broadcast %parallel_loop3A_881 : f32 to vector<16xf32>
        %parallel_loop3A_883 = arith.maximumf %parallel_loop3A_880, %parallel_loop3A_882 : vector<16xf32>
        %parallel_loop3A_884 = arith.index_cast %parallel_loop3A_821 : i32 to index
        %parallel_loop3A_885 = arith.constant 64 : index
        %parallel_loop3A_886 = tpu.vector_load %arg17[%parallel_loop3A_884, %parallel_loop3A_885] {strides = array<i32>} : memref<64x144xf32, #tpu.memory_space<vmem>>, vector<16xf32>,
        tpu.vector_store %arg17[%parallel_loop3A_884, %parallel_loop3A_885], %parallel_loop3A_883 {strides = array<i32>} : memref<64x144xf32, #tpu.memory_space<vmem>>, vector<16xf32>,
        %parallel_loop3A_887 = arith.addf %parallel_loop3A_874, %parallel_loop3A_879 : vector<16xf32>
        %parallel_loop3A_888 = arith.constant 0.000000e+00 : f32
        %parallel_loop3A_889 = vector.broadcast %parallel_loop3A_888 : f32 to vector<16xf32>
        %parallel_loop3A_890 = arith.maximumf %parallel_loop3A_887, %parallel_loop3A_889 : vector<16xf32>
        %parallel_loop3A_891 = arith.index_cast %parallel_loop3A_821 : i32 to index
        %parallel_loop3A_892 = arith.constant 80 : index
        %parallel_loop3A_893 = tpu.vector_load %arg17[%parallel_loop3A_891, %parallel_loop3A_892] {strides = array<i32>} : memref<64x144xf32, #tpu.memory_space<vmem>>, vector<16xf32>,
        tpu.vector_store %arg17[%parallel_loop3A_891, %parallel_loop3A_892], %parallel_loop3A_890 {strides = array<i32>} : memref<64x144xf32, #tpu.memory_space<vmem>>, vector<16xf32>,
        %parallel_loop3A_894 = arith.index_cast %parallel_loop3A_821 : i32 to index
        %parallel_loop3A_895 = arith.constant 96 : index
        %parallel_loop3A_896 = tpu.vector_load %arg15[%parallel_loop3A_894, %parallel_loop3A_895] {strides = array<i32>} : memref<64x128xbf16, #tpu.memory_space<vmem>>, vector<32xbf16>,
        %parallel_loop3A_897 = tpu.unpack_subelements %parallel_loop3A_896, 0 {pack_format = #tpu.pack_format<interleaved>} : vector<32xbf16> -> vector<16xf32>
        %parallel_loop3A_898 = tpu.unpack_subelements %parallel_loop3A_896, 1 {pack_format = #tpu.pack_format<interleaved>} : vector<32xbf16> -> vector<16xf32>
        %parallel_loop3A_899 = arith.index_cast %parallel_loop3A_821 : i32 to index
        %parallel_loop3A_900 = arith.constant 96 : index
        %parallel_loop3A_901 = tpu.vector_load %arg16[%parallel_loop3A_899, %parallel_loop3A_900] {strides = array<i32>} : memref<64x128xbf16, #tpu.memory_space<vmem>>, vector<32xbf16>,
        %parallel_loop3A_902 = tpu.unpack_subelements %parallel_loop3A_901, 0 {pack_format = #tpu.pack_format<interleaved>} : vector<32xbf16> -> vector<16xf32>
        %parallel_loop3A_903 = tpu.unpack_subelements %parallel_loop3A_901, 1 {pack_format = #tpu.pack_format<interleaved>} : vector<32xbf16> -> vector<16xf32>
        %parallel_loop3A_904 = arith.addf %parallel_loop3A_897, %parallel_loop3A_902 : vector<16xf32>
        %parallel_loop3A_905 = arith.constant 0.000000e+00 : f32
        %parallel_loop3A_906 = vector.broadcast %parallel_loop3A_905 : f32 to vector<16xf32>
        %parallel_loop3A_907 = arith.maximumf %parallel_loop3A_904, %parallel_loop3A_906 : vector<16xf32>
        %parallel_loop3A_908 = arith.index_cast %parallel_loop3A_821 : i32 to index
        %parallel_loop3A_909 = arith.constant 96 : index
        %parallel_loop3A_910 = tpu.vector_load %arg17[%parallel_loop3A_908, %parallel_loop3A_909] {strides = array<i32>} : memref<64x144xf32, #tpu.memory_space<vmem>>, vector<16xf32>,
        tpu.vector_store %arg17[%parallel_loop3A_908, %parallel_loop3A_909], %parallel_loop3A_907 {strides = array<i32>} : memref<64x144xf32, #tpu.memory_space<vmem>>, vector<16xf32>,
        %parallel_loop3A_911 = arith.addf %parallel_loop3A_898, %parallel_loop3A_903 : vector<16xf32>
        %parallel_loop3A_912 = arith.constant 0.000000e+00 : f32
        %parallel_loop3A_913 = vector.broadcast %parallel_loop3A_912 : f32 to vector<16xf32>
        %parallel_loop3A_914 = arith.maximumf %parallel_loop3A_911, %parallel_loop3A_913 : vector<16xf32>
        %parallel_loop3A_915 = arith.index_cast %parallel_loop3A_821 : i32 to index
        %parallel_loop3A_916 = arith.constant 112 : index
        %parallel_loop3A_917 = tpu.vector_load %arg17[%parallel_loop3A_915, %parallel_loop3A_916] {strides = array<i32>} : memref<64x144xf32, #tpu.memory_space<vmem>>, vector<16xf32>,
        tpu.vector_store %arg17[%parallel_loop3A_915, %parallel_loop3A_916], %parallel_loop3A_914 {strides = array<i32>} : memref<64x144xf32, #tpu.memory_space<vmem>>, vector<16xf32>,
      } {sc.loop_unroll_factor = 4 : i64, sc.parallel_access}
      %dma_wait3A_561 = arith.constant 1 : i32
      %dma_wait3A_562 = arith.constant 0 : i32
      %dma_wait3A_563 = tpu.memref_slice %arg10[%dma_wait3A_561, %dma_wait3A_562] : memref<2x64xi32, #tpu.memory_space<vmem>> -> memref<1x64xi32, #tpu.memory_space<vmem>>
      %dma_wait3A_564 = tpu.memref_squeeze %dma_wait3A_563 : memref<1x64xi32, #tpu.memory_space<vmem>> -> memref<64xi32, #tpu.memory_space<vmem>>
      %dma_wait3A_565 = arith.constant 0 : i32
      %dma_wait3A_566 = arith.constant 0 : i32
      %dma_wait3A_567 = tpu.memref_slice %arg18[%dma_wait3A_565, %dma_wait3A_566] : memref<10240x144xf32, #tpu.memory_space<vmem_shared>> -> memref<10240x144xf32, #tpu.memory_space<vmem_shared>>
      tpu.wait_indirect_dma semaphore(%arg25 : memref<!tpu.dma_semaphore, #tpu.memory_space<semaphore_mem>>) src(%arg14 : memref<64x144xf32, #tpu.memory_space<vmem>>) dst(%dma_wait3A_567 : memref<10240x144xf32, #tpu.memory_space<vmem_shared>>)
      %dma_start3A_568 = arith.constant 1 : i32
      %dma_start3A_569 = arith.constant 0 : i32
      %dma_start3A_570 = tpu.memref_slice %arg11[%dma_start3A_568, %dma_start3A_569] : memref<2x64xi32, #tpu.memory_space<vmem>> -> memref<1x64xi32, #tpu.memory_space<vmem>>
      %dma_start3A_571 = tpu.memref_squeeze %dma_start3A_570 : memref<1x64xi32, #tpu.memory_space<vmem>> -> memref<64xi32, #tpu.memory_space<vmem>>
      %dma_start3A_572 = arith.constant 0 : i32
      %dma_start3A_573 = arith.constant 0 : i32
      %dma_start3A_574 = tpu.memref_slice %arg18[%dma_start3A_572, %dma_start3A_573] : memref<10240x144xf32, #tpu.memory_space<vmem_shared>> -> memref<10240x144xf32, #tpu.memory_space<vmem_shared>>
      tpu.enqueue_indirect_dma source(%arg17 : memref<64x144xf32, #tpu.memory_space<vmem>>) target(%dma_start3A_574 : memref<10240x144xf32, #tpu.memory_space<vmem_shared>>) offsets(%dma_start3A_571 : memref<64xi32, #tpu.memory_space<vmem>>) semaphore(%arg28 : memref<!tpu.dma_semaphore, #tpu.memory_space<semaphore_mem>>) {add = true}
      %add3A_575 = arith.constant 3 : i32
      %add3A_576 = arith.addi %add3A_543, %add3A_575 : i32
      %mul3A_577 = arith.constant 64 : i32
      %mul3A_578 = arith.muli %add3A_576, %mul3A_577 : i32
      %add3A_579 = arith.addi %mul3A_2, %mul3A_578 : i32
      %dma_start3A_580 = arith.constant 0 : i32
      %dma_start3A_581 = arith.constant 0 : i32
      %dma_start3A_582 = tpu.memref_slice %arg10[%dma_start3A_580, %dma_start3A_581] : memref<2x64xi32, #tpu.memory_space<vmem>> -> memref<1x64xi32, #tpu.memory_space<vmem>>
      %dma_start3A_583 = tpu.memref_squeeze %dma_start3A_582 : memref<1x64xi32, #tpu.memory_space<vmem>> -> memref<64xi32, #tpu.memory_space<vmem>>
      %dma_start3A_584 = tpu.memref_slice %arg4[%add3A_579] : memref<321536xi32, #tpu.memory_space<hbm>> -> memref<64xi32, #tpu.memory_space<hbm>>
      %dma_start3A_585 = arith.constant 0 : i32
      %dma_start3A_586 = tpu.memref_slice %arg10[%dma_start3A_580, %dma_start3A_585] : memref<2x64xi32, #tpu.memory_space<vmem>> -> memref<1x64xi32, #tpu.memory_space<vmem>>
      %dma_start3A_587 = tpu.memref_squeeze %dma_start3A_586 : memref<1x64xi32, #tpu.memory_space<vmem>> -> memref<64xi32, #tpu.memory_space<vmem>>
      %dma_start3A_588 = tpu.memref_slice %arg4[%add3A_579] : memref<321536xi32, #tpu.memory_space<hbm>> -> memref<64xi32, #tpu.memory_space<hbm>>
      tpu.enqueue_dma source(%dma_start3A_588 : memref<64xi32, #tpu.memory_space<hbm>>) target(%dma_start3A_587 : memref<64xi32, #tpu.memory_space<vmem>>) target_semaphore(%arg21 : memref<!tpu.dma_semaphore, #tpu.memory_space<semaphore_mem>>)
      %dma_start3A_589 = arith.constant 1 : i32
      %dma_start3A_590 = arith.constant 0 : i32
      %dma_start3A_591 = tpu.memref_slice %arg10[%dma_start3A_589, %dma_start3A_590] : memref<2x64xi32, #tpu.memory_space<vmem>> -> memref<1x64xi32, #tpu.memory_space<vmem>>
      %dma_start3A_592 = tpu.memref_squeeze %dma_start3A_591 : memref<1x64xi32, #tpu.memory_space<vmem>> -> memref<64xi32, #tpu.memory_space<vmem>>
      %dma_start3A_593 = tpu.memref_slice %arg5[%add3A_579] : memref<321536xi32, #tpu.memory_space<hbm>> -> memref<64xi32, #tpu.memory_space<hbm>>
      %dma_start3A_594 = arith.constant 0 : i32
      %dma_start3A_595 = tpu.memref_slice %arg10[%dma_start3A_589, %dma_start3A_594] : memref<2x64xi32, #tpu.memory_space<vmem>> -> memref<1x64xi32, #tpu.memory_space<vmem>>
      %dma_start3A_596 = tpu.memref_squeeze %dma_start3A_595 : memref<1x64xi32, #tpu.memory_space<vmem>> -> memref<64xi32, #tpu.memory_space<vmem>>
      %dma_start3A_597 = tpu.memref_slice %arg5[%add3A_579] : memref<321536xi32, #tpu.memory_space<hbm>> -> memref<64xi32, #tpu.memory_space<hbm>>
      tpu.enqueue_dma source(%dma_start3A_597 : memref<64xi32, #tpu.memory_space<hbm>>) target(%dma_start3A_596 : memref<64xi32, #tpu.memory_space<vmem>>) target_semaphore(%arg21 : memref<!tpu.dma_semaphore, #tpu.memory_space<semaphore_mem>>)
      %add3A_598 = arith.constant 2 : i32
      %add3A_599 = arith.addi %add3A_543, %add3A_598 : i32
      %mul3A_600 = arith.constant 64 : i32
      %mul3A_601 = arith.muli %add3A_599, %mul3A_600 : i32
      %add3A_602 = arith.addi %mul3A_2, %mul3A_601 : i32
      %dma_wait3A_603 = arith.constant 0 : i32
      %dma_wait3A_604 = arith.constant 0 : i32
      %dma_wait3A_605 = tpu.memref_slice %arg9[%dma_wait3A_603, %dma_wait3A_604] : memref<2x64xi32, #tpu.memory_space<vmem>> -> memref<1x64xi32, #tpu.memory_space<vmem>>
      %dma_wait3A_606 = tpu.memref_squeeze %dma_wait3A_605 : memref<1x64xi32, #tpu.memory_space<vmem>> -> memref<64xi32, #tpu.memory_space<vmem>>
      %dma_wait3A_607 = tpu.memref_slice %arg4[%add3A_602] : memref<321536xi32, #tpu.memory_space<hbm>> -> memref<64xi32, #tpu.memory_space<hbm>>
      %dma_wait3A_608 = arith.constant 0 : i32
      %dma_wait3A_609 = tpu.memref_slice %arg9[%dma_wait3A_603, %dma_wait3A_608] : memref<2x64xi32, #tpu.memory_space<vmem>> -> memref<1x64xi32, #tpu.memory_space<vmem>>
      %dma_wait3A_610 = tpu.memref_squeeze %dma_wait3A_609 : memref<1x64xi32, #tpu.memory_space<vmem>> -> memref<64xi32, #tpu.memory_space<vmem>>
      %dma_wait3A_611 = tpu.memref_slice %arg4[%add3A_602] : memref<321536xi32, #tpu.memory_space<hbm>> -> memref<64xi32, #tpu.memory_space<hbm>>
      tpu.wait_dma2 semaphore(%arg20 : memref<!tpu.dma_semaphore, #tpu.memory_space<semaphore_mem>>) src(%dma_wait3A_611 : memref<64xi32, #tpu.memory_space<hbm>>) dst(%dma_wait3A_610 : memref<64xi32, #tpu.memory_space<vmem>>)
      %dma_wait3A_612 = arith.constant 1 : i32
      %dma_wait3A_613 = arith.constant 0 : i32
      %dma_wait3A_614 = tpu.memref_slice %arg9[%dma_wait3A_612, %dma_wait3A_613] : memref<2x64xi32, #tpu.memory_space<vmem>> -> memref<1x64xi32, #tpu.memory_space<vmem>>
      %dma_wait3A_615 = tpu.memref_squeeze %dma_wait3A_614 : memref<1x64xi32, #tpu.memory_space<vmem>> -> memref<64xi32, #tpu.memory_space<vmem>>
      %dma_wait3A_616 = tpu.memref_slice %arg5[%add3A_602] : memref<321536xi32, #tpu.memory_space<hbm>> -> memref<64xi32, #tpu.memory_space<hbm>>
      %dma_wait3A_617 = arith.constant 0 : i32
      %dma_wait3A_618 = tpu.memref_slice %arg9[%dma_wait3A_612, %dma_wait3A_617] : memref<2x64xi32, #tpu.memory_space<vmem>> -> memref<1x64xi32, #tpu.memory_space<vmem>>
      %dma_wait3A_619 = tpu.memref_squeeze %dma_wait3A_618 : memref<1x64xi32, #tpu.memory_space<vmem>> -> memref<64xi32, #tpu.memory_space<vmem>>
      %dma_wait3A_620 = tpu.memref_slice %arg5[%add3A_602] : memref<321536xi32, #tpu.memory_space<hbm>> -> memref<64xi32, #tpu.memory_space<hbm>>
      tpu.wait_dma2 semaphore(%arg20 : memref<!tpu.dma_semaphore, #tpu.memory_space<semaphore_mem>>) src(%dma_wait3A_620 : memref<64xi32, #tpu.memory_space<hbm>>) dst(%dma_wait3A_619 : memref<64xi32, #tpu.memory_space<vmem>>)
      %dma_start3A_621 = arith.constant 1 : i32
      %dma_start3A_622 = arith.constant 0 : i32
      %dma_start3A_623 = tpu.memref_slice %arg9[%dma_start3A_621, %dma_start3A_622] : memref<2x64xi32, #tpu.memory_space<vmem>> -> memref<1x64xi32, #tpu.memory_space<vmem>>
      %dma_start3A_624 = tpu.memref_squeeze %dma_start3A_623 : memref<1x64xi32, #tpu.memory_space<vmem>> -> memref<64xi32, #tpu.memory_space<vmem>>
      %dma_start3A_625 = arith.constant 0 : i32
      %dma_start3A_626 = arith.constant 0 : i32
      %dma_start3A_627 = tpu.memref_slice %arg2[%dma_start3A_625, %dma_start3A_626] : memref<10240x128xbf16, #tpu.memory_space<hbm>> -> memref<10240x128xbf16, #tpu.memory_space<hbm>>
      tpu.enqueue_indirect_dma source(%dma_start3A_627 : memref<10240x128xbf16, #tpu.memory_space<hbm>>) target(%arg15 : memref<64x128xbf16, #tpu.memory_space<vmem>>) offsets(%dma_start3A_624 : memref<64xi32, #tpu.memory_space<vmem>>) semaphore(%arg26 : memref<!tpu.dma_semaphore, #tpu.memory_space<semaphore_mem>>)
      %dma_start3A_628 = arith.constant 0 : i32
      %dma_start3A_629 = arith.constant 0 : i32
      %dma_start3A_630 = tpu.memref_slice %arg9[%dma_start3A_628, %dma_start3A_629] : memref<2x64xi32, #tpu.memory_space<vmem>> -> memref<1x64xi32, #tpu.memory_space<vmem>>
      %dma_start3A_631 = tpu.memref_squeeze %dma_start3A_630 : memref<1x64xi32, #tpu.memory_space<vmem>> -> memref<64xi32, #tpu.memory_space<vmem>>
      %dma_start3A_632 = arith.constant 0 : i32
      %dma_start3A_633 = arith.constant 0 : i32
      %dma_start3A_634 = tpu.memref_slice %arg3[%dma_start3A_632, %dma_start3A_633] : memref<10240x128xbf16, #tpu.memory_space<hbm>> -> memref<10240x128xbf16, #tpu.memory_space<hbm>>
      tpu.enqueue_indirect_dma source(%dma_start3A_634 : memref<10240x128xbf16, #tpu.memory_space<hbm>>) target(%arg16 : memref<64x128xbf16, #tpu.memory_space<vmem>>) offsets(%dma_start3A_631 : memref<64xi32, #tpu.memory_space<vmem>>) semaphore(%arg27 : memref<!tpu.dma_semaphore, #tpu.memory_space<semaphore_mem>>)
      %add3A_635 = arith.constant 2 : i32
      %add3A_636 = arith.addi %add3A_450, %add3A_635 : i32
      %dma_wait3A_637 = arith.constant 1 : i32
      %dma_wait3A_638 = arith.constant 0 : i32
      %dma_wait3A_639 = tpu.memref_slice %arg8[%dma_wait3A_637, %dma_wait3A_638] : memref<2x64xi32, #tpu.memory_space<vmem>> -> memref<1x64xi32, #tpu.memory_space<vmem>>
      %dma_wait3A_640 = tpu.memref_squeeze %dma_wait3A_639 : memref<1x64xi32, #tpu.memory_space<vmem>> -> memref<64xi32, #tpu.memory_space<vmem>>
      %dma_wait3A_641 = arith.constant 0 : i32
      %dma_wait3A_642 = arith.constant 0 : i32
      %dma_wait3A_643 = tpu.memref_slice %arg2[%dma_wait3A_641, %dma_wait3A_642] : memref<10240x128xbf16, #tpu.memory_space<hbm>> -> memref<10240x128xbf16, #tpu.memory_space<hbm>>
      tpu.wait_indirect_dma semaphore(%arg23 : memref<!tpu.dma_semaphore, #tpu.memory_space<semaphore_mem>>) src(%dma_wait3A_643 : memref<10240x128xbf16, #tpu.memory_space<hbm>>) dst(%arg12 : memref<64x128xbf16, #tpu.memory_space<vmem>>)
      %dma_wait3A_644 = arith.constant 0 : i32
      %dma_wait3A_645 = arith.constant 0 : i32
      %dma_wait3A_646 = tpu.memref_slice %arg8[%dma_wait3A_644, %dma_wait3A_645] : memref<2x64xi32, #tpu.memory_space<vmem>> -> memref<1x64xi32, #tpu.memory_space<vmem>>
      %dma_wait3A_647 = tpu.memref_squeeze %dma_wait3A_646 : memref<1x64xi32, #tpu.memory_space<vmem>> -> memref<64xi32, #tpu.memory_space<vmem>>
      %dma_wait3A_648 = arith.constant 0 : i32
      %dma_wait3A_649 = arith.constant 0 : i32
      %dma_wait3A_650 = tpu.memref_slice %arg3[%dma_wait3A_648, %dma_wait3A_649] : memref<10240x128xbf16, #tpu.memory_space<hbm>> -> memref<10240x128xbf16, #tpu.memory_space<hbm>>
      tpu.wait_indirect_dma semaphore(%arg24 : memref<!tpu.dma_semaphore, #tpu.memory_space<semaphore_mem>>) src(%dma_wait3A_650 : memref<10240x128xbf16, #tpu.memory_space<hbm>>) dst(%arg13 : memref<64x128xbf16, #tpu.memory_space<vmem>>)
      %parallel_loop3A_651 = arith.constant 0 : i32
      %parallel_loop3A_652 = arith.constant 64 : i32
      %parallel_loop3A_653 = arith.constant 1 : i32
      scf.for %parallel_loop3A_821 = %parallel_loop3A_651 to %parallel_loop3A_652 step %parallel_loop3A_653  : i32 {
        %parallel_loop3A_822 = arith.index_cast %parallel_loop3A_821 : i32 to index
        %parallel_loop3A_823 = arith.constant 0 : index
        %parallel_loop3A_824 = tpu.vector_load %arg12[%parallel_loop3A_822, %parallel_loop3A_823] {strides = array<i32>} : memref<64x128xbf16, #tpu.memory_space<vmem>>, vector<32xbf16>,
        %parallel_loop3A_825 = tpu.unpack_subelements %parallel_loop3A_824, 0 {pack_format = #tpu.pack_format<interleaved>} : vector<32xbf16> -> vector<16xf32>
        %parallel_loop3A_826 = tpu.unpack_subelements %parallel_loop3A_824, 1 {pack_format = #tpu.pack_format<interleaved>} : vector<32xbf16> -> vector<16xf32>
        %parallel_loop3A_827 = arith.index_cast %parallel_loop3A_821 : i32 to index
        %parallel_loop3A_828 = arith.constant 0 : index
        %parallel_loop3A_829 = tpu.vector_load %arg13[%parallel_loop3A_827, %parallel_loop3A_828] {strides = array<i32>} : memref<64x128xbf16, #tpu.memory_space<vmem>>, vector<32xbf16>,
        %parallel_loop3A_830 = tpu.unpack_subelements %parallel_loop3A_829, 0 {pack_format = #tpu.pack_format<interleaved>} : vector<32xbf16> -> vector<16xf32>
        %parallel_loop3A_831 = tpu.unpack_subelements %parallel_loop3A_829, 1 {pack_format = #tpu.pack_format<interleaved>} : vector<32xbf16> -> vector<16xf32>
        %parallel_loop3A_832 = arith.addf %parallel_loop3A_825, %parallel_loop3A_830 : vector<16xf32>
        %parallel_loop3A_833 = arith.constant 0.000000e+00 : f32
        %parallel_loop3A_834 = vector.broadcast %parallel_loop3A_833 : f32 to vector<16xf32>
        %parallel_loop3A_835 = arith.maximumf %parallel_loop3A_832, %parallel_loop3A_834 : vector<16xf32>
        %parallel_loop3A_836 = arith.index_cast %parallel_loop3A_821 : i32 to index
        %parallel_loop3A_837 = arith.constant 0 : index
        %parallel_loop3A_838 = tpu.vector_load %arg14[%parallel_loop3A_836, %parallel_loop3A_837] {strides = array<i32>} : memref<64x144xf32, #tpu.memory_space<vmem>>, vector<16xf32>,
        tpu.vector_store %arg14[%parallel_loop3A_836, %parallel_loop3A_837], %parallel_loop3A_835 {strides = array<i32>} : memref<64x144xf32, #tpu.memory_space<vmem>>, vector<16xf32>,
        %parallel_loop3A_839 = arith.addf %parallel_loop3A_826, %parallel_loop3A_831 : vector<16xf32>
        %parallel_loop3A_840 = arith.constant 0.000000e+00 : f32
        %parallel_loop3A_841 = vector.broadcast %parallel_loop3A_840 : f32 to vector<16xf32>
        %parallel_loop3A_842 = arith.maximumf %parallel_loop3A_839, %parallel_loop3A_841 : vector<16xf32>
        %parallel_loop3A_843 = arith.index_cast %parallel_loop3A_821 : i32 to index
        %parallel_loop3A_844 = arith.constant 16 : index
        %parallel_loop3A_845 = tpu.vector_load %arg14[%parallel_loop3A_843, %parallel_loop3A_844] {strides = array<i32>} : memref<64x144xf32, #tpu.memory_space<vmem>>, vector<16xf32>,
        tpu.vector_store %arg14[%parallel_loop3A_843, %parallel_loop3A_844], %parallel_loop3A_842 {strides = array<i32>} : memref<64x144xf32, #tpu.memory_space<vmem>>, vector<16xf32>,
        %parallel_loop3A_846 = arith.index_cast %parallel_loop3A_821 : i32 to index
        %parallel_loop3A_847 = arith.constant 32 : index
        %parallel_loop3A_848 = tpu.vector_load %arg12[%parallel_loop3A_846, %parallel_loop3A_847] {strides = array<i32>} : memref<64x128xbf16, #tpu.memory_space<vmem>>, vector<32xbf16>,
        %parallel_loop3A_849 = tpu.unpack_subelements %parallel_loop3A_848, 0 {pack_format = #tpu.pack_format<interleaved>} : vector<32xbf16> -> vector<16xf32>
        %parallel_loop3A_850 = tpu.unpack_subelements %parallel_loop3A_848, 1 {pack_format = #tpu.pack_format<interleaved>} : vector<32xbf16> -> vector<16xf32>
        %parallel_loop3A_851 = arith.index_cast %parallel_loop3A_821 : i32 to index
        %parallel_loop3A_852 = arith.constant 32 : index
        %parallel_loop3A_853 = tpu.vector_load %arg13[%parallel_loop3A_851, %parallel_loop3A_852] {strides = array<i32>} : memref<64x128xbf16, #tpu.memory_space<vmem>>, vector<32xbf16>,
        %parallel_loop3A_854 = tpu.unpack_subelements %parallel_loop3A_853, 0 {pack_format = #tpu.pack_format<interleaved>} : vector<32xbf16> -> vector<16xf32>
        %parallel_loop3A_855 = tpu.unpack_subelements %parallel_loop3A_853, 1 {pack_format = #tpu.pack_format<interleaved>} : vector<32xbf16> -> vector<16xf32>
        %parallel_loop3A_856 = arith.addf %parallel_loop3A_849, %parallel_loop3A_854 : vector<16xf32>
        %parallel_loop3A_857 = arith.constant 0.000000e+00 : f32
        %parallel_loop3A_858 = vector.broadcast %parallel_loop3A_857 : f32 to vector<16xf32>
        %parallel_loop3A_859 = arith.maximumf %parallel_loop3A_856, %parallel_loop3A_858 : vector<16xf32>
        %parallel_loop3A_860 = arith.index_cast %parallel_loop3A_821 : i32 to index
        %parallel_loop3A_861 = arith.constant 32 : index
        %parallel_loop3A_862 = tpu.vector_load %arg14[%parallel_loop3A_860, %parallel_loop3A_861] {strides = array<i32>} : memref<64x144xf32, #tpu.memory_space<vmem>>, vector<16xf32>,
        tpu.vector_store %arg14[%parallel_loop3A_860, %parallel_loop3A_861], %parallel_loop3A_859 {strides = array<i32>} : memref<64x144xf32, #tpu.memory_space<vmem>>, vector<16xf32>,
        %parallel_loop3A_863 = arith.addf %parallel_loop3A_850, %parallel_loop3A_855 : vector<16xf32>
        %parallel_loop3A_864 = arith.constant 0.000000e+00 : f32
        %parallel_loop3A_865 = vector.broadcast %parallel_loop3A_864 : f32 to vector<16xf32>
        %parallel_loop3A_866 = arith.maximumf %parallel_loop3A_863, %parallel_loop3A_865 : vector<16xf32>
        %parallel_loop3A_867 = arith.index_cast %parallel_loop3A_821 : i32 to index
        %parallel_loop3A_868 = arith.constant 48 : index
        %parallel_loop3A_869 = tpu.vector_load %arg14[%parallel_loop3A_867, %parallel_loop3A_868] {strides = array<i32>} : memref<64x144xf32, #tpu.memory_space<vmem>>, vector<16xf32>,
        tpu.vector_store %arg14[%parallel_loop3A_867, %parallel_loop3A_868], %parallel_loop3A_866 {strides = array<i32>} : memref<64x144xf32, #tpu.memory_space<vmem>>, vector<16xf32>,
        %parallel_loop3A_870 = arith.index_cast %parallel_loop3A_821 : i32 to index
        %parallel_loop3A_871 = arith.constant 64 : index
        %parallel_loop3A_872 = tpu.vector_load %arg12[%parallel_loop3A_870, %parallel_loop3A_871] {strides = array<i32>} : memref<64x128xbf16, #tpu.memory_space<vmem>>, vector<32xbf16>,
        %parallel_loop3A_873 = tpu.unpack_subelements %parallel_loop3A_872, 0 {pack_format = #tpu.pack_format<interleaved>} : vector<32xbf16> -> vector<16xf32>
        %parallel_loop3A_874 = tpu.unpack_subelements %parallel_loop3A_872, 1 {pack_format = #tpu.pack_format<interleaved>} : vector<32xbf16> -> vector<16xf32>
        %parallel_loop3A_875 = arith.index_cast %parallel_loop3A_821 : i32 to index
        %parallel_loop3A_876 = arith.constant 64 : index
        %parallel_loop3A_877 = tpu.vector_load %arg13[%parallel_loop3A_875, %parallel_loop3A_876] {strides = array<i32>} : memref<64x128xbf16, #tpu.memory_space<vmem>>, vector<32xbf16>,
        %parallel_loop3A_878 = tpu.unpack_subelements %parallel_loop3A_877, 0 {pack_format = #tpu.pack_format<interleaved>} : vector<32xbf16> -> vector<16xf32>
        %parallel_loop3A_879 = tpu.unpack_subelements %parallel_loop3A_877, 1 {pack_format = #tpu.pack_format<interleaved>} : vector<32xbf16> -> vector<16xf32>
        %parallel_loop3A_880 = arith.addf %parallel_loop3A_873, %parallel_loop3A_878 : vector<16xf32>
        %parallel_loop3A_881 = arith.constant 0.000000e+00 : f32
        %parallel_loop3A_882 = vector.broadcast %parallel_loop3A_881 : f32 to vector<16xf32>
        %parallel_loop3A_883 = arith.maximumf %parallel_loop3A_880, %parallel_loop3A_882 : vector<16xf32>
        %parallel_loop3A_884 = arith.index_cast %parallel_loop3A_821 : i32 to index
        %parallel_loop3A_885 = arith.constant 64 : index
        %parallel_loop3A_886 = tpu.vector_load %arg14[%parallel_loop3A_884, %parallel_loop3A_885] {strides = array<i32>} : memref<64x144xf32, #tpu.memory_space<vmem>>, vector<16xf32>,
        tpu.vector_store %arg14[%parallel_loop3A_884, %parallel_loop3A_885], %parallel_loop3A_883 {strides = array<i32>} : memref<64x144xf32, #tpu.memory_space<vmem>>, vector<16xf32>,
        %parallel_loop3A_887 = arith.addf %parallel_loop3A_874, %parallel_loop3A_879 : vector<16xf32>
        %parallel_loop3A_888 = arith.constant 0.000000e+00 : f32
        %parallel_loop3A_889 = vector.broadcast %parallel_loop3A_888 : f32 to vector<16xf32>
        %parallel_loop3A_890 = arith.maximumf %parallel_loop3A_887, %parallel_loop3A_889 : vector<16xf32>
        %parallel_loop3A_891 = arith.index_cast %parallel_loop3A_821 : i32 to index
        %parallel_loop3A_892 = arith.constant 80 : index
        %parallel_loop3A_893 = tpu.vector_load %arg14[%parallel_loop3A_891, %parallel_loop3A_892] {strides = array<i32>} : memref<64x144xf32, #tpu.memory_space<vmem>>, vector<16xf32>,
        tpu.vector_store %arg14[%parallel_loop3A_891, %parallel_loop3A_892], %parallel_loop3A_890 {strides = array<i32>} : memref<64x144xf32, #tpu.memory_space<vmem>>, vector<16xf32>,
        %parallel_loop3A_894 = arith.index_cast %parallel_loop3A_821 : i32 to index
        %parallel_loop3A_895 = arith.constant 96 : index
        %parallel_loop3A_896 = tpu.vector_load %arg12[%parallel_loop3A_894, %parallel_loop3A_895] {strides = array<i32>} : memref<64x128xbf16, #tpu.memory_space<vmem>>, vector<32xbf16>,
        %parallel_loop3A_897 = tpu.unpack_subelements %parallel_loop3A_896, 0 {pack_format = #tpu.pack_format<interleaved>} : vector<32xbf16> -> vector<16xf32>
        %parallel_loop3A_898 = tpu.unpack_subelements %parallel_loop3A_896, 1 {pack_format = #tpu.pack_format<interleaved>} : vector<32xbf16> -> vector<16xf32>
        %parallel_loop3A_899 = arith.index_cast %parallel_loop3A_821 : i32 to index
        %parallel_loop3A_900 = arith.constant 96 : index
        %parallel_loop3A_901 = tpu.vector_load %arg13[%parallel_loop3A_899, %parallel_loop3A_900] {strides = array<i32>} : memref<64x128xbf16, #tpu.memory_space<vmem>>, vector<32xbf16>,
        %parallel_loop3A_902 = tpu.unpack_subelements %parallel_loop3A_901, 0 {pack_format = #tpu.pack_format<interleaved>} : vector<32xbf16> -> vector<16xf32>
        %parallel_loop3A_903 = tpu.unpack_subelements %parallel_loop3A_901, 1 {pack_format = #tpu.pack_format<interleaved>} : vector<32xbf16> -> vector<16xf32>
        %parallel_loop3A_904 = arith.addf %parallel_loop3A_897, %parallel_loop3A_902 : vector<16xf32>
        %parallel_loop3A_905 = arith.constant 0.000000e+00 : f32
        %parallel_loop3A_906 = vector.broadcast %parallel_loop3A_905 : f32 to vector<16xf32>
        %parallel_loop3A_907 = arith.maximumf %parallel_loop3A_904, %parallel_loop3A_906 : vector<16xf32>
        %parallel_loop3A_908 = arith.index_cast %parallel_loop3A_821 : i32 to index
        %parallel_loop3A_909 = arith.constant 96 : index
        %parallel_loop3A_910 = tpu.vector_load %arg14[%parallel_loop3A_908, %parallel_loop3A_909] {strides = array<i32>} : memref<64x144xf32, #tpu.memory_space<vmem>>, vector<16xf32>,
        tpu.vector_store %arg14[%parallel_loop3A_908, %parallel_loop3A_909], %parallel_loop3A_907 {strides = array<i32>} : memref<64x144xf32, #tpu.memory_space<vmem>>, vector<16xf32>,
        %parallel_loop3A_911 = arith.addf %parallel_loop3A_898, %parallel_loop3A_903 : vector<16xf32>
        %parallel_loop3A_912 = arith.constant 0.000000e+00 : f32
        %parallel_loop3A_913 = vector.broadcast %parallel_loop3A_912 : f32 to vector<16xf32>
        %parallel_loop3A_914 = arith.maximumf %parallel_loop3A_911, %parallel_loop3A_913 : vector<16xf32>
        %parallel_loop3A_915 = arith.index_cast %parallel_loop3A_821 : i32 to index
        %parallel_loop3A_916 = arith.constant 112 : index
        %parallel_loop3A_917 = tpu.vector_load %arg14[%parallel_loop3A_915, %parallel_loop3A_916] {strides = array<i32>} : memref<64x144xf32, #tpu.memory_space<vmem>>, vector<16xf32>,
        tpu.vector_store %arg14[%parallel_loop3A_915, %parallel_loop3A_916], %parallel_loop3A_914 {strides = array<i32>} : memref<64x144xf32, #tpu.memory_space<vmem>>, vector<16xf32>,
      } {sc.loop_unroll_factor = 4 : i64, sc.parallel_access}
      %dma_wait3A_654 = arith.constant 1 : i32
      %dma_wait3A_655 = arith.constant 0 : i32
      %dma_wait3A_656 = tpu.memref_slice %arg11[%dma_wait3A_654, %dma_wait3A_655] : memref<2x64xi32, #tpu.memory_space<vmem>> -> memref<1x64xi32, #tpu.memory_space<vmem>>
      %dma_wait3A_657 = tpu.memref_squeeze %dma_wait3A_656 : memref<1x64xi32, #tpu.memory_space<vmem>> -> memref<64xi32, #tpu.memory_space<vmem>>
      %dma_wait3A_658 = arith.constant 0 : i32
      %dma_wait3A_659 = arith.constant 0 : i32
      %dma_wait3A_660 = tpu.memref_slice %arg18[%dma_wait3A_658, %dma_wait3A_659] : memref<10240x144xf32, #tpu.memory_space<vmem_shared>> -> memref<10240x144xf32, #tpu.memory_space<vmem_shared>>
      tpu.wait_indirect_dma semaphore(%arg28 : memref<!tpu.dma_semaphore, #tpu.memory_space<semaphore_mem>>) src(%arg17 : memref<64x144xf32, #tpu.memory_space<vmem>>) dst(%dma_wait3A_660 : memref<10240x144xf32, #tpu.memory_space<vmem_shared>>)
      %dma_start3A_661 = arith.constant 1 : i32
      %dma_start3A_662 = arith.constant 0 : i32
      %dma_start3A_663 = tpu.memref_slice %arg8[%dma_start3A_661, %dma_start3A_662] : memref<2x64xi32, #tpu.memory_space<vmem>> -> memref<1x64xi32, #tpu.memory_space<vmem>>
      %dma_start3A_664 = tpu.memref_squeeze %dma_start3A_663 : memref<1x64xi32, #tpu.memory_space<vmem>> -> memref<64xi32, #tpu.memory_space<vmem>>
      %dma_start3A_665 = arith.constant 0 : i32
      %dma_start3A_666 = arith.constant 0 : i32
      %dma_start3A_667 = tpu.memref_slice %arg18[%dma_start3A_665, %dma_start3A_666] : memref<10240x144xf32, #tpu.memory_space<vmem_shared>> -> memref<10240x144xf32, #tpu.memory_space<vmem_shared>>
      tpu.enqueue_indirect_dma source(%arg14 : memref<64x144xf32, #tpu.memory_space<vmem>>) target(%dma_start3A_667 : memref<10240x144xf32, #tpu.memory_space<vmem_shared>>) offsets(%dma_start3A_664 : memref<64xi32, #tpu.memory_space<vmem>>) semaphore(%arg25 : memref<!tpu.dma_semaphore, #tpu.memory_space<semaphore_mem>>) {add = true}
      %add3A_668 = arith.constant 3 : i32
      %add3A_669 = arith.addi %add3A_636, %add3A_668 : i32
      %mul3A_670 = arith.constant 64 : i32
      %mul3A_671 = arith.muli %add3A_669, %mul3A_670 : i32
      %add3A_672 = arith.addi %mul3A_2, %mul3A_671 : i32
      %dma_start3A_673 = arith.constant 0 : i32
      %dma_start3A_674 = arith.constant 0 : i32
      %dma_start3A_675 = tpu.memref_slice %arg11[%dma_start3A_673, %dma_start3A_674] : memref<2x64xi32, #tpu.memory_space<vmem>> -> memref<1x64xi32, #tpu.memory_space<vmem>>
      %dma_start3A_676 = tpu.memref_squeeze %dma_start3A_675 : memref<1x64xi32, #tpu.memory_space<vmem>> -> memref<64xi32, #tpu.memory_space<vmem>>
      %dma_start3A_677 = tpu.memref_slice %arg4[%add3A_672] : memref<321536xi32, #tpu.memory_space<hbm>> -> memref<64xi32, #tpu.memory_space<hbm>>
      %dma_start3A_678 = arith.constant 0 : i32
      %dma_start3A_679 = tpu.memref_slice %arg11[%dma_start3A_673, %dma_start3A_678] : memref<2x64xi32, #tpu.memory_space<vmem>> -> memref<1x64xi32, #tpu.memory_space<vmem>>
      %dma_start3A_680 = tpu.memref_squeeze %dma_start3A_679 : memref<1x64xi32, #tpu.memory_space<vmem>> -> memref<64xi32, #tpu.memory_space<vmem>>
      %dma_start3A_681 = tpu.memref_slice %arg4[%add3A_672] : memref<321536xi32, #tpu.memory_space<hbm>> -> memref<64xi32, #tpu.memory_space<hbm>>
      tpu.enqueue_dma source(%dma_start3A_681 : memref<64xi32, #tpu.memory_space<hbm>>) target(%dma_start3A_680 : memref<64xi32, #tpu.memory_space<vmem>>) target_semaphore(%arg22 : memref<!tpu.dma_semaphore, #tpu.memory_space<semaphore_mem>>)
      %dma_start3A_682 = arith.constant 1 : i32
      %dma_start3A_683 = arith.constant 0 : i32
      %dma_start3A_684 = tpu.memref_slice %arg11[%dma_start3A_682, %dma_start3A_683] : memref<2x64xi32, #tpu.memory_space<vmem>> -> memref<1x64xi32, #tpu.memory_space<vmem>>
      %dma_start3A_685 = tpu.memref_squeeze %dma_start3A_684 : memref<1x64xi32, #tpu.memory_space<vmem>> -> memref<64xi32, #tpu.memory_space<vmem>>
      %dma_start3A_686 = tpu.memref_slice %arg5[%add3A_672] : memref<321536xi32, #tpu.memory_space<hbm>> -> memref<64xi32, #tpu.memory_space<hbm>>
      %dma_start3A_687 = arith.constant 0 : i32
      %dma_start3A_688 = tpu.memref_slice %arg11[%dma_start3A_682, %dma_start3A_687] : memref<2x64xi32, #tpu.memory_space<vmem>> -> memref<1x64xi32, #tpu.memory_space<vmem>>
      %dma_start3A_689 = tpu.memref_squeeze %dma_start3A_688 : memref<1x64xi32, #tpu.memory_space<vmem>> -> memref<64xi32, #tpu.memory_space<vmem>>
      %dma_start3A_690 = tpu.memref_slice %arg5[%add3A_672] : memref<321536xi32, #tpu.memory_space<hbm>> -> memref<64xi32, #tpu.memory_space<hbm>>
      tpu.enqueue_dma source(%dma_start3A_690 : memref<64xi32, #tpu.memory_space<hbm>>) target(%dma_start3A_689 : memref<64xi32, #tpu.memory_space<vmem>>) target_semaphore(%arg22 : memref<!tpu.dma_semaphore, #tpu.memory_space<semaphore_mem>>)
      %add3A_691 = arith.constant 2 : i32
      %add3A_692 = arith.addi %add3A_636, %add3A_691 : i32
      %mul3A_693 = arith.constant 64 : i32
      %mul3A_694 = arith.muli %add3A_692, %mul3A_693 : i32
      %add3A_695 = arith.addi %mul3A_2, %mul3A_694 : i32
      %dma_wait3A_696 = arith.constant 0 : i32
      %dma_wait3A_697 = arith.constant 0 : i32
      %dma_wait3A_698 = tpu.memref_slice %arg10[%dma_wait3A_696, %dma_wait3A_697] : memref<2x64xi32, #tpu.memory_space<vmem>> -> memref<1x64xi32, #tpu.memory_space<vmem>>
      %dma_wait3A_699 = tpu.memref_squeeze %dma_wait3A_698 : memref<1x64xi32, #tpu.memory_space<vmem>> -> memref<64xi32, #tpu.memory_space<vmem>>
      %dma_wait3A_700 = tpu.memref_slice %arg4[%add3A_695] : memref<321536xi32, #tpu.memory_space<hbm>> -> memref<64xi32, #tpu.memory_space<hbm>>
      %dma_wait3A_701 = arith.constant 0 : i32
      %dma_wait3A_702 = tpu.memref_slice %arg10[%dma_wait3A_696, %dma_wait3A_701] : memref<2x64xi32, #tpu.memory_space<vmem>> -> memref<1x64xi32, #tpu.memory_space<vmem>>
      %dma_wait3A_703 = tpu.memref_squeeze %dma_wait3A_702 : memref<1x64xi32, #tpu.memory_space<vmem>> -> memref<64xi32, #tpu.memory_space<vmem>>
      %dma_wait3A_704 = tpu.memref_slice %arg4[%add3A_695] : memref<321536xi32, #tpu.memory_space<hbm>> -> memref<64xi32, #tpu.memory_space<hbm>>
      tpu.wait_dma2 semaphore(%arg21 : memref<!tpu.dma_semaphore, #tpu.memory_space<semaphore_mem>>) src(%dma_wait3A_704 : memref<64xi32, #tpu.memory_space<hbm>>) dst(%dma_wait3A_703 : memref<64xi32, #tpu.memory_space<vmem>>)
      %dma_wait3A_705 = arith.constant 1 : i32
      %dma_wait3A_706 = arith.constant 0 : i32
      %dma_wait3A_707 = tpu.memref_slice %arg10[%dma_wait3A_705, %dma_wait3A_706] : memref<2x64xi32, #tpu.memory_space<vmem>> -> memref<1x64xi32, #tpu.memory_space<vmem>>
      %dma_wait3A_708 = tpu.memref_squeeze %dma_wait3A_707 : memref<1x64xi32, #tpu.memory_space<vmem>> -> memref<64xi32, #tpu.memory_space<vmem>>
      %dma_wait3A_709 = tpu.memref_slice %arg5[%add3A_695] : memref<321536xi32, #tpu.memory_space<hbm>> -> memref<64xi32, #tpu.memory_space<hbm>>
      %dma_wait3A_710 = arith.constant 0 : i32
      %dma_wait3A_711 = tpu.memref_slice %arg10[%dma_wait3A_705, %dma_wait3A_710] : memref<2x64xi32, #tpu.memory_space<vmem>> -> memref<1x64xi32, #tpu.memory_space<vmem>>
      %dma_wait3A_712 = tpu.memref_squeeze %dma_wait3A_711 : memref<1x64xi32, #tpu.memory_space<vmem>> -> memref<64xi32, #tpu.memory_space<vmem>>
      %dma_wait3A_713 = tpu.memref_slice %arg5[%add3A_695] : memref<321536xi32, #tpu.memory_space<hbm>> -> memref<64xi32, #tpu.memory_space<hbm>>
      tpu.wait_dma2 semaphore(%arg21 : memref<!tpu.dma_semaphore, #tpu.memory_space<semaphore_mem>>) src(%dma_wait3A_713 : memref<64xi32, #tpu.memory_space<hbm>>) dst(%dma_wait3A_712 : memref<64xi32, #tpu.memory_space<vmem>>)
      %dma_start3A_714 = arith.constant 1 : i32
      %dma_start3A_715 = arith.constant 0 : i32
      %dma_start3A_716 = tpu.memref_slice %arg10[%dma_start3A_714, %dma_start3A_715] : memref<2x64xi32, #tpu.memory_space<vmem>> -> memref<1x64xi32, #tpu.memory_space<vmem>>
      %dma_start3A_717 = tpu.memref_squeeze %dma_start3A_716 : memref<1x64xi32, #tpu.memory_space<vmem>> -> memref<64xi32, #tpu.memory_space<vmem>>
      %dma_start3A_718 = arith.constant 0 : i32
      %dma_start3A_719 = arith.constant 0 : i32
      %dma_start3A_720 = tpu.memref_slice %arg2[%dma_start3A_718, %dma_start3A_719] : memref<10240x128xbf16, #tpu.memory_space<hbm>> -> memref<10240x128xbf16, #tpu.memory_space<hbm>>
      tpu.enqueue_indirect_dma source(%dma_start3A_720 : memref<10240x128xbf16, #tpu.memory_space<hbm>>) target(%arg12 : memref<64x128xbf16, #tpu.memory_space<vmem>>) offsets(%dma_start3A_717 : memref<64xi32, #tpu.memory_space<vmem>>) semaphore(%arg23 : memref<!tpu.dma_semaphore, #tpu.memory_space<semaphore_mem>>)
      %dma_start3A_721 = arith.constant 0 : i32
      %dma_start3A_722 = arith.constant 0 : i32
      %dma_start3A_723 = tpu.memref_slice %arg10[%dma_start3A_721, %dma_start3A_722] : memref<2x64xi32, #tpu.memory_space<vmem>> -> memref<1x64xi32, #tpu.memory_space<vmem>>
      %dma_start3A_724 = tpu.memref_squeeze %dma_start3A_723 : memref<1x64xi32, #tpu.memory_space<vmem>> -> memref<64xi32, #tpu.memory_space<vmem>>
      %dma_start3A_725 = arith.constant 0 : i32
      %dma_start3A_726 = arith.constant 0 : i32
      %dma_start3A_727 = tpu.memref_slice %arg3[%dma_start3A_725, %dma_start3A_726] : memref<10240x128xbf16, #tpu.memory_space<hbm>> -> memref<10240x128xbf16, #tpu.memory_space<hbm>>
      tpu.enqueue_indirect_dma source(%dma_start3A_727 : memref<10240x128xbf16, #tpu.memory_space<hbm>>) target(%arg13 : memref<64x128xbf16, #tpu.memory_space<vmem>>) offsets(%dma_start3A_724 : memref<64xi32, #tpu.memory_space<vmem>>) semaphore(%arg24 : memref<!tpu.dma_semaphore, #tpu.memory_space<semaphore_mem>>)
      %add3A_728 = arith.constant 3 : i32
      %add3A_729 = arith.addi %add3A_450, %add3A_728 : i32
      %dma_wait3A_730 = arith.constant 1 : i32
      %dma_wait3A_731 = arith.constant 0 : i32
      %dma_wait3A_732 = tpu.memref_slice %arg9[%dma_wait3A_730, %dma_wait3A_731] : memref<2x64xi32, #tpu.memory_space<vmem>> -> memref<1x64xi32, #tpu.memory_space<vmem>>
      %dma_wait3A_733 = tpu.memref_squeeze %dma_wait3A_732 : memref<1x64xi32, #tpu.memory_space<vmem>> -> memref<64xi32, #tpu.memory_space<vmem>>
      %dma_wait3A_734 = arith.constant 0 : i32
      %dma_wait3A_735 = arith.constant 0 : i32
      %dma_wait3A_736 = tpu.memref_slice %arg2[%dma_wait3A_734, %dma_wait3A_735] : memref<10240x128xbf16, #tpu.memory_space<hbm>> -> memref<10240x128xbf16, #tpu.memory_space<hbm>>
      tpu.wait_indirect_dma semaphore(%arg26 : memref<!tpu.dma_semaphore, #tpu.memory_space<semaphore_mem>>) src(%dma_wait3A_736 : memref<10240x128xbf16, #tpu.memory_space<hbm>>) dst(%arg15 : memref<64x128xbf16, #tpu.memory_space<vmem>>)
      %dma_wait3A_737 = arith.constant 0 : i32
      %dma_wait3A_738 = arith.constant 0 : i32
      %dma_wait3A_739 = tpu.memref_slice %arg9[%dma_wait3A_737, %dma_wait3A_738] : memref<2x64xi32, #tpu.memory_space<vmem>> -> memref<1x64xi32, #tpu.memory_space<vmem>>
      %dma_wait3A_740 = tpu.memref_squeeze %dma_wait3A_739 : memref<1x64xi32, #tpu.memory_space<vmem>> -> memref<64xi32, #tpu.memory_space<vmem>>
      %dma_wait3A_741 = arith.constant 0 : i32
      %dma_wait3A_742 = arith.constant 0 : i32
      %dma_wait3A_743 = tpu.memref_slice %arg3[%dma_wait3A_741, %dma_wait3A_742] : memref<10240x128xbf16, #tpu.memory_space<hbm>> -> memref<10240x128xbf16, #tpu.memory_space<hbm>>
      tpu.wait_indirect_dma semaphore(%arg27 : memref<!tpu.dma_semaphore, #tpu.memory_space<semaphore_mem>>) src(%dma_wait3A_743 : memref<10240x128xbf16, #tpu.memory_space<hbm>>) dst(%arg16 : memref<64x128xbf16, #tpu.memory_space<vmem>>)
      %parallel_loop3A_744 = arith.constant 0 : i32
      %parallel_loop3A_745 = arith.constant 64 : i32
      %parallel_loop3A_746 = arith.constant 1 : i32
      scf.for %parallel_loop3A_821 = %parallel_loop3A_744 to %parallel_loop3A_745 step %parallel_loop3A_746  : i32 {
        %parallel_loop3A_822 = arith.index_cast %parallel_loop3A_821 : i32 to index
        %parallel_loop3A_823 = arith.constant 0 : index
        %parallel_loop3A_824 = tpu.vector_load %arg15[%parallel_loop3A_822, %parallel_loop3A_823] {strides = array<i32>} : memref<64x128xbf16, #tpu.memory_space<vmem>>, vector<32xbf16>,
        %parallel_loop3A_825 = tpu.unpack_subelements %parallel_loop3A_824, 0 {pack_format = #tpu.pack_format<interleaved>} : vector<32xbf16> -> vector<16xf32>
        %parallel_loop3A_826 = tpu.unpack_subelements %parallel_loop3A_824, 1 {pack_format = #tpu.pack_format<interleaved>} : vector<32xbf16> -> vector<16xf32>
        %parallel_loop3A_827 = arith.index_cast %parallel_loop3A_821 : i32 to index
        %parallel_loop3A_828 = arith.constant 0 : index
        %parallel_loop3A_829 = tpu.vector_load %arg16[%parallel_loop3A_827, %parallel_loop3A_828] {strides = array<i32>} : memref<64x128xbf16, #tpu.memory_space<vmem>>, vector<32xbf16>,
        %parallel_loop3A_830 = tpu.unpack_subelements %parallel_loop3A_829, 0 {pack_format = #tpu.pack_format<interleaved>} : vector<32xbf16> -> vector<16xf32>
        %parallel_loop3A_831 = tpu.unpack_subelements %parallel_loop3A_829, 1 {pack_format = #tpu.pack_format<interleaved>} : vector<32xbf16> -> vector<16xf32>
        %parallel_loop3A_832 = arith.addf %parallel_loop3A_825, %parallel_loop3A_830 : vector<16xf32>
        %parallel_loop3A_833 = arith.constant 0.000000e+00 : f32
        %parallel_loop3A_834 = vector.broadcast %parallel_loop3A_833 : f32 to vector<16xf32>
        %parallel_loop3A_835 = arith.maximumf %parallel_loop3A_832, %parallel_loop3A_834 : vector<16xf32>
        %parallel_loop3A_836 = arith.index_cast %parallel_loop3A_821 : i32 to index
        %parallel_loop3A_837 = arith.constant 0 : index
        %parallel_loop3A_838 = tpu.vector_load %arg17[%parallel_loop3A_836, %parallel_loop3A_837] {strides = array<i32>} : memref<64x144xf32, #tpu.memory_space<vmem>>, vector<16xf32>,
        tpu.vector_store %arg17[%parallel_loop3A_836, %parallel_loop3A_837], %parallel_loop3A_835 {strides = array<i32>} : memref<64x144xf32, #tpu.memory_space<vmem>>, vector<16xf32>,
        %parallel_loop3A_839 = arith.addf %parallel_loop3A_826, %parallel_loop3A_831 : vector<16xf32>
        %parallel_loop3A_840 = arith.constant 0.000000e+00 : f32
        %parallel_loop3A_841 = vector.broadcast %parallel_loop3A_840 : f32 to vector<16xf32>
        %parallel_loop3A_842 = arith.maximumf %parallel_loop3A_839, %parallel_loop3A_841 : vector<16xf32>
        %parallel_loop3A_843 = arith.index_cast %parallel_loop3A_821 : i32 to index
        %parallel_loop3A_844 = arith.constant 16 : index
        %parallel_loop3A_845 = tpu.vector_load %arg17[%parallel_loop3A_843, %parallel_loop3A_844] {strides = array<i32>} : memref<64x144xf32, #tpu.memory_space<vmem>>, vector<16xf32>,
        tpu.vector_store %arg17[%parallel_loop3A_843, %parallel_loop3A_844], %parallel_loop3A_842 {strides = array<i32>} : memref<64x144xf32, #tpu.memory_space<vmem>>, vector<16xf32>,
        %parallel_loop3A_846 = arith.index_cast %parallel_loop3A_821 : i32 to index
        %parallel_loop3A_847 = arith.constant 32 : index
        %parallel_loop3A_848 = tpu.vector_load %arg15[%parallel_loop3A_846, %parallel_loop3A_847] {strides = array<i32>} : memref<64x128xbf16, #tpu.memory_space<vmem>>, vector<32xbf16>,
        %parallel_loop3A_849 = tpu.unpack_subelements %parallel_loop3A_848, 0 {pack_format = #tpu.pack_format<interleaved>} : vector<32xbf16> -> vector<16xf32>
        %parallel_loop3A_850 = tpu.unpack_subelements %parallel_loop3A_848, 1 {pack_format = #tpu.pack_format<interleaved>} : vector<32xbf16> -> vector<16xf32>
        %parallel_loop3A_851 = arith.index_cast %parallel_loop3A_821 : i32 to index
        %parallel_loop3A_852 = arith.constant 32 : index
        %parallel_loop3A_853 = tpu.vector_load %arg16[%parallel_loop3A_851, %parallel_loop3A_852] {strides = array<i32>} : memref<64x128xbf16, #tpu.memory_space<vmem>>, vector<32xbf16>,
        %parallel_loop3A_854 = tpu.unpack_subelements %parallel_loop3A_853, 0 {pack_format = #tpu.pack_format<interleaved>} : vector<32xbf16> -> vector<16xf32>
        %parallel_loop3A_855 = tpu.unpack_subelements %parallel_loop3A_853, 1 {pack_format = #tpu.pack_format<interleaved>} : vector<32xbf16> -> vector<16xf32>
        %parallel_loop3A_856 = arith.addf %parallel_loop3A_849, %parallel_loop3A_854 : vector<16xf32>
        %parallel_loop3A_857 = arith.constant 0.000000e+00 : f32
        %parallel_loop3A_858 = vector.broadcast %parallel_loop3A_857 : f32 to vector<16xf32>
        %parallel_loop3A_859 = arith.maximumf %parallel_loop3A_856, %parallel_loop3A_858 : vector<16xf32>
        %parallel_loop3A_860 = arith.index_cast %parallel_loop3A_821 : i32 to index
        %parallel_loop3A_861 = arith.constant 32 : index
        %parallel_loop3A_862 = tpu.vector_load %arg17[%parallel_loop3A_860, %parallel_loop3A_861] {strides = array<i32>} : memref<64x144xf32, #tpu.memory_space<vmem>>, vector<16xf32>,
        tpu.vector_store %arg17[%parallel_loop3A_860, %parallel_loop3A_861], %parallel_loop3A_859 {strides = array<i32>} : memref<64x144xf32, #tpu.memory_space<vmem>>, vector<16xf32>,
        %parallel_loop3A_863 = arith.addf %parallel_loop3A_850, %parallel_loop3A_855 : vector<16xf32>
        %parallel_loop3A_864 = arith.constant 0.000000e+00 : f32
        %parallel_loop3A_865 = vector.broadcast %parallel_loop3A_864 : f32 to vector<16xf32>
        %parallel_loop3A_866 = arith.maximumf %parallel_loop3A_863, %parallel_loop3A_865 : vector<16xf32>
        %parallel_loop3A_867 = arith.index_cast %parallel_loop3A_821 : i32 to index
        %parallel_loop3A_868 = arith.constant 48 : index
        %parallel_loop3A_869 = tpu.vector_load %arg17[%parallel_loop3A_867, %parallel_loop3A_868] {strides = array<i32>} : memref<64x144xf32, #tpu.memory_space<vmem>>, vector<16xf32>,
        tpu.vector_store %arg17[%parallel_loop3A_867, %parallel_loop3A_868], %parallel_loop3A_866 {strides = array<i32>} : memref<64x144xf32, #tpu.memory_space<vmem>>, vector<16xf32>,
        %parallel_loop3A_870 = arith.index_cast %parallel_loop3A_821 : i32 to index
        %parallel_loop3A_871 = arith.constant 64 : index
        %parallel_loop3A_872 = tpu.vector_load %arg15[%parallel_loop3A_870, %parallel_loop3A_871] {strides = array<i32>} : memref<64x128xbf16, #tpu.memory_space<vmem>>, vector<32xbf16>,
        %parallel_loop3A_873 = tpu.unpack_subelements %parallel_loop3A_872, 0 {pack_format = #tpu.pack_format<interleaved>} : vector<32xbf16> -> vector<16xf32>
        %parallel_loop3A_874 = tpu.unpack_subelements %parallel_loop3A_872, 1 {pack_format = #tpu.pack_format<interleaved>} : vector<32xbf16> -> vector<16xf32>
        %parallel_loop3A_875 = arith.index_cast %parallel_loop3A_821 : i32 to index
        %parallel_loop3A_876 = arith.constant 64 : index
        %parallel_loop3A_877 = tpu.vector_load %arg16[%parallel_loop3A_875, %parallel_loop3A_876] {strides = array<i32>} : memref<64x128xbf16, #tpu.memory_space<vmem>>, vector<32xbf16>,
        %parallel_loop3A_878 = tpu.unpack_subelements %parallel_loop3A_877, 0 {pack_format = #tpu.pack_format<interleaved>} : vector<32xbf16> -> vector<16xf32>
        %parallel_loop3A_879 = tpu.unpack_subelements %parallel_loop3A_877, 1 {pack_format = #tpu.pack_format<interleaved>} : vector<32xbf16> -> vector<16xf32>
        %parallel_loop3A_880 = arith.addf %parallel_loop3A_873, %parallel_loop3A_878 : vector<16xf32>
        %parallel_loop3A_881 = arith.constant 0.000000e+00 : f32
        %parallel_loop3A_882 = vector.broadcast %parallel_loop3A_881 : f32 to vector<16xf32>
        %parallel_loop3A_883 = arith.maximumf %parallel_loop3A_880, %parallel_loop3A_882 : vector<16xf32>
        %parallel_loop3A_884 = arith.index_cast %parallel_loop3A_821 : i32 to index
        %parallel_loop3A_885 = arith.constant 64 : index
        %parallel_loop3A_886 = tpu.vector_load %arg17[%parallel_loop3A_884, %parallel_loop3A_885] {strides = array<i32>} : memref<64x144xf32, #tpu.memory_space<vmem>>, vector<16xf32>,
        tpu.vector_store %arg17[%parallel_loop3A_884, %parallel_loop3A_885], %parallel_loop3A_883 {strides = array<i32>} : memref<64x144xf32, #tpu.memory_space<vmem>>, vector<16xf32>,
        %parallel_loop3A_887 = arith.addf %parallel_loop3A_874, %parallel_loop3A_879 : vector<16xf32>
        %parallel_loop3A_888 = arith.constant 0.000000e+00 : f32
        %parallel_loop3A_889 = vector.broadcast %parallel_loop3A_888 : f32 to vector<16xf32>
        %parallel_loop3A_890 = arith.maximumf %parallel_loop3A_887, %parallel_loop3A_889 : vector<16xf32>
        %parallel_loop3A_891 = arith.index_cast %parallel_loop3A_821 : i32 to index
        %parallel_loop3A_892 = arith.constant 80 : index
        %parallel_loop3A_893 = tpu.vector_load %arg17[%parallel_loop3A_891, %parallel_loop3A_892] {strides = array<i32>} : memref<64x144xf32, #tpu.memory_space<vmem>>, vector<16xf32>,
        tpu.vector_store %arg17[%parallel_loop3A_891, %parallel_loop3A_892], %parallel_loop3A_890 {strides = array<i32>} : memref<64x144xf32, #tpu.memory_space<vmem>>, vector<16xf32>,
        %parallel_loop3A_894 = arith.index_cast %parallel_loop3A_821 : i32 to index
        %parallel_loop3A_895 = arith.constant 96 : index
        %parallel_loop3A_896 = tpu.vector_load %arg15[%parallel_loop3A_894, %parallel_loop3A_895] {strides = array<i32>} : memref<64x128xbf16, #tpu.memory_space<vmem>>, vector<32xbf16>,
        %parallel_loop3A_897 = tpu.unpack_subelements %parallel_loop3A_896, 0 {pack_format = #tpu.pack_format<interleaved>} : vector<32xbf16> -> vector<16xf32>
        %parallel_loop3A_898 = tpu.unpack_subelements %parallel_loop3A_896, 1 {pack_format = #tpu.pack_format<interleaved>} : vector<32xbf16> -> vector<16xf32>
        %parallel_loop3A_899 = arith.index_cast %parallel_loop3A_821 : i32 to index
        %parallel_loop3A_900 = arith.constant 96 : index
        %parallel_loop3A_901 = tpu.vector_load %arg16[%parallel_loop3A_899, %parallel_loop3A_900] {strides = array<i32>} : memref<64x128xbf16, #tpu.memory_space<vmem>>, vector<32xbf16>,
        %parallel_loop3A_902 = tpu.unpack_subelements %parallel_loop3A_901, 0 {pack_format = #tpu.pack_format<interleaved>} : vector<32xbf16> -> vector<16xf32>
        %parallel_loop3A_903 = tpu.unpack_subelements %parallel_loop3A_901, 1 {pack_format = #tpu.pack_format<interleaved>} : vector<32xbf16> -> vector<16xf32>
        %parallel_loop3A_904 = arith.addf %parallel_loop3A_897, %parallel_loop3A_902 : vector<16xf32>
        %parallel_loop3A_905 = arith.constant 0.000000e+00 : f32
        %parallel_loop3A_906 = vector.broadcast %parallel_loop3A_905 : f32 to vector<16xf32>
        %parallel_loop3A_907 = arith.maximumf %parallel_loop3A_904, %parallel_loop3A_906 : vector<16xf32>
        %parallel_loop3A_908 = arith.index_cast %parallel_loop3A_821 : i32 to index
        %parallel_loop3A_909 = arith.constant 96 : index
        %parallel_loop3A_910 = tpu.vector_load %arg17[%parallel_loop3A_908, %parallel_loop3A_909] {strides = array<i32>} : memref<64x144xf32, #tpu.memory_space<vmem>>, vector<16xf32>,
        tpu.vector_store %arg17[%parallel_loop3A_908, %parallel_loop3A_909], %parallel_loop3A_907 {strides = array<i32>} : memref<64x144xf32, #tpu.memory_space<vmem>>, vector<16xf32>,
        %parallel_loop3A_911 = arith.addf %parallel_loop3A_898, %parallel_loop3A_903 : vector<16xf32>
        %parallel_loop3A_912 = arith.constant 0.000000e+00 : f32
        %parallel_loop3A_913 = vector.broadcast %parallel_loop3A_912 : f32 to vector<16xf32>
        %parallel_loop3A_914 = arith.maximumf %parallel_loop3A_911, %parallel_loop3A_913 : vector<16xf32>
        %parallel_loop3A_915 = arith.index_cast %parallel_loop3A_821 : i32 to index
        %parallel_loop3A_916 = arith.constant 112 : index
        %parallel_loop3A_917 = tpu.vector_load %arg17[%parallel_loop3A_915, %parallel_loop3A_916] {strides = array<i32>} : memref<64x144xf32, #tpu.memory_space<vmem>>, vector<16xf32>,
        tpu.vector_store %arg17[%parallel_loop3A_915, %parallel_loop3A_916], %parallel_loop3A_914 {strides = array<i32>} : memref<64x144xf32, #tpu.memory_space<vmem>>, vector<16xf32>,
      } {sc.loop_unroll_factor = 4 : i64, sc.parallel_access}
      %dma_wait3A_747 = arith.constant 1 : i32
      %dma_wait3A_748 = arith.constant 0 : i32
      %dma_wait3A_749 = tpu.memref_slice %arg8[%dma_wait3A_747, %dma_wait3A_748] : memref<2x64xi32, #tpu.memory_space<vmem>> -> memref<1x64xi32, #tpu.memory_space<vmem>>
      %dma_wait3A_750 = tpu.memref_squeeze %dma_wait3A_749 : memref<1x64xi32, #tpu.memory_space<vmem>> -> memref<64xi32, #tpu.memory_space<vmem>>
      %dma_wait3A_751 = arith.constant 0 : i32
      %dma_wait3A_752 = arith.constant 0 : i32
      %dma_wait3A_753 = tpu.memref_slice %arg18[%dma_wait3A_751, %dma_wait3A_752] : memref<10240x144xf32, #tpu.memory_space<vmem_shared>> -> memref<10240x144xf32, #tpu.memory_space<vmem_shared>>
      tpu.wait_indirect_dma semaphore(%arg25 : memref<!tpu.dma_semaphore, #tpu.memory_space<semaphore_mem>>) src(%arg14 : memref<64x144xf32, #tpu.memory_space<vmem>>) dst(%dma_wait3A_753 : memref<10240x144xf32, #tpu.memory_space<vmem_shared>>)
      %dma_start3A_754 = arith.constant 1 : i32
      %dma_start3A_755 = arith.constant 0 : i32
      %dma_start3A_756 = tpu.memref_slice %arg9[%dma_start3A_754, %dma_start3A_755] : memref<2x64xi32, #tpu.memory_space<vmem>> -> memref<1x64xi32, #tpu.memory_space<vmem>>
      %dma_start3A_757 = tpu.memref_squeeze %dma_start3A_756 : memref<1x64xi32, #tpu.memory_space<vmem>> -> memref<64xi32, #tpu.memory_space<vmem>>
      %dma_start3A_758 = arith.constant 0 : i32
      %dma_start3A_759 = arith.constant 0 : i32
      %dma_start3A_760 = tpu.memref_slice %arg18[%dma_start3A_758, %dma_start3A_759] : memref<10240x144xf32, #tpu.memory_space<vmem_shared>> -> memref<10240x144xf32, #tpu.memory_space<vmem_shared>>
      tpu.enqueue_indirect_dma source(%arg17 : memref<64x144xf32, #tpu.memory_space<vmem>>) target(%dma_start3A_760 : memref<10240x144xf32, #tpu.memory_space<vmem_shared>>) offsets(%dma_start3A_757 : memref<64xi32, #tpu.memory_space<vmem>>) semaphore(%arg28 : memref<!tpu.dma_semaphore, #tpu.memory_space<semaphore_mem>>) {add = true}
      %add3A_761 = arith.constant 3 : i32
      %add3A_762 = arith.addi %add3A_729, %add3A_761 : i32
      %mul3A_763 = arith.constant 64 : i32
      %mul3A_764 = arith.muli %add3A_762, %mul3A_763 : i32
      %add3A_765 = arith.addi %mul3A_2, %mul3A_764 : i32
      %dma_start3A_766 = arith.constant 0 : i32
      %dma_start3A_767 = arith.constant 0 : i32
      %dma_start3A_768 = tpu.memref_slice %arg8[%dma_start3A_766, %dma_start3A_767] : memref<2x64xi32, #tpu.memory_space<vmem>> -> memref<1x64xi32, #tpu.memory_space<vmem>>
      %dma_start3A_769 = tpu.memref_squeeze %dma_start3A_768 : memref<1x64xi32, #tpu.memory_space<vmem>> -> memref<64xi32, #tpu.memory_space<vmem>>
      %dma_start3A_770 = tpu.memref_slice %arg4[%add3A_765] : memref<321536xi32, #tpu.memory_space<hbm>> -> memref<64xi32, #tpu.memory_space<hbm>>
      %dma_start3A_771 = arith.constant 0 : i32
      %dma_start3A_772 = tpu.memref_slice %arg8[%dma_start3A_766, %dma_start3A_771] : memref<2x64xi32, #tpu.memory_space<vmem>> -> memref<1x64xi32, #tpu.memory_space<vmem>>
      %dma_start3A_773 = tpu.memref_squeeze %dma_start3A_772 : memref<1x64xi32, #tpu.memory_space<vmem>> -> memref<64xi32, #tpu.memory_space<vmem>>
      %dma_start3A_774 = tpu.memref_slice %arg4[%add3A_765] : memref<321536xi32, #tpu.memory_space<hbm>> -> memref<64xi32, #tpu.memory_space<hbm>>
      tpu.enqueue_dma source(%dma_start3A_774 : memref<64xi32, #tpu.memory_space<hbm>>) target(%dma_start3A_773 : memref<64xi32, #tpu.memory_space<vmem>>) target_semaphore(%arg19 : memref<!tpu.dma_semaphore, #tpu.memory_space<semaphore_mem>>)
      %dma_start3A_775 = arith.constant 1 : i32
      %dma_start3A_776 = arith.constant 0 : i32
      %dma_start3A_777 = tpu.memref_slice %arg8[%dma_start3A_775, %dma_start3A_776] : memref<2x64xi32, #tpu.memory_space<vmem>> -> memref<1x64xi32, #tpu.memory_space<vmem>>
      %dma_start3A_778 = tpu.memref_squeeze %dma_start3A_777 : memref<1x64xi32, #tpu.memory_space<vmem>> -> memref<64xi32, #tpu.memory_space<vmem>>
      %dma_start3A_779 = tpu.memref_slice %arg5[%add3A_765] : memref<321536xi32, #tpu.memory_space<hbm>> -> memref<64xi32, #tpu.memory_space<hbm>>
      %dma_start3A_780 = arith.constant 0 : i32
      %dma_start3A_781 = tpu.memref_slice %arg8[%dma_start3A_775, %dma_start3A_780] : memref<2x64xi32, #tpu.memory_space<vmem>> -> memref<1x64xi32, #tpu.memory_space<vmem>>
      %dma_start3A_782 = tpu.memref_squeeze %dma_start3A_781 : memref<1x64xi32, #tpu.memory_space<vmem>> -> memref<64xi32, #tpu.memory_space<vmem>>
      %dma_start3A_783 = tpu.memref_slice %arg5[%add3A_765] : memref<321536xi32, #tpu.memory_space<hbm>> -> memref<64xi32, #tpu.memory_space<hbm>>
      tpu.enqueue_dma source(%dma_start3A_783 : memref<64xi32, #tpu.memory_space<hbm>>) target(%dma_start3A_782 : memref<64xi32, #tpu.memory_space<vmem>>) target_semaphore(%arg19 : memref<!tpu.dma_semaphore, #tpu.memory_space<semaphore_mem>>)
      %add3A_784 = arith.constant 2 : i32
      %add3A_785 = arith.addi %add3A_729, %add3A_784 : i32
      %mul3A_786 = arith.constant 64 : i32
      %mul3A_787 = arith.muli %add3A_785, %mul3A_786 : i32
      %add3A_788 = arith.addi %mul3A_2, %mul3A_787 : i32
      %dma_wait3A_789 = arith.constant 0 : i32
      %dma_wait3A_790 = arith.constant 0 : i32
      %dma_wait3A_791 = tpu.memref_slice %arg11[%dma_wait3A_789, %dma_wait3A_790] : memref<2x64xi32, #tpu.memory_space<vmem>> -> memref<1x64xi32, #tpu.memory_space<vmem>>
      %dma_wait3A_792 = tpu.memref_squeeze %dma_wait3A_791 : memref<1x64xi32, #tpu.memory_space<vmem>> -> memref<64xi32, #tpu.memory_space<vmem>>
      %dma_wait3A_793 = tpu.memref_slice %arg4[%add3A_788] : memref<321536xi32, #tpu.memory_space<hbm>> -> memref<64xi32, #tpu.memory_space<hbm>>
      %dma_wait3A_794 = arith.constant 0 : i32
      %dma_wait3A_795 = tpu.memref_slice %arg11[%dma_wait3A_789, %dma_wait3A_794] : memref<2x64xi32, #tpu.memory_space<vmem>> -> memref<1x64xi32, #tpu.memory_space<vmem>>
      %dma_wait3A_796 = tpu.memref_squeeze %dma_wait3A_795 : memref<1x64xi32, #tpu.memory_space<vmem>> -> memref<64xi32, #tpu.memory_space<vmem>>
      %dma_wait3A_797 = tpu.memref_slice %arg4[%add3A_788] : memref<321536xi32, #tpu.memory_space<hbm>> -> memref<64xi32, #tpu.memory_space<hbm>>
      tpu.wait_dma2 semaphore(%arg22 : memref<!tpu.dma_semaphore, #tpu.memory_space<semaphore_mem>>) src(%dma_wait3A_797 : memref<64xi32, #tpu.memory_space<hbm>>) dst(%dma_wait3A_796 : memref<64xi32, #tpu.memory_space<vmem>>)
      %dma_wait3A_798 = arith.constant 1 : i32
      %dma_wait3A_799 = arith.constant 0 : i32
      %dma_wait3A_800 = tpu.memref_slice %arg11[%dma_wait3A_798, %dma_wait3A_799] : memref<2x64xi32, #tpu.memory_space<vmem>> -> memref<1x64xi32, #tpu.memory_space<vmem>>
      %dma_wait3A_801 = tpu.memref_squeeze %dma_wait3A_800 : memref<1x64xi32, #tpu.memory_space<vmem>> -> memref<64xi32, #tpu.memory_space<vmem>>
      %dma_wait3A_802 = tpu.memref_slice %arg5[%add3A_788] : memref<321536xi32, #tpu.memory_space<hbm>> -> memref<64xi32, #tpu.memory_space<hbm>>
      %dma_wait3A_803 = arith.constant 0 : i32
      %dma_wait3A_804 = tpu.memref_slice %arg11[%dma_wait3A_798, %dma_wait3A_803] : memref<2x64xi32, #tpu.memory_space<vmem>> -> memref<1x64xi32, #tpu.memory_space<vmem>>
      %dma_wait3A_805 = tpu.memref_squeeze %dma_wait3A_804 : memref<1x64xi32, #tpu.memory_space<vmem>> -> memref<64xi32, #tpu.memory_space<vmem>>
      %dma_wait3A_806 = tpu.memref_slice %arg5[%add3A_788] : memref<321536xi32, #tpu.memory_space<hbm>> -> memref<64xi32, #tpu.memory_space<hbm>>
      tpu.wait_dma2 semaphore(%arg22 : memref<!tpu.dma_semaphore, #tpu.memory_space<semaphore_mem>>) src(%dma_wait3A_806 : memref<64xi32, #tpu.memory_space<hbm>>) dst(%dma_wait3A_805 : memref<64xi32, #tpu.memory_space<vmem>>)
      %dma_start3A_807 = arith.constant 1 : i32
      %dma_start3A_808 = arith.constant 0 : i32
      %dma_start3A_809 = tpu.memref_slice %arg11[%dma_start3A_807, %dma_start3A_808] : memref<2x64xi32, #tpu.memory_space<vmem>> -> memref<1x64xi32, #tpu.memory_space<vmem>>
      %dma_start3A_810 = tpu.memref_squeeze %dma_start3A_809 : memref<1x64xi32, #tpu.memory_space<vmem>> -> memref<64xi32, #tpu.memory_space<vmem>>
      %dma_start3A_811 = arith.constant 0 : i32
      %dma_start3A_812 = arith.constant 0 : i32
      %dma_start3A_813 = tpu.memref_slice %arg2[%dma_start3A_811, %dma_start3A_812] : memref<10240x128xbf16, #tpu.memory_space<hbm>> -> memref<10240x128xbf16, #tpu.memory_space<hbm>>
      tpu.enqueue_indirect_dma source(%dma_start3A_813 : memref<10240x128xbf16, #tpu.memory_space<hbm>>) target(%arg15 : memref<64x128xbf16, #tpu.memory_space<vmem>>) offsets(%dma_start3A_810 : memref<64xi32, #tpu.memory_space<vmem>>) semaphore(%arg26 : memref<!tpu.dma_semaphore, #tpu.memory_space<semaphore_mem>>)
      %dma_start3A_814 = arith.constant 0 : i32
      %dma_start3A_815 = arith.constant 0 : i32
      %dma_start3A_816 = tpu.memref_slice %arg11[%dma_start3A_814, %dma_start3A_815] : memref<2x64xi32, #tpu.memory_space<vmem>> -> memref<1x64xi32, #tpu.memory_space<vmem>>
      %dma_start3A_817 = tpu.memref_squeeze %dma_start3A_816 : memref<1x64xi32, #tpu.memory_space<vmem>> -> memref<64xi32, #tpu.memory_space<vmem>>
      %dma_start3A_818 = arith.constant 0 : i32
      %dma_start3A_819 = arith.constant 0 : i32
      %dma_start3A_820 = tpu.memref_slice %arg3[%dma_start3A_818, %dma_start3A_819] : memref<10240x128xbf16, #tpu.memory_space<hbm>> -> memref<10240x128xbf16, #tpu.memory_space<hbm>>
      tpu.enqueue_indirect_dma source(%dma_start3A_820 : memref<10240x128xbf16, #tpu.memory_space<hbm>>) target(%arg16 : memref<64x128xbf16, #tpu.memory_space<vmem>>) offsets(%dma_start3A_817 : memref<64xi32, #tpu.memory_space<vmem>>) semaphore(%arg27 : memref<!tpu.dma_semaphore, #tpu.memory_space<semaphore_mem>>)
    }
    %scan3A_306 = arith.constant 38 : i32
    %dma_wait3A_307 = arith.constant 1 : i32
    %dma_wait3A_308 = arith.constant 0 : i32
    %dma_wait3A_309 = tpu.memref_slice %arg10[%dma_wait3A_307, %dma_wait3A_308] : memref<2x64xi32, #tpu.memory_space<vmem>> -> memref<1x64xi32, #tpu.memory_space<vmem>>
    %dma_wait3A_310 = tpu.memref_squeeze %dma_wait3A_309 : memref<1x64xi32, #tpu.memory_space<vmem>> -> memref<64xi32, #tpu.memory_space<vmem>>
    %dma_wait3A_311 = arith.constant 0 : i32
    %dma_wait3A_312 = arith.constant 0 : i32
    %dma_wait3A_313 = tpu.memref_slice %arg2[%dma_wait3A_311, %dma_wait3A_312] : memref<10240x128xbf16, #tpu.memory_space<hbm>> -> memref<10240x128xbf16, #tpu.memory_space<hbm>>
    tpu.wait_indirect_dma semaphore(%arg23 : memref<!tpu.dma_semaphore, #tpu.memory_space<semaphore_mem>>) src(%dma_wait3A_313 : memref<10240x128xbf16, #tpu.memory_space<hbm>>) dst(%arg12 : memref<64x128xbf16, #tpu.memory_space<vmem>>)
    %dma_wait3A_314 = arith.constant 0 : i32
    %dma_wait3A_315 = arith.constant 0 : i32
    %dma_wait3A_316 = tpu.memref_slice %arg10[%dma_wait3A_314, %dma_wait3A_315] : memref<2x64xi32, #tpu.memory_space<vmem>> -> memref<1x64xi32, #tpu.memory_space<vmem>>
    %dma_wait3A_317 = tpu.memref_squeeze %dma_wait3A_316 : memref<1x64xi32, #tpu.memory_space<vmem>> -> memref<64xi32, #tpu.memory_space<vmem>>
    %dma_wait3A_318 = arith.constant 0 : i32
    %dma_wait3A_319 = arith.constant 0 : i32
    %dma_wait3A_320 = tpu.memref_slice %arg3[%dma_wait3A_318, %dma_wait3A_319] : memref<10240x128xbf16, #tpu.memory_space<hbm>> -> memref<10240x128xbf16, #tpu.memory_space<hbm>>
    tpu.wait_indirect_dma semaphore(%arg24 : memref<!tpu.dma_semaphore, #tpu.memory_space<semaphore_mem>>) src(%dma_wait3A_320 : memref<10240x128xbf16, #tpu.memory_space<hbm>>) dst(%arg13 : memref<64x128xbf16, #tpu.memory_space<vmem>>)
    %parallel_loop3A_321 = arith.constant 0 : i32
    %parallel_loop3A_322 = arith.constant 64 : i32
    %parallel_loop3A_323 = arith.constant 1 : i32
    scf.for %parallel_loop3A_446 = %parallel_loop3A_321 to %parallel_loop3A_322 step %parallel_loop3A_323  : i32 {
      %parallel_loop3A_447 = arith.index_cast %parallel_loop3A_446 : i32 to index
      %parallel_loop3A_448 = arith.constant 0 : index
      %parallel_loop3A_449 = tpu.vector_load %arg12[%parallel_loop3A_447, %parallel_loop3A_448] {strides = array<i32>} : memref<64x128xbf16, #tpu.memory_space<vmem>>, vector<32xbf16>,
      %parallel_loop3A_450 = tpu.unpack_subelements %parallel_loop3A_449, 0 {pack_format = #tpu.pack_format<interleaved>} : vector<32xbf16> -> vector<16xf32>
      %parallel_loop3A_451 = tpu.unpack_subelements %parallel_loop3A_449, 1 {pack_format = #tpu.pack_format<interleaved>} : vector<32xbf16> -> vector<16xf32>
      %parallel_loop3A_452 = arith.index_cast %parallel_loop3A_446 : i32 to index
      %parallel_loop3A_453 = arith.constant 0 : index
      %parallel_loop3A_454 = tpu.vector_load %arg13[%parallel_loop3A_452, %parallel_loop3A_453] {strides = array<i32>} : memref<64x128xbf16, #tpu.memory_space<vmem>>, vector<32xbf16>,
      %parallel_loop3A_455 = tpu.unpack_subelements %parallel_loop3A_454, 0 {pack_format = #tpu.pack_format<interleaved>} : vector<32xbf16> -> vector<16xf32>
      %parallel_loop3A_456 = tpu.unpack_subelements %parallel_loop3A_454, 1 {pack_format = #tpu.pack_format<interleaved>} : vector<32xbf16> -> vector<16xf32>
      %parallel_loop3A_457 = arith.addf %parallel_loop3A_450, %parallel_loop3A_455 : vector<16xf32>
      %parallel_loop3A_458 = arith.constant 0.000000e+00 : f32
      %parallel_loop3A_459 = vector.broadcast %parallel_loop3A_458 : f32 to vector<16xf32>
      %parallel_loop3A_460 = arith.maximumf %parallel_loop3A_457, %parallel_loop3A_459 : vector<16xf32>
      %parallel_loop3A_461 = arith.index_cast %parallel_loop3A_446 : i32 to index
      %parallel_loop3A_462 = arith.constant 0 : index
      %parallel_loop3A_463 = tpu.vector_load %arg14[%parallel_loop3A_461, %parallel_loop3A_462] {strides = array<i32>} : memref<64x144xf32, #tpu.memory_space<vmem>>, vector<16xf32>,
      tpu.vector_store %arg14[%parallel_loop3A_461, %parallel_loop3A_462], %parallel_loop3A_460 {strides = array<i32>} : memref<64x144xf32, #tpu.memory_space<vmem>>, vector<16xf32>,
      %parallel_loop3A_464 = arith.addf %parallel_loop3A_451, %parallel_loop3A_456 : vector<16xf32>
      %parallel_loop3A_465 = arith.constant 0.000000e+00 : f32
      %parallel_loop3A_466 = vector.broadcast %parallel_loop3A_465 : f32 to vector<16xf32>
      %parallel_loop3A_467 = arith.maximumf %parallel_loop3A_464, %parallel_loop3A_466 : vector<16xf32>
      %parallel_loop3A_468 = arith.index_cast %parallel_loop3A_446 : i32 to index
      %parallel_loop3A_469 = arith.constant 16 : index
      %parallel_loop3A_470 = tpu.vector_load %arg14[%parallel_loop3A_468, %parallel_loop3A_469] {strides = array<i32>} : memref<64x144xf32, #tpu.memory_space<vmem>>, vector<16xf32>,
      tpu.vector_store %arg14[%parallel_loop3A_468, %parallel_loop3A_469], %parallel_loop3A_467 {strides = array<i32>} : memref<64x144xf32, #tpu.memory_space<vmem>>, vector<16xf32>,
      %parallel_loop3A_471 = arith.index_cast %parallel_loop3A_446 : i32 to index
      %parallel_loop3A_472 = arith.constant 32 : index
      %parallel_loop3A_473 = tpu.vector_load %arg12[%parallel_loop3A_471, %parallel_loop3A_472] {strides = array<i32>} : memref<64x128xbf16, #tpu.memory_space<vmem>>, vector<32xbf16>,
      %parallel_loop3A_474 = tpu.unpack_subelements %parallel_loop3A_473, 0 {pack_format = #tpu.pack_format<interleaved>} : vector<32xbf16> -> vector<16xf32>
      %parallel_loop3A_475 = tpu.unpack_subelements %parallel_loop3A_473, 1 {pack_format = #tpu.pack_format<interleaved>} : vector<32xbf16> -> vector<16xf32>
      %parallel_loop3A_476 = arith.index_cast %parallel_loop3A_446 : i32 to index
      %parallel_loop3A_477 = arith.constant 32 : index
      %parallel_loop3A_478 = tpu.vector_load %arg13[%parallel_loop3A_476, %parallel_loop3A_477] {strides = array<i32>} : memref<64x128xbf16, #tpu.memory_space<vmem>>, vector<32xbf16>,
      %parallel_loop3A_479 = tpu.unpack_subelements %parallel_loop3A_478, 0 {pack_format = #tpu.pack_format<interleaved>} : vector<32xbf16> -> vector<16xf32>
      %parallel_loop3A_480 = tpu.unpack_subelements %parallel_loop3A_478, 1 {pack_format = #tpu.pack_format<interleaved>} : vector<32xbf16> -> vector<16xf32>
      %parallel_loop3A_481 = arith.addf %parallel_loop3A_474, %parallel_loop3A_479 : vector<16xf32>
      %parallel_loop3A_482 = arith.constant 0.000000e+00 : f32
      %parallel_loop3A_483 = vector.broadcast %parallel_loop3A_482 : f32 to vector<16xf32>
      %parallel_loop3A_484 = arith.maximumf %parallel_loop3A_481, %parallel_loop3A_483 : vector<16xf32>
      %parallel_loop3A_485 = arith.index_cast %parallel_loop3A_446 : i32 to index
      %parallel_loop3A_486 = arith.constant 32 : index
      %parallel_loop3A_487 = tpu.vector_load %arg14[%parallel_loop3A_485, %parallel_loop3A_486] {strides = array<i32>} : memref<64x144xf32, #tpu.memory_space<vmem>>, vector<16xf32>,
      tpu.vector_store %arg14[%parallel_loop3A_485, %parallel_loop3A_486], %parallel_loop3A_484 {strides = array<i32>} : memref<64x144xf32, #tpu.memory_space<vmem>>, vector<16xf32>,
      %parallel_loop3A_488 = arith.addf %parallel_loop3A_475, %parallel_loop3A_480 : vector<16xf32>
      %parallel_loop3A_489 = arith.constant 0.000000e+00 : f32
      %parallel_loop3A_490 = vector.broadcast %parallel_loop3A_489 : f32 to vector<16xf32>
      %parallel_loop3A_491 = arith.maximumf %parallel_loop3A_488, %parallel_loop3A_490 : vector<16xf32>
      %parallel_loop3A_492 = arith.index_cast %parallel_loop3A_446 : i32 to index
      %parallel_loop3A_493 = arith.constant 48 : index
      %parallel_loop3A_494 = tpu.vector_load %arg14[%parallel_loop3A_492, %parallel_loop3A_493] {strides = array<i32>} : memref<64x144xf32, #tpu.memory_space<vmem>>, vector<16xf32>,
      tpu.vector_store %arg14[%parallel_loop3A_492, %parallel_loop3A_493], %parallel_loop3A_491 {strides = array<i32>} : memref<64x144xf32, #tpu.memory_space<vmem>>, vector<16xf32>,
      %parallel_loop3A_495 = arith.index_cast %parallel_loop3A_446 : i32 to index
      %parallel_loop3A_496 = arith.constant 64 : index
      %parallel_loop3A_497 = tpu.vector_load %arg12[%parallel_loop3A_495, %parallel_loop3A_496] {strides = array<i32>} : memref<64x128xbf16, #tpu.memory_space<vmem>>, vector<32xbf16>,
      %parallel_loop3A_498 = tpu.unpack_subelements %parallel_loop3A_497, 0 {pack_format = #tpu.pack_format<interleaved>} : vector<32xbf16> -> vector<16xf32>
      %parallel_loop3A_499 = tpu.unpack_subelements %parallel_loop3A_497, 1 {pack_format = #tpu.pack_format<interleaved>} : vector<32xbf16> -> vector<16xf32>
      %parallel_loop3A_500 = arith.index_cast %parallel_loop3A_446 : i32 to index
      %parallel_loop3A_501 = arith.constant 64 : index
      %parallel_loop3A_502 = tpu.vector_load %arg13[%parallel_loop3A_500, %parallel_loop3A_501] {strides = array<i32>} : memref<64x128xbf16, #tpu.memory_space<vmem>>, vector<32xbf16>,
      %parallel_loop3A_503 = tpu.unpack_subelements %parallel_loop3A_502, 0 {pack_format = #tpu.pack_format<interleaved>} : vector<32xbf16> -> vector<16xf32>
      %parallel_loop3A_504 = tpu.unpack_subelements %parallel_loop3A_502, 1 {pack_format = #tpu.pack_format<interleaved>} : vector<32xbf16> -> vector<16xf32>
      %parallel_loop3A_505 = arith.addf %parallel_loop3A_498, %parallel_loop3A_503 : vector<16xf32>
      %parallel_loop3A_506 = arith.constant 0.000000e+00 : f32
      %parallel_loop3A_507 = vector.broadcast %parallel_loop3A_506 : f32 to vector<16xf32>
      %parallel_loop3A_508 = arith.maximumf %parallel_loop3A_505, %parallel_loop3A_507 : vector<16xf32>
      %parallel_loop3A_509 = arith.index_cast %parallel_loop3A_446 : i32 to index
      %parallel_loop3A_510 = arith.constant 64 : index
      %parallel_loop3A_511 = tpu.vector_load %arg14[%parallel_loop3A_509, %parallel_loop3A_510] {strides = array<i32>} : memref<64x144xf32, #tpu.memory_space<vmem>>, vector<16xf32>,
      tpu.vector_store %arg14[%parallel_loop3A_509, %parallel_loop3A_510], %parallel_loop3A_508 {strides = array<i32>} : memref<64x144xf32, #tpu.memory_space<vmem>>, vector<16xf32>,
      %parallel_loop3A_512 = arith.addf %parallel_loop3A_499, %parallel_loop3A_504 : vector<16xf32>
      %parallel_loop3A_513 = arith.constant 0.000000e+00 : f32
      %parallel_loop3A_514 = vector.broadcast %parallel_loop3A_513 : f32 to vector<16xf32>
      %parallel_loop3A_515 = arith.maximumf %parallel_loop3A_512, %parallel_loop3A_514 : vector<16xf32>
      %parallel_loop3A_516 = arith.index_cast %parallel_loop3A_446 : i32 to index
      %parallel_loop3A_517 = arith.constant 80 : index
      %parallel_loop3A_518 = tpu.vector_load %arg14[%parallel_loop3A_516, %parallel_loop3A_517] {strides = array<i32>} : memref<64x144xf32, #tpu.memory_space<vmem>>, vector<16xf32>,
      tpu.vector_store %arg14[%parallel_loop3A_516, %parallel_loop3A_517], %parallel_loop3A_515 {strides = array<i32>} : memref<64x144xf32, #tpu.memory_space<vmem>>, vector<16xf32>,
      %parallel_loop3A_519 = arith.index_cast %parallel_loop3A_446 : i32 to index
      %parallel_loop3A_520 = arith.constant 96 : index
      %parallel_loop3A_521 = tpu.vector_load %arg12[%parallel_loop3A_519, %parallel_loop3A_520] {strides = array<i32>} : memref<64x128xbf16, #tpu.memory_space<vmem>>, vector<32xbf16>,
      %parallel_loop3A_522 = tpu.unpack_subelements %parallel_loop3A_521, 0 {pack_format = #tpu.pack_format<interleaved>} : vector<32xbf16> -> vector<16xf32>
      %parallel_loop3A_523 = tpu.unpack_subelements %parallel_loop3A_521, 1 {pack_format = #tpu.pack_format<interleaved>} : vector<32xbf16> -> vector<16xf32>
      %parallel_loop3A_524 = arith.index_cast %parallel_loop3A_446 : i32 to index
      %parallel_loop3A_525 = arith.constant 96 : index
      %parallel_loop3A_526 = tpu.vector_load %arg13[%parallel_loop3A_524, %parallel_loop3A_525] {strides = array<i32>} : memref<64x128xbf16, #tpu.memory_space<vmem>>, vector<32xbf16>,
      %parallel_loop3A_527 = tpu.unpack_subelements %parallel_loop3A_526, 0 {pack_format = #tpu.pack_format<interleaved>} : vector<32xbf16> -> vector<16xf32>
      %parallel_loop3A_528 = tpu.unpack_subelements %parallel_loop3A_526, 1 {pack_format = #tpu.pack_format<interleaved>} : vector<32xbf16> -> vector<16xf32>
      %parallel_loop3A_529 = arith.addf %parallel_loop3A_522, %parallel_loop3A_527 : vector<16xf32>
      %parallel_loop3A_530 = arith.constant 0.000000e+00 : f32
      %parallel_loop3A_531 = vector.broadcast %parallel_loop3A_530 : f32 to vector<16xf32>
      %parallel_loop3A_532 = arith.maximumf %parallel_loop3A_529, %parallel_loop3A_531 : vector<16xf32>
      %parallel_loop3A_533 = arith.index_cast %parallel_loop3A_446 : i32 to index
      %parallel_loop3A_534 = arith.constant 96 : index
      %parallel_loop3A_535 = tpu.vector_load %arg14[%parallel_loop3A_533, %parallel_loop3A_534] {strides = array<i32>} : memref<64x144xf32, #tpu.memory_space<vmem>>, vector<16xf32>,
      tpu.vector_store %arg14[%parallel_loop3A_533, %parallel_loop3A_534], %parallel_loop3A_532 {strides = array<i32>} : memref<64x144xf32, #tpu.memory_space<vmem>>, vector<16xf32>,
      %parallel_loop3A_536 = arith.addf %parallel_loop3A_523, %parallel_loop3A_528 : vector<16xf32>
      %parallel_loop3A_537 = arith.constant 0.000000e+00 : f32
      %parallel_loop3A_538 = vector.broadcast %parallel_loop3A_537 : f32 to vector<16xf32>
      %parallel_loop3A_539 = arith.maximumf %parallel_loop3A_536, %parallel_loop3A_538 : vector<16xf32>
      %parallel_loop3A_540 = arith.index_cast %parallel_loop3A_446 : i32 to index
      %parallel_loop3A_541 = arith.constant 112 : index
      %parallel_loop3A_542 = tpu.vector_load %arg14[%parallel_loop3A_540, %parallel_loop3A_541] {strides = array<i32>} : memref<64x144xf32, #tpu.memory_space<vmem>>, vector<16xf32>,
      tpu.vector_store %arg14[%parallel_loop3A_540, %parallel_loop3A_541], %parallel_loop3A_539 {strides = array<i32>} : memref<64x144xf32, #tpu.memory_space<vmem>>, vector<16xf32>,
    } {sc.loop_unroll_factor = 4 : i64, sc.parallel_access}
    %dma_wait3A_324 = arith.constant 1 : i32
    %dma_wait3A_325 = arith.constant 0 : i32
    %dma_wait3A_326 = tpu.memref_slice %arg9[%dma_wait3A_324, %dma_wait3A_325] : memref<2x64xi32, #tpu.memory_space<vmem>> -> memref<1x64xi32, #tpu.memory_space<vmem>>
    %dma_wait3A_327 = tpu.memref_squeeze %dma_wait3A_326 : memref<1x64xi32, #tpu.memory_space<vmem>> -> memref<64xi32, #tpu.memory_space<vmem>>
    %dma_wait3A_328 = arith.constant 0 : i32
    %dma_wait3A_329 = arith.constant 0 : i32
    %dma_wait3A_330 = tpu.memref_slice %arg18[%dma_wait3A_328, %dma_wait3A_329] : memref<10240x144xf32, #tpu.memory_space<vmem_shared>> -> memref<10240x144xf32, #tpu.memory_space<vmem_shared>>
    tpu.wait_indirect_dma semaphore(%arg28 : memref<!tpu.dma_semaphore, #tpu.memory_space<semaphore_mem>>) src(%arg17 : memref<64x144xf32, #tpu.memory_space<vmem>>) dst(%dma_wait3A_330 : memref<10240x144xf32, #tpu.memory_space<vmem_shared>>)
    %dma_start3A_331 = arith.constant 1 : i32
    %dma_start3A_332 = arith.constant 0 : i32
    %dma_start3A_333 = tpu.memref_slice %arg10[%dma_start3A_331, %dma_start3A_332] : memref<2x64xi32, #tpu.memory_space<vmem>> -> memref<1x64xi32, #tpu.memory_space<vmem>>
    %dma_start3A_334 = tpu.memref_squeeze %dma_start3A_333 : memref<1x64xi32, #tpu.memory_space<vmem>> -> memref<64xi32, #tpu.memory_space<vmem>>
    %dma_start3A_335 = arith.constant 0 : i32
    %dma_start3A_336 = arith.constant 0 : i32
    %dma_start3A_337 = tpu.memref_slice %arg18[%dma_start3A_335, %dma_start3A_336] : memref<10240x144xf32, #tpu.memory_space<vmem_shared>> -> memref<10240x144xf32, #tpu.memory_space<vmem_shared>>
    tpu.enqueue_indirect_dma source(%arg14 : memref<64x144xf32, #tpu.memory_space<vmem>>) target(%dma_start3A_337 : memref<10240x144xf32, #tpu.memory_space<vmem_shared>>) offsets(%dma_start3A_334 : memref<64xi32, #tpu.memory_space<vmem>>) semaphore(%arg25 : memref<!tpu.dma_semaphore, #tpu.memory_space<semaphore_mem>>) {add = true}
    %add3A_338 = arith.constant 9984 : i32
    %add3A_339 = arith.addi %mul3A_2, %add3A_338 : i32
    %dma_wait3A_340 = arith.constant 0 : i32
    %dma_wait3A_341 = arith.constant 0 : i32
    %dma_wait3A_342 = tpu.memref_slice %arg8[%dma_wait3A_340, %dma_wait3A_341] : memref<2x64xi32, #tpu.memory_space<vmem>> -> memref<1x64xi32, #tpu.memory_space<vmem>>
    %dma_wait3A_343 = tpu.memref_squeeze %dma_wait3A_342 : memref<1x64xi32, #tpu.memory_space<vmem>> -> memref<64xi32, #tpu.memory_space<vmem>>
    %dma_wait3A_344 = tpu.memref_slice %arg4[%add3A_339] : memref<321536xi32, #tpu.memory_space<hbm>> -> memref<64xi32, #tpu.memory_space<hbm>>
    %dma_wait3A_345 = arith.constant 0 : i32
    %dma_wait3A_346 = tpu.memref_slice %arg8[%dma_wait3A_340, %dma_wait3A_345] : memref<2x64xi32, #tpu.memory_space<vmem>> -> memref<1x64xi32, #tpu.memory_space<vmem>>
    %dma_wait3A_347 = tpu.memref_squeeze %dma_wait3A_346 : memref<1x64xi32, #tpu.memory_space<vmem>> -> memref<64xi32, #tpu.memory_space<vmem>>
    %dma_wait3A_348 = tpu.memref_slice %arg4[%add3A_339] : memref<321536xi32, #tpu.memory_space<hbm>> -> memref<64xi32, #tpu.memory_space<hbm>>
    tpu.wait_dma2 semaphore(%arg19 : memref<!tpu.dma_semaphore, #tpu.memory_space<semaphore_mem>>) src(%dma_wait3A_348 : memref<64xi32, #tpu.memory_space<hbm>>) dst(%dma_wait3A_347 : memref<64xi32, #tpu.memory_space<vmem>>)
    %dma_wait3A_349 = arith.constant 1 : i32
    %dma_wait3A_350 = arith.constant 0 : i32
    %dma_wait3A_351 = tpu.memref_slice %arg8[%dma_wait3A_349, %dma_wait3A_350] : memref<2x64xi32, #tpu.memory_space<vmem>> -> memref<1x64xi32, #tpu.memory_space<vmem>>
    %dma_wait3A_352 = tpu.memref_squeeze %dma_wait3A_351 : memref<1x64xi32, #tpu.memory_space<vmem>> -> memref<64xi32, #tpu.memory_space<vmem>>
    %dma_wait3A_353 = tpu.memref_slice %arg5[%add3A_339] : memref<321536xi32, #tpu.memory_space<hbm>> -> memref<64xi32, #tpu.memory_space<hbm>>
    %dma_wait3A_354 = arith.constant 0 : i32
    %dma_wait3A_355 = tpu.memref_slice %arg8[%dma_wait3A_349, %dma_wait3A_354] : memref<2x64xi32, #tpu.memory_space<vmem>> -> memref<1x64xi32, #tpu.memory_space<vmem>>
    %dma_wait3A_356 = tpu.memref_squeeze %dma_wait3A_355 : memref<1x64xi32, #tpu.memory_space<vmem>> -> memref<64xi32, #tpu.memory_space<vmem>>
    %dma_wait3A_357 = tpu.memref_slice %arg5[%add3A_339] : memref<321536xi32, #tpu.memory_space<hbm>> -> memref<64xi32, #tpu.memory_space<hbm>>
    tpu.wait_dma2 semaphore(%arg19 : memref<!tpu.dma_semaphore, #tpu.memory_space<semaphore_mem>>) src(%dma_wait3A_357 : memref<64xi32, #tpu.memory_space<hbm>>) dst(%dma_wait3A_356 : memref<64xi32, #tpu.memory_space<vmem>>)
    %dma_start3A_358 = arith.constant 1 : i32
    %dma_start3A_359 = arith.constant 0 : i32
    %dma_start3A_360 = tpu.memref_slice %arg8[%dma_start3A_358, %dma_start3A_359] : memref<2x64xi32, #tpu.memory_space<vmem>> -> memref<1x64xi32, #tpu.memory_space<vmem>>
    %dma_start3A_361 = tpu.memref_squeeze %dma_start3A_360 : memref<1x64xi32, #tpu.memory_space<vmem>> -> memref<64xi32, #tpu.memory_space<vmem>>
    %dma_start3A_362 = arith.constant 0 : i32
    %dma_start3A_363 = arith.constant 0 : i32
    %dma_start3A_364 = tpu.memref_slice %arg2[%dma_start3A_362, %dma_start3A_363] : memref<10240x128xbf16, #tpu.memory_space<hbm>> -> memref<10240x128xbf16, #tpu.memory_space<hbm>>
    tpu.enqueue_indirect_dma source(%dma_start3A_364 : memref<10240x128xbf16, #tpu.memory_space<hbm>>) target(%arg12 : memref<64x128xbf16, #tpu.memory_space<vmem>>) offsets(%dma_start3A_361 : memref<64xi32, #tpu.memory_space<vmem>>) semaphore(%arg23 : memref<!tpu.dma_semaphore, #tpu.memory_space<semaphore_mem>>)
    %dma_start3A_365 = arith.constant 0 : i32
    %dma_start3A_366 = arith.constant 0 : i32
    %dma_start3A_367 = tpu.memref_slice %arg8[%dma_start3A_365, %dma_start3A_366] : memref<2x64xi32, #tpu.memory_space<vmem>> -> memref<1x64xi32, #tpu.memory_space<vmem>>
    %dma_start3A_368 = tpu.memref_squeeze %dma_start3A_367 : memref<1x64xi32, #tpu.memory_space<vmem>> -> memref<64xi32, #tpu.memory_space<vmem>>
    %dma_start3A_369 = arith.constant 0 : i32
    %dma_start3A_370 = arith.constant 0 : i32
    %dma_start3A_371 = tpu.memref_slice %arg3[%dma_start3A_369, %dma_start3A_370] : memref<10240x128xbf16, #tpu.memory_space<hbm>> -> memref<10240x128xbf16, #tpu.memory_space<hbm>>
    tpu.enqueue_indirect_dma source(%dma_start3A_371 : memref<10240x128xbf16, #tpu.memory_space<hbm>>) target(%arg13 : memref<64x128xbf16, #tpu.memory_space<vmem>>) offsets(%dma_start3A_368 : memref<64xi32, #tpu.memory_space<vmem>>) semaphore(%arg24 : memref<!tpu.dma_semaphore, #tpu.memory_space<semaphore_mem>>)
    %dma_wait3A_372 = arith.constant 1 : i32
    %dma_wait3A_373 = arith.constant 0 : i32
    %dma_wait3A_374 = tpu.memref_slice %arg11[%dma_wait3A_372, %dma_wait3A_373] : memref<2x64xi32, #tpu.memory_space<vmem>> -> memref<1x64xi32, #tpu.memory_space<vmem>>
    %dma_wait3A_375 = tpu.memref_squeeze %dma_wait3A_374 : memref<1x64xi32, #tpu.memory_space<vmem>> -> memref<64xi32, #tpu.memory_space<vmem>>
    %dma_wait3A_376 = arith.constant 0 : i32
    %dma_wait3A_377 = arith.constant 0 : i32
    %dma_wait3A_378 = tpu.memref_slice %arg2[%dma_wait3A_376, %dma_wait3A_377] : memref<10240x128xbf16, #tpu.memory_space<hbm>> -> memref<10240x128xbf16, #tpu.memory_space<hbm>>
    tpu.wait_indirect_dma semaphore(%arg26 : memref<!tpu.dma_semaphore, #tpu.memory_space<semaphore_mem>>) src(%dma_wait3A_378 : memref<10240x128xbf16, #tpu.memory_space<hbm>>) dst(%arg15 : memref<64x128xbf16, #tpu.memory_space<vmem>>)
    %dma_wait3A_379 = arith.constant 0 : i32
    %dma_wait3A_380 = arith.constant 0 : i32
    %dma_wait3A_381 = tpu.memref_slice %arg11[%dma_wait3A_379, %dma_wait3A_380] : memref<2x64xi32, #tpu.memory_space<vmem>> -> memref<1x64xi32, #tpu.memory_space<vmem>>
    %dma_wait3A_382 = tpu.memref_squeeze %dma_wait3A_381 : memref<1x64xi32, #tpu.memory_space<vmem>> -> memref<64xi32, #tpu.memory_space<vmem>>
    %dma_wait3A_383 = arith.constant 0 : i32
    %dma_wait3A_384 = arith.constant 0 : i32
    %dma_wait3A_385 = tpu.memref_slice %arg3[%dma_wait3A_383, %dma_wait3A_384] : memref<10240x128xbf16, #tpu.memory_space<hbm>> -> memref<10240x128xbf16, #tpu.memory_space<hbm>>
    tpu.wait_indirect_dma semaphore(%arg27 : memref<!tpu.dma_semaphore, #tpu.memory_space<semaphore_mem>>) src(%dma_wait3A_385 : memref<10240x128xbf16, #tpu.memory_space<hbm>>) dst(%arg16 : memref<64x128xbf16, #tpu.memory_space<vmem>>)
    %parallel_loop3A_386 = arith.constant 0 : i32
    %parallel_loop3A_387 = arith.constant 64 : i32
    %parallel_loop3A_388 = arith.constant 1 : i32
    scf.for %parallel_loop3A_446 = %parallel_loop3A_386 to %parallel_loop3A_387 step %parallel_loop3A_388  : i32 {
      %parallel_loop3A_447 = arith.index_cast %parallel_loop3A_446 : i32 to index
      %parallel_loop3A_448 = arith.constant 0 : index
      %parallel_loop3A_449 = tpu.vector_load %arg15[%parallel_loop3A_447, %parallel_loop3A_448] {strides = array<i32>} : memref<64x128xbf16, #tpu.memory_space<vmem>>, vector<32xbf16>,
      %parallel_loop3A_450 = tpu.unpack_subelements %parallel_loop3A_449, 0 {pack_format = #tpu.pack_format<interleaved>} : vector<32xbf16> -> vector<16xf32>
      %parallel_loop3A_451 = tpu.unpack_subelements %parallel_loop3A_449, 1 {pack_format = #tpu.pack_format<interleaved>} : vector<32xbf16> -> vector<16xf32>
      %parallel_loop3A_452 = arith.index_cast %parallel_loop3A_446 : i32 to index
      %parallel_loop3A_453 = arith.constant 0 : index
      %parallel_loop3A_454 = tpu.vector_load %arg16[%parallel_loop3A_452, %parallel_loop3A_453] {strides = array<i32>} : memref<64x128xbf16, #tpu.memory_space<vmem>>, vector<32xbf16>,
      %parallel_loop3A_455 = tpu.unpack_subelements %parallel_loop3A_454, 0 {pack_format = #tpu.pack_format<interleaved>} : vector<32xbf16> -> vector<16xf32>
      %parallel_loop3A_456 = tpu.unpack_subelements %parallel_loop3A_454, 1 {pack_format = #tpu.pack_format<interleaved>} : vector<32xbf16> -> vector<16xf32>
      %parallel_loop3A_457 = arith.addf %parallel_loop3A_450, %parallel_loop3A_455 : vector<16xf32>
      %parallel_loop3A_458 = arith.constant 0.000000e+00 : f32
      %parallel_loop3A_459 = vector.broadcast %parallel_loop3A_458 : f32 to vector<16xf32>
      %parallel_loop3A_460 = arith.maximumf %parallel_loop3A_457, %parallel_loop3A_459 : vector<16xf32>
      %parallel_loop3A_461 = arith.index_cast %parallel_loop3A_446 : i32 to index
      %parallel_loop3A_462 = arith.constant 0 : index
      %parallel_loop3A_463 = tpu.vector_load %arg17[%parallel_loop3A_461, %parallel_loop3A_462] {strides = array<i32>} : memref<64x144xf32, #tpu.memory_space<vmem>>, vector<16xf32>,
      tpu.vector_store %arg17[%parallel_loop3A_461, %parallel_loop3A_462], %parallel_loop3A_460 {strides = array<i32>} : memref<64x144xf32, #tpu.memory_space<vmem>>, vector<16xf32>,
      %parallel_loop3A_464 = arith.addf %parallel_loop3A_451, %parallel_loop3A_456 : vector<16xf32>
      %parallel_loop3A_465 = arith.constant 0.000000e+00 : f32
      %parallel_loop3A_466 = vector.broadcast %parallel_loop3A_465 : f32 to vector<16xf32>
      %parallel_loop3A_467 = arith.maximumf %parallel_loop3A_464, %parallel_loop3A_466 : vector<16xf32>
      %parallel_loop3A_468 = arith.index_cast %parallel_loop3A_446 : i32 to index
      %parallel_loop3A_469 = arith.constant 16 : index
      %parallel_loop3A_470 = tpu.vector_load %arg17[%parallel_loop3A_468, %parallel_loop3A_469] {strides = array<i32>} : memref<64x144xf32, #tpu.memory_space<vmem>>, vector<16xf32>,
      tpu.vector_store %arg17[%parallel_loop3A_468, %parallel_loop3A_469], %parallel_loop3A_467 {strides = array<i32>} : memref<64x144xf32, #tpu.memory_space<vmem>>, vector<16xf32>,
      %parallel_loop3A_471 = arith.index_cast %parallel_loop3A_446 : i32 to index
      %parallel_loop3A_472 = arith.constant 32 : index
      %parallel_loop3A_473 = tpu.vector_load %arg15[%parallel_loop3A_471, %parallel_loop3A_472] {strides = array<i32>} : memref<64x128xbf16, #tpu.memory_space<vmem>>, vector<32xbf16>,
      %parallel_loop3A_474 = tpu.unpack_subelements %parallel_loop3A_473, 0 {pack_format = #tpu.pack_format<interleaved>} : vector<32xbf16> -> vector<16xf32>
      %parallel_loop3A_475 = tpu.unpack_subelements %parallel_loop3A_473, 1 {pack_format = #tpu.pack_format<interleaved>} : vector<32xbf16> -> vector<16xf32>
      %parallel_loop3A_476 = arith.index_cast %parallel_loop3A_446 : i32 to index
      %parallel_loop3A_477 = arith.constant 32 : index
      %parallel_loop3A_478 = tpu.vector_load %arg16[%parallel_loop3A_476, %parallel_loop3A_477] {strides = array<i32>} : memref<64x128xbf16, #tpu.memory_space<vmem>>, vector<32xbf16>,
      %parallel_loop3A_479 = tpu.unpack_subelements %parallel_loop3A_478, 0 {pack_format = #tpu.pack_format<interleaved>} : vector<32xbf16> -> vector<16xf32>
      %parallel_loop3A_480 = tpu.unpack_subelements %parallel_loop3A_478, 1 {pack_format = #tpu.pack_format<interleaved>} : vector<32xbf16> -> vector<16xf32>
      %parallel_loop3A_481 = arith.addf %parallel_loop3A_474, %parallel_loop3A_479 : vector<16xf32>
      %parallel_loop3A_482 = arith.constant 0.000000e+00 : f32
      %parallel_loop3A_483 = vector.broadcast %parallel_loop3A_482 : f32 to vector<16xf32>
      %parallel_loop3A_484 = arith.maximumf %parallel_loop3A_481, %parallel_loop3A_483 : vector<16xf32>
      %parallel_loop3A_485 = arith.index_cast %parallel_loop3A_446 : i32 to index
      %parallel_loop3A_486 = arith.constant 32 : index
      %parallel_loop3A_487 = tpu.vector_load %arg17[%parallel_loop3A_485, %parallel_loop3A_486] {strides = array<i32>} : memref<64x144xf32, #tpu.memory_space<vmem>>, vector<16xf32>,
      tpu.vector_store %arg17[%parallel_loop3A_485, %parallel_loop3A_486], %parallel_loop3A_484 {strides = array<i32>} : memref<64x144xf32, #tpu.memory_space<vmem>>, vector<16xf32>,
      %parallel_loop3A_488 = arith.addf %parallel_loop3A_475, %parallel_loop3A_480 : vector<16xf32>
      %parallel_loop3A_489 = arith.constant 0.000000e+00 : f32
      %parallel_loop3A_490 = vector.broadcast %parallel_loop3A_489 : f32 to vector<16xf32>
      %parallel_loop3A_491 = arith.maximumf %parallel_loop3A_488, %parallel_loop3A_490 : vector<16xf32>
      %parallel_loop3A_492 = arith.index_cast %parallel_loop3A_446 : i32 to index
      %parallel_loop3A_493 = arith.constant 48 : index
      %parallel_loop3A_494 = tpu.vector_load %arg17[%parallel_loop3A_492, %parallel_loop3A_493] {strides = array<i32>} : memref<64x144xf32, #tpu.memory_space<vmem>>, vector<16xf32>,
      tpu.vector_store %arg17[%parallel_loop3A_492, %parallel_loop3A_493], %parallel_loop3A_491 {strides = array<i32>} : memref<64x144xf32, #tpu.memory_space<vmem>>, vector<16xf32>,
      %parallel_loop3A_495 = arith.index_cast %parallel_loop3A_446 : i32 to index
      %parallel_loop3A_496 = arith.constant 64 : index
      %parallel_loop3A_497 = tpu.vector_load %arg15[%parallel_loop3A_495, %parallel_loop3A_496] {strides = array<i32>} : memref<64x128xbf16, #tpu.memory_space<vmem>>, vector<32xbf16>,
      %parallel_loop3A_498 = tpu.unpack_subelements %parallel_loop3A_497, 0 {pack_format = #tpu.pack_format<interleaved>} : vector<32xbf16> -> vector<16xf32>
      %parallel_loop3A_499 = tpu.unpack_subelements %parallel_loop3A_497, 1 {pack_format = #tpu.pack_format<interleaved>} : vector<32xbf16> -> vector<16xf32>
      %parallel_loop3A_500 = arith.index_cast %parallel_loop3A_446 : i32 to index
      %parallel_loop3A_501 = arith.constant 64 : index
      %parallel_loop3A_502 = tpu.vector_load %arg16[%parallel_loop3A_500, %parallel_loop3A_501] {strides = array<i32>} : memref<64x128xbf16, #tpu.memory_space<vmem>>, vector<32xbf16>,
      %parallel_loop3A_503 = tpu.unpack_subelements %parallel_loop3A_502, 0 {pack_format = #tpu.pack_format<interleaved>} : vector<32xbf16> -> vector<16xf32>
      %parallel_loop3A_504 = tpu.unpack_subelements %parallel_loop3A_502, 1 {pack_format = #tpu.pack_format<interleaved>} : vector<32xbf16> -> vector<16xf32>
      %parallel_loop3A_505 = arith.addf %parallel_loop3A_498, %parallel_loop3A_503 : vector<16xf32>
      %parallel_loop3A_506 = arith.constant 0.000000e+00 : f32
      %parallel_loop3A_507 = vector.broadcast %parallel_loop3A_506 : f32 to vector<16xf32>
      %parallel_loop3A_508 = arith.maximumf %parallel_loop3A_505, %parallel_loop3A_507 : vector<16xf32>
      %parallel_loop3A_509 = arith.index_cast %parallel_loop3A_446 : i32 to index
      %parallel_loop3A_510 = arith.constant 64 : index
      %parallel_loop3A_511 = tpu.vector_load %arg17[%parallel_loop3A_509, %parallel_loop3A_510] {strides = array<i32>} : memref<64x144xf32, #tpu.memory_space<vmem>>, vector<16xf32>,
      tpu.vector_store %arg17[%parallel_loop3A_509, %parallel_loop3A_510], %parallel_loop3A_508 {strides = array<i32>} : memref<64x144xf32, #tpu.memory_space<vmem>>, vector<16xf32>,
      %parallel_loop3A_512 = arith.addf %parallel_loop3A_499, %parallel_loop3A_504 : vector<16xf32>
      %parallel_loop3A_513 = arith.constant 0.000000e+00 : f32
      %parallel_loop3A_514 = vector.broadcast %parallel_loop3A_513 : f32 to vector<16xf32>
      %parallel_loop3A_515 = arith.maximumf %parallel_loop3A_512, %parallel_loop3A_514 : vector<16xf32>
      %parallel_loop3A_516 = arith.index_cast %parallel_loop3A_446 : i32 to index
      %parallel_loop3A_517 = arith.constant 80 : index
      %parallel_loop3A_518 = tpu.vector_load %arg17[%parallel_loop3A_516, %parallel_loop3A_517] {strides = array<i32>} : memref<64x144xf32, #tpu.memory_space<vmem>>, vector<16xf32>,
      tpu.vector_store %arg17[%parallel_loop3A_516, %parallel_loop3A_517], %parallel_loop3A_515 {strides = array<i32>} : memref<64x144xf32, #tpu.memory_space<vmem>>, vector<16xf32>,
      %parallel_loop3A_519 = arith.index_cast %parallel_loop3A_446 : i32 to index
      %parallel_loop3A_520 = arith.constant 96 : index
      %parallel_loop3A_521 = tpu.vector_load %arg15[%parallel_loop3A_519, %parallel_loop3A_520] {strides = array<i32>} : memref<64x128xbf16, #tpu.memory_space<vmem>>, vector<32xbf16>,
      %parallel_loop3A_522 = tpu.unpack_subelements %parallel_loop3A_521, 0 {pack_format = #tpu.pack_format<interleaved>} : vector<32xbf16> -> vector<16xf32>
      %parallel_loop3A_523 = tpu.unpack_subelements %parallel_loop3A_521, 1 {pack_format = #tpu.pack_format<interleaved>} : vector<32xbf16> -> vector<16xf32>
      %parallel_loop3A_524 = arith.index_cast %parallel_loop3A_446 : i32 to index
      %parallel_loop3A_525 = arith.constant 96 : index
      %parallel_loop3A_526 = tpu.vector_load %arg16[%parallel_loop3A_524, %parallel_loop3A_525] {strides = array<i32>} : memref<64x128xbf16, #tpu.memory_space<vmem>>, vector<32xbf16>,
      %parallel_loop3A_527 = tpu.unpack_subelements %parallel_loop3A_526, 0 {pack_format = #tpu.pack_format<interleaved>} : vector<32xbf16> -> vector<16xf32>
      %parallel_loop3A_528 = tpu.unpack_subelements %parallel_loop3A_526, 1 {pack_format = #tpu.pack_format<interleaved>} : vector<32xbf16> -> vector<16xf32>
      %parallel_loop3A_529 = arith.addf %parallel_loop3A_522, %parallel_loop3A_527 : vector<16xf32>
      %parallel_loop3A_530 = arith.constant 0.000000e+00 : f32
      %parallel_loop3A_531 = vector.broadcast %parallel_loop3A_530 : f32 to vector<16xf32>
      %parallel_loop3A_532 = arith.maximumf %parallel_loop3A_529, %parallel_loop3A_531 : vector<16xf32>
      %parallel_loop3A_533 = arith.index_cast %parallel_loop3A_446 : i32 to index
      %parallel_loop3A_534 = arith.constant 96 : index
      %parallel_loop3A_535 = tpu.vector_load %arg17[%parallel_loop3A_533, %parallel_loop3A_534] {strides = array<i32>} : memref<64x144xf32, #tpu.memory_space<vmem>>, vector<16xf32>,
      tpu.vector_store %arg17[%parallel_loop3A_533, %parallel_loop3A_534], %parallel_loop3A_532 {strides = array<i32>} : memref<64x144xf32, #tpu.memory_space<vmem>>, vector<16xf32>,
      %parallel_loop3A_536 = arith.addf %parallel_loop3A_523, %parallel_loop3A_528 : vector<16xf32>
      %parallel_loop3A_537 = arith.constant 0.000000e+00 : f32
      %parallel_loop3A_538 = vector.broadcast %parallel_loop3A_537 : f32 to vector<16xf32>
      %parallel_loop3A_539 = arith.maximumf %parallel_loop3A_536, %parallel_loop3A_538 : vector<16xf32>
      %parallel_loop3A_540 = arith.index_cast %parallel_loop3A_446 : i32 to index
      %parallel_loop3A_541 = arith.constant 112 : index
      %parallel_loop3A_542 = tpu.vector_load %arg17[%parallel_loop3A_540, %parallel_loop3A_541] {strides = array<i32>} : memref<64x144xf32, #tpu.memory_space<vmem>>, vector<16xf32>,
      tpu.vector_store %arg17[%parallel_loop3A_540, %parallel_loop3A_541], %parallel_loop3A_539 {strides = array<i32>} : memref<64x144xf32, #tpu.memory_space<vmem>>, vector<16xf32>,
    } {sc.loop_unroll_factor = 4 : i64, sc.parallel_access}
    %dma_wait3A_389 = arith.constant 1 : i32
    %dma_wait3A_390 = arith.constant 0 : i32
    %dma_wait3A_391 = tpu.memref_slice %arg10[%dma_wait3A_389, %dma_wait3A_390] : memref<2x64xi32, #tpu.memory_space<vmem>> -> memref<1x64xi32, #tpu.memory_space<vmem>>
    %dma_wait3A_392 = tpu.memref_squeeze %dma_wait3A_391 : memref<1x64xi32, #tpu.memory_space<vmem>> -> memref<64xi32, #tpu.memory_space<vmem>>
    %dma_wait3A_393 = arith.constant 0 : i32
    %dma_wait3A_394 = arith.constant 0 : i32
    %dma_wait3A_395 = tpu.memref_slice %arg18[%dma_wait3A_393, %dma_wait3A_394] : memref<10240x144xf32, #tpu.memory_space<vmem_shared>> -> memref<10240x144xf32, #tpu.memory_space<vmem_shared>>
    tpu.wait_indirect_dma semaphore(%arg25 : memref<!tpu.dma_semaphore, #tpu.memory_space<semaphore_mem>>) src(%arg14 : memref<64x144xf32, #tpu.memory_space<vmem>>) dst(%dma_wait3A_395 : memref<10240x144xf32, #tpu.memory_space<vmem_shared>>)
    %dma_start3A_396 = arith.constant 1 : i32
    %dma_start3A_397 = arith.constant 0 : i32
    %dma_start3A_398 = tpu.memref_slice %arg11[%dma_start3A_396, %dma_start3A_397] : memref<2x64xi32, #tpu.memory_space<vmem>> -> memref<1x64xi32, #tpu.memory_space<vmem>>
    %dma_start3A_399 = tpu.memref_squeeze %dma_start3A_398 : memref<1x64xi32, #tpu.memory_space<vmem>> -> memref<64xi32, #tpu.memory_space<vmem>>
    %dma_start3A_400 = arith.constant 0 : i32
    %dma_start3A_401 = arith.constant 0 : i32
    %dma_start3A_402 = tpu.memref_slice %arg18[%dma_start3A_400, %dma_start3A_401] : memref<10240x144xf32, #tpu.memory_space<vmem_shared>> -> memref<10240x144xf32, #tpu.memory_space<vmem_shared>>
    tpu.enqueue_indirect_dma source(%arg17 : memref<64x144xf32, #tpu.memory_space<vmem>>) target(%dma_start3A_402 : memref<10240x144xf32, #tpu.memory_space<vmem_shared>>) offsets(%dma_start3A_399 : memref<64xi32, #tpu.memory_space<vmem>>) semaphore(%arg28 : memref<!tpu.dma_semaphore, #tpu.memory_space<semaphore_mem>>) {add = true}
    %dma_wait3A_403 = arith.constant 1 : i32
    %dma_wait3A_404 = arith.constant 0 : i32
    %dma_wait3A_405 = tpu.memref_slice %arg8[%dma_wait3A_403, %dma_wait3A_404] : memref<2x64xi32, #tpu.memory_space<vmem>> -> memref<1x64xi32, #tpu.memory_space<vmem>>
    %dma_wait3A_406 = tpu.memref_squeeze %dma_wait3A_405 : memref<1x64xi32, #tpu.memory_space<vmem>> -> memref<64xi32, #tpu.memory_space<vmem>>
    %dma_wait3A_407 = arith.constant 0 : i32
    %dma_wait3A_408 = arith.constant 0 : i32
    %dma_wait3A_409 = tpu.memref_slice %arg2[%dma_wait3A_407, %dma_wait3A_408] : memref<10240x128xbf16, #tpu.memory_space<hbm>> -> memref<10240x128xbf16, #tpu.memory_space<hbm>>
    tpu.wait_indirect_dma semaphore(%arg23 : memref<!tpu.dma_semaphore, #tpu.memory_space<semaphore_mem>>) src(%dma_wait3A_409 : memref<10240x128xbf16, #tpu.memory_space<hbm>>) dst(%arg12 : memref<64x128xbf16, #tpu.memory_space<vmem>>)
    %dma_wait3A_410 = arith.constant 0 : i32
    %dma_wait3A_411 = arith.constant 0 : i32
    %dma_wait3A_412 = tpu.memref_slice %arg8[%dma_wait3A_410, %dma_wait3A_411] : memref<2x64xi32, #tpu.memory_space<vmem>> -> memref<1x64xi32, #tpu.memory_space<vmem>>
    %dma_wait3A_413 = tpu.memref_squeeze %dma_wait3A_412 : memref<1x64xi32, #tpu.memory_space<vmem>> -> memref<64xi32, #tpu.memory_space<vmem>>
    %dma_wait3A_414 = arith.constant 0 : i32
    %dma_wait3A_415 = arith.constant 0 : i32
    %dma_wait3A_416 = tpu.memref_slice %arg3[%dma_wait3A_414, %dma_wait3A_415] : memref<10240x128xbf16, #tpu.memory_space<hbm>> -> memref<10240x128xbf16, #tpu.memory_space<hbm>>
    tpu.wait_indirect_dma semaphore(%arg24 : memref<!tpu.dma_semaphore, #tpu.memory_space<semaphore_mem>>) src(%dma_wait3A_416 : memref<10240x128xbf16, #tpu.memory_space<hbm>>) dst(%arg13 : memref<64x128xbf16, #tpu.memory_space<vmem>>)
    %parallel_loop3A_417 = arith.constant 0 : i32
    %parallel_loop3A_418 = arith.constant 64 : i32
    %parallel_loop3A_419 = arith.constant 1 : i32
    scf.for %parallel_loop3A_446 = %parallel_loop3A_417 to %parallel_loop3A_418 step %parallel_loop3A_419  : i32 {
      %parallel_loop3A_447 = arith.index_cast %parallel_loop3A_446 : i32 to index
      %parallel_loop3A_448 = arith.constant 0 : index
      %parallel_loop3A_449 = tpu.vector_load %arg12[%parallel_loop3A_447, %parallel_loop3A_448] {strides = array<i32>} : memref<64x128xbf16, #tpu.memory_space<vmem>>, vector<32xbf16>,
      %parallel_loop3A_450 = tpu.unpack_subelements %parallel_loop3A_449, 0 {pack_format = #tpu.pack_format<interleaved>} : vector<32xbf16> -> vector<16xf32>
      %parallel_loop3A_451 = tpu.unpack_subelements %parallel_loop3A_449, 1 {pack_format = #tpu.pack_format<interleaved>} : vector<32xbf16> -> vector<16xf32>
      %parallel_loop3A_452 = arith.index_cast %parallel_loop3A_446 : i32 to index
      %parallel_loop3A_453 = arith.constant 0 : index
      %parallel_loop3A_454 = tpu.vector_load %arg13[%parallel_loop3A_452, %parallel_loop3A_453] {strides = array<i32>} : memref<64x128xbf16, #tpu.memory_space<vmem>>, vector<32xbf16>,
      %parallel_loop3A_455 = tpu.unpack_subelements %parallel_loop3A_454, 0 {pack_format = #tpu.pack_format<interleaved>} : vector<32xbf16> -> vector<16xf32>
      %parallel_loop3A_456 = tpu.unpack_subelements %parallel_loop3A_454, 1 {pack_format = #tpu.pack_format<interleaved>} : vector<32xbf16> -> vector<16xf32>
      %parallel_loop3A_457 = arith.addf %parallel_loop3A_450, %parallel_loop3A_455 : vector<16xf32>
      %parallel_loop3A_458 = arith.constant 0.000000e+00 : f32
      %parallel_loop3A_459 = vector.broadcast %parallel_loop3A_458 : f32 to vector<16xf32>
      %parallel_loop3A_460 = arith.maximumf %parallel_loop3A_457, %parallel_loop3A_459 : vector<16xf32>
      %parallel_loop3A_461 = arith.index_cast %parallel_loop3A_446 : i32 to index
      %parallel_loop3A_462 = arith.constant 0 : index
      %parallel_loop3A_463 = tpu.vector_load %arg14[%parallel_loop3A_461, %parallel_loop3A_462] {strides = array<i32>} : memref<64x144xf32, #tpu.memory_space<vmem>>, vector<16xf32>,
      tpu.vector_store %arg14[%parallel_loop3A_461, %parallel_loop3A_462], %parallel_loop3A_460 {strides = array<i32>} : memref<64x144xf32, #tpu.memory_space<vmem>>, vector<16xf32>,
      %parallel_loop3A_464 = arith.addf %parallel_loop3A_451, %parallel_loop3A_456 : vector<16xf32>
      %parallel_loop3A_465 = arith.constant 0.000000e+00 : f32
      %parallel_loop3A_466 = vector.broadcast %parallel_loop3A_465 : f32 to vector<16xf32>
      %parallel_loop3A_467 = arith.maximumf %parallel_loop3A_464, %parallel_loop3A_466 : vector<16xf32>
      %parallel_loop3A_468 = arith.index_cast %parallel_loop3A_446 : i32 to index
      %parallel_loop3A_469 = arith.constant 16 : index
      %parallel_loop3A_470 = tpu.vector_load %arg14[%parallel_loop3A_468, %parallel_loop3A_469] {strides = array<i32>} : memref<64x144xf32, #tpu.memory_space<vmem>>, vector<16xf32>,
      tpu.vector_store %arg14[%parallel_loop3A_468, %parallel_loop3A_469], %parallel_loop3A_467 {strides = array<i32>} : memref<64x144xf32, #tpu.memory_space<vmem>>, vector<16xf32>,
      %parallel_loop3A_471 = arith.index_cast %parallel_loop3A_446 : i32 to index
      %parallel_loop3A_472 = arith.constant 32 : index
      %parallel_loop3A_473 = tpu.vector_load %arg12[%parallel_loop3A_471, %parallel_loop3A_472] {strides = array<i32>} : memref<64x128xbf16, #tpu.memory_space<vmem>>, vector<32xbf16>,
      %parallel_loop3A_474 = tpu.unpack_subelements %parallel_loop3A_473, 0 {pack_format = #tpu.pack_format<interleaved>} : vector<32xbf16> -> vector<16xf32>
      %parallel_loop3A_475 = tpu.unpack_subelements %parallel_loop3A_473, 1 {pack_format = #tpu.pack_format<interleaved>} : vector<32xbf16> -> vector<16xf32>
      %parallel_loop3A_476 = arith.index_cast %parallel_loop3A_446 : i32 to index
      %parallel_loop3A_477 = arith.constant 32 : index
      %parallel_loop3A_478 = tpu.vector_load %arg13[%parallel_loop3A_476, %parallel_loop3A_477] {strides = array<i32>} : memref<64x128xbf16, #tpu.memory_space<vmem>>, vector<32xbf16>,
      %parallel_loop3A_479 = tpu.unpack_subelements %parallel_loop3A_478, 0 {pack_format = #tpu.pack_format<interleaved>} : vector<32xbf16> -> vector<16xf32>
      %parallel_loop3A_480 = tpu.unpack_subelements %parallel_loop3A_478, 1 {pack_format = #tpu.pack_format<interleaved>} : vector<32xbf16> -> vector<16xf32>
      %parallel_loop3A_481 = arith.addf %parallel_loop3A_474, %parallel_loop3A_479 : vector<16xf32>
      %parallel_loop3A_482 = arith.constant 0.000000e+00 : f32
      %parallel_loop3A_483 = vector.broadcast %parallel_loop3A_482 : f32 to vector<16xf32>
      %parallel_loop3A_484 = arith.maximumf %parallel_loop3A_481, %parallel_loop3A_483 : vector<16xf32>
      %parallel_loop3A_485 = arith.index_cast %parallel_loop3A_446 : i32 to index
      %parallel_loop3A_486 = arith.constant 32 : index
      %parallel_loop3A_487 = tpu.vector_load %arg14[%parallel_loop3A_485, %parallel_loop3A_486] {strides = array<i32>} : memref<64x144xf32, #tpu.memory_space<vmem>>, vector<16xf32>,
      tpu.vector_store %arg14[%parallel_loop3A_485, %parallel_loop3A_486], %parallel_loop3A_484 {strides = array<i32>} : memref<64x144xf32, #tpu.memory_space<vmem>>, vector<16xf32>,
      %parallel_loop3A_488 = arith.addf %parallel_loop3A_475, %parallel_loop3A_480 : vector<16xf32>
      %parallel_loop3A_489 = arith.constant 0.000000e+00 : f32
      %parallel_loop3A_490 = vector.broadcast %parallel_loop3A_489 : f32 to vector<16xf32>
      %parallel_loop3A_491 = arith.maximumf %parallel_loop3A_488, %parallel_loop3A_490 : vector<16xf32>
      %parallel_loop3A_492 = arith.index_cast %parallel_loop3A_446 : i32 to index
      %parallel_loop3A_493 = arith.constant 48 : index
      %parallel_loop3A_494 = tpu.vector_load %arg14[%parallel_loop3A_492, %parallel_loop3A_493] {strides = array<i32>} : memref<64x144xf32, #tpu.memory_space<vmem>>, vector<16xf32>,
      tpu.vector_store %arg14[%parallel_loop3A_492, %parallel_loop3A_493], %parallel_loop3A_491 {strides = array<i32>} : memref<64x144xf32, #tpu.memory_space<vmem>>, vector<16xf32>,
      %parallel_loop3A_495 = arith.index_cast %parallel_loop3A_446 : i32 to index
      %parallel_loop3A_496 = arith.constant 64 : index
      %parallel_loop3A_497 = tpu.vector_load %arg12[%parallel_loop3A_495, %parallel_loop3A_496] {strides = array<i32>} : memref<64x128xbf16, #tpu.memory_space<vmem>>, vector<32xbf16>,
      %parallel_loop3A_498 = tpu.unpack_subelements %parallel_loop3A_497, 0 {pack_format = #tpu.pack_format<interleaved>} : vector<32xbf16> -> vector<16xf32>
      %parallel_loop3A_499 = tpu.unpack_subelements %parallel_loop3A_497, 1 {pack_format = #tpu.pack_format<interleaved>} : vector<32xbf16> -> vector<16xf32>
      %parallel_loop3A_500 = arith.index_cast %parallel_loop3A_446 : i32 to index
      %parallel_loop3A_501 = arith.constant 64 : index
      %parallel_loop3A_502 = tpu.vector_load %arg13[%parallel_loop3A_500, %parallel_loop3A_501] {strides = array<i32>} : memref<64x128xbf16, #tpu.memory_space<vmem>>, vector<32xbf16>,
      %parallel_loop3A_503 = tpu.unpack_subelements %parallel_loop3A_502, 0 {pack_format = #tpu.pack_format<interleaved>} : vector<32xbf16> -> vector<16xf32>
      %parallel_loop3A_504 = tpu.unpack_subelements %parallel_loop3A_502, 1 {pack_format = #tpu.pack_format<interleaved>} : vector<32xbf16> -> vector<16xf32>
      %parallel_loop3A_505 = arith.addf %parallel_loop3A_498, %parallel_loop3A_503 : vector<16xf32>
      %parallel_loop3A_506 = arith.constant 0.000000e+00 : f32
      %parallel_loop3A_507 = vector.broadcast %parallel_loop3A_506 : f32 to vector<16xf32>
      %parallel_loop3A_508 = arith.maximumf %parallel_loop3A_505, %parallel_loop3A_507 : vector<16xf32>
      %parallel_loop3A_509 = arith.index_cast %parallel_loop3A_446 : i32 to index
      %parallel_loop3A_510 = arith.constant 64 : index
      %parallel_loop3A_511 = tpu.vector_load %arg14[%parallel_loop3A_509, %parallel_loop3A_510] {strides = array<i32>} : memref<64x144xf32, #tpu.memory_space<vmem>>, vector<16xf32>,
      tpu.vector_store %arg14[%parallel_loop3A_509, %parallel_loop3A_510], %parallel_loop3A_508 {strides = array<i32>} : memref<64x144xf32, #tpu.memory_space<vmem>>, vector<16xf32>,
      %parallel_loop3A_512 = arith.addf %parallel_loop3A_499, %parallel_loop3A_504 : vector<16xf32>
      %parallel_loop3A_513 = arith.constant 0.000000e+00 : f32
      %parallel_loop3A_514 = vector.broadcast %parallel_loop3A_513 : f32 to vector<16xf32>
      %parallel_loop3A_515 = arith.maximumf %parallel_loop3A_512, %parallel_loop3A_514 : vector<16xf32>
      %parallel_loop3A_516 = arith.index_cast %parallel_loop3A_446 : i32 to index
      %parallel_loop3A_517 = arith.constant 80 : index
      %parallel_loop3A_518 = tpu.vector_load %arg14[%parallel_loop3A_516, %parallel_loop3A_517] {strides = array<i32>} : memref<64x144xf32, #tpu.memory_space<vmem>>, vector<16xf32>,
      tpu.vector_store %arg14[%parallel_loop3A_516, %parallel_loop3A_517], %parallel_loop3A_515 {strides = array<i32>} : memref<64x144xf32, #tpu.memory_space<vmem>>, vector<16xf32>,
      %parallel_loop3A_519 = arith.index_cast %parallel_loop3A_446 : i32 to index
      %parallel_loop3A_520 = arith.constant 96 : index
      %parallel_loop3A_521 = tpu.vector_load %arg12[%parallel_loop3A_519, %parallel_loop3A_520] {strides = array<i32>} : memref<64x128xbf16, #tpu.memory_space<vmem>>, vector<32xbf16>,
      %parallel_loop3A_522 = tpu.unpack_subelements %parallel_loop3A_521, 0 {pack_format = #tpu.pack_format<interleaved>} : vector<32xbf16> -> vector<16xf32>
      %parallel_loop3A_523 = tpu.unpack_subelements %parallel_loop3A_521, 1 {pack_format = #tpu.pack_format<interleaved>} : vector<32xbf16> -> vector<16xf32>
      %parallel_loop3A_524 = arith.index_cast %parallel_loop3A_446 : i32 to index
      %parallel_loop3A_525 = arith.constant 96 : index
      %parallel_loop3A_526 = tpu.vector_load %arg13[%parallel_loop3A_524, %parallel_loop3A_525] {strides = array<i32>} : memref<64x128xbf16, #tpu.memory_space<vmem>>, vector<32xbf16>,
      %parallel_loop3A_527 = tpu.unpack_subelements %parallel_loop3A_526, 0 {pack_format = #tpu.pack_format<interleaved>} : vector<32xbf16> -> vector<16xf32>
      %parallel_loop3A_528 = tpu.unpack_subelements %parallel_loop3A_526, 1 {pack_format = #tpu.pack_format<interleaved>} : vector<32xbf16> -> vector<16xf32>
      %parallel_loop3A_529 = arith.addf %parallel_loop3A_522, %parallel_loop3A_527 : vector<16xf32>
      %parallel_loop3A_530 = arith.constant 0.000000e+00 : f32
      %parallel_loop3A_531 = vector.broadcast %parallel_loop3A_530 : f32 to vector<16xf32>
      %parallel_loop3A_532 = arith.maximumf %parallel_loop3A_529, %parallel_loop3A_531 : vector<16xf32>
      %parallel_loop3A_533 = arith.index_cast %parallel_loop3A_446 : i32 to index
      %parallel_loop3A_534 = arith.constant 96 : index
      %parallel_loop3A_535 = tpu.vector_load %arg14[%parallel_loop3A_533, %parallel_loop3A_534] {strides = array<i32>} : memref<64x144xf32, #tpu.memory_space<vmem>>, vector<16xf32>,
      tpu.vector_store %arg14[%parallel_loop3A_533, %parallel_loop3A_534], %parallel_loop3A_532 {strides = array<i32>} : memref<64x144xf32, #tpu.memory_space<vmem>>, vector<16xf32>,
      %parallel_loop3A_536 = arith.addf %parallel_loop3A_523, %parallel_loop3A_528 : vector<16xf32>
      %parallel_loop3A_537 = arith.constant 0.000000e+00 : f32
      %parallel_loop3A_538 = vector.broadcast %parallel_loop3A_537 : f32 to vector<16xf32>
      %parallel_loop3A_539 = arith.maximumf %parallel_loop3A_536, %parallel_loop3A_538 : vector<16xf32>
      %parallel_loop3A_540 = arith.index_cast %parallel_loop3A_446 : i32 to index
      %parallel_loop3A_541 = arith.constant 112 : index
      %parallel_loop3A_542 = tpu.vector_load %arg14[%parallel_loop3A_540, %parallel_loop3A_541] {strides = array<i32>} : memref<64x144xf32, #tpu.memory_space<vmem>>, vector<16xf32>,
      tpu.vector_store %arg14[%parallel_loop3A_540, %parallel_loop3A_541], %parallel_loop3A_539 {strides = array<i32>} : memref<64x144xf32, #tpu.memory_space<vmem>>, vector<16xf32>,
    } {sc.loop_unroll_factor = 4 : i64, sc.parallel_access}
    %dma_wait3A_420 = arith.constant 1 : i32
    %dma_wait3A_421 = arith.constant 0 : i32
    %dma_wait3A_422 = tpu.memref_slice %arg11[%dma_wait3A_420, %dma_wait3A_421] : memref<2x64xi32, #tpu.memory_space<vmem>> -> memref<1x64xi32, #tpu.memory_space<vmem>>
    %dma_wait3A_423 = tpu.memref_squeeze %dma_wait3A_422 : memref<1x64xi32, #tpu.memory_space<vmem>> -> memref<64xi32, #tpu.memory_space<vmem>>
    %dma_wait3A_424 = arith.constant 0 : i32
    %dma_wait3A_425 = arith.constant 0 : i32
    %dma_wait3A_426 = tpu.memref_slice %arg18[%dma_wait3A_424, %dma_wait3A_425] : memref<10240x144xf32, #tpu.memory_space<vmem_shared>> -> memref<10240x144xf32, #tpu.memory_space<vmem_shared>>
    tpu.wait_indirect_dma semaphore(%arg28 : memref<!tpu.dma_semaphore, #tpu.memory_space<semaphore_mem>>) src(%arg17 : memref<64x144xf32, #tpu.memory_space<vmem>>) dst(%dma_wait3A_426 : memref<10240x144xf32, #tpu.memory_space<vmem_shared>>)
    %dma_start3A_427 = arith.constant 1 : i32
    %dma_start3A_428 = arith.constant 0 : i32
    %dma_start3A_429 = tpu.memref_slice %arg8[%dma_start3A_427, %dma_start3A_428] : memref<2x64xi32, #tpu.memory_space<vmem>> -> memref<1x64xi32, #tpu.memory_space<vmem>>
    %dma_start3A_430 = tpu.memref_squeeze %dma_start3A_429 : memref<1x64xi32, #tpu.memory_space<vmem>> -> memref<64xi32, #tpu.memory_space<vmem>>
    %dma_start3A_431 = arith.constant 0 : i32
    %dma_start3A_432 = arith.constant 0 : i32
    %dma_start3A_433 = tpu.memref_slice %arg18[%dma_start3A_431, %dma_start3A_432] : memref<10240x144xf32, #tpu.memory_space<vmem_shared>> -> memref<10240x144xf32, #tpu.memory_space<vmem_shared>>
    tpu.enqueue_indirect_dma source(%arg14 : memref<64x144xf32, #tpu.memory_space<vmem>>) target(%dma_start3A_433 : memref<10240x144xf32, #tpu.memory_space<vmem_shared>>) offsets(%dma_start3A_430 : memref<64xi32, #tpu.memory_space<vmem>>) semaphore(%arg25 : memref<!tpu.dma_semaphore, #tpu.memory_space<semaphore_mem>>) {add = true}
    %dma_wait3A_434 = arith.constant 1 : i32
    %dma_wait3A_435 = arith.constant 0 : i32
    %dma_wait3A_436 = tpu.memref_slice %arg8[%dma_wait3A_434, %dma_wait3A_435] : memref<2x64xi32, #tpu.memory_space<vmem>> -> memref<1x64xi32, #tpu.memory_space<vmem>>
    %dma_wait3A_437 = tpu.memref_squeeze %dma_wait3A_436 : memref<1x64xi32, #tpu.memory_space<vmem>> -> memref<64xi32, #tpu.memory_space<vmem>>
    %dma_wait3A_438 = arith.constant 0 : i32
    %dma_wait3A_439 = arith.constant 0 : i32
    %dma_wait3A_440 = tpu.memref_slice %arg18[%dma_wait3A_438, %dma_wait3A_439] : memref<10240x144xf32, #tpu.memory_space<vmem_shared>> -> memref<10240x144xf32, #tpu.memory_space<vmem_shared>>
    tpu.wait_indirect_dma semaphore(%arg25 : memref<!tpu.dma_semaphore, #tpu.memory_space<semaphore_mem>>) src(%arg14 : memref<64x144xf32, #tpu.memory_space<vmem>>) dst(%dma_wait3A_440 : memref<10240x144xf32, #tpu.memory_space<vmem_shared>>)
    %barrier3A_441 = arith.constant 0 : index
    tpu.barrier barrier_id(%barrier3A_441)
    %mul3A_442 = arith.constant 640 : i32
    %mul3A_443 = arith.muli %arg1, %mul3A_442 : i32
    %mul3A_444 = arith.constant 640 : i32
    %mul3A_445 = arith.muli %arg1, %mul3A_444 : i32
    "tpu.region"() ({
      %run_scoped3A = tpu.sem_alloc : memref<!tpu.dma_semaphore, #tpu.memory_space<semaphore_mem>>
      %dma_start3A_446 = arith.constant 0 : i32
      %dma_start3A_447 = tpu.memref_slice %arg7[%arg0, %mul3A_445, %dma_start3A_446] : memref<2x10240x144xf32, #tpu.memory_space<hbm>> -> memref<1x640x144xf32, #tpu.memory_space<hbm>>
      %dma_start3A_448 = tpu.memref_squeeze %dma_start3A_447 : memref<1x640x144xf32, #tpu.memory_space<hbm>> -> memref<640x144xf32, #tpu.memory_space<hbm>>
      %dma_start3A_449 = arith.constant 0 : i32
      %dma_start3A_450 = tpu.memref_slice %arg18[%mul3A_443, %dma_start3A_449] : memref<10240x144xf32, #tpu.memory_space<vmem_shared>> -> memref<640x144xf32, #tpu.memory_space<vmem_shared>>
      tpu.enqueue_dma source(%dma_start3A_450 : memref<640x144xf32, #tpu.memory_space<vmem_shared>>) target(%dma_start3A_448 : memref<640x144xf32, #tpu.memory_space<hbm>>) target_semaphore(%run_scoped3A : memref<!tpu.dma_semaphore, #tpu.memory_space<semaphore_mem>>)
      %dma_wait3A_451 = arith.constant 0 : i32
      %dma_wait3A_452 = tpu.memref_slice %arg7[%arg0, %mul3A_445, %dma_wait3A_451] : memref<2x10240x144xf32, #tpu.memory_space<hbm>> -> memref<1x640x144xf32, #tpu.memory_space<hbm>>
      %dma_wait3A_453 = tpu.memref_squeeze %dma_wait3A_452 : memref<1x640x144xf32, #tpu.memory_space<hbm>> -> memref<640x144xf32, #tpu.memory_space<hbm>>
      %dma_wait3A_454 = arith.constant 0 : i32
      %dma_wait3A_455 = tpu.memref_slice %arg18[%mul3A_443, %dma_wait3A_454] : memref<10240x144xf32, #tpu.memory_space<vmem_shared>> -> memref<640x144xf32, #tpu.memory_space<vmem_shared>>
      tpu.wait_dma2 semaphore(%run_scoped3A : memref<!tpu.dma_semaphore, #tpu.memory_space<semaphore_mem>>) src(%dma_wait3A_455 : memref<640x144xf32, #tpu.memory_space<vmem_shared>>) dst(%dma_wait3A_453 : memref<640x144xf32, #tpu.memory_space<hbm>>)
      tpu.yield
    }) : () -> ()
    return
  }
}

module attributes {stable_mosaic.version = 14 : i64} {
  func.func @_pre_body(%arg0: memref<10240x128xf32, #tpu.memory_space<vmem>>, %arg1: memref<256x128xf32, #tpu.memory_space<vmem>>, %arg2: memref<1x128xf32, #tpu.memory_space<vmem>>, %arg3: memref<10240x128xbf16, #tpu.memory_space<vmem>>, %arg4: memref<10240x128xbf16, #tpu.memory_space<vmem>>) attributes {dimension_semantics = [], scalar_prefetch = 0 : i64, scratch_operands = 0 : i64, tpu.core_type = #tpu.core_type<tc>} {
    %get3A = arith.constant 0 : index
    %get3A_0 = arith.constant 0 : index
    %get3A_1 = vector.load %arg0[%get3A, %get3A_0] : memref<10240x128xf32, #tpu.memory_space<vmem>>, vector<10240x128xf32>
    %get3A_2 = arith.constant 0 : index
    %get3A_3 = arith.constant 0 : index
    %get3A_4 = vector.load %arg1[%get3A_2, %get3A_3] : memref<256x128xf32, #tpu.memory_space<vmem>>, vector<128x128xf32>
    %get3A_5 = arith.constant 128 : index
    %get3A_6 = arith.constant 0 : index
    %get3A_7 = vector.load %arg1[%get3A_5, %get3A_6] : memref<256x128xf32, #tpu.memory_space<vmem>>, vector<128x128xf32>
    %dot_general3A = arith.constant dense<0.000000e+00> : vector<10240x128xf32>
    %dot_general3A_8 = tpu.matmul %get3A_1, %get3A_7, %dot_general3A {dimension_numbers = #tpu.dot_dimension_numbers<[1], [0], [0], [1], [0, 0, 1, 1], [], []>, transpose_lhs_hint = false} : vector<10240x128xf32>, vector<128x128xf32>, vector<10240x128xf32> -> vector<10240x128xf32>
    %convert_element_type3A = arith.truncf %dot_general3A_8 : vector<10240x128xf32> to vector<10240x128xbf16>
    %swap3A = arith.constant 0 : index
    %swap3A_9 = arith.constant 0 : index
    %swap3A_10 = vector.load %arg4[%swap3A, %swap3A_9] : memref<10240x128xbf16, #tpu.memory_space<vmem>>, vector<10240x128xbf16>
    tpu.vector_store %arg4[%swap3A, %swap3A_9], %convert_element_type3A {strides = array<i32>} : memref<10240x128xbf16, #tpu.memory_space<vmem>>, vector<10240x128xbf16>,
    %sub3A = arith.subf %get3A_4, %get3A_7 : vector<128x128xf32>
    %dot_general3A_11 = arith.constant dense<0.000000e+00> : vector<10240x128xf32>
    %dot_general3A_12 = tpu.matmul %get3A_1, %sub3A, %dot_general3A_11 {dimension_numbers = #tpu.dot_dimension_numbers<[1], [0], [0], [1], [0, 0, 1, 1], [], []>, transpose_lhs_hint = false} : vector<10240x128xf32>, vector<128x128xf32>, vector<10240x128xf32> -> vector<10240x128xf32>
    %get3A_13 = arith.constant 0 : index
    %get3A_14 = arith.constant 0 : index
    %get3A_15 = vector.load %arg2[%get3A_13, %get3A_14] : memref<1x128xf32, #tpu.memory_space<vmem>>, vector<1x128xf32>
    %add3A = vector.broadcast %get3A_15 : vector<1x128xf32> to vector<10240x128xf32>
    %add3A_16 = arith.addf %dot_general3A_12, %add3A : vector<10240x128xf32>
    %convert_element_type3A_17 = arith.truncf %add3A_16 : vector<10240x128xf32> to vector<10240x128xbf16>
    %swap3A_18 = arith.constant 0 : index
    %swap3A_19 = arith.constant 0 : index
    %swap3A_20 = vector.load %arg3[%swap3A_18, %swap3A_19] : memref<10240x128xbf16, #tpu.memory_space<vmem>>, vector<10240x128xbf16>
    tpu.vector_store %arg3[%swap3A_18, %swap3A_19], %convert_element_type3A_17 {strides = array<i32>} : memref<10240x128xbf16, #tpu.memory_space<vmem>>, vector<10240x128xbf16>,
    return
  }
}

module attributes {stable_mosaic.version = 14 : i64} {
  func.func @_post_body(%arg0: memref<2x10240x144xf32, #tpu.memory_space<vmem>>, %arg1: memref<128x128xf32, #tpu.memory_space<vmem>>, %arg2: memref<1x128xf32, #tpu.memory_space<vmem>>, %arg3: memref<128x64xf32, #tpu.memory_space<vmem>>, %arg4: memref<1x64xf32, #tpu.memory_space<vmem>>, %arg5: memref<64x128xf32, #tpu.memory_space<vmem>>, %arg6: memref<1x128xf32, #tpu.memory_space<vmem>>, %arg7: memref<10000x128xf32, #tpu.memory_space<vmem>>) attributes {dimension_semantics = [], scalar_prefetch = 0 : i64, scratch_operands = 0 : i64, tpu.core_type = #tpu.core_type<tc>} {
    %get3A = arith.constant 0 : index
    %get3A_0 = arith.constant 0 : index
    %get3A_1 = arith.constant 0 : index
    %get3A_2 = vector.load %arg0[%get3A, %get3A_0, %get3A_1] : memref<2x10240x144xf32, #tpu.memory_space<vmem>>, vector<1x10000x144xf32>
    %get3A_3 = vector.shape_cast %get3A_2 : vector<1x10000x144xf32> to vector<10000x144xf32>
    %get3A_4 = arith.constant 1 : index
    %get3A_5 = arith.constant 0 : index
    %get3A_6 = arith.constant 0 : index
    %get3A_7 = vector.load %arg0[%get3A_4, %get3A_5, %get3A_6] : memref<2x10240x144xf32, #tpu.memory_space<vmem>>, vector<1x10000x144xf32>
    %get3A_8 = vector.shape_cast %get3A_7 : vector<1x10000x144xf32> to vector<10000x144xf32>
    %add3A = arith.addf %get3A_3, %get3A_8 : vector<10000x144xf32>
    %slice3A = vector.extract_strided_slice %add3A {offsets = [0, 0], sizes = [10000, 128], strides = [1, 1]} : vector<10000x144xf32> to vector<10000x128xf32>
    %slice3A_9 = vector.extract_strided_slice %add3A {offsets = [0, 128], sizes = [10000, 16], strides = [1, 1]} : vector<10000x144xf32> to vector<10000x16xf32>
    %reduce_sum3A = arith.constant dense<0.000000e+00> : vector<10000xf32>
    %reduce_sum3A_10 = vector.multi_reduction <add>, %slice3A_9, %reduce_sum3A [1] : vector<10000x16xf32> to vector<10000xf32>
    %broadcast_in_dim3A = vector.shape_cast %reduce_sum3A_10 : vector<10000xf32> to vector<10000x1xf32>
    %max3A = arith.constant 1.000000e+00 : f32
    %max3A_11 = vector.broadcast %max3A : f32 to vector<10000x1xf32>
    %max3A_12 = arith.maximumf %broadcast_in_dim3A, %max3A_11 : vector<10000x1xf32>
    %get3A_13 = arith.constant 0 : index
    %get3A_14 = arith.constant 0 : index
    %get3A_15 = vector.load %arg1[%get3A_13, %get3A_14] : memref<128x128xf32, #tpu.memory_space<vmem>>, vector<128x128xf32>
    %dot_general3A = arith.constant dense<0.000000e+00> : vector<10000x128xf32>
    %dot_general3A_16 = tpu.matmul %slice3A, %get3A_15, %dot_general3A {dimension_numbers = #tpu.dot_dimension_numbers<[1], [0], [0], [1], [0, 0, 1, 1], [], []>, transpose_lhs_hint = false} : vector<10000x128xf32>, vector<128x128xf32>, vector<10000x128xf32> -> vector<10000x128xf32>
    %get3A_17 = arith.constant 0 : index
    %get3A_18 = arith.constant 0 : index
    %get3A_19 = vector.load %arg2[%get3A_17, %get3A_18] : memref<1x128xf32, #tpu.memory_space<vmem>>, vector<1x128xf32>
    %mul3A = vector.broadcast %broadcast_in_dim3A : vector<10000x1xf32> to vector<10000x128xf32>
    %mul3A_20 = vector.broadcast %get3A_19 : vector<1x128xf32> to vector<10000x128xf32>
    %mul3A_21 = arith.mulf %mul3A, %mul3A_20 : vector<10000x128xf32>
    %add3A_22 = arith.addf %dot_general3A_16, %mul3A_21 : vector<10000x128xf32>
    %div3A = vector.broadcast %max3A_12 : vector<10000x1xf32> to vector<10000x128xf32>
    %div3A_23 = arith.divf %add3A_22, %div3A : vector<10000x128xf32>
    %max3A_24 = arith.constant 0.000000e+00 : f32
    %max3A_25 = vector.broadcast %max3A_24 : f32 to vector<10000x128xf32>
    %max3A_26 = arith.maximumf %div3A_23, %max3A_25 : vector<10000x128xf32>
    %get3A_27 = arith.constant 0 : index
    %get3A_28 = arith.constant 0 : index
    %get3A_29 = vector.load %arg3[%get3A_27, %get3A_28] : memref<128x64xf32, #tpu.memory_space<vmem>>, vector<128x64xf32>
    %dot_general3A_30 = arith.constant dense<0.000000e+00> : vector<10000x64xf32>
    %dot_general3A_31 = tpu.matmul %max3A_26, %get3A_29, %dot_general3A_30 {dimension_numbers = #tpu.dot_dimension_numbers<[1], [0], [0], [1], [0, 0, 1, 1], [], []>, transpose_lhs_hint = false} : vector<10000x128xf32>, vector<128x64xf32>, vector<10000x64xf32> -> vector<10000x64xf32>
    %get3A_32 = arith.constant 0 : index
    %get3A_33 = arith.constant 0 : index
    %get3A_34 = vector.load %arg4[%get3A_32, %get3A_33] : memref<1x64xf32, #tpu.memory_space<vmem>>, vector<1x64xf32>
    %add3A_35 = vector.broadcast %get3A_34 : vector<1x64xf32> to vector<10000x64xf32>
    %add3A_36 = arith.addf %dot_general3A_31, %add3A_35 : vector<10000x64xf32>
    %max3A_37 = arith.constant 0.000000e+00 : f32
    %max3A_38 = vector.broadcast %max3A_37 : f32 to vector<10000x64xf32>
    %max3A_39 = arith.maximumf %add3A_36, %max3A_38 : vector<10000x64xf32>
    %get3A_40 = arith.constant 0 : index
    %get3A_41 = arith.constant 0 : index
    %get3A_42 = vector.load %arg5[%get3A_40, %get3A_41] : memref<64x128xf32, #tpu.memory_space<vmem>>, vector<64x128xf32>
    %dot_general3A_43 = arith.constant dense<0.000000e+00> : vector<10000x128xf32>
    %dot_general3A_44 = tpu.matmul %max3A_39, %get3A_42, %dot_general3A_43 {dimension_numbers = #tpu.dot_dimension_numbers<[1], [0], [0], [1], [0, 0, 1, 1], [], []>, transpose_lhs_hint = false} : vector<10000x64xf32>, vector<64x128xf32>, vector<10000x128xf32> -> vector<10000x128xf32>
    %get3A_45 = arith.constant 0 : index
    %get3A_46 = arith.constant 0 : index
    %get3A_47 = vector.load %arg6[%get3A_45, %get3A_46] : memref<1x128xf32, #tpu.memory_space<vmem>>, vector<1x128xf32>
    %add3A_48 = vector.broadcast %get3A_47 : vector<1x128xf32> to vector<10000x128xf32>
    %add3A_49 = arith.addf %dot_general3A_44, %add3A_48 : vector<10000x128xf32>
    %swap3A = arith.constant 0 : index
    %swap3A_50 = arith.constant 0 : index
    %swap3A_51 = vector.load %arg7[%swap3A, %swap3A_50] : memref<10000x128xf32, #tpu.memory_space<vmem>>, vector<10000x128xf32>
    tpu.vector_store %arg7[%swap3A, %swap3A_50], %add3A_49 {strides = array<i32>} : memref<10000x128xf32, #tpu.memory_space<vmem>>, vector<10000x128xf32>,
    return
  }
}

</mosaic_0001>

<sc_bundles>
// kernel: kernel.5.cloned.1.call-start
scs
__scs_entry_jumppad:
0x0: {  	(pc) =	sbr.rel $0x88, $3  }
0x1: {  	(tag) =	ssettag $0x0;
	lr =	simm.s32 $0x1  }
0x2: {  	[smem:$0x3F97] =	sst lr;
	_ =	strace $0xD0000000  }
0x3: {  	_ = 	snop  }
0x4: {  	_ = 	snop  }
0x5: {  	_ = 	snop  }
0x6: {  	_ = 	snop  }
0x7: {  	_ = 	snop  }
__scs_overlays_trampoline_lowered:
0x8: {  	[smem:$0x3FA6] =	sst s0  }
0x9: {  	[smem:$0x3FA7] =	sst s1  }
0xa: {  	[smem:$0x3FA8] =	sst s2  }
0xb: {  	[smem:$0x3FA9] =	sst s3  }
0xc: {  	[smem:$0x3FAA] =	sst s4  }
0xd: {  	[smem:$0x3FAB] =	sst s5  }
0xe: {  	[smem:$0x3FAC] =	sst s6  }
0xf: {  	[smem:$0x3FAD] =	sst s7  }
0x10: {  	[smem:$0x3FAE] =	sst s8  }
0x11: {  	[smem:$0x3FAF] =	sst s9;
	s0 =	simm.s32 @!p0 $0x0  }
0x12: {  	s1 =	sld [smem:$0x3F95];
	s0 =	simm.s32 @p0 $0x1  }
0x13: {  	[smem:$0x3FB0] =	sst s0;
	s0 =	simm.s32 @!p1 $0x0  }
0x14: {  	s2 =	sld [smem:$0x3F94];
	s0 =	simm.s32 @p1 $0x1  }
0x15: {  	[smem:$0x3FB1] =	sst s0;
	s0 =	simm.s32 @!p2 $0x0  }
0x16: {  	s3 =	sld [smem:$0x3FDB];
	s0 =	simm.s32 @p2 $0x1  }
0x17: {  	s4 =	simm.s32 $0x1BF5;
	[smem:$0x3FB3] =	sst s0  }
0x18: {  	s0 =	sld [smem:$0x3F96];
	_ =	swait.ge [sflag:s4], $0x0  }
0x19: {  	s7 =	sld [smem:$0x3F97]  }
0x1a: {  	s8 =	sadd.s32 $0xFFFFE003, lr  }
0x1b: {  	s9 =	sadd.s32 $0xFFFFFEF7, lr;
	s5 =	simm.s32 $0xFFFFFFFF;
	p2 =	slt.u32 s8, $0xFFFFF086  }
0x1c: {  	p1 =	slt.u32 s9, $0xF7A;
	s5 =	simm.s32 @!p2 $0x0  }
0x1d: {  	s5 =	simm.s32 @p1 $0x1;
	p0 =	seq.s32 s7, s2  }
0x1e: {  	s7 =	smul.u32 @!p0 $0xF7A, s2;
	p2 =	seq.s32 @!p0 s5, $0x0  }
0x1f: {  	s9 =	smul.u32 $0xF7A, s1;
	s8 =	simm.s32 @!p0 $0x1BF5;
	p2 =	por !p2, p0  }
0x20: {  	[sflag:s8] =	ssyncset.s32 @!p0 $0xFFFFF086;
	s6 =	sadd.s32 @!p0 s3, s7;
	s7 =	simm.s32 @!p0 $0x108  }
0x21: {  	s3 =	sadd.s32 s3, s9;
	s6 =	sadd.s32 @!p0 $0x88, s6;
	s7 =	simm.s32 @p2 $0x1082  }
0x22: {  	[simem:s7], [sflag:s8] =	dma.local @!p0 [hbm:s6], $0xF7A  }
0x23: {  	s9 =	sor.u32 $0xD0000000, s2;
	s6 =	simm.s32 $0x108;
	_ =	swait.ge @!p0 [sflag:s8], $0x0  }
0x24: {  	s3 =	sadd.s32 $0x88, s3;
	s6 =	simm.s32 @!p1 $0x1082;
	[sflag:s4] =	ssyncset.s32 $0xFFFFF086  }
0x25: {  	[simem:s6], [sflag:s4] =	dma.local [hbm:s3], $0xF7A  }
0x26: {  	[smem:$0x3F97] =	sst s1;
	(tag) =	ssettag s2;
	_ =	strace s9  }
0x27: {  	s1 =	sld [smem:$0x3FA7]  }
0x28: {  	s2 =	sld [smem:$0x3FA8]  }
0x29: {  	s4 =	sld [smem:$0x3FAA]  }
0x2a: {  	p0 =	seq.s32 s5, $0x0;
	s5 =	sld [smem:$0x3FAB]  }
0x2b: {  	s6 =	sld [smem:$0x3FAC]  }
0x2c: {  	s7 =	sld [smem:$0x3FAD]  }
0x2d: {  	s3 =	simm.s32 $0x108;
	s8 =	sld [smem:$0x3FAE]  }
0x2e: {  	s3 =	simm.s32 @!p0 $0x1082;
	s9 =	sld [smem:$0x3FAF]  }
0x2f: {  	lr =	sadd.s32 s0, s3;
	s0 =	sld [smem:$0x3FA6]  }
0x30: {  	s3 =	sld [smem:$0x3FA9]  }
0x31: {  	[smem:$0x3FB2] =	sst s10  }
0x32: {  	s10 =	sld [smem:$0x3FB0];
	_ =	sdelay $0x3  }
0x33: {  	p0 =	seq.s32 s10, $0x1;
	s10 =	sld [smem:$0x3FB2];
	_ =	sdelay $0x3  }
0x34: {  	[smem:$0x3FB2] =	sst s10  }
0x35: {  	s10 =	sld [smem:$0x3FB1];
	_ =	sdelay $0x3  }
0x36: {  	p1 =	seq.s32 s10, $0x1;
	s10 =	sld [smem:$0x3FB2];
	_ =	sdelay $0x3  }
0x37: {  	[smem:$0x3FB2] =	sst s10  }
0x38: {  	s10 =	sld [smem:$0x3FB3]  }
0x39: {  	_ = 	snop;
	(pc) =	sbr.ind lr, $3  }
0x3a: {  	_ = 	snop  }
0x3b: {  	_ = 	snop  }
0x3c: {  	p2 =	seq.s32 s10, $0x1;
	s10 =	sld [smem:$0x3FB2]  }
0x3d: {  	_ =	shalt  }
0x3e: {  	_ =	shalt  }
0x3f: {  	_ =	shalt  }
0x40: {  	_ =	shalt  }
0x41: {  	_ =	shalt  }
0x42: {  	_ =	shalt  }
0x43: {  	_ =	shalt  }
0x44: {  	_ =	shalt  }
0x45: {  	_ =	shalt  }
0x46: {  	_ =	shalt  }
0x47: {  	_ =	shalt  }
0x48: {  	_ =	shalt  }
0x49: {  	_ =	shalt  }
0x4a: {  	_ =	shalt  }
0x4b: {  	_ =	shalt  }
0x4c: {  	_ =	shalt  }
0x4d: {  	_ =	shalt  }
0x4e: {  	_ =	shalt  }
0x4f: {  	_ =	shalt  }
0x50: {  	_ =	shalt  }
0x51: {  	_ =	shalt  }
0x52: {  	_ =	shalt  }
0x53: {  	_ =	shalt  }
0x54: {  	_ =	shalt  }
0x55: {  	_ =	shalt  }
0x56: {  	_ =	shalt  }
0x57: {  	_ =	shalt  }
0x58: {  	_ =	shalt  }
0x59: {  	_ =	shalt  }
0x5a: {  	_ =	shalt  }
0x5b: {  	_ =	shalt  }
0x5c: {  	_ =	shalt  }
0x5d: {  	_ =	shalt  }
0x5e: {  	_ =	shalt  }
0x5f: {  	_ =	shalt  }
0x60: {  	_ =	shalt  }
0x61: {  	_ =	shalt  }
0x62: {  	_ =	shalt  }
0x63: {  	_ =	shalt  }
0x64: {  	_ =	shalt  }
0x65: {  	_ =	shalt  }
0x66: {  	_ =	shalt  }
0x67: {  	_ =	shalt  }
0x68: {  	_ =	shalt  }
0x69: {  	_ =	shalt  }
0x6a: {  	_ =	shalt  }
0x6b: {  	_ =	shalt  }
0x6c: {  	_ =	shalt  }
0x6d: {  	_ =	shalt  }
0x6e: {  	_ =	shalt  }
0x6f: {  	_ =	shalt  }
0x70: {  	_ =	shalt  }
0x71: {  	_ =	shalt  }
0x72: {  	_ =	shalt  }
0x73: {  	_ =	shalt  }
0x74: {  	_ =	shalt  }
0x75: {  	_ =	shalt  }
0x76: {  	_ =	shalt  }
0x77: {  	_ =	shalt  }
0x78: {  	_ =	shalt  }
0x79: {  	_ =	shalt  }
0x7a: {  	_ =	shalt  }
0x7b: {  	_ =	shalt  }
0x7c: {  	_ =	shalt  }
0x7d: {  	_ =	shalt  }
0x7e: {  	_ =	shalt  }
0x7f: {  	_ =	shalt  }
0x80: {  	_ =	shalt  }
0x81: {  	_ =	shalt  }
0x82: {  	_ =	shalt  }
0x83: {  	_ =	shalt  }
0x84: {  	_ =	shalt  }
0x85: {  	_ =	shalt  }
0x86: {  	_ =	shalt  }
0x87: {  	_ =	shalt  }
.Lfunc_end0:
.L_simem_size_0:
called_computation_lowered:
.L_overlay_start_0:
0x88: {  	s2 =	sld [smem:$0x3FD9]  }
0x89: {  	s3 =	sld [smem:$0x3FFE];
	_ =	sdelay $0x1  }
0x8a: {  	s1 =	srdreg.scid  }
0x8b: {  	s0 =	sand.u32 $0x1, s1  }
0x8c: {  	s17 =	sshll.u32 s0, $0xA;
	s2 =	sadd.s32 s3, s2  }
0x8d: {  	s2 =	sadd.s32 s2, s17  }
0x8e: {  	[smem:$0x3FBE] =	sst s2  }
0x8f: {  	_ = 	snop  }
0x90: {  	s2 =	sld [smem:$0x3FD0];
	(tm) =	ssettm $0x1  }
0x91: {  	s18 =	sld [smem:$0x3FFB];
	_ =	sdelay $0x3  }
0x92: {  	_ =	strace s18  }
0x93: {  	s3 =	sld [smem:$0x3FFC];
	_ =	sdelay $0x3  }
0x94: {  	_ =	strace s3  }
0x95: {  	s3 =	sld [smem:$0x3FFD];
	_ =	sdelay $0x3  }
0x96: {  	_ =	strace s3  }
0x97: {  	_ =	strace $0x8FFFFFFF  }
0x98: {  	s19 =	sld [smem:$0x3FDB];
	_ =	sdelay $0x1  }
0x99: {  	s4 =	simm.s32 $_scs_section_size  }
0x9a: {  	s5 =	simm.s32 $_size__tile_overlayer_lowered;
	s6 =	simm.s32 $_tile_overlayer_lowered  }
0x9b: {  	s22 =	simm.s32 $0x1BFF;
	s21 =	sshll.u32 s6, $0x1;
	s3 =	sadd.s32 s4, s19  }
0x9c: {  	s7 =	simm.s32 $0x0;
	s20 =	sshll.u32 s5, $0x1;
	s5 =	sadd.s32 s21, s3  }
0x9d: {  	[timem:s7], [sflag:s22] =	dma.local [hbm:s5], s20  }
0x9e: {  	_ =	swait.ge [sflag:s22], s20  }
0x9f: {  	s4 =	ssub.s32 $0x0, s20;
	[sflag:s22] =	ssyncset.done $0x0  }
0xa0: {  	[sflag:s22] =	ssyncadd.s32 s4;
	_ =	sdelay $0x1  }
0xa1: {  	s23 =	simm.s32 $0x1B8B  }
0xa2: {  	_ =	swait.ge [sflag:s23], $0x1  }
0xa3: {  	[sflag:s23] =	ssyncset.done $0x0  }
0xa4: {  	s25 =	simm.s32 $0x1B8E;
	s24 =	sld [smem:$0x3FFE];
	[sflag:s23] =	ssyncadd.s32 $0xFFFFFFFF  }
0xa5: {  	s26 =	simm.s32 $execute0_lowered;
	[smem:$0x3FD2] =	sst s25  }
0xa6: {  	s5 =	sshll.u32 s26, $0x1;
	_ =	strace $0x80000046;
	[dreg:$0x1] =	wrdreg $0xFFFFFFFF  }
0xa7: {  	s28 =	simm.s32 $_size_execute0_lowered;
	s3 =	sadd.s32 s3, s5;
	[dreg:$0x0] =	wrdreg $0x0  }
0xa8: {  	s5 =	sshll.u32 s28, $0x1;
	[dreg:$0x2] =	wrdreg s3  }
0xa9: {  	[dreg:$0x3] =	wrdreg s5  }
0xaa: {  	[dreg:$0x4] =	wrdreg $0xC0  }
0xab: {  	_ =	task [dreg:s7], $0x5FFFF  }
0xac: {  	[dreg:$0x1] =	wrdreg $0xFFFFFFFF  }
0xad: {  	[dreg:$0x0] =	wrdreg $0x60  }
0xae: {  	[dreg:$0x2] =	wrdreg s2  }
0xaf: {  	[dreg:$0x3] =	wrdreg s24  }
0xb0: {  	[dreg:$0x4] =	wrdreg $0x8A000  }
0xb1: {  	[dreg:$0x5] =	wrdreg $0x9  }
0xb2: {  	_ =	task.clear_ibuf [dreg:s7], $0x6FFFF;
	_ =	strace $0x90000046  }
0xb3: {  	s29 =	simm.s32 $0x9;
	_ =	strace $0x80000048  }
0xb4: {  	_ =	swait.ge [sflag:s29], $0x1  }
0xb5: {  	[sflag:s29] =	ssyncadd.s32 $0xFFFFFFFF  }
0xb6: {  	_ =	strace $0x90000048  }
0xb7: {  	_ =	sfence  }
0xb8: {  	s30 =	sld [smem:$0x0];
	_ =	sdelay $0x2  }
0xb9: {  	s31 =	sshll.u32 s1, $0xD;
	s1 =	sshrl.u32 s1, $0x2  }
0xba: {  	s3 =	sand.u32 $0x4000, s31;
	s1 =	sadd.s32 s1, s30  }
0xbb: {  	s0 =	sor.u32 s3, s0;
	s1 =	sshll.u32 s1, $0x11  }
0xbc: {  	s0 =	sor.u32 s1, s0  }
0xbd: {  	s0 =	sadd.s32 $0x8F2B, s0  }
0xbe: {  	[sflag:s0] =	ssyncadd.remote.s32 $0x1  }
0xbf: {  	_ =	sfence.sel $0xFFFF  }
0xc0: {  	[dreg:$0x0] =	wrdreg $0xFFFFFFFF;
	(pc) =	sbr.abs _section_cstart, $3  }
0xc1: {  	[dreg:$0x1] =	wrdreg $0xFFFFFFFF  }
0xc2: {  	_ =	task.clear_ibuf [dreg:s7], $0x2FFFF;
	_ =	strace $0x9FFFFFFF  }
0xc3: {  	(tm) =	ssettm $0x7FFFFFFF  }
tec
execute0_lowered:
.L_overlay_start_1:
0x0: {  	(tag) =	ssettag $0x1  }
0x1: {  	s1 =	rddreg [dreg:$0x0]  }
0x2: {  	s0 =	rddreg [dreg:$0x1]  }
0x3: {  	s3 =	rddreg [dreg:$0x2];
	s4 =	simm.s32 $0x0;
	s12 =	stileid.u32  }
0x4: {  	s2 =	srdreg.scid;
	s29 =	simm.s32 $0x40;
	s31 =	simm.s32 $0xC0  }
0x5: {  	[smem:$0x7FF] =	sst s4;
	s8 =	smul.u32 $0x16800, s12;
	s2 =	sand.u32 $0x1, s2  }
0x6: {  	s5 =	sadd.s32 $0x1400, s0;
	s6 =	sadd.s32 $0x1F200, s0;
	s7 =	sadd.s32 $0x15400, s0  }
0x7: {  	_ =	strace $0x80000047;
	s9 =	smul.u32 $0x168000, s2;
	s11 =	sshll.u32 s2, $0x4  }
0x8: {  	s2 =	ssub.s32 $0x2, s2;
	s10 =	sshrl.u32 s8, $0x3;
	s11 =	sor.u32 s12, s11  }
0x9: {  	s30 =	sshrl.u32 s2, $0x1;
	s12 =	sshll.u32 s12, $0x6;
	s10 =	sadd.s32 s10, s0  }
0xa: {  	s9 =	sadd.s32 s8, s9;
	s11 =	smul.u32 $0x2740, s11;
	s8 =	sadd.s32 s8, s3  }
0xb: {  	s2 =	ssub.s32 s2, s30;
	s12 =	sor.u32 $0x1C0B, s12;
	[dreg:$0x4] =	wrdreg s8  }
0xc: {  	s9 =	sshrl.u32 s9, $0x3;
	s13 =	sadd.s32 $0x29000, s10;
	[dreg:$0x6] =	wrdreg s12  }
0xd: {  	s30 =	smax.u32 s2, $0x1;
	s2 =	simm.s32 $0x140;
	[dreg:$0x5] =	wrdreg s13  }
0xe: {  	s10 =	simm.s32 $0x7;
	s24 =	sadd.s32 $0x140, s11;
	[dreg:$0x16] =	wrdreg s30  }
0xf: {  	s0 =	sadd.s32 s9, s0;
	s25 =	sadd.s32 $0x180, s11;
	[dreg:$0x11] =	wrdreg s24  }
0x10: {  	s14 =	sshrl.u32 s11, $0x3;
	s26 =	sadd.s32 $0x1C0, s11;
	[dreg:$0x12] =	wrdreg s25  }
0x11: {  	s28 =	sadd.s32 $0x200, s11;
	s11 =	simm.s32 $0x1;
	[dreg:$0x13] =	wrdreg s26  }
0x12: {  	s13 =	simm.s32 $0x0;
	s15 =	sadd.s32 s6, s14;
	[dreg:$0x14] =	wrdreg s28  }
0x13: {  	s16 =	sadd.s32 s7, s14;
	s17 =	sadd.s32 $0x8, s14;
	[dreg:$0x7] =	wrdreg s15  }
0x14: {  	s19 =	sadd.s32 $0x10, s14;
	s0 =	sadd.s32 $0x56000, s0;
	[dreg:$0x8] =	wrdreg s16  }
0x15: {  	s21 =	sadd.s32 $0x18, s14;
	s18 =	sadd.s32 s6, s17;
	[dreg:$0x15] =	wrdreg s0  }
0x16: {  	s8 =	sadd.s32 $0x20, s14;
	s9 =	sadd.s32 s7, s17;
	[dreg:$0x9] =	wrdreg s18  }
0x17: {  	s14 =	simm.s32 $0x2;
	s20 =	sadd.s32 s6, s19;
	[dreg:$0xa] =	wrdreg s9  }
0x18: {  	s25 =	simm.s32 $0x8;
	s22 =	sadd.s32 s6, s21;
	[dreg:$0xb] =	wrdreg s20  }
0x19: {  	s26 =	simm.s32 $0x9;
	s23 =	sadd.s32 s6, s8;
	[dreg:$0xd] =	wrdreg s22  }
0x1a: {  	s8 =	sadd.s32 s7, s8;
	s17 =	simm.s32 $0x5;
	[dreg:$0xf] =	wrdreg s23  }
0x1b: {  	s9 =	sadd.s32 s7, s19;
	[dreg:$0x10] =	wrdreg s8;
	s8 =	simm.s32 $0xB  }
0x1c: {  	s18 =	simm.s32 $0x6;
	s19 =	simm.s32 $0x2200;
	s20 =	simm.s32 $0x3  }
0x1d: {  	v0 =	vimm.f32 $0.0e+00;
	vm0 =	vcmask $0x300;
	s22 =	simm.s32 $0xA;
	[dreg:$0xc] =	wrdreg s9;
	s9 =	sadd.s32 s7, s21  }
0x1e: {  	v0 =	vsel vm0, $0x3F800000, v0;
	s21 =	simm.s32 $0x4;
	[dreg:$0xe] =	wrdreg s9;
	s9 =	simm.s32 $0x1C0  }
.LBB2_1:
0x1f: {  	[dreg:$0x17] =	wrdreg s13  }
0x20: {  	s0 =	rddreg [dreg:$0x4]  }
0x21: {  	s30 =	rddreg [dreg:$0x5];
	s28 =	sshrl.u32 s0, $0x3  }
0x22: {  	[dreg:$0x18] =	wrdreg s28  }
0x23: {  	[spmem:s28], [sflag:s12] =	dma.local [hbm:s30], $0x2D00  }
0x24: {  	_ =	swait.ge [sflag:s8], $0x2D00  }
0x25: {  	[sflag:s8] =	ssyncset.done $0x0  }
0x26: {  	s0 =	simm.s32 $0x440;
	[sflag:s8] =	ssyncadd.s32 $0xFFFFD300;
	s8 =	simm.s32 $0x80  }
.LBB2_2:
0x27: {  	p0 =	sne.s32 s0, $0x8FC0;
	[tilespmem:s8+$0x2200] =	vst v0;
	s12 =	smov.u32 s0;
	s0 =	sadd.s32 $0x240, s0  }
.Ltmp0:
0x28: {  	[tilespmem:s8+$0x6600] =	vst v0;
	(pc) =	sbr.rel @p0 .LBB2_2-.Ltmp0, $2  }
0x29: {  	_ =	sdelay $0x2  }
0x2a: {  	s8 =	sshra.s32 s12, $0x2  }
0x2b: {  	[tilespmem:s8+$0x2200] =	vst v0  }
0x2c: {  	[tilespmem:s8+$0x6600] =	vst v0  }
0x2d: {  	[bflag:$0x0] =	sbarrier.arrive $0xFFFF  }
0x2e: {  	s0 =	rddreg [dreg:$0x7]  }
0x2f: {  	[tilespmem:s4], [sflag:$0x1] =	stream.linear.gather [hbm4b:s0+s4], $0x40, $0x38;
	[tilespmem:$0x1F200] =	vst v63  }
0x30: {  	s12 =	rddreg [dreg:$0x8]  }
0x31: {  	[tilespmem:s29], [sflag:$0x1] =	stream.linear.gather [hbm4b:s12+s4], $0x40, $0x38;
	[tilespmem:$0x1F200] =	vst v63  }
0x32: {  	s8 =	simm.s32 $0x80;
	s13 =	rddreg [dreg:$0x9]  }
0x33: {  	[tilespmem:s8], [sflag:$0x2] =	stream.linear.gather [hbm4b:s13+s4], $0x40, $0x38;
	[tilespmem:$0x1F200] =	vst v63  }
0x34: {  	s15 =	rddreg [dreg:$0xa]  }
0x35: {  	[tilespmem:s31], [sflag:$0x2] =	stream.linear.gather [hbm4b:s15+s4], $0x40, $0x38;
	[tilespmem:$0x1F200] =	vst v63  }
0x36: {  	s16 =	rddreg [dreg:$0xb];
	s12 =	simm.s32 $0x100  }
0x37: {  	[tilespmem:s12], [sflag:$0x3] =	stream.linear.gather [hbm4b:s16+s4], $0x40, $0x38;
	[tilespmem:$0x1F200] =	vst v63  }
0x38: {  	s23 =	rddreg [dreg:$0xc]  }
0x39: {  	[tilespmem:s2], [sflag:$0x3] =	stream.linear.gather [hbm4b:s23+s4], $0x40, $0x38;
	[tilespmem:$0x1F200] =	vst v63  }
0x3a: {  	s30 =	simm.s32 $0x180;
	s24 =	rddreg [dreg:$0xd]  }
0x3b: {  	[tilespmem:s30], [sflag:$0x4] =	stream.linear.gather [hbm4b:s24+s4], $0x40, $0x38;
	[tilespmem:$0x1F200] =	vst v63  }
0x3c: {  	s13 =	rddreg [dreg:$0xe]  }
0x3d: {  	[tilespmem:s9], [sflag:$0x4] =	stream.linear.gather [hbm4b:s13+s4], $0x40, $0x38;
	[tilespmem:$0x1F200] =	vst v63  }
0x3e: {  	_ =	swait.ge [sflag:s11], $0x40  }
0x3f: {  	[sflag:s11] =	ssyncset.done $0x0  }
0x40: {  	[sflag:s11] =	ssyncadd.s32 $0xFFFFFFC0  }
0x41: {  	_ =	swait.ge [sflag:s11], $0x40  }
0x42: {  	[sflag:s11] =	ssyncset.done $0x0  }
0x43: {  	s15 =	simm.s32 $0x200;
	[sflag:s11] =	ssyncadd.s32 $0xFFFFFFC0  }
0x44: {  	[tilespmem:s15], [sflag:$0x5] =	stream.indirect.gather [hbm4b:s1+s29], $0x40, s29, s29, $0xb8;
	[tilespmem:$0x1F200] =	vst v63  }
0x45: {  	s16 =	simm.s32 $0x1200  }
0x46: {  	[tilespmem:s16], [sflag:$0x6] =	stream.indirect.gather [hbm4b:s5+s29], $0x40, s4, s29, $0xb8;
	[tilespmem:$0x1F200] =	vst v63  }
0x47: {  	_ =	swait.ge [sflag:s14], $0x40  }
0x48: {  	[sflag:s14] =	ssyncset.done $0x0  }
0x49: {  	[sflag:s14] =	ssyncadd.s32 $0xFFFFFFC0  }
0x4a: {  	_ =	swait.ge [sflag:s14], $0x40  }
0x4b: {  	[sflag:s14] =	ssyncset.done $0x0  }
0x4c: {  	s23 =	simm.s32 $0x4600;
	[sflag:s14] =	ssyncadd.s32 $0xFFFFFFC0  }
0x4d: {  	[tilespmem:s23], [sflag:$0x8] =	stream.indirect.gather [hbm4b:s1+s29], $0x40, s31, s29, $0xb8;
	[tilespmem:$0x1F200] =	vst v63  }
0x4e: {  	s24 =	simm.s32 $0x5600  }
0x4f: {  	[tilespmem:s24], [sflag:$0x9] =	stream.indirect.gather [hbm4b:s5+s29], $0x40, s8, s29, $0xb8;
	[tilespmem:$0x1F200] =	vst v63  }
0x50: {  	_ =	swait.ge [sflag:s17], $0x1000  }
0x51: {  	[sflag:s17] =	ssyncset.done $0x0  }
0x52: {  	[sflag:s17] =	ssyncadd.s32 $0xFFFFF000  }
0x53: {  	_ =	swait.ge [sflag:s18], $0x1000  }
0x54: {  	[sflag:s18] =	ssyncset.done $0x0  }
0x55: {  	s30 =	simm.s32 $0x280;
	[sflag:s18] =	ssyncadd.s32 $0xFFFFF000  }
0x56: {  	s15 =	simm.s32 $0x1280;
	v1 =	vld [tilespmem:s30+$0x40]  }
0x57: {  	v2 =	vld [tilespmem:s15+$0x40];
	_ =	sdelay $0x4  }
0x58: {  	v5 =	vld [tilespmem:s15+$0xFFFFFF80];
	v3 =	vunpack.i.l.bf16.f32 v1;
	v4 =	vunpack.i.l.bf16.f32 v2  }
0x59: {  	v6 =	vld [tilespmem:s15+$0xFFFFFFC0];
	v1 =	vunpack.i.u.bf16.f32 v1;
	v2 =	vunpack.i.u.bf16.f32 v2;
	v3 =	vadd.f32 v4, v3  }
0x5a: {  	v1 =	vadd.f32 v2, v1;
	v2 =	vld [tilespmem:s30+$0xFFFFFF80]  }
0x5b: {  	s23 =	simm.s32 $0x2320;
	v4 =	vld [tilespmem:s30+$0xFFFFFFC0];
	v3 =	vmax.f32 v3, $0.0e+00  }
0x5c: {  	v1 =	vmax.f32 v1, $0.0e+00;
	[tilespmem:s23+$0x90] =	vst v3  }
0x5d: {  	[tilespmem:s23+$0xA0] =	vst v1  }
0x5e: {  	v11 =	vunpack.i.l.bf16.f32 v6;
	v6 =	vunpack.i.u.bf16.f32 v6;
	v3 =	vunpack.i.u.bf16.f32 v5;
	v1 =	vld [tilespmem:s30+$0x50]  }
0x5f: {  	v5 =	vunpack.i.l.bf16.f32 v5;
	v7 =	vld [tilespmem:s15+$0x50];
	v9 =	vunpack.i.u.bf16.f32 v2;
	v2 =	vunpack.i.l.bf16.f32 v2  }
0x60: {  	v8 =	vunpack.i.l.bf16.f32 v4;
	v4 =	vunpack.i.u.bf16.f32 v4;
	v2 =	vadd.f32 v5, v2  }
0x61: {  	v10 =	vld [tilespmem:s30+$0x0];
	v3 =	vadd.f32 v3, v9;
	v4 =	vadd.f32 v6, v4  }
0x62: {  	v5 =	vld [tilespmem:s15+$0x0];
	v8 =	vadd.f32 v11, v8  }
0x63: {  	v2 =	vmax.f32 v2, $0.0e+00;
	v3 =	vmax.f32 v3, $0.0e+00;
	v4 =	vmax.f32 v4, $0.0e+00  }
0x64: {  	[tilespmem:s23+$0xFFFFFEE0] =	vst v2;
	v2 =	vmax.f32 v8, $0.0e+00;
	v6 =	vunpack.i.l.bf16.f32 v1;
	v8 =	vunpack.i.l.bf16.f32 v7  }
0x65: {  	[tilespmem:s23+$0xFFFFFEF0] =	vst v3;
	v1 =	vunpack.i.u.bf16.f32 v1;
	v3 =	vunpack.i.u.bf16.f32 v7;
	v6 =	vadd.f32 v8, v6  }
0x66: {  	v7 =	vunpack.i.u.bf16.f32 v10;
	[tilespmem:s23+$0xFFFFFF80] =	vst v4;
	v1 =	vadd.f32 v3, v1;
	v9 =	vld [tilespmem:s15+$0xFFFFFF90]  }
0x67: {  	v8 =	vld [tilespmem:s30+$0xFFFFFF90];
	[tilespmem:s23+$0xFFFFFF70] =	vst v2;
	v2 =	vunpack.i.l.bf16.f32 v10;
	v3 =	vunpack.i.l.bf16.f32 v5;
	v4 =	vmax.f32 v6, $0.0e+00  }
0x68: {  	v5 =	vunpack.i.u.bf16.f32 v5;
	v2 =	vadd.f32 v3, v2;
	v3 =	vld [tilespmem:s30+$0xFFFFFFD0];
	v1 =	vmax.f32 v1, $0.0e+00;
	[tilespmem:s23+$0xB0] =	vst v4  }
0x69: {  	v4 =	vadd.f32 v5, v7;
	v5 =	vld [tilespmem:s15+$0xFFFFFFD0];
	[tilespmem:s23+$0xC0] =	vst v1  }
0x6a: {  	v1 =	vmax.f32 v2, $0.0e+00;
	v2 =	vld [tilespmem:s30+$0x60]  }
0x6b: {  	v4 =	vmax.f32 v4, $0.0e+00;
	[tilespmem:s23+$0x0] =	vst v1;
	v1 =	vld [tilespmem:s15+$0x60];
	v6 =	vunpack.i.l.bf16.f32 v9  }
0x6c: {  	v9 =	vunpack.i.u.bf16.f32 v9;
	[tilespmem:s23+$0x10] =	vst v4;
	v4 =	vunpack.i.l.bf16.f32 v8;
	v8 =	vunpack.i.u.bf16.f32 v8  }
0x6d: {  	v4 =	vadd.f32 v6, v4;
	v6 =	vunpack.i.u.bf16.f32 v3;
	v3 =	vunpack.i.l.bf16.f32 v3  }
0x6e: {  	v7 =	vld [tilespmem:s30+$0x10];
	v8 =	vadd.f32 v9, v8;
	v10 =	vunpack.i.u.bf16.f32 v5;
	v5 =	vunpack.i.l.bf16.f32 v5  }
0x6f: {  	v9 =	vld [tilespmem:s15+$0x10];
	v4 =	vmax.f32 v4, $0.0e+00;
	v3 =	vadd.f32 v5, v3  }
0x70: {  	[tilespmem:s23+$0xFFFFFF00] =	vst v4;
	v4 =	vmax.f32 v8, $0.0e+00;
	v8 =	vunpack.i.l.bf16.f32 v2;
	v11 =	vunpack.i.l.bf16.f32 v1  }
0x71: {  	v2 =	vunpack.i.u.bf16.f32 v2;
	v1 =	vunpack.i.u.bf16.f32 v1;
	[tilespmem:s23+$0xFFFFFF10] =	vst v4;
	v4 =	vadd.f32 v11, v8  }
0x72: {  	v6 =	vadd.f32 v10, v6;
	v1 =	vadd.f32 v1, v2;
	v8 =	vld [tilespmem:s30+$0xFFFFFFA0]  }
0x73: {  	v5 =	vunpack.i.u.bf16.f32 v7;
	v2 =	vunpack.i.l.bf16.f32 v7;
	v7 =	vld [tilespmem:s15+$0xFFFFFFA0];
	v4 =	vmax.f32 v4, $0.0e+00  }
0x74: {  	v10 =	vunpack.i.u.bf16.f32 v9;
	v9 =	vunpack.i.l.bf16.f32 v9;
	v1 =	vmax.f32 v1, $0.0e+00;
	[tilespmem:s23+$0xD0] =	vst v4  }
0x75: {  	v3 =	vmax.f32 v3, $0.0e+00;
	v2 =	vadd.f32 v9, v2;
	v4 =	vadd.f32 v10, v5;
	[tilespmem:s23+$0xE0] =	vst v1  }
0x76: {  	[tilespmem:s23+$0xFFFFFF90] =	vst v3;
	v1 =	vmax.f32 v6, $0.0e+00;
	v3 =	vld [tilespmem:s30+$0x70]  }
0x77: {  	v2 =	vmax.f32 v2, $0.0e+00;
	[tilespmem:s23+$0xFFFFFFA0] =	vst v1;
	v5 =	vld [tilespmem:s15+$0x70];
	v4 =	vmax.f32 v4, $0.0e+00;
	v1 =	vunpack.i.u.bf16.f32 v8  }
0x78: {  	[tilespmem:s23+$0x20] =	vst v2;
	v6 =	vunpack.i.l.bf16.f32 v8;
	v2 =	vunpack.i.u.bf16.f32 v7;
	v7 =	vunpack.i.l.bf16.f32 v7;
	v8 =	vld [tilespmem:s30+$0xFFFFFFE0]  }
0x79: {  	[tilespmem:s23+$0x30] =	vst v4;
	v4 =	vadd.f32 v7, v6;
	v1 =	vadd.f32 v2, v1;
	v2 =	vld [tilespmem:s15+$0xFFFFFFE0]  }
0x7a: {  	v6 =	vld [tilespmem:s30+$0x20]  }
0x7b: {  	s24 =	simm.s32 $0x380;
	v9 =	vld [tilespmem:s15+$0x20];
	v4 =	vmax.f32 v4, $0.0e+00;
	v7 =	vmax.f32 v1, $0.0e+00;
	v1 =	vunpack.i.l.bf16.f32 v3  }
0x7c: {  	v15 =	vld [tilespmem:s24+$0xFFFFFFC0];
	v3 =	vunpack.i.u.bf16.f32 v3;
	v10 =	vunpack.i.u.bf16.f32 v5;
	v5 =	vunpack.i.l.bf16.f32 v5  }
0x7d: {  	s8 =	simm.s32 $0x1380;
	v11 =	vld [tilespmem:s24+$0x40];
	v3 =	vadd.f32 v10, v3;
	v1 =	vadd.f32 v5, v1;
	v12 =	vunpack.i.u.bf16.f32 v8  }
0x7e: {  	v10 =	vld [tilespmem:s8+$0x40];
	v8 =	vunpack.i.l.bf16.f32 v8;
	v13 =	vunpack.i.u.bf16.f32 v2;
	v2 =	vunpack.i.l.bf16.f32 v2  }
0x7f: {  	v5 =	vld [tilespmem:s8+$0xFFFFFF80];
	v14 =	vunpack.i.u.bf16.f32 v6;
	v6 =	vunpack.i.l.bf16.f32 v6;
	v2 =	vadd.f32 v2, v8  }
0x80: {  	v8 =	vunpack.i.u.bf16.f32 v9;
	v9 =	vunpack.i.l.bf16.f32 v9;
	v12 =	vadd.f32 v13, v12  }
0x81: {  	v16 =	vld [tilespmem:s8+$0xFFFFFFC0];
	[tilespmem:s23+$0xFFFFFF30] =	vst v7;
	v7 =	vunpack.i.u.bf16.f32 v15;
	v6 =	vadd.f32 v9, v6;
	v8 =	vadd.f32 v8, v14  }
0x82: {  	v18 =	vld [tilespmem:s24+$0xFFFFFF80];
	[tilespmem:s23+$0xFFFFFF20] =	vst v4;
	v14 =	vunpack.i.l.bf16.f32 v11;
	v11 =	vunpack.i.u.bf16.f32 v11;
	v2 =	vmax.f32 v2, $0.0e+00  }
0x83: {  	v13 =	vld [tilespmem:s8+$0x0];
	v17 =	vunpack.i.l.bf16.f32 v10;
	v12 =	vmax.f32 v12, $0.0e+00;
	v10 =	vunpack.i.u.bf16.f32 v10;
	[tilespmem:s23+$0xFFFFFFB0] =	vst v2  }
0x84: {  	v9 =	vld [tilespmem:s24+$0x0];
	v4 =	vunpack.i.u.bf16.f32 v5;
	v14 =	vadd.f32 v17, v14;
	[tilespmem:s23+$0xFFFFFFC0] =	vst v12;
	v6 =	vmax.f32 v6, $0.0e+00  }
0x85: {  	v5 =	vunpack.i.l.bf16.f32 v5;
	v10 =	vadd.f32 v10, v11;
	[tilespmem:s23+$0x40] =	vst v6;
	v6 =	vmax.f32 v8, $0.0e+00  }
0x86: {  	s0 =	simm.s32 $0x2560;
	v11 =	vunpack.i.l.bf16.f32 v15;
	v15 =	vunpack.i.u.bf16.f32 v16;
	v14 =	vmax.f32 v14, $0.0e+00;
	[tilespmem:s23+$0x50] =	vst v6  }
0x87: {  	v16 =	vunpack.i.l.bf16.f32 v16;
	v2 =	vunpack.i.u.bf16.f32 v18;
	v8 =	vld [tilespmem:s30+$0xFFFFFFF0];
	v10 =	vmax.f32 v10, $0.0e+00;
	[tilespmem:s0+$0x90] =	vst v14  }
0x88: {  	v2 =	vadd.f32 v4, v2;
	v7 =	vadd.f32 v15, v7;
	v19 =	vunpack.i.u.bf16.f32 v13;
	v6 =	vld [tilespmem:s15+$0xFFFFFFF0];
	[tilespmem:s0+$0xA0] =	vst v10  }
0x89: {  	v13 =	vunpack.i.l.bf16.f32 v13;
	v49 =	vunpack.i.u.bf16.f32 v9;
	v10 =	vunpack.i.l.bf16.f32 v18;
	v50 =	vld [tilespmem:s24+$0x50]  }
0x8a: {  	v9 =	vunpack.i.l.bf16.f32 v9;
	v2 =	vmax.f32 v2, $0.0e+00;
	v5 =	vadd.f32 v5, v10;
	v4 =	vld [tilespmem:s8+$0x50]  }
0x8b: {  	v14 =	vld [tilespmem:s30+$0xFFFFFFB0];
	v7 =	vmax.f32 v7, $0.0e+00;
	v9 =	vadd.f32 v13, v9;
	v12 =	vadd.f32 v19, v49;
	[tilespmem:s0+$0xFFFFFEF0] =	vst v2  }
0x8c: {  	v11 =	vadd.f32 v16, v11;
	v23 =	vld [tilespmem:s15+$0x30];
	[tilespmem:s0+$0xFFFFFF80] =	vst v7;
	v5 =	vmax.f32 v5, $0.0e+00  }
0x8d: {  	v10 =	vld [tilespmem:s15+$0xFFFFFFB0];
	v2 =	vmax.f32 v9, $0.0e+00;
	v9 =	vmax.f32 v12, $0.0e+00;
	[tilespmem:s0+$0xFFFFFEE0] =	vst v5  }
0x8e: {  	v3 =	vmax.f32 v3, $0.0e+00;
	v5 =	vmax.f32 v11, $0.0e+00;
	v11 =	vld [tilespmem:s30+$0x30];
	[tilespmem:s0+$0x10] =	vst v9  }
0x8f: {  	v9 =	vunpack.i.u.bf16.f32 v8;
	v13 =	vld [tilespmem:s24+$0xFFFFFF90];
	[tilespmem:s0+$0xFFFFFF70] =	vst v5;
	v5 =	vunpack.i.l.bf16.f32 v50;
	v15 =	vunpack.i.l.bf16.f32 v4  }
0x90: {  	[tilespmem:s0+$0x0] =	vst v2;
	v51 =	vld [tilespmem:s8+$0xFFFFFF90];
	v7 =	vunpack.i.u.bf16.f32 v50;
	v4 =	vunpack.i.u.bf16.f32 v4;
	v5 =	vadd.f32 v15, v5  }
0x91: {  	v8 =	vunpack.i.l.bf16.f32 v8;
	v12 =	vunpack.i.u.bf16.f32 v14;
	v52 =	vld [tilespmem:s24+$0x10];
	v2 =	vadd.f32 v4, v7  }
0x92: {  	v14 =	vunpack.i.l.bf16.f32 v14;
	v54 =	vld [tilespmem:s8+$0x10];
	v63 =	vunpack.i.l.bf16.f32 v23;
	v5 =	vmax.f32 v5, $0.0e+00  }
0x93: {  	v15 =	vld [tilespmem:s24+$0xFFFFFFD0];
	v4 =	vunpack.i.u.bf16.f32 v10;
	v7 =	vunpack.i.l.bf16.f32 v10;
	v2 =	vmax.f32 v2, $0.0e+00;
	[tilespmem:s0+$0xB0] =	vst v5  }
0x94: {  	v10 =	vld [tilespmem:s8+$0xFFFFFFD0];
	v7 =	vadd.f32 v7, v14;
	v4 =	vadd.f32 v4, v12;
	v12 =	vmax.f32 v1, $0.0e+00;
	[tilespmem:s0+$0xC0] =	vst v2  }
0x95: {  	v20 =	vunpack.i.u.bf16.f32 v11;
	v11 =	vunpack.i.l.bf16.f32 v11;
	v5 =	vunpack.i.u.bf16.f32 v6;
	v21 =	vld [tilespmem:s24+$0x60]  }
0x96: {  	v6 =	vunpack.i.l.bf16.f32 v6;
	v53 =	vunpack.i.u.bf16.f32 v13;
	v13 =	vunpack.i.l.bf16.f32 v13;
	v22 =	vld [tilespmem:s8+$0x60]  }
0x97: {  	v2 =	vunpack.i.u.bf16.f32 v51;
	v16 =	vunpack.i.l.bf16.f32 v51;
	v57 =	vunpack.i.u.bf16.f32 v52  }
0x98: {  	v17 =	vunpack.i.l.bf16.f32 v52;
	v13 =	vadd.f32 v16, v13;
	v2 =	vadd.f32 v2, v53  }
0x99: {  	v55 =	vunpack.i.u.bf16.f32 v15;
	v15 =	vunpack.i.l.bf16.f32 v15;
	v56 =	vunpack.i.l.bf16.f32 v10  }
0x9a: {  	[tilespmem:s23+$0x100] =	vst v3;
	v58 =	vunpack.i.l.bf16.f32 v54;
	v15 =	vadd.f32 v56, v15;
	v13 =	vmax.f32 v13, $0.0e+00  }
0x9b: {  	v2 =	vmax.f32 v2, $0.0e+00;
	[tilespmem:s0+$0xFFFFFF00] =	vst v13;
	v13 =	vunpack.i.l.bf16.f32 v21;
	v59 =	vunpack.i.l.bf16.f32 v22  }
0x9c: {  	[tilespmem:s0+$0xFFFFFF10] =	vst v2;
	v2 =	vunpack.i.u.bf16.f32 v21;
	v60 =	vunpack.i.u.bf16.f32 v22;
	v13 =	vadd.f32 v59, v13  }
0x9d: {  	[tilespmem:s23+$0xF0] =	vst v12;
	v10 =	vunpack.i.u.bf16.f32 v10;
	v61 =	vld [tilespmem:s24+$0xFFFFFFA0];
	v15 =	vmax.f32 v15, $0.0e+00;
	v2 =	vadd.f32 v60, v2  }
0x9e: {  	v19 =	vunpack.i.u.bf16.f32 v54;
	v10 =	vadd.f32 v10, v55;
	v62 =	vld [tilespmem:s8+$0xFFFFFFA0];
	[tilespmem:s0+$0xFFFFFF90] =	vst v15;
	v13 =	vmax.f32 v13, $0.0e+00  }
0x9f: {  	v16 =	vadd.f32 v58, v17;
	v3 =	vadd.f32 v19, v57;
	v2 =	vmax.f32 v2, $0.0e+00;
	[tilespmem:s0+$0xD0] =	vst v13  }
0xa0: {  	v12 =	vmax.f32 v4, $0.0e+00;
	v6 =	vadd.f32 v6, v8;
	v10 =	vmax.f32 v10, $0.0e+00;
	[tilespmem:s0+$0xE0] =	vst v2  }
0xa1: {  	v8 =	vadd.f32 v5, v9;
	v3 =	vmax.f32 v3, $0.0e+00;
	v15 =	vmax.f32 v16, $0.0e+00;
	[tilespmem:s0+$0xFFFFFFA0] =	vst v10;
	v10 =	vld [tilespmem:s24+$0x70]  }
0xa2: {  	v13 =	vunpack.i.u.bf16.f32 v23;
	v5 =	vunpack.i.u.bf16.f32 v61;
	v9 =	vunpack.i.l.bf16.f32 v61;
	v14 =	vld [tilespmem:s8+$0x70]  }
0xa3: {  	[tilespmem:s0+$0x20] =	vst v15;
	v1 =	vld [tilespmem:s24+$0xFFFFFFE0];
	v2 =	vadd.f32 v63, v11;
	v11 =	vunpack.i.u.bf16.f32 v62;
	v15 =	vunpack.i.l.bf16.f32 v62  }
0xa4: {  	[tilespmem:s0+$0x30] =	vst v3;
	v9 =	vadd.f32 v15, v9;
	v11 =	vadd.f32 v11, v5;
	v5 =	vmax.f32 v7, $0.0e+00;
	v7 =	vld [tilespmem:s8+$0xFFFFFFE0]  }
0xa5: {  	v4 =	vmax.f32 v8, $0.0e+00;
	v8 =	vld [tilespmem:s24+$0x20];
	v3 =	vadd.f32 v13, v20;
	[tilespmem:s23+$0xFFFFFF40] =	vst v5;
	v5 =	vmax.f32 v6, $0.0e+00  }
0xa6: {  	s28 =	simm.s32 $0x480;
	[tilespmem:s23+$0xFFFFFF50] =	vst v12;
	v15 =	vmax.f32 v9, $0.0e+00;
	v13 =	vmax.f32 v11, $0.0e+00;
	v9 =	vld [tilespmem:s8+$0x20];
	v6 =	vunpack.i.l.bf16.f32 v10  }
0xa7: {  	s13 =	simm.s32 $0x80;
	s16 =	simm.s32 $0x4;
	s15 =	simm.s32 $0x1380;
	[tilespmem:s0+$0xFFFFFF20] =	vst v15;
	v11 =	vunpack.i.u.bf16.f32 v10;
	v12 =	vunpack.i.u.bf16.f32 v14;
	v10 =	vunpack.i.l.bf16.f32 v14  }
.LBB2_4:
0xa8: {  	v14 =	vld [tilespmem:s28+$0x40];
	[tilespmem:s0+$0xFFFFFF30] =	vst v13;
	v13 =	vunpack.i.u.bf16.f32 v1;
	v15 =	vunpack.i.l.bf16.f32 v1;
	v11 =	vadd.f32 v12, v11;
	s8 =	sadd.s32 $0x100, s8  }
0xa9: {  	v1 =	vadd.f32 v10, v6;
	v12 =	vld [tilespmem:s8+$0x40];
	v16 =	vunpack.i.u.bf16.f32 v7;
	v7 =	vunpack.i.l.bf16.f32 v7;
	[tilespmem:s23+$0xFFFFFFD0] =	vst v5  }
0xaa: {  	v5 =	vld [tilespmem:s8+$0xFFFFFF80];
	v6 =	vunpack.i.u.bf16.f32 v8;
	v8 =	vunpack.i.l.bf16.f32 v8;
	v10 =	vmax.f32 v11, $0.0e+00;
	[tilespmem:s23+$0xFFFFFFE0] =	vst v4  }
0xab: {  	v7 =	vadd.f32 v7, v15;
	v4 =	vld [tilespmem:s28+$0xFFFFFFC0];
	v11 =	vunpack.i.u.bf16.f32 v9;
	v9 =	vunpack.i.l.bf16.f32 v9;
	[tilespmem:s0+$0x100] =	vst v10  }
0xac: {  	v2 =	vmax.f32 v2, $0.0e+00;
	v13 =	vadd.f32 v16, v13;
	v10 =	vld [tilespmem:s8+$0xFFFFFFC0];
	v8 =	vadd.f32 v9, v8  }
0xad: {  	v7 =	vmax.f32 v7, $0.0e+00;
	v6 =	vadd.f32 v11, v6;
	v9 =	vld [tilespmem:s28+$0x0];
	[tilespmem:s23+$0x60] =	vst v2;
	v2 =	vmax.f32 v3, $0.0e+00  }
0xae: {  	v11 =	vunpack.i.l.bf16.f32 v14;
	v3 =	vld [tilespmem:s8+$0x0];
	v15 =	vunpack.i.l.bf16.f32 v12;
	[tilespmem:s0+$0xFFFFFFB0] =	vst v7;
	v7 =	vmax.f32 v13, $0.0e+00  }
0xaf: {  	s16 =	sadd.s32 $0x4, s16;
	v14 =	vunpack.i.u.bf16.f32 v14;
	v12 =	vunpack.i.u.bf16.f32 v12;
	v13 =	vld [tilespmem:s28+$0xFFFFFF80];
	v11 =	vadd.f32 v15, v11;
	[tilespmem:s0+$0xFFFFFFC0] =	vst v7  }
0xb0: {  	p0 =	slt.u32 s16, $0x3C;
	v7 =	vunpack.i.u.bf16.f32 v5;
	v5 =	vunpack.i.l.bf16.f32 v5;
	v12 =	vadd.f32 v12, v14;
	v14 =	vld [tilespmem:s24+$0xFFFFFFB0];
	[tilespmem:s23+$0x70] =	vst v2;
	s23 =	smov.u32 s0  }
0xb1: {  	v2 =	vunpack.i.u.bf16.f32 v4;
	v4 =	vunpack.i.l.bf16.f32 v4;
	s0 =	sadd.s32 $0x240, s0;
	v11 =	vmax.f32 v11, $0.0e+00;
	v15 =	vld [tilespmem:s15+$0xFFFFFFB0]  }
0xb2: {  	v16 =	vunpack.i.u.bf16.f32 v10;
	v10 =	vunpack.i.l.bf16.f32 v10;
	[tilespmem:s0+$0x90] =	vst v11;
	v11 =	vmax.f32 v12, $0.0e+00;
	v12 =	vld [tilespmem:s24+$0xFFFFFFF0]  }
0xb3: {  	v17 =	vunpack.i.u.bf16.f32 v9;
	v9 =	vunpack.i.l.bf16.f32 v9;
	v18 =	vunpack.i.u.bf16.f32 v3;
	[tilespmem:s0+$0xA0] =	vst v11;
	v11 =	vld [tilespmem:s15+$0xFFFFFFF0]  }
0xb4: {  	v3 =	vunpack.i.l.bf16.f32 v3;
	v19 =	vunpack.i.u.bf16.f32 v13;
	v13 =	vunpack.i.l.bf16.f32 v13;
	v20 =	vld [tilespmem:s28+$0x50]  }
0xb5: {  	v8 =	vmax.f32 v8, $0.0e+00;
	v5 =	vadd.f32 v5, v13;
	v7 =	vadd.f32 v7, v19;
	v13 =	vld [tilespmem:s8+$0x50]  }
0xb6: {  	v6 =	vmax.f32 v6, $0.0e+00;
	v4 =	vadd.f32 v10, v4;
	v2 =	vadd.f32 v16, v2;
	[tilespmem:s23+$0x40] =	vst v8  }
0xb7: {  	v3 =	vadd.f32 v3, v9;
	v8 =	vadd.f32 v18, v17;
	v5 =	vmax.f32 v5, $0.0e+00;
	[tilespmem:s23+$0x50] =	vst v6  }
0xb8: {  	v4 =	vmax.f32 v4, $0.0e+00;
	v2 =	vmax.f32 v2, $0.0e+00;
	[tilespmem:s0+$0xFFFFFEE0] =	vst v5;
	v5 =	vmax.f32 v7, $0.0e+00;
	v6 =	vld [tilespmem:s24+$0x30];
	s24 =	smov.u32 s28  }
0xb9: {  	v3 =	vmax.f32 v3, $0.0e+00;
	v7 =	vunpack.i.u.bf16.f32 v14;
	[tilespmem:s0+$0xFFFFFEF0] =	vst v5;
	v5 =	vmax.f32 v8, $0.0e+00;
	v8 =	vld [tilespmem:s15+$0x30];
	s15 =	smov.u32 s8  }
0xba: {  	v14 =	vunpack.i.l.bf16.f32 v14;
	v9 =	vld [tilespmem:s28+$0xFFFFFF90];
	[tilespmem:s0+$0xFFFFFF70] =	vst v4;
	v4 =	vunpack.i.l.bf16.f32 v20;
	v10 =	vunpack.i.l.bf16.f32 v13  }
0xbb: {  	v13 =	vunpack.i.u.bf16.f32 v13;
	v16 =	vld [tilespmem:s8+$0xFFFFFF90];
	[tilespmem:s0+$0xFFFFFF80] =	vst v2;
	v2 =	vunpack.i.u.bf16.f32 v20;
	v4 =	vadd.f32 v10, v4  }
0xbc: {  	v10 =	vld [tilespmem:s28+$0xFFFFFFD0];
	[tilespmem:s0+$0x0] =	vst v3;
	v2 =	vadd.f32 v13, v2;
	v3 =	vunpack.i.u.bf16.f32 v15;
	v13 =	vunpack.i.l.bf16.f32 v15  }
0xbd: {  	v15 =	vld [tilespmem:s8+$0xFFFFFFD0];
	[tilespmem:s0+$0x10] =	vst v5;
	v4 =	vmax.f32 v4, $0.0e+00;
	v5 =	vunpack.i.u.bf16.f32 v12;
	v12 =	vunpack.i.l.bf16.f32 v12  }
0xbe: {  	v17 =	vld [tilespmem:s28+$0x10];
	[tilespmem:s0+$0xB0] =	vst v4;
	v2 =	vmax.f32 v2, $0.0e+00;
	v4 =	vunpack.i.u.bf16.f32 v11;
	v11 =	vunpack.i.l.bf16.f32 v11  }
0xbf: {  	v20 =	vunpack.i.u.bf16.f32 v6;
	v18 =	vunpack.i.u.bf16.f32 v9;
	v9 =	vunpack.i.l.bf16.f32 v9;
	v19 =	vld [tilespmem:s8+$0x10];
	[tilespmem:s0+$0xC0] =	vst v2  }
0xc0: {  	v6 =	vunpack.i.l.bf16.f32 v6;
	v2 =	vunpack.i.u.bf16.f32 v16;
	v16 =	vunpack.i.l.bf16.f32 v16;
	v21 =	vld [tilespmem:s28+$0x60]  }
0xc1: {  	v9 =	vadd.f32 v16, v9;
	v16 =	vunpack.i.u.bf16.f32 v10;
	v10 =	vunpack.i.l.bf16.f32 v10;
	v22 =	vld [tilespmem:s8+$0x60]  }
0xc2: {  	v2 =	vadd.f32 v2, v18;
	v18 =	vunpack.i.u.bf16.f32 v15;
	v15 =	vunpack.i.l.bf16.f32 v15  }
0xc3: {  	v10 =	vadd.f32 v15, v10;
	v15 =	vunpack.i.u.bf16.f32 v17;
	v17 =	vunpack.i.l.bf16.f32 v17  }
0xc4: {  	v16 =	vadd.f32 v18, v16;
	v18 =	vunpack.i.u.bf16.f32 v19;
	v19 =	vunpack.i.l.bf16.f32 v19  }
0xc5: {  	v9 =	vmax.f32 v9, $0.0e+00;
	v17 =	vadd.f32 v19, v17;
	v15 =	vadd.f32 v18, v15  }
0xc6: {  	v2 =	vmax.f32 v2, $0.0e+00;
	[tilespmem:s0+$0xFFFFFF00] =	vst v9;
	v9 =	vunpack.i.l.bf16.f32 v21;
	v18 =	vunpack.i.l.bf16.f32 v22  }
0xc7: {  	v19 =	vunpack.i.u.bf16.f32 v22;
	[tilespmem:s0+$0xFFFFFF10] =	vst v2;
	v2 =	vunpack.i.u.bf16.f32 v21;
	v9 =	vadd.f32 v18, v9  }
0xc8: {  	v10 =	vmax.f32 v10, $0.0e+00;
	v16 =	vmax.f32 v16, $0.0e+00;
	v18 =	vld [tilespmem:s28+$0xFFFFFFA0];
	v2 =	vadd.f32 v19, v2  }
0xc9: {  	v15 =	vmax.f32 v15, $0.0e+00;
	v19 =	vld [tilespmem:s8+$0xFFFFFFA0];
	[tilespmem:s0+$0xFFFFFF90] =	vst v10;
	v10 =	vmax.f32 v17, $0.0e+00;
	v9 =	vmax.f32 v9, $0.0e+00  }
0xca: {  	[tilespmem:s0+$0xD0] =	vst v9;
	v2 =	vmax.f32 v2, $0.0e+00;
	v9 =	vunpack.i.u.bf16.f32 v8;
	v8 =	vunpack.i.l.bf16.f32 v8  }
0xcb: {  	v13 =	vadd.f32 v13, v14;
	v14 =	vadd.f32 v3, v7;
	v17 =	vmax.f32 v1, $0.0e+00;
	[tilespmem:s0+$0xE0] =	vst v2  }
0xcc: {  	v11 =	vadd.f32 v11, v12;
	v4 =	vadd.f32 v4, v5;
	[tilespmem:s0+$0xFFFFFFA0] =	vst v16;
	v16 =	vld [tilespmem:s28+$0x70]  }
0xcd: {  	v2 =	vadd.f32 v8, v6;
	v5 =	vunpack.i.u.bf16.f32 v18;
	v7 =	vunpack.i.l.bf16.f32 v18;
	[tilespmem:s0+$0x20] =	vst v10;
	v10 =	vld [tilespmem:s8+$0x70]  }
.Ltmp1:
0xce: {  	v3 =	vadd.f32 v9, v20;
	v6 =	vunpack.i.u.bf16.f32 v19;
	v8 =	vunpack.i.l.bf16.f32 v19;
	v1 =	vld [tilespmem:s28+$0xFFFFFFE0];
	[tilespmem:s0+$0x30] =	vst v15;
	(pc) =	sbr.rel @p0 .LBB2_4-.Ltmp1, $4  }
0xcf: {  	v9 =	vadd.f32 v8, v7;
	v6 =	vadd.f32 v6, v5;
	v7 =	vld [tilespmem:s8+$0xFFFFFFE0];
	v5 =	vmax.f32 v13, $0.0e+00;
	[tilespmem:s23+$0xF0] =	vst v17  }
0xd0: {  	v12 =	vmax.f32 v14, $0.0e+00;
	v4 =	vmax.f32 v4, $0.0e+00;
	v8 =	vld [tilespmem:s28+$0x20];
	[tilespmem:s23+$0xFFFFFF40] =	vst v5;
	v5 =	vmax.f32 v11, $0.0e+00  }
0xd1: {  	v11 =	vmax.f32 v9, $0.0e+00;
	v13 =	vmax.f32 v6, $0.0e+00;
	v9 =	vld [tilespmem:s8+$0x20];
	v6 =	vunpack.i.l.bf16.f32 v16;
	[tilespmem:s23+$0xFFFFFF50] =	vst v12  }
0xd2: {  	s28 =	sadd.s32 $0x100, s28;
	[tilespmem:s0+$0xFFFFFF20] =	vst v11;
	v11 =	vunpack.i.u.bf16.f32 v16;
	v12 =	vunpack.i.u.bf16.f32 v10;
	v10 =	vunpack.i.l.bf16.f32 v10  }
0xd3: {  	_ = 	snop  }
0xd4: {  	v14 =	vunpack.i.u.bf16.f32 v1;
	v1 =	vunpack.i.l.bf16.f32 v1;
	v15 =	vunpack.i.l.bf16.f32 v7  }
0xd5: {  	v7 =	vunpack.i.u.bf16.f32 v7;
	v1 =	vadd.f32 v15, v1  }
0xd6: {  	v16 =	vunpack.i.u.bf16.f32 v8;
	v7 =	vadd.f32 v7, v14  }
0xd7: {  	[tilespmem:s0+$0xFFFFFF30] =	vst v13;
	v8 =	vunpack.i.l.bf16.f32 v8;
	v15 =	vunpack.i.l.bf16.f32 v9;
	v1 =	vmax.f32 v1, $0.0e+00  }
0xd8: {  	v9 =	vunpack.i.u.bf16.f32 v9;
	v8 =	vadd.f32 v15, v8;
	[tilespmem:s0+$0xFFFFFFB0] =	vst v1;
	v1 =	vmax.f32 v7, $0.0e+00;
	v7 =	vld [tilespmem:s24+$0xFFFFFFB0]  }
0xd9: {  	v9 =	vadd.f32 v9, v16;
	[tilespmem:s0+$0xFFFFFFC0] =	vst v1;
	v1 =	vld [tilespmem:s15+$0xFFFFFFB0]  }
0xda: {  	v8 =	vmax.f32 v8, $0.0e+00;
	v13 =	vld [tilespmem:s24+$0xFFFFFFF0]  }
0xdb: {  	v6 =	vadd.f32 v10, v6;
	[tilespmem:s0+$0x40] =	vst v8;
	v8 =	vmax.f32 v9, $0.0e+00;
	v9 =	vadd.f32 v12, v11;
	v11 =	vld [tilespmem:s15+$0xFFFFFFF0]  }
0xdc: {  	[tilespmem:s0+$0x50] =	vst v8  }
0xdd: {  	[tilespmem:s23+$0xFFFFFFD0] =	vst v5;
	v2 =	vmax.f32 v2, $0.0e+00;
	v3 =	vmax.f32 v3, $0.0e+00;
	v6 =	vmax.f32 v6, $0.0e+00;
	v8 =	vld [tilespmem:s24+$0x30]  }
0xde: {  	[tilespmem:s23+$0xFFFFFFE0] =	vst v4;
	v5 =	vmax.f32 v9, $0.0e+00;
	v9 =	vld [tilespmem:s15+$0x30];
	v4 =	vunpack.i.u.bf16.f32 v7;
	v7 =	vunpack.i.l.bf16.f32 v7  }
0xdf: {  	[tilespmem:s0+$0x100] =	vst v5;
	v10 =	vunpack.i.u.bf16.f32 v1;
	v1 =	vunpack.i.l.bf16.f32 v1;
	v5 =	vunpack.i.u.bf16.f32 v13  }
0xe0: {  	[tilespmem:s23+$0x60] =	vst v2;
	v12 =	vunpack.i.l.bf16.f32 v13;
	v2 =	vunpack.i.u.bf16.f32 v11;
	v1 =	vadd.f32 v1, v7  }
0xe1: {  	[tilespmem:s23+$0x70] =	vst v3;
	v11 =	vunpack.i.l.bf16.f32 v11;
	v4 =	vadd.f32 v10, v4;
	v2 =	vadd.f32 v2, v5  }
0xe2: {  	[tilespmem:s0+$0xF0] =	vst v6;
	v3 =	vunpack.i.u.bf16.f32 v8;
	v7 =	vunpack.i.l.bf16.f32 v8;
	v1 =	vmax.f32 v1, $0.0e+00  }
0xe3: {  	v8 =	vadd.f32 v11, v12;
	v6 =	vunpack.i.l.bf16.f32 v9;
	[tilespmem:s0+$0xFFFFFF40] =	vst v1;
	v1 =	vmax.f32 v4, $0.0e+00  }
0xe4: {  	v4 =	vunpack.i.u.bf16.f32 v9;
	v5 =	vadd.f32 v6, v7;
	v2 =	vmax.f32 v2, $0.0e+00;
	[tilespmem:s0+$0xFFFFFF50] =	vst v1  }
0xe5: {  	v6 =	vmax.f32 v8, $0.0e+00;
	v1 =	vadd.f32 v4, v3;
	[tilespmem:s0+$0xFFFFFFE0] =	vst v2  }
0xe6: {  	[tilespmem:s0+$0xFFFFFFD0] =	vst v6;
	v2 =	vmax.f32 v5, $0.0e+00  }
0xe7: {  	[tilespmem:s0+$0x60] =	vst v2;
	v1 =	vmax.f32 v1, $0.0e+00  }
0xe8: {  	[tilespmem:s0+$0x70] =	vst v1  }
0xe9: {  	[spmem:s3] =	stream.indirect.scatter.add.f32 [tilespmem:s19], [sflag:$0x7], $0x90, s29, s29, $0xb8;
	[tilespmem:$0x1F200] =	vst v63  }
0xea: {  	_ =	swait.ge [sflag:s20], $0x40  }
0xeb: {  	[sflag:s20] =	ssyncset.done $0x0  }
0xec: {  	[sflag:s20] =	ssyncadd.s32 $0xFFFFFFC0  }
0xed: {  	_ =	swait.ge [sflag:s20], $0x40  }
0xee: {  	[sflag:s20] =	ssyncset.done $0x0  }
0xef: {  	s23 =	simm.s32 $0x200;
	[sflag:s20] =	ssyncadd.s32 $0xFFFFFFC0  }
0xf0: {  	[tilespmem:s23], [sflag:$0x5] =	stream.indirect.gather [hbm4b:s1+s29], $0x40, s2, s29, $0xb8;
	[tilespmem:$0x1F200] =	vst v63  }
0xf1: {  	s8 =	simm.s32 $0x1200;
	s24 =	simm.s32 $0x100  }
0xf2: {  	[tilespmem:s8], [sflag:$0x6] =	stream.indirect.gather [hbm4b:s5+s29], $0x40, s24, s29, $0xb8;
	[tilespmem:$0x1F200] =	vst v63  }
0xf3: {  	_ =	swait.ge [sflag:s25], $0x1000  }
0xf4: {  	[sflag:s25] =	ssyncset.done $0x0  }
0xf5: {  	[sflag:s25] =	ssyncadd.s32 $0xFFFFF000  }
0xf6: {  	_ =	swait.ge [sflag:s26], $0x1000  }
0xf7: {  	[sflag:s26] =	ssyncset.done $0x0  }
0xf8: {  	s12 =	simm.s32 $0x4680;
	[sflag:s26] =	ssyncadd.s32 $0xFFFFF000  }
0xf9: {  	s30 =	simm.s32 $0x5680;
	v1 =	vld [tilespmem:s12+$0x40]  }
0xfa: {  	v2 =	vld [tilespmem:s30+$0x40];
	_ =	sdelay $0x4  }
0xfb: {  	v5 =	vld [tilespmem:s30+$0xFFFFFF80];
	v3 =	vunpack.i.l.bf16.f32 v1;
	v4 =	vunpack.i.l.bf16.f32 v2  }
0xfc: {  	v6 =	vld [tilespmem:s30+$0xFFFFFFC0];
	v1 =	vunpack.i.u.bf16.f32 v1;
	v2 =	vunpack.i.u.bf16.f32 v2;
	v3 =	vadd.f32 v4, v3  }
0xfd: {  	v1 =	vadd.f32 v2, v1;
	v2 =	vld [tilespmem:s12+$0xFFFFFF80]  }
0xfe: {  	s23 =	simm.s32 $0x6720;
	v4 =	vld [tilespmem:s12+$0xFFFFFFC0];
	v3 =	vmax.f32 v3, $0.0e+00  }
0xff: {  	v1 =	vmax.f32 v1, $0.0e+00;
	[tilespmem:s23+$0x90] =	vst v3  }
0x100: {  	[tilespmem:s23+$0xA0] =	vst v1  }
0x101: {  	v11 =	vunpack.i.l.bf16.f32 v6;
	v6 =	vunpack.i.u.bf16.f32 v6;
	v3 =	vunpack.i.u.bf16.f32 v5;
	v1 =	vld [tilespmem:s12+$0x50]  }
0x102: {  	v5 =	vunpack.i.l.bf16.f32 v5;
	v7 =	vld [tilespmem:s30+$0x50];
	v9 =	vunpack.i.u.bf16.f32 v2;
	v2 =	vunpack.i.l.bf16.f32 v2  }
0x103: {  	v8 =	vunpack.i.l.bf16.f32 v4;
	v4 =	vunpack.i.u.bf16.f32 v4;
	v2 =	vadd.f32 v5, v2  }
0x104: {  	v10 =	vld [tilespmem:s12+$0x0];
	v3 =	vadd.f32 v3, v9;
	v4 =	vadd.f32 v6, v4  }
0x105: {  	v5 =	vld [tilespmem:s30+$0x0];
	v8 =	vadd.f32 v11, v8  }
0x106: {  	v2 =	vmax.f32 v2, $0.0e+00;
	v3 =	vmax.f32 v3, $0.0e+00;
	v4 =	vmax.f32 v4, $0.0e+00  }
0x107: {  	[tilespmem:s23+$0xFFFFFEE0] =	vst v2;
	v2 =	vmax.f32 v8, $0.0e+00;
	v6 =	vunpack.i.l.bf16.f32 v1;
	v8 =	vunpack.i.l.bf16.f32 v7  }
0x108: {  	[tilespmem:s23+$0xFFFFFEF0] =	vst v3;
	v1 =	vunpack.i.u.bf16.f32 v1;
	v3 =	vunpack.i.u.bf16.f32 v7;
	v6 =	vadd.f32 v8, v6  }
0x109: {  	v7 =	vunpack.i.u.bf16.f32 v10;
	[tilespmem:s23+$0xFFFFFF80] =	vst v4;
	v1 =	vadd.f32 v3, v1;
	v9 =	vld [tilespmem:s30+$0xFFFFFF90]  }
0x10a: {  	v8 =	vld [tilespmem:s12+$0xFFFFFF90];
	[tilespmem:s23+$0xFFFFFF70] =	vst v2;
	v2 =	vunpack.i.l.bf16.f32 v10;
	v3 =	vunpack.i.l.bf16.f32 v5;
	v4 =	vmax.f32 v6, $0.0e+00  }
0x10b: {  	v5 =	vunpack.i.u.bf16.f32 v5;
	v2 =	vadd.f32 v3, v2;
	v3 =	vld [tilespmem:s12+$0xFFFFFFD0];
	v1 =	vmax.f32 v1, $0.0e+00;
	[tilespmem:s23+$0xB0] =	vst v4  }
0x10c: {  	v4 =	vadd.f32 v5, v7;
	v5 =	vld [tilespmem:s30+$0xFFFFFFD0];
	[tilespmem:s23+$0xC0] =	vst v1  }
0x10d: {  	v1 =	vmax.f32 v2, $0.0e+00;
	v2 =	vld [tilespmem:s12+$0x60]  }
0x10e: {  	v4 =	vmax.f32 v4, $0.0e+00;
	[tilespmem:s23+$0x0] =	vst v1;
	v1 =	vld [tilespmem:s30+$0x60];
	v6 =	vunpack.i.l.bf16.f32 v9  }
0x10f: {  	v9 =	vunpack.i.u.bf16.f32 v9;
	[tilespmem:s23+$0x10] =	vst v4;
	v4 =	vunpack.i.l.bf16.f32 v8;
	v8 =	vunpack.i.u.bf16.f32 v8  }
0x110: {  	v4 =	vadd.f32 v6, v4;
	v6 =	vunpack.i.u.bf16.f32 v3;
	v3 =	vunpack.i.l.bf16.f32 v3  }
0x111: {  	v7 =	vld [tilespmem:s12+$0x10];
	v8 =	vadd.f32 v9, v8;
	v10 =	vunpack.i.u.bf16.f32 v5;
	v5 =	vunpack.i.l.bf16.f32 v5  }
0x112: {  	v9 =	vld [tilespmem:s30+$0x10];
	v4 =	vmax.f32 v4, $0.0e+00;
	v3 =	vadd.f32 v5, v3  }
0x113: {  	[tilespmem:s23+$0xFFFFFF00] =	vst v4;
	v4 =	vmax.f32 v8, $0.0e+00;
	v8 =	vunpack.i.l.bf16.f32 v2;
	v11 =	vunpack.i.l.bf16.f32 v1  }
0x114: {  	v2 =	vunpack.i.u.bf16.f32 v2;
	v1 =	vunpack.i.u.bf16.f32 v1;
	[tilespmem:s23+$0xFFFFFF10] =	vst v4;
	v4 =	vadd.f32 v11, v8  }
0x115: {  	v6 =	vadd.f32 v10, v6;
	v1 =	vadd.f32 v1, v2;
	v8 =	vld [tilespmem:s12+$0xFFFFFFA0]  }
0x116: {  	v5 =	vunpack.i.u.bf16.f32 v7;
	v2 =	vunpack.i.l.bf16.f32 v7;
	v7 =	vld [tilespmem:s30+$0xFFFFFFA0];
	v4 =	vmax.f32 v4, $0.0e+00  }
0x117: {  	s8 =	simm.s32 $0x5780;
	v10 =	vunpack.i.u.bf16.f32 v9;
	v9 =	vunpack.i.l.bf16.f32 v9;
	v1 =	vmax.f32 v1, $0.0e+00;
	[tilespmem:s23+$0xD0] =	vst v4  }
0x118: {  	v48 =	vld [tilespmem:s8+$0xFFFFFFC0];
	v3 =	vmax.f32 v3, $0.0e+00;
	v2 =	vadd.f32 v9, v2;
	v4 =	vadd.f32 v10, v5;
	[tilespmem:s23+$0xE0] =	vst v1  }
0x119: {  	[tilespmem:s23+$0xFFFFFF90] =	vst v3;
	v1 =	vmax.f32 v6, $0.0e+00;
	v3 =	vld [tilespmem:s12+$0x70]  }
0x11a: {  	v2 =	vmax.f32 v2, $0.0e+00;
	[tilespmem:s23+$0xFFFFFFA0] =	vst v1;
	v5 =	vld [tilespmem:s30+$0x70];
	v4 =	vmax.f32 v4, $0.0e+00  }
0x11b: {  	[tilespmem:s23+$0x20] =	vst v2;
	v1 =	vunpack.i.u.bf16.f32 v8;
	v6 =	vunpack.i.l.bf16.f32 v8;
	v2 =	vunpack.i.u.bf16.f32 v7;
	v8 =	vld [tilespmem:s12+$0xFFFFFFE0]  }
0x11c: {  	v7 =	vunpack.i.l.bf16.f32 v7;
	[tilespmem:s23+$0x30] =	vst v4;
	v1 =	vadd.f32 v2, v1;
	v2 =	vld [tilespmem:s30+$0xFFFFFFE0]  }
0x11d: {  	v4 =	vadd.f32 v7, v6;
	v6 =	vld [tilespmem:s12+$0x20]  }
0x11e: {  	s24 =	simm.s32 $0x4780;
	v16 =	vunpack.i.l.bf16.f32 v48;
	v9 =	vld [tilespmem:s30+$0x20];
	v7 =	vmax.f32 v1, $0.0e+00;
	v1 =	vunpack.i.l.bf16.f32 v3  }
0x11f: {  	v15 =	vld [tilespmem:s24+$0xFFFFFFC0];
	v3 =	vunpack.i.u.bf16.f32 v3;
	v10 =	vunpack.i.u.bf16.f32 v5;
	v5 =	vunpack.i.l.bf16.f32 v5  }
0x120: {  	v11 =	vld [tilespmem:s24+$0x40];
	v4 =	vmax.f32 v4, $0.0e+00;
	v3 =	vadd.f32 v10, v3;
	v1 =	vadd.f32 v5, v1  }
0x121: {  	v10 =	vld [tilespmem:s8+$0x40];
	v12 =	vunpack.i.u.bf16.f32 v8;
	v8 =	vunpack.i.l.bf16.f32 v8;
	v13 =	vunpack.i.u.bf16.f32 v2  }
0x122: {  	v2 =	vunpack.i.l.bf16.f32 v2;
	v14 =	vunpack.i.u.bf16.f32 v6;
	v6 =	vunpack.i.l.bf16.f32 v6  }
0x123: {  	v5 =	vld [tilespmem:s8+$0xFFFFFF80];
	v2 =	vadd.f32 v2, v8;
	v8 =	vunpack.i.u.bf16.f32 v9;
	v9 =	vunpack.i.l.bf16.f32 v9  }
0x124: {  	[tilespmem:s23+$0xFFFFFF30] =	vst v7;
	v7 =	vunpack.i.u.bf16.f32 v15;
	v12 =	vadd.f32 v13, v12;
	v6 =	vadd.f32 v9, v6  }
0x125: {  	v18 =	vld [tilespmem:s24+$0xFFFFFF80];
	[tilespmem:s23+$0xFFFFFF20] =	vst v4;
	v8 =	vadd.f32 v8, v14;
	v14 =	vunpack.i.l.bf16.f32 v11;
	v2 =	vmax.f32 v2, $0.0e+00  }
0x126: {  	v13 =	vld [tilespmem:s8+$0x0];
	v11 =	vunpack.i.u.bf16.f32 v11;
	v17 =	vunpack.i.l.bf16.f32 v10;
	v12 =	vmax.f32 v12, $0.0e+00;
	[tilespmem:s23+$0xFFFFFFB0] =	vst v2  }
0x127: {  	v9 =	vld [tilespmem:s24+$0x0];
	v10 =	vunpack.i.u.bf16.f32 v10;
	v14 =	vadd.f32 v17, v14;
	[tilespmem:s23+$0xFFFFFFC0] =	vst v12;
	v6 =	vmax.f32 v6, $0.0e+00  }
0x128: {  	v4 =	vunpack.i.u.bf16.f32 v5;
	v10 =	vadd.f32 v10, v11;
	[tilespmem:s23+$0x40] =	vst v6;
	v6 =	vmax.f32 v8, $0.0e+00  }
0x129: {  	s0 =	simm.s32 $0x6960;
	v5 =	vunpack.i.l.bf16.f32 v5;
	v11 =	vunpack.i.l.bf16.f32 v15;
	v14 =	vmax.f32 v14, $0.0e+00;
	[tilespmem:s23+$0x50] =	vst v6  }
0x12a: {  	v15 =	vunpack.i.u.bf16.f32 v48;
	v2 =	vunpack.i.u.bf16.f32 v18;
	v8 =	vld [tilespmem:s12+$0xFFFFFFF0];
	v10 =	vmax.f32 v10, $0.0e+00;
	[tilespmem:s0+$0x90] =	vst v14  }
0x12b: {  	v2 =	vadd.f32 v4, v2;
	v7 =	vadd.f32 v15, v7;
	v19 =	vunpack.i.u.bf16.f32 v13;
	v6 =	vld [tilespmem:s30+$0xFFFFFFF0];
	[tilespmem:s0+$0xA0] =	vst v10  }
0x12c: {  	v13 =	vunpack.i.l.bf16.f32 v13;
	v49 =	vunpack.i.u.bf16.f32 v9;
	v10 =	vunpack.i.l.bf16.f32 v18;
	v50 =	vld [tilespmem:s24+$0x50]  }
0x12d: {  	v9 =	vunpack.i.l.bf16.f32 v9;
	v2 =	vmax.f32 v2, $0.0e+00;
	v5 =	vadd.f32 v5, v10;
	v4 =	vld [tilespmem:s8+$0x50]  }
0x12e: {  	v14 =	vld [tilespmem:s12+$0xFFFFFFB0];
	v7 =	vmax.f32 v7, $0.0e+00;
	v9 =	vadd.f32 v13, v9;
	v12 =	vadd.f32 v19, v49;
	[tilespmem:s0+$0xFFFFFEF0] =	vst v2  }
0x12f: {  	v11 =	vadd.f32 v16, v11;
	v23 =	vld [tilespmem:s30+$0x30];
	[tilespmem:s0+$0xFFFFFF80] =	vst v7;
	v5 =	vmax.f32 v5, $0.0e+00  }
0x130: {  	v10 =	vld [tilespmem:s30+$0xFFFFFFB0];
	v2 =	vmax.f32 v9, $0.0e+00;
	v9 =	vmax.f32 v12, $0.0e+00;
	[tilespmem:s0+$0xFFFFFEE0] =	vst v5  }
0x131: {  	v3 =	vmax.f32 v3, $0.0e+00;
	v5 =	vmax.f32 v11, $0.0e+00;
	v11 =	vld [tilespmem:s12+$0x30];
	[tilespmem:s0+$0x10] =	vst v9  }
0x132: {  	v9 =	vunpack.i.u.bf16.f32 v8;
	v13 =	vld [tilespmem:s24+$0xFFFFFF90];
	[tilespmem:s0+$0xFFFFFF70] =	vst v5;
	v5 =	vunpack.i.l.bf16.f32 v50;
	v15 =	vunpack.i.l.bf16.f32 v4  }
0x133: {  	[tilespmem:s0+$0x0] =	vst v2;
	v51 =	vld [tilespmem:s8+$0xFFFFFF90];
	v7 =	vunpack.i.u.bf16.f32 v50;
	v4 =	vunpack.i.u.bf16.f32 v4;
	v5 =	vadd.f32 v15, v5  }
0x134: {  	v8 =	vunpack.i.l.bf16.f32 v8;
	v12 =	vunpack.i.u.bf16.f32 v14;
	v52 =	vld [tilespmem:s24+$0x10];
	v2 =	vadd.f32 v4, v7  }
0x135: {  	v14 =	vunpack.i.l.bf16.f32 v14;
	v54 =	vld [tilespmem:s8+$0x10];
	v63 =	vunpack.i.l.bf16.f32 v23;
	v5 =	vmax.f32 v5, $0.0e+00  }
0x136: {  	v15 =	vld [tilespmem:s24+$0xFFFFFFD0];
	v4 =	vunpack.i.u.bf16.f32 v10;
	v7 =	vunpack.i.l.bf16.f32 v10;
	v2 =	vmax.f32 v2, $0.0e+00;
	[tilespmem:s0+$0xB0] =	vst v5  }
0x137: {  	v10 =	vld [tilespmem:s8+$0xFFFFFFD0];
	v7 =	vadd.f32 v7, v14;
	v4 =	vadd.f32 v4, v12;
	v12 =	vmax.f32 v1, $0.0e+00;
	[tilespmem:s0+$0xC0] =	vst v2  }
0x138: {  	v20 =	vunpack.i.u.bf16.f32 v11;
	v11 =	vunpack.i.l.bf16.f32 v11;
	v5 =	vunpack.i.u.bf16.f32 v6;
	v21 =	vld [tilespmem:s24+$0x60]  }
0x139: {  	v6 =	vunpack.i.l.bf16.f32 v6;
	v53 =	vunpack.i.u.bf16.f32 v13;
	v13 =	vunpack.i.l.bf16.f32 v13;
	v22 =	vld [tilespmem:s8+$0x60]  }
0x13a: {  	v2 =	vunpack.i.u.bf16.f32 v51;
	v16 =	vunpack.i.l.bf16.f32 v51;
	v57 =	vunpack.i.u.bf16.f32 v52  }
0x13b: {  	v17 =	vunpack.i.l.bf16.f32 v52;
	v13 =	vadd.f32 v16, v13;
	v2 =	vadd.f32 v2, v53  }
0x13c: {  	v55 =	vunpack.i.u.bf16.f32 v15;
	v15 =	vunpack.i.l.bf16.f32 v15;
	v56 =	vunpack.i.l.bf16.f32 v10  }
0x13d: {  	v58 =	vunpack.i.l.bf16.f32 v54;
	v15 =	vadd.f32 v56, v15;
	v13 =	vmax.f32 v13, $0.0e+00  }
0x13e: {  	v2 =	vmax.f32 v2, $0.0e+00;
	[tilespmem:s0+$0xFFFFFF00] =	vst v13;
	v13 =	vunpack.i.l.bf16.f32 v21;
	v59 =	vunpack.i.l.bf16.f32 v22  }
0x13f: {  	[tilespmem:s0+$0xFFFFFF10] =	vst v2;
	v2 =	vunpack.i.u.bf16.f32 v21;
	v60 =	vunpack.i.u.bf16.f32 v22;
	v13 =	vadd.f32 v59, v13  }
0x140: {  	[tilespmem:s23+$0x100] =	vst v3;
	v10 =	vunpack.i.u.bf16.f32 v10;
	v61 =	vld [tilespmem:s24+$0xFFFFFFA0];
	v15 =	vmax.f32 v15, $0.0e+00;
	v2 =	vadd.f32 v60, v2  }
0x141: {  	v19 =	vunpack.i.u.bf16.f32 v54;
	v10 =	vadd.f32 v10, v55;
	v62 =	vld [tilespmem:s8+$0xFFFFFFA0];
	[tilespmem:s0+$0xFFFFFF90] =	vst v15;
	v13 =	vmax.f32 v13, $0.0e+00  }
0x142: {  	v16 =	vadd.f32 v58, v17;
	v3 =	vadd.f32 v19, v57;
	v2 =	vmax.f32 v2, $0.0e+00;
	[tilespmem:s0+$0xD0] =	vst v13  }
0x143: {  	v6 =	vadd.f32 v6, v8;
	v9 =	vadd.f32 v5, v9;
	v10 =	vmax.f32 v10, $0.0e+00;
	[tilespmem:s0+$0xE0] =	vst v2  }
0x144: {  	v3 =	vmax.f32 v3, $0.0e+00;
	v15 =	vmax.f32 v16, $0.0e+00;
	[tilespmem:s0+$0xFFFFFFA0] =	vst v10;
	v13 =	vunpack.i.u.bf16.f32 v23;
	v10 =	vld [tilespmem:s24+$0x70]  }
0x145: {  	[tilespmem:s0+$0x30] =	vst v3;
	v5 =	vunpack.i.u.bf16.f32 v61;
	v8 =	vunpack.i.l.bf16.f32 v61;
	v2 =	vadd.f32 v63, v11;
	v14 =	vld [tilespmem:s8+$0x70]  }
0x146: {  	[tilespmem:s0+$0x20] =	vst v15;
	v1 =	vld [tilespmem:s24+$0xFFFFFFE0];
	v11 =	vunpack.i.u.bf16.f32 v62;
	v15 =	vunpack.i.l.bf16.f32 v62;
	v3 =	vadd.f32 v13, v20  }
0x147: {  	[tilespmem:s23+$0xF0] =	vst v12;
	v13 =	vadd.f32 v15, v8;
	v11 =	vadd.f32 v11, v5;
	v5 =	vmax.f32 v7, $0.0e+00;
	v8 =	vld [tilespmem:s8+$0xFFFFFFE0]  }
0x148: {  	v12 =	vmax.f32 v4, $0.0e+00;
	v4 =	vmax.f32 v9, $0.0e+00;
	[tilespmem:s23+$0xFFFFFF40] =	vst v5;
	v5 =	vmax.f32 v6, $0.0e+00;
	v6 =	vld [tilespmem:s24+$0x20]  }
0x149: {  	[tilespmem:s23+$0xFFFFFF50] =	vst v12;
	v9 =	vld [tilespmem:s8+$0x20];
	v15 =	vmax.f32 v13, $0.0e+00;
	v13 =	vmax.f32 v11, $0.0e+00;
	v7 =	vunpack.i.l.bf16.f32 v10  }
0x14a: {  	s16 =	simm.s32 $0x4;
	s28 =	simm.s32 $0x4880;
	s15 =	simm.s32 $0x5780;
	[tilespmem:s0+$0xFFFFFF20] =	vst v15;
	v11 =	vunpack.i.u.bf16.f32 v10;
	v12 =	vunpack.i.u.bf16.f32 v14;
	v10 =	vunpack.i.l.bf16.f32 v14  }
.LBB2_6:
0x14b: {  	v14 =	vld [tilespmem:s28+$0x40];
	[tilespmem:s0+$0xFFFFFF30] =	vst v13;
	v13 =	vunpack.i.u.bf16.f32 v1;
	v15 =	vunpack.i.l.bf16.f32 v1;
	v11 =	vadd.f32 v12, v11;
	s8 =	sadd.s32 $0x100, s8  }
0x14c: {  	v1 =	vadd.f32 v10, v7;
	v12 =	vld [tilespmem:s8+$0x40];
	v16 =	vunpack.i.u.bf16.f32 v8;
	v8 =	vunpack.i.l.bf16.f32 v8;
	[tilespmem:s23+$0xFFFFFFD0] =	vst v5  }
0x14d: {  	v5 =	vld [tilespmem:s8+$0xFFFFFF80];
	v7 =	vunpack.i.u.bf16.f32 v6;
	v6 =	vunpack.i.l.bf16.f32 v6;
	v10 =	vmax.f32 v11, $0.0e+00;
	[tilespmem:s23+$0xFFFFFFE0] =	vst v4  }
0x14e: {  	v8 =	vadd.f32 v8, v15;
	v4 =	vld [tilespmem:s28+$0xFFFFFFC0];
	v11 =	vunpack.i.u.bf16.f32 v9;
	v9 =	vunpack.i.l.bf16.f32 v9;
	[tilespmem:s0+$0x100] =	vst v10  }
0x14f: {  	v2 =	vmax.f32 v2, $0.0e+00;
	v13 =	vadd.f32 v16, v13;
	v10 =	vld [tilespmem:s8+$0xFFFFFFC0];
	v6 =	vadd.f32 v9, v6  }
0x150: {  	v8 =	vmax.f32 v8, $0.0e+00;
	v7 =	vadd.f32 v11, v7;
	v9 =	vld [tilespmem:s28+$0x0];
	[tilespmem:s23+$0x60] =	vst v2;
	v2 =	vmax.f32 v3, $0.0e+00  }
0x151: {  	v11 =	vunpack.i.l.bf16.f32 v14;
	v3 =	vld [tilespmem:s8+$0x0];
	v15 =	vunpack.i.l.bf16.f32 v12;
	[tilespmem:s0+$0xFFFFFFB0] =	vst v8;
	v8 =	vmax.f32 v13, $0.0e+00  }
0x152: {  	s16 =	sadd.s32 $0x4, s16;
	v14 =	vunpack.i.u.bf16.f32 v14;
	v12 =	vunpack.i.u.bf16.f32 v12;
	v13 =	vld [tilespmem:s28+$0xFFFFFF80];
	v11 =	vadd.f32 v15, v11;
	[tilespmem:s0+$0xFFFFFFC0] =	vst v8  }
0x153: {  	p0 =	slt.u32 s16, $0x3C;
	v8 =	vunpack.i.u.bf16.f32 v5;
	v5 =	vunpack.i.l.bf16.f32 v5;
	v12 =	vadd.f32 v12, v14;
	v14 =	vld [tilespmem:s24+$0xFFFFFFB0];
	[tilespmem:s23+$0x70] =	vst v2;
	s23 =	smov.u32 s0  }
0x154: {  	v2 =	vunpack.i.u.bf16.f32 v4;
	v4 =	vunpack.i.l.bf16.f32 v4;
	s0 =	sadd.s32 $0x240, s0;
	v11 =	vmax.f32 v11, $0.0e+00;
	v15 =	vld [tilespmem:s15+$0xFFFFFFB0]  }
0x155: {  	v16 =	vunpack.i.u.bf16.f32 v10;
	v10 =	vunpack.i.l.bf16.f32 v10;
	[tilespmem:s0+$0x90] =	vst v11;
	v11 =	vmax.f32 v12, $0.0e+00;
	v12 =	vld [tilespmem:s24+$0xFFFFFFF0]  }
0x156: {  	v17 =	vunpack.i.u.bf16.f32 v9;
	v9 =	vunpack.i.l.bf16.f32 v9;
	v18 =	vunpack.i.u.bf16.f32 v3;
	[tilespmem:s0+$0xA0] =	vst v11;
	v11 =	vld [tilespmem:s15+$0xFFFFFFF0]  }
0x157: {  	v3 =	vunpack.i.l.bf16.f32 v3;
	v19 =	vunpack.i.u.bf16.f32 v13;
	v13 =	vunpack.i.l.bf16.f32 v13;
	v20 =	vld [tilespmem:s28+$0x50]  }
0x158: {  	v6 =	vmax.f32 v6, $0.0e+00;
	v5 =	vadd.f32 v5, v13;
	v8 =	vadd.f32 v8, v19;
	v13 =	vld [tilespmem:s8+$0x50]  }
0x159: {  	v4 =	vadd.f32 v10, v4;
	v2 =	vadd.f32 v16, v2;
	[tilespmem:s23+$0x40] =	vst v6;
	v6 =	vmax.f32 v7, $0.0e+00  }
0x15a: {  	v3 =	vadd.f32 v3, v9;
	v7 =	vadd.f32 v18, v17;
	v5 =	vmax.f32 v5, $0.0e+00;
	[tilespmem:s23+$0x50] =	vst v6  }
0x15b: {  	v4 =	vmax.f32 v4, $0.0e+00;
	v2 =	vmax.f32 v2, $0.0e+00;
	[tilespmem:s0+$0xFFFFFEE0] =	vst v5;
	v5 =	vmax.f32 v8, $0.0e+00;
	v6 =	vld [tilespmem:s24+$0x30];
	s24 =	smov.u32 s28  }
0x15c: {  	v3 =	vmax.f32 v3, $0.0e+00;
	[tilespmem:s0+$0xFFFFFEF0] =	vst v5;
	v5 =	vmax.f32 v7, $0.0e+00;
	v7 =	vunpack.i.u.bf16.f32 v14;
	v8 =	vld [tilespmem:s15+$0x30];
	s15 =	smov.u32 s8  }
0x15d: {  	v14 =	vunpack.i.l.bf16.f32 v14;
	v9 =	vld [tilespmem:s28+$0xFFFFFF90];
	[tilespmem:s0+$0xFFFFFF70] =	vst v4;
	v4 =	vunpack.i.l.bf16.f32 v20;
	v10 =	vunpack.i.l.bf16.f32 v13  }
0x15e: {  	v13 =	vunpack.i.u.bf16.f32 v13;
	v16 =	vld [tilespmem:s8+$0xFFFFFF90];
	[tilespmem:s0+$0xFFFFFF80] =	vst v2;
	v2 =	vunpack.i.u.bf16.f32 v20;
	v4 =	vadd.f32 v10, v4  }
0x15f: {  	v10 =	vld [tilespmem:s28+$0xFFFFFFD0];
	[tilespmem:s0+$0x0] =	vst v3;
	v2 =	vadd.f32 v13, v2;
	v3 =	vunpack.i.u.bf16.f32 v15;
	v13 =	vunpack.i.l.bf16.f32 v15  }
0x160: {  	v15 =	vld [tilespmem:s8+$0xFFFFFFD0];
	[tilespmem:s0+$0x10] =	vst v5;
	v4 =	vmax.f32 v4, $0.0e+00;
	v5 =	vunpack.i.u.bf16.f32 v12;
	v12 =	vunpack.i.l.bf16.f32 v12  }
0x161: {  	v17 =	vld [tilespmem:s28+$0x10];
	[tilespmem:s0+$0xB0] =	vst v4;
	v2 =	vmax.f32 v2, $0.0e+00;
	v4 =	vunpack.i.u.bf16.f32 v11;
	v11 =	vunpack.i.l.bf16.f32 v11  }
0x162: {  	v20 =	vunpack.i.u.bf16.f32 v6;
	v18 =	vunpack.i.u.bf16.f32 v9;
	v9 =	vunpack.i.l.bf16.f32 v9;
	v19 =	vld [tilespmem:s8+$0x10];
	[tilespmem:s0+$0xC0] =	vst v2  }
0x163: {  	v6 =	vunpack.i.l.bf16.f32 v6;
	v2 =	vunpack.i.u.bf16.f32 v16;
	v16 =	vunpack.i.l.bf16.f32 v16;
	v21 =	vld [tilespmem:s28+$0x60]  }
0x164: {  	v9 =	vadd.f32 v16, v9;
	v16 =	vunpack.i.u.bf16.f32 v10;
	v10 =	vunpack.i.l.bf16.f32 v10;
	v22 =	vld [tilespmem:s8+$0x60]  }
0x165: {  	v2 =	vadd.f32 v2, v18;
	v18 =	vunpack.i.u.bf16.f32 v15;
	v15 =	vunpack.i.l.bf16.f32 v15  }
0x166: {  	v10 =	vadd.f32 v15, v10;
	v15 =	vunpack.i.u.bf16.f32 v17;
	v17 =	vunpack.i.l.bf16.f32 v17  }
0x167: {  	v16 =	vadd.f32 v18, v16;
	v18 =	vunpack.i.u.bf16.f32 v19;
	v19 =	vunpack.i.l.bf16.f32 v19  }
0x168: {  	v9 =	vmax.f32 v9, $0.0e+00;
	v17 =	vadd.f32 v19, v17;
	v15 =	vadd.f32 v18, v15  }
0x169: {  	v2 =	vmax.f32 v2, $0.0e+00;
	[tilespmem:s0+$0xFFFFFF00] =	vst v9;
	v9 =	vunpack.i.l.bf16.f32 v21;
	v18 =	vunpack.i.l.bf16.f32 v22  }
0x16a: {  	v19 =	vunpack.i.u.bf16.f32 v22;
	[tilespmem:s0+$0xFFFFFF10] =	vst v2;
	v2 =	vunpack.i.u.bf16.f32 v21;
	v9 =	vadd.f32 v18, v9  }
0x16b: {  	v10 =	vmax.f32 v10, $0.0e+00;
	v16 =	vmax.f32 v16, $0.0e+00;
	v18 =	vld [tilespmem:s28+$0xFFFFFFA0];
	v2 =	vadd.f32 v19, v2  }
0x16c: {  	v15 =	vmax.f32 v15, $0.0e+00;
	v19 =	vld [tilespmem:s8+$0xFFFFFFA0];
	[tilespmem:s0+$0xFFFFFF90] =	vst v10;
	v10 =	vmax.f32 v17, $0.0e+00;
	v9 =	vmax.f32 v9, $0.0e+00  }
0x16d: {  	[tilespmem:s0+$0xD0] =	vst v9;
	v2 =	vmax.f32 v2, $0.0e+00;
	v9 =	vunpack.i.u.bf16.f32 v8;
	v8 =	vunpack.i.l.bf16.f32 v8  }
0x16e: {  	v13 =	vadd.f32 v13, v14;
	v7 =	vadd.f32 v3, v7;
	v14 =	vmax.f32 v1, $0.0e+00;
	[tilespmem:s0+$0xE0] =	vst v2  }
0x16f: {  	v11 =	vadd.f32 v11, v12;
	v4 =	vadd.f32 v4, v5;
	[tilespmem:s0+$0xFFFFFFA0] =	vst v16;
	v16 =	vld [tilespmem:s28+$0x70]  }
0x170: {  	v2 =	vadd.f32 v8, v6;
	v5 =	vunpack.i.u.bf16.f32 v18;
	v12 =	vunpack.i.l.bf16.f32 v18;
	[tilespmem:s0+$0x20] =	vst v10;
	v10 =	vld [tilespmem:s8+$0x70]  }
.Ltmp2:
0x171: {  	v3 =	vadd.f32 v9, v20;
	v6 =	vunpack.i.u.bf16.f32 v19;
	v8 =	vunpack.i.l.bf16.f32 v19;
	v1 =	vld [tilespmem:s28+$0xFFFFFFE0];
	[tilespmem:s0+$0x30] =	vst v15;
	(pc) =	sbr.rel @p0 .LBB2_6-.Ltmp2, $4  }
0x172: {  	v9 =	vadd.f32 v8, v12;
	v12 =	vadd.f32 v6, v5;
	v8 =	vld [tilespmem:s8+$0xFFFFFFE0];
	v5 =	vmax.f32 v13, $0.0e+00;
	[tilespmem:s23+$0xF0] =	vst v14  }
0x173: {  	v4 =	vmax.f32 v4, $0.0e+00;
	v14 =	vmax.f32 v7, $0.0e+00;
	v6 =	vld [tilespmem:s28+$0x20];
	[tilespmem:s23+$0xFFFFFF40] =	vst v5;
	v5 =	vmax.f32 v11, $0.0e+00  }
0x174: {  	v11 =	vmax.f32 v9, $0.0e+00;
	v13 =	vmax.f32 v12, $0.0e+00;
	v9 =	vld [tilespmem:s8+$0x20];
	v7 =	vunpack.i.l.bf16.f32 v16;
	[tilespmem:s23+$0xFFFFFF50] =	vst v14  }
0x175: {  	s28 =	sadd.s32 $0x100, s28;
	[tilespmem:s0+$0xFFFFFF20] =	vst v11;
	v11 =	vunpack.i.u.bf16.f32 v16;
	v12 =	vunpack.i.u.bf16.f32 v10;
	v10 =	vunpack.i.l.bf16.f32 v10  }
0x176: {  	_ = 	snop  }
0x177: {  	v14 =	vunpack.i.u.bf16.f32 v1;
	v1 =	vunpack.i.l.bf16.f32 v1;
	v43 =	vunpack.i.l.bf16.f32 v8  }
0x178: {  	v15 =	vunpack.i.u.bf16.f32 v8;
	v16 =	vunpack.i.l.bf16.f32 v6;
	v1 =	vadd.f32 v43, v1  }
0x179: {  	v14 =	vadd.f32 v15, v14;
	v45 =	vunpack.i.u.bf16.f32 v6;
	v44 =	vunpack.i.l.bf16.f32 v9  }
0x17a: {  	[tilespmem:s0+$0xFFFFFF30] =	vst v13;
	v46 =	vunpack.i.u.bf16.f32 v9;
	v8 =	vadd.f32 v44, v16;
	v1 =	vmax.f32 v1, $0.0e+00  }
0x17b: {  	v47 =	vld [tilespmem:s24+$0xFFFFFFB0];
	v6 =	vadd.f32 v46, v45;
	[tilespmem:s0+$0xFFFFFFB0] =	vst v1;
	v1 =	vmax.f32 v14, $0.0e+00  }
0x17c: {  	[tilespmem:s0+$0xFFFFFFC0] =	vst v1;
	v1 =	vld [tilespmem:s15+$0xFFFFFFB0];
	v8 =	vmax.f32 v8, $0.0e+00  }
0x17d: {  	v6 =	vmax.f32 v6, $0.0e+00;
	v48 =	vld [tilespmem:s24+$0xFFFFFFF0];
	[tilespmem:s0+$0x40] =	vst v8  }
0x17e: {  	v49 =	vadd.f32 v12, v11;
	v50 =	vld [tilespmem:s15+$0xFFFFFFF0];
	[tilespmem:s0+$0x50] =	vst v6  }
0x17f: {  	v51 =	vadd.f32 v10, v7;
	v52 =	vld [tilespmem:s24+$0x30]  }
0x180: {  	[tilespmem:s23+$0xFFFFFFD0] =	vst v5;
	v2 =	vmax.f32 v2, $0.0e+00;
	v3 =	vmax.f32 v3, $0.0e+00;
	v53 =	vmax.f32 v49, $0.0e+00  }
0x181: {  	[tilespmem:s23+$0xFFFFFFE0] =	vst v4;
	v54 =	vunpack.i.u.bf16.f32 v47;
	v9 =	vunpack.i.l.bf16.f32 v47;
	v6 =	vmax.f32 v51, $0.0e+00;
	v55 =	vld [tilespmem:s15+$0x30]  }
0x182: {  	[tilespmem:s23+$0x60] =	vst v2;
	v56 =	vunpack.i.u.bf16.f32 v1;
	v1 =	vunpack.i.l.bf16.f32 v1;
	v57 =	vunpack.i.u.bf16.f32 v48  }
0x183: {  	[tilespmem:s23+$0x70] =	vst v3;
	v58 =	vunpack.i.l.bf16.f32 v48;
	v2 =	vunpack.i.u.bf16.f32 v50;
	v1 =	vadd.f32 v1, v9  }
0x184: {  	[tilespmem:s0+$0x100] =	vst v53;
	v11 =	vunpack.i.l.bf16.f32 v50;
	v4 =	vadd.f32 v56, v54;
	v3 =	vunpack.i.u.bf16.f32 v52  }
0x185: {  	[tilespmem:s0+$0xF0] =	vst v6;
	v7 =	vunpack.i.l.bf16.f32 v52;
	v59 =	vadd.f32 v11, v58;
	v1 =	vmax.f32 v1, $0.0e+00  }
0x186: {  	v60 =	vunpack.i.l.bf16.f32 v55;
	v2 =	vadd.f32 v2, v57;
	[tilespmem:s0+$0xFFFFFF40] =	vst v1;
	v1 =	vmax.f32 v4, $0.0e+00  }
0x187: {  	v61 =	vunpack.i.u.bf16.f32 v55;
	v62 =	vadd.f32 v60, v7;
	v63 =	vmax.f32 v59, $0.0e+00;
	[tilespmem:s0+$0xFFFFFF50] =	vst v1  }
0x188: {  	v2 =	vmax.f32 v2, $0.0e+00;
	v1 =	vadd.f32 v61, v3;
	[tilespmem:s0+$0xFFFFFFD0] =	vst v63  }
0x189: {  	[tilespmem:s0+$0xFFFFFFE0] =	vst v2;
	v2 =	vmax.f32 v62, $0.0e+00  }
0x18a: {  	[tilespmem:s0+$0x60] =	vst v2;
	v1 =	vmax.f32 v1, $0.0e+00  }
0x18b: {  	[tilespmem:s0+$0x70] =	vst v1  }
0x18c: {  	_ =	swait.ge [sflag:s10], $0x2400  }
0x18d: {  	[sflag:s10] =	ssyncset.done $0x0  }
0x18e: {  	s15 =	simm.s32 $0x6600;
	[sflag:s10] =	ssyncadd.s32 $0xFFFFDC00  }
0x18f: {  	[spmem:s3] =	stream.indirect.scatter.add.f32 [tilespmem:s15], [sflag:$0xA], $0x90, s31, s29, $0xb8;
	[tilespmem:$0x1F200] =	vst v63  }
0x190: {  	s23 =	simm.s32 $0x0;
	s16 =	rddreg [dreg:$0xf]  }
0x191: {  	[tilespmem:s23], [sflag:$0x1] =	stream.linear.gather [hbm4b:s16+s23], $0x40, $0x38;
	[tilespmem:$0x1F200] =	vst v63  }
0x192: {  	s24 =	rddreg [dreg:$0x10]  }
0x193: {  	[tilespmem:s29], [sflag:$0x1] =	stream.linear.gather [hbm4b:s24+s23], $0x40, $0x38;
	[tilespmem:$0x1F200] =	vst v63  }
0x194: {  	_ =	swait.ge [sflag:s21], $0x40  }
0x195: {  	[sflag:s21] =	ssyncset.done $0x0  }
0x196: {  	[sflag:s21] =	ssyncadd.s32 $0xFFFFFFC0  }
0x197: {  	_ =	swait.ge [sflag:s21], $0x40  }
0x198: {  	[sflag:s21] =	ssyncset.done $0x0  }
0x199: {  	s28 =	simm.s32 $0x4600;
	[sflag:s21] =	ssyncadd.s32 $0xFFFFFFC0  }
0x19a: {  	[tilespmem:s28], [sflag:$0x8] =	stream.indirect.gather [hbm4b:s1+s29], $0x40, s9, s29, $0xb8;
	[tilespmem:$0x1F200] =	vst v63  }
0x19b: {  	s30 =	simm.s32 $0x180;
	s8 =	simm.s32 $0x5600  }
0x19c: {  	[tilespmem:s8], [sflag:$0x9] =	stream.indirect.gather [hbm4b:s5+s29], $0x40, s30, s29, $0xb8;
	[tilespmem:$0x1F200] =	vst v63  }
.LBB2_8:
0x19d: {  	_ =	swait.ge [sflag:s17], $0x1000  }
0x19e: {  	[sflag:s17] =	ssyncset.done $0x0  }
0x19f: {  	[sflag:s17] =	ssyncadd.s32 $0xFFFFF000  }
0x1a0: {  	_ =	swait.ge [sflag:s18], $0x1000  }
0x1a1: {  	[sflag:s18] =	ssyncset.done $0x0  }
0x1a2: {  	s12 =	simm.s32 $0x280;
	[sflag:s18] =	ssyncadd.s32 $0xFFFFF000  }
0x1a3: {  	s15 =	simm.s32 $0x1280;
	v1 =	vld [tilespmem:s12+$0x40]  }
0x1a4: {  	v2 =	vld [tilespmem:s15+$0x40];
	_ =	sdelay $0x4  }
0x1a5: {  	v5 =	vld [tilespmem:s15+$0xFFFFFF80];
	v3 =	vunpack.i.l.bf16.f32 v1;
	v4 =	vunpack.i.l.bf16.f32 v2  }
0x1a6: {  	v6 =	vld [tilespmem:s15+$0xFFFFFFC0];
	v1 =	vunpack.i.u.bf16.f32 v1;
	v2 =	vunpack.i.u.bf16.f32 v2;
	v3 =	vadd.f32 v4, v3  }
0x1a7: {  	v1 =	vadd.f32 v2, v1;
	v2 =	vld [tilespmem:s12+$0xFFFFFF80]  }
0x1a8: {  	s24 =	simm.s32 $0x2320;
	v4 =	vld [tilespmem:s12+$0xFFFFFFC0];
	v3 =	vmax.f32 v3, $0.0e+00  }
0x1a9: {  	v1 =	vmax.f32 v1, $0.0e+00;
	[tilespmem:s24+$0x90] =	vst v3  }
0x1aa: {  	[tilespmem:s24+$0xA0] =	vst v1  }
0x1ab: {  	v11 =	vunpack.i.l.bf16.f32 v6;
	v6 =	vunpack.i.u.bf16.f32 v6;
	v3 =	vunpack.i.u.bf16.f32 v5;
	v1 =	vld [tilespmem:s12+$0x50]  }
0x1ac: {  	v5 =	vunpack.i.l.bf16.f32 v5;
	v7 =	vld [tilespmem:s15+$0x50];
	v9 =	vunpack.i.u.bf16.f32 v2;
	v2 =	vunpack.i.l.bf16.f32 v2  }
0x1ad: {  	v8 =	vunpack.i.l.bf16.f32 v4;
	v4 =	vunpack.i.u.bf16.f32 v4;
	v2 =	vadd.f32 v5, v2  }
0x1ae: {  	v10 =	vld [tilespmem:s12+$0x0];
	v3 =	vadd.f32 v3, v9;
	v4 =	vadd.f32 v6, v4  }
0x1af: {  	v5 =	vld [tilespmem:s15+$0x0];
	v8 =	vadd.f32 v11, v8  }
0x1b0: {  	v2 =	vmax.f32 v2, $0.0e+00;
	v3 =	vmax.f32 v3, $0.0e+00;
	v4 =	vmax.f32 v4, $0.0e+00  }
0x1b1: {  	[tilespmem:s24+$0xFFFFFEE0] =	vst v2;
	v2 =	vmax.f32 v8, $0.0e+00;
	v6 =	vunpack.i.l.bf16.f32 v1;
	v8 =	vunpack.i.l.bf16.f32 v7  }
0x1b2: {  	[tilespmem:s24+$0xFFFFFEF0] =	vst v3;
	v1 =	vunpack.i.u.bf16.f32 v1;
	v3 =	vunpack.i.u.bf16.f32 v7;
	v6 =	vadd.f32 v8, v6  }
0x1b3: {  	v7 =	vunpack.i.u.bf16.f32 v10;
	[tilespmem:s24+$0xFFFFFF80] =	vst v4;
	v1 =	vadd.f32 v3, v1;
	v9 =	vld [tilespmem:s15+$0xFFFFFF90]  }
0x1b4: {  	v8 =	vld [tilespmem:s12+$0xFFFFFF90];
	[tilespmem:s24+$0xFFFFFF70] =	vst v2;
	v2 =	vunpack.i.l.bf16.f32 v10;
	v3 =	vunpack.i.l.bf16.f32 v5;
	v4 =	vmax.f32 v6, $0.0e+00  }
0x1b5: {  	v5 =	vunpack.i.u.bf16.f32 v5;
	v2 =	vadd.f32 v3, v2;
	v3 =	vld [tilespmem:s12+$0xFFFFFFD0];
	v1 =	vmax.f32 v1, $0.0e+00;
	[tilespmem:s24+$0xB0] =	vst v4  }
0x1b6: {  	v4 =	vadd.f32 v5, v7;
	v5 =	vld [tilespmem:s15+$0xFFFFFFD0];
	[tilespmem:s24+$0xC0] =	vst v1  }
0x1b7: {  	v1 =	vmax.f32 v2, $0.0e+00;
	v2 =	vld [tilespmem:s12+$0x60]  }
0x1b8: {  	v4 =	vmax.f32 v4, $0.0e+00;
	[tilespmem:s24+$0x0] =	vst v1;
	v1 =	vld [tilespmem:s15+$0x60];
	v6 =	vunpack.i.l.bf16.f32 v9  }
0x1b9: {  	v9 =	vunpack.i.u.bf16.f32 v9;
	[tilespmem:s24+$0x10] =	vst v4;
	v4 =	vunpack.i.l.bf16.f32 v8;
	v8 =	vunpack.i.u.bf16.f32 v8  }
0x1ba: {  	v4 =	vadd.f32 v6, v4;
	v6 =	vunpack.i.u.bf16.f32 v3;
	v3 =	vunpack.i.l.bf16.f32 v3  }
0x1bb: {  	v7 =	vld [tilespmem:s12+$0x10];
	v8 =	vadd.f32 v9, v8;
	v10 =	vunpack.i.u.bf16.f32 v5;
	v5 =	vunpack.i.l.bf16.f32 v5  }
0x1bc: {  	v9 =	vld [tilespmem:s15+$0x10];
	v4 =	vmax.f32 v4, $0.0e+00;
	v3 =	vadd.f32 v5, v3  }
0x1bd: {  	[tilespmem:s24+$0xFFFFFF00] =	vst v4;
	v4 =	vmax.f32 v8, $0.0e+00;
	v8 =	vunpack.i.l.bf16.f32 v2;
	v11 =	vunpack.i.l.bf16.f32 v1  }
0x1be: {  	v2 =	vunpack.i.u.bf16.f32 v2;
	v1 =	vunpack.i.u.bf16.f32 v1;
	[tilespmem:s24+$0xFFFFFF10] =	vst v4;
	v4 =	vadd.f32 v11, v8  }
0x1bf: {  	v6 =	vadd.f32 v10, v6;
	v1 =	vadd.f32 v1, v2;
	v8 =	vld [tilespmem:s12+$0xFFFFFFA0]  }
0x1c0: {  	v5 =	vunpack.i.u.bf16.f32 v7;
	v2 =	vunpack.i.l.bf16.f32 v7;
	v7 =	vld [tilespmem:s15+$0xFFFFFFA0];
	v4 =	vmax.f32 v4, $0.0e+00  }
0x1c1: {  	v10 =	vunpack.i.u.bf16.f32 v9;
	v9 =	vunpack.i.l.bf16.f32 v9;
	v1 =	vmax.f32 v1, $0.0e+00;
	[tilespmem:s24+$0xD0] =	vst v4  }
0x1c2: {  	v3 =	vmax.f32 v3, $0.0e+00;
	v2 =	vadd.f32 v9, v2;
	v4 =	vadd.f32 v10, v5;
	[tilespmem:s24+$0xE0] =	vst v1  }
0x1c3: {  	[tilespmem:s24+$0xFFFFFF90] =	vst v3;
	v1 =	vmax.f32 v6, $0.0e+00;
	v3 =	vld [tilespmem:s12+$0x70]  }
0x1c4: {  	v2 =	vmax.f32 v2, $0.0e+00;
	[tilespmem:s24+$0xFFFFFFA0] =	vst v1;
	v5 =	vld [tilespmem:s15+$0x70];
	v4 =	vmax.f32 v4, $0.0e+00;
	v1 =	vunpack.i.u.bf16.f32 v8  }
0x1c5: {  	[tilespmem:s24+$0x20] =	vst v2;
	v6 =	vunpack.i.l.bf16.f32 v8;
	v2 =	vunpack.i.u.bf16.f32 v7;
	v7 =	vunpack.i.l.bf16.f32 v7;
	v8 =	vld [tilespmem:s12+$0xFFFFFFE0]  }
0x1c6: {  	[tilespmem:s24+$0x30] =	vst v4;
	v4 =	vadd.f32 v7, v6;
	v1 =	vadd.f32 v2, v1;
	v2 =	vld [tilespmem:s15+$0xFFFFFFE0]  }
0x1c7: {  	v6 =	vld [tilespmem:s12+$0x20]  }
0x1c8: {  	s30 =	simm.s32 $0x380;
	v9 =	vld [tilespmem:s15+$0x20];
	v4 =	vmax.f32 v4, $0.0e+00;
	v7 =	vmax.f32 v1, $0.0e+00;
	v1 =	vunpack.i.l.bf16.f32 v3  }
0x1c9: {  	v15 =	vld [tilespmem:s30+$0xFFFFFFC0];
	v3 =	vunpack.i.u.bf16.f32 v3;
	v10 =	vunpack.i.u.bf16.f32 v5;
	v5 =	vunpack.i.l.bf16.f32 v5  }
0x1ca: {  	s8 =	simm.s32 $0x1380;
	v11 =	vld [tilespmem:s30+$0x40];
	v3 =	vadd.f32 v10, v3;
	v1 =	vadd.f32 v5, v1;
	v12 =	vunpack.i.u.bf16.f32 v8  }
0x1cb: {  	v10 =	vld [tilespmem:s8+$0x40];
	v8 =	vunpack.i.l.bf16.f32 v8;
	v13 =	vunpack.i.u.bf16.f32 v2;
	v2 =	vunpack.i.l.bf16.f32 v2  }
0x1cc: {  	v5 =	vld [tilespmem:s8+$0xFFFFFF80];
	v14 =	vunpack.i.u.bf16.f32 v6;
	v6 =	vunpack.i.l.bf16.f32 v6;
	v2 =	vadd.f32 v2, v8  }
0x1cd: {  	v8 =	vunpack.i.u.bf16.f32 v9;
	v9 =	vunpack.i.l.bf16.f32 v9;
	v12 =	vadd.f32 v13, v12  }
0x1ce: {  	v16 =	vld [tilespmem:s8+$0xFFFFFFC0];
	[tilespmem:s24+$0xFFFFFF30] =	vst v7;
	v7 =	vunpack.i.u.bf16.f32 v15;
	v6 =	vadd.f32 v9, v6;
	v8 =	vadd.f32 v8, v14  }
0x1cf: {  	v18 =	vld [tilespmem:s30+$0xFFFFFF80];
	[tilespmem:s24+$0xFFFFFF20] =	vst v4;
	v14 =	vunpack.i.l.bf16.f32 v11;
	v11 =	vunpack.i.u.bf16.f32 v11;
	v2 =	vmax.f32 v2, $0.0e+00  }
0x1d0: {  	v13 =	vld [tilespmem:s8+$0x0];
	v17 =	vunpack.i.l.bf16.f32 v10;
	v12 =	vmax.f32 v12, $0.0e+00;
	v10 =	vunpack.i.u.bf16.f32 v10;
	[tilespmem:s24+$0xFFFFFFB0] =	vst v2  }
0x1d1: {  	v9 =	vld [tilespmem:s30+$0x0];
	v4 =	vunpack.i.u.bf16.f32 v5;
	v14 =	vadd.f32 v17, v14;
	[tilespmem:s24+$0xFFFFFFC0] =	vst v12;
	v6 =	vmax.f32 v6, $0.0e+00  }
0x1d2: {  	v5 =	vunpack.i.l.bf16.f32 v5;
	v10 =	vadd.f32 v10, v11;
	[tilespmem:s24+$0x40] =	vst v6;
	v6 =	vmax.f32 v8, $0.0e+00  }
0x1d3: {  	s0 =	simm.s32 $0x2560;
	v11 =	vunpack.i.l.bf16.f32 v15;
	v15 =	vunpack.i.u.bf16.f32 v16;
	v14 =	vmax.f32 v14, $0.0e+00;
	[tilespmem:s24+$0x50] =	vst v6  }
0x1d4: {  	v16 =	vunpack.i.l.bf16.f32 v16;
	v2 =	vunpack.i.u.bf16.f32 v18;
	v8 =	vld [tilespmem:s12+$0xFFFFFFF0];
	v10 =	vmax.f32 v10, $0.0e+00;
	[tilespmem:s0+$0x90] =	vst v14  }
0x1d5: {  	v2 =	vadd.f32 v4, v2;
	v7 =	vadd.f32 v15, v7;
	v19 =	vunpack.i.u.bf16.f32 v13;
	v6 =	vld [tilespmem:s15+$0xFFFFFFF0];
	[tilespmem:s0+$0xA0] =	vst v10  }
0x1d6: {  	v13 =	vunpack.i.l.bf16.f32 v13;
	v49 =	vunpack.i.u.bf16.f32 v9;
	v10 =	vunpack.i.l.bf16.f32 v18;
	v50 =	vld [tilespmem:s30+$0x50]  }
0x1d7: {  	v9 =	vunpack.i.l.bf16.f32 v9;
	v2 =	vmax.f32 v2, $0.0e+00;
	v5 =	vadd.f32 v5, v10;
	v4 =	vld [tilespmem:s8+$0x50]  }
0x1d8: {  	v14 =	vld [tilespmem:s12+$0xFFFFFFB0];
	v7 =	vmax.f32 v7, $0.0e+00;
	v9 =	vadd.f32 v13, v9;
	v12 =	vadd.f32 v19, v49;
	[tilespmem:s0+$0xFFFFFEF0] =	vst v2  }
0x1d9: {  	v11 =	vadd.f32 v16, v11;
	v23 =	vld [tilespmem:s15+$0x30];
	[tilespmem:s0+$0xFFFFFF80] =	vst v7;
	v5 =	vmax.f32 v5, $0.0e+00  }
0x1da: {  	v10 =	vld [tilespmem:s15+$0xFFFFFFB0];
	v2 =	vmax.f32 v9, $0.0e+00;
	v9 =	vmax.f32 v12, $0.0e+00;
	[tilespmem:s0+$0xFFFFFEE0] =	vst v5  }
0x1db: {  	v3 =	vmax.f32 v3, $0.0e+00;
	v5 =	vmax.f32 v11, $0.0e+00;
	v11 =	vld [tilespmem:s12+$0x30];
	[tilespmem:s0+$0x10] =	vst v9  }
0x1dc: {  	v9 =	vunpack.i.u.bf16.f32 v8;
	v13 =	vld [tilespmem:s30+$0xFFFFFF90];
	[tilespmem:s0+$0xFFFFFF70] =	vst v5;
	v5 =	vunpack.i.l.bf16.f32 v50;
	v15 =	vunpack.i.l.bf16.f32 v4  }
0x1dd: {  	[tilespmem:s0+$0x0] =	vst v2;
	v51 =	vld [tilespmem:s8+$0xFFFFFF90];
	v7 =	vunpack.i.u.bf16.f32 v50;
	v4 =	vunpack.i.u.bf16.f32 v4;
	v5 =	vadd.f32 v15, v5  }
0x1de: {  	v8 =	vunpack.i.l.bf16.f32 v8;
	v12 =	vunpack.i.u.bf16.f32 v14;
	v52 =	vld [tilespmem:s30+$0x10];
	v2 =	vadd.f32 v4, v7  }
0x1df: {  	v14 =	vunpack.i.l.bf16.f32 v14;
	v54 =	vld [tilespmem:s8+$0x10];
	v63 =	vunpack.i.l.bf16.f32 v23;
	v5 =	vmax.f32 v5, $0.0e+00  }
0x1e0: {  	v15 =	vld [tilespmem:s30+$0xFFFFFFD0];
	v4 =	vunpack.i.u.bf16.f32 v10;
	v7 =	vunpack.i.l.bf16.f32 v10;
	v2 =	vmax.f32 v2, $0.0e+00;
	[tilespmem:s0+$0xB0] =	vst v5  }
0x1e1: {  	v10 =	vld [tilespmem:s8+$0xFFFFFFD0];
	v7 =	vadd.f32 v7, v14;
	v4 =	vadd.f32 v4, v12;
	v12 =	vmax.f32 v1, $0.0e+00;
	[tilespmem:s0+$0xC0] =	vst v2  }
0x1e2: {  	v20 =	vunpack.i.u.bf16.f32 v11;
	v11 =	vunpack.i.l.bf16.f32 v11;
	v5 =	vunpack.i.u.bf16.f32 v6;
	v21 =	vld [tilespmem:s30+$0x60]  }
0x1e3: {  	v6 =	vunpack.i.l.bf16.f32 v6;
	v53 =	vunpack.i.u.bf16.f32 v13;
	v13 =	vunpack.i.l.bf16.f32 v13;
	v22 =	vld [tilespmem:s8+$0x60]  }
0x1e4: {  	v2 =	vunpack.i.u.bf16.f32 v51;
	v16 =	vunpack.i.l.bf16.f32 v51;
	v57 =	vunpack.i.u.bf16.f32 v52  }
0x1e5: {  	v17 =	vunpack.i.l.bf16.f32 v52;
	v13 =	vadd.f32 v16, v13;
	v2 =	vadd.f32 v2, v53  }
0x1e6: {  	v55 =	vunpack.i.u.bf16.f32 v15;
	v15 =	vunpack.i.l.bf16.f32 v15;
	v56 =	vunpack.i.l.bf16.f32 v10  }
0x1e7: {  	[tilespmem:s24+$0x100] =	vst v3;
	v58 =	vunpack.i.l.bf16.f32 v54;
	v15 =	vadd.f32 v56, v15;
	v13 =	vmax.f32 v13, $0.0e+00  }
0x1e8: {  	v2 =	vmax.f32 v2, $0.0e+00;
	[tilespmem:s0+$0xFFFFFF00] =	vst v13;
	v13 =	vunpack.i.l.bf16.f32 v21;
	v59 =	vunpack.i.l.bf16.f32 v22  }
0x1e9: {  	[tilespmem:s0+$0xFFFFFF10] =	vst v2;
	v2 =	vunpack.i.u.bf16.f32 v21;
	v60 =	vunpack.i.u.bf16.f32 v22;
	v13 =	vadd.f32 v59, v13  }
0x1ea: {  	[tilespmem:s24+$0xF0] =	vst v12;
	v10 =	vunpack.i.u.bf16.f32 v10;
	v61 =	vld [tilespmem:s30+$0xFFFFFFA0];
	v15 =	vmax.f32 v15, $0.0e+00;
	v2 =	vadd.f32 v60, v2  }
0x1eb: {  	v19 =	vunpack.i.u.bf16.f32 v54;
	v10 =	vadd.f32 v10, v55;
	v62 =	vld [tilespmem:s8+$0xFFFFFFA0];
	[tilespmem:s0+$0xFFFFFF90] =	vst v15;
	v13 =	vmax.f32 v13, $0.0e+00  }
0x1ec: {  	v16 =	vadd.f32 v58, v17;
	v3 =	vadd.f32 v19, v57;
	v2 =	vmax.f32 v2, $0.0e+00;
	[tilespmem:s0+$0xD0] =	vst v13  }
0x1ed: {  	v12 =	vmax.f32 v4, $0.0e+00;
	v6 =	vadd.f32 v6, v8;
	v10 =	vmax.f32 v10, $0.0e+00;
	[tilespmem:s0+$0xE0] =	vst v2  }
0x1ee: {  	v8 =	vadd.f32 v5, v9;
	v3 =	vmax.f32 v3, $0.0e+00;
	v15 =	vmax.f32 v16, $0.0e+00;
	[tilespmem:s0+$0xFFFFFFA0] =	vst v10;
	v10 =	vld [tilespmem:s30+$0x70]  }
0x1ef: {  	v13 =	vunpack.i.u.bf16.f32 v23;
	v5 =	vunpack.i.u.bf16.f32 v61;
	v9 =	vunpack.i.l.bf16.f32 v61;
	v14 =	vld [tilespmem:s8+$0x70]  }
0x1f0: {  	[tilespmem:s0+$0x20] =	vst v15;
	v1 =	vld [tilespmem:s30+$0xFFFFFFE0];
	v2 =	vadd.f32 v63, v11;
	v11 =	vunpack.i.u.bf16.f32 v62;
	v15 =	vunpack.i.l.bf16.f32 v62  }
0x1f1: {  	[tilespmem:s0+$0x30] =	vst v3;
	v9 =	vadd.f32 v15, v9;
	v11 =	vadd.f32 v11, v5;
	v5 =	vmax.f32 v7, $0.0e+00;
	v7 =	vld [tilespmem:s8+$0xFFFFFFE0]  }
0x1f2: {  	v4 =	vmax.f32 v8, $0.0e+00;
	v8 =	vld [tilespmem:s30+$0x20];
	v3 =	vadd.f32 v13, v20;
	[tilespmem:s24+$0xFFFFFF40] =	vst v5;
	v5 =	vmax.f32 v6, $0.0e+00  }
0x1f3: {  	[tilespmem:s24+$0xFFFFFF50] =	vst v12;
	v15 =	vmax.f32 v9, $0.0e+00;
	v13 =	vmax.f32 v11, $0.0e+00;
	v9 =	vld [tilespmem:s8+$0x20];
	v6 =	vunpack.i.l.bf16.f32 v10  }
0x1f4: {  	s16 =	simm.s32 $0x4;
	s28 =	simm.s32 $0x480;
	s15 =	simm.s32 $0x1380;
	[tilespmem:s0+$0xFFFFFF20] =	vst v15;
	v11 =	vunpack.i.u.bf16.f32 v10;
	v12 =	vunpack.i.u.bf16.f32 v14;
	v10 =	vunpack.i.l.bf16.f32 v14  }
.LBB2_9:
0x1f5: {  	v14 =	vld [tilespmem:s28+$0x40];
	[tilespmem:s0+$0xFFFFFF30] =	vst v13;
	v13 =	vunpack.i.u.bf16.f32 v1;
	v15 =	vunpack.i.l.bf16.f32 v1;
	v11 =	vadd.f32 v12, v11;
	s8 =	sadd.s32 $0x100, s8  }
0x1f6: {  	v1 =	vadd.f32 v10, v6;
	v12 =	vld [tilespmem:s8+$0x40];
	v16 =	vunpack.i.u.bf16.f32 v7;
	v7 =	vunpack.i.l.bf16.f32 v7;
	[tilespmem:s24+$0xFFFFFFD0] =	vst v5  }
0x1f7: {  	v5 =	vld [tilespmem:s8+$0xFFFFFF80];
	v6 =	vunpack.i.u.bf16.f32 v8;
	v8 =	vunpack.i.l.bf16.f32 v8;
	v10 =	vmax.f32 v11, $0.0e+00;
	[tilespmem:s24+$0xFFFFFFE0] =	vst v4  }
0x1f8: {  	v7 =	vadd.f32 v7, v15;
	v4 =	vld [tilespmem:s28+$0xFFFFFFC0];
	v11 =	vunpack.i.u.bf16.f32 v9;
	v9 =	vunpack.i.l.bf16.f32 v9;
	[tilespmem:s0+$0x100] =	vst v10  }
0x1f9: {  	v2 =	vmax.f32 v2, $0.0e+00;
	v13 =	vadd.f32 v16, v13;
	v10 =	vld [tilespmem:s8+$0xFFFFFFC0];
	v8 =	vadd.f32 v9, v8  }
0x1fa: {  	v7 =	vmax.f32 v7, $0.0e+00;
	v6 =	vadd.f32 v11, v6;
	v9 =	vld [tilespmem:s28+$0x0];
	[tilespmem:s24+$0x60] =	vst v2;
	v2 =	vmax.f32 v3, $0.0e+00  }
0x1fb: {  	v11 =	vunpack.i.l.bf16.f32 v14;
	v3 =	vld [tilespmem:s8+$0x0];
	v15 =	vunpack.i.l.bf16.f32 v12;
	[tilespmem:s0+$0xFFFFFFB0] =	vst v7;
	v7 =	vmax.f32 v13, $0.0e+00  }
0x1fc: {  	s16 =	sadd.s32 $0x4, s16;
	v14 =	vunpack.i.u.bf16.f32 v14;
	v12 =	vunpack.i.u.bf16.f32 v12;
	v13 =	vld [tilespmem:s28+$0xFFFFFF80];
	v11 =	vadd.f32 v15, v11;
	[tilespmem:s0+$0xFFFFFFC0] =	vst v7  }
0x1fd: {  	p0 =	slt.u32 s16, $0x3C;
	v7 =	vunpack.i.u.bf16.f32 v5;
	v5 =	vunpack.i.l.bf16.f32 v5;
	v12 =	vadd.f32 v12, v14;
	v14 =	vld [tilespmem:s30+$0xFFFFFFB0];
	[tilespmem:s24+$0x70] =	vst v2;
	s24 =	smov.u32 s0  }
0x1fe: {  	v2 =	vunpack.i.u.bf16.f32 v4;
	v4 =	vunpack.i.l.bf16.f32 v4;
	s0 =	sadd.s32 $0x240, s0;
	v11 =	vmax.f32 v11, $0.0e+00;
	v15 =	vld [tilespmem:s15+$0xFFFFFFB0]  }
0x1ff: {  	v16 =	vunpack.i.u.bf16.f32 v10;
	v10 =	vunpack.i.l.bf16.f32 v10;
	[tilespmem:s0+$0x90] =	vst v11;
	v11 =	vmax.f32 v12, $0.0e+00;
	v12 =	vld [tilespmem:s30+$0xFFFFFFF0]  }
0x200: {  	v17 =	vunpack.i.u.bf16.f32 v9;
	v9 =	vunpack.i.l.bf16.f32 v9;
	v18 =	vunpack.i.u.bf16.f32 v3;
	[tilespmem:s0+$0xA0] =	vst v11;
	v11 =	vld [tilespmem:s15+$0xFFFFFFF0]  }
0x201: {  	v3 =	vunpack.i.l.bf16.f32 v3;
	v19 =	vunpack.i.u.bf16.f32 v13;
	v13 =	vunpack.i.l.bf16.f32 v13;
	v20 =	vld [tilespmem:s28+$0x50]  }
0x202: {  	v8 =	vmax.f32 v8, $0.0e+00;
	v5 =	vadd.f32 v5, v13;
	v7 =	vadd.f32 v7, v19;
	v13 =	vld [tilespmem:s8+$0x50]  }
0x203: {  	v6 =	vmax.f32 v6, $0.0e+00;
	v4 =	vadd.f32 v10, v4;
	v2 =	vadd.f32 v16, v2;
	[tilespmem:s24+$0x40] =	vst v8  }
0x204: {  	v3 =	vadd.f32 v3, v9;
	v8 =	vadd.f32 v18, v17;
	v5 =	vmax.f32 v5, $0.0e+00;
	[tilespmem:s24+$0x50] =	vst v6  }
0x205: {  	v4 =	vmax.f32 v4, $0.0e+00;
	v2 =	vmax.f32 v2, $0.0e+00;
	[tilespmem:s0+$0xFFFFFEE0] =	vst v5;
	v5 =	vmax.f32 v7, $0.0e+00;
	v6 =	vld [tilespmem:s30+$0x30];
	s30 =	smov.u32 s28  }
0x206: {  	v3 =	vmax.f32 v3, $0.0e+00;
	v7 =	vunpack.i.u.bf16.f32 v14;
	[tilespmem:s0+$0xFFFFFEF0] =	vst v5;
	v5 =	vmax.f32 v8, $0.0e+00;
	v8 =	vld [tilespmem:s15+$0x30];
	s15 =	smov.u32 s8  }
0x207: {  	v14 =	vunpack.i.l.bf16.f32 v14;
	v9 =	vld [tilespmem:s28+$0xFFFFFF90];
	[tilespmem:s0+$0xFFFFFF70] =	vst v4;
	v4 =	vunpack.i.l.bf16.f32 v20;
	v10 =	vunpack.i.l.bf16.f32 v13  }
0x208: {  	v13 =	vunpack.i.u.bf16.f32 v13;
	v16 =	vld [tilespmem:s8+$0xFFFFFF90];
	[tilespmem:s0+$0xFFFFFF80] =	vst v2;
	v2 =	vunpack.i.u.bf16.f32 v20;
	v4 =	vadd.f32 v10, v4  }
0x209: {  	v10 =	vld [tilespmem:s28+$0xFFFFFFD0];
	[tilespmem:s0+$0x0] =	vst v3;
	v2 =	vadd.f32 v13, v2;
	v3 =	vunpack.i.u.bf16.f32 v15;
	v13 =	vunpack.i.l.bf16.f32 v15  }
0x20a: {  	v15 =	vld [tilespmem:s8+$0xFFFFFFD0];
	[tilespmem:s0+$0x10] =	vst v5;
	v4 =	vmax.f32 v4, $0.0e+00;
	v5 =	vunpack.i.u.bf16.f32 v12;
	v12 =	vunpack.i.l.bf16.f32 v12  }
0x20b: {  	v17 =	vld [tilespmem:s28+$0x10];
	[tilespmem:s0+$0xB0] =	vst v4;
	v2 =	vmax.f32 v2, $0.0e+00;
	v4 =	vunpack.i.u.bf16.f32 v11;
	v11 =	vunpack.i.l.bf16.f32 v11  }
0x20c: {  	v20 =	vunpack.i.u.bf16.f32 v6;
	v18 =	vunpack.i.u.bf16.f32 v9;
	v9 =	vunpack.i.l.bf16.f32 v9;
	v19 =	vld [tilespmem:s8+$0x10];
	[tilespmem:s0+$0xC0] =	vst v2  }
0x20d: {  	v6 =	vunpack.i.l.bf16.f32 v6;
	v2 =	vunpack.i.u.bf16.f32 v16;
	v16 =	vunpack.i.l.bf16.f32 v16;
	v21 =	vld [tilespmem:s28+$0x60]  }
0x20e: {  	v9 =	vadd.f32 v16, v9;
	v16 =	vunpack.i.u.bf16.f32 v10;
	v10 =	vunpack.i.l.bf16.f32 v10;
	v22 =	vld [tilespmem:s8+$0x60]  }
0x20f: {  	v2 =	vadd.f32 v2, v18;
	v18 =	vunpack.i.u.bf16.f32 v15;
	v15 =	vunpack.i.l.bf16.f32 v15  }
0x210: {  	v10 =	vadd.f32 v15, v10;
	v15 =	vunpack.i.u.bf16.f32 v17;
	v17 =	vunpack.i.l.bf16.f32 v17  }
0x211: {  	v16 =	vadd.f32 v18, v16;
	v18 =	vunpack.i.u.bf16.f32 v19;
	v19 =	vunpack.i.l.bf16.f32 v19  }
0x212: {  	v9 =	vmax.f32 v9, $0.0e+00;
	v17 =	vadd.f32 v19, v17;
	v15 =	vadd.f32 v18, v15  }
0x213: {  	v2 =	vmax.f32 v2, $0.0e+00;
	[tilespmem:s0+$0xFFFFFF00] =	vst v9;
	v9 =	vunpack.i.l.bf16.f32 v21;
	v18 =	vunpack.i.l.bf16.f32 v22  }
0x214: {  	v19 =	vunpack.i.u.bf16.f32 v22;
	[tilespmem:s0+$0xFFFFFF10] =	vst v2;
	v2 =	vunpack.i.u.bf16.f32 v21;
	v9 =	vadd.f32 v18, v9  }
0x215: {  	v10 =	vmax.f32 v10, $0.0e+00;
	v16 =	vmax.f32 v16, $0.0e+00;
	v18 =	vld [tilespmem:s28+$0xFFFFFFA0];
	v2 =	vadd.f32 v19, v2  }
0x216: {  	v15 =	vmax.f32 v15, $0.0e+00;
	v19 =	vld [tilespmem:s8+$0xFFFFFFA0];
	[tilespmem:s0+$0xFFFFFF90] =	vst v10;
	v10 =	vmax.f32 v17, $0.0e+00;
	v9 =	vmax.f32 v9, $0.0e+00  }
0x217: {  	[tilespmem:s0+$0xD0] =	vst v9;
	v2 =	vmax.f32 v2, $0.0e+00;
	v9 =	vunpack.i.u.bf16.f32 v8;
	v8 =	vunpack.i.l.bf16.f32 v8  }
0x218: {  	v13 =	vadd.f32 v13, v14;
	v14 =	vadd.f32 v3, v7;
	v17 =	vmax.f32 v1, $0.0e+00;
	[tilespmem:s0+$0xE0] =	vst v2  }
0x219: {  	v11 =	vadd.f32 v11, v12;
	v4 =	vadd.f32 v4, v5;
	[tilespmem:s0+$0xFFFFFFA0] =	vst v16;
	v16 =	vld [tilespmem:s28+$0x70]  }
0x21a: {  	v2 =	vadd.f32 v8, v6;
	v5 =	vunpack.i.u.bf16.f32 v18;
	v7 =	vunpack.i.l.bf16.f32 v18;
	[tilespmem:s0+$0x20] =	vst v10;
	v10 =	vld [tilespmem:s8+$0x70]  }
.Ltmp3:
0x21b: {  	v3 =	vadd.f32 v9, v20;
	v6 =	vunpack.i.u.bf16.f32 v19;
	v8 =	vunpack.i.l.bf16.f32 v19;
	v1 =	vld [tilespmem:s28+$0xFFFFFFE0];
	[tilespmem:s0+$0x30] =	vst v15;
	(pc) =	sbr.rel @p0 .LBB2_9-.Ltmp3, $4  }
0x21c: {  	v9 =	vadd.f32 v8, v7;
	v6 =	vadd.f32 v6, v5;
	v7 =	vld [tilespmem:s8+$0xFFFFFFE0];
	v5 =	vmax.f32 v13, $0.0e+00;
	[tilespmem:s24+$0xF0] =	vst v17  }
0x21d: {  	v12 =	vmax.f32 v14, $0.0e+00;
	v4 =	vmax.f32 v4, $0.0e+00;
	v8 =	vld [tilespmem:s28+$0x20];
	[tilespmem:s24+$0xFFFFFF40] =	vst v5;
	v5 =	vmax.f32 v11, $0.0e+00  }
0x21e: {  	v11 =	vmax.f32 v9, $0.0e+00;
	v13 =	vmax.f32 v6, $0.0e+00;
	v9 =	vld [tilespmem:s8+$0x20];
	v6 =	vunpack.i.l.bf16.f32 v16;
	[tilespmem:s24+$0xFFFFFF50] =	vst v12  }
0x21f: {  	s28 =	sadd.s32 $0x100, s28;
	[tilespmem:s0+$0xFFFFFF20] =	vst v11;
	v11 =	vunpack.i.u.bf16.f32 v16;
	v12 =	vunpack.i.u.bf16.f32 v10;
	v10 =	vunpack.i.l.bf16.f32 v10  }
0x220: {  	_ = 	snop  }
0x221: {  	v14 =	vunpack.i.u.bf16.f32 v1;
	v1 =	vunpack.i.l.bf16.f32 v1;
	v15 =	vunpack.i.l.bf16.f32 v7  }
0x222: {  	v7 =	vunpack.i.u.bf16.f32 v7;
	v1 =	vadd.f32 v15, v1  }
0x223: {  	v16 =	vunpack.i.u.bf16.f32 v8;
	v7 =	vadd.f32 v7, v14  }
0x224: {  	[tilespmem:s0+$0xFFFFFF30] =	vst v13;
	v8 =	vunpack.i.l.bf16.f32 v8;
	v15 =	vunpack.i.l.bf16.f32 v9;
	v1 =	vmax.f32 v1, $0.0e+00  }
0x225: {  	v9 =	vunpack.i.u.bf16.f32 v9;
	v8 =	vadd.f32 v15, v8;
	[tilespmem:s0+$0xFFFFFFB0] =	vst v1;
	v1 =	vmax.f32 v7, $0.0e+00;
	v7 =	vld [tilespmem:s30+$0xFFFFFFB0]  }
0x226: {  	v9 =	vadd.f32 v9, v16;
	[tilespmem:s0+$0xFFFFFFC0] =	vst v1;
	v1 =	vld [tilespmem:s15+$0xFFFFFFB0]  }
0x227: {  	v8 =	vmax.f32 v8, $0.0e+00;
	v13 =	vld [tilespmem:s30+$0xFFFFFFF0]  }
0x228: {  	v6 =	vadd.f32 v10, v6;
	[tilespmem:s0+$0x40] =	vst v8;
	v8 =	vmax.f32 v9, $0.0e+00;
	v9 =	vadd.f32 v12, v11;
	v11 =	vld [tilespmem:s15+$0xFFFFFFF0]  }
0x229: {  	[tilespmem:s0+$0x50] =	vst v8  }
0x22a: {  	[tilespmem:s24+$0xFFFFFFD0] =	vst v5;
	v2 =	vmax.f32 v2, $0.0e+00;
	v3 =	vmax.f32 v3, $0.0e+00;
	v6 =	vmax.f32 v6, $0.0e+00;
	v8 =	vld [tilespmem:s30+$0x30]  }
0x22b: {  	[tilespmem:s24+$0xFFFFFFE0] =	vst v4;
	v5 =	vmax.f32 v9, $0.0e+00;
	v9 =	vld [tilespmem:s15+$0x30];
	v4 =	vunpack.i.u.bf16.f32 v7;
	v7 =	vunpack.i.l.bf16.f32 v7  }
0x22c: {  	[tilespmem:s0+$0x100] =	vst v5;
	v10 =	vunpack.i.u.bf16.f32 v1;
	v1 =	vunpack.i.l.bf16.f32 v1;
	v5 =	vunpack.i.u.bf16.f32 v13  }
0x22d: {  	[tilespmem:s24+$0x60] =	vst v2;
	v12 =	vunpack.i.l.bf16.f32 v13;
	v2 =	vunpack.i.u.bf16.f32 v11;
	v1 =	vadd.f32 v1, v7  }
0x22e: {  	[tilespmem:s24+$0x70] =	vst v3;
	v11 =	vunpack.i.l.bf16.f32 v11;
	v4 =	vadd.f32 v10, v4;
	v2 =	vadd.f32 v2, v5  }
0x22f: {  	[tilespmem:s0+$0xF0] =	vst v6;
	v3 =	vunpack.i.u.bf16.f32 v8;
	v7 =	vunpack.i.l.bf16.f32 v8;
	v1 =	vmax.f32 v1, $0.0e+00  }
0x230: {  	v8 =	vadd.f32 v11, v12;
	v6 =	vunpack.i.l.bf16.f32 v9;
	[tilespmem:s0+$0xFFFFFF40] =	vst v1;
	v1 =	vmax.f32 v4, $0.0e+00  }
0x231: {  	v4 =	vunpack.i.u.bf16.f32 v9;
	v5 =	vadd.f32 v6, v7;
	v2 =	vmax.f32 v2, $0.0e+00;
	[tilespmem:s0+$0xFFFFFF50] =	vst v1  }
0x232: {  	v6 =	vmax.f32 v8, $0.0e+00;
	v1 =	vadd.f32 v4, v3;
	[tilespmem:s0+$0xFFFFFFE0] =	vst v2  }
0x233: {  	[tilespmem:s0+$0xFFFFFFD0] =	vst v6;
	v2 =	vmax.f32 v5, $0.0e+00  }
0x234: {  	[tilespmem:s0+$0x60] =	vst v2;
	v1 =	vmax.f32 v1, $0.0e+00  }
0x235: {  	[tilespmem:s0+$0x70] =	vst v1  }
0x236: {  	_ =	swait.ge [sflag:s22], $0x2400  }
0x237: {  	s24 =	sshll.u32 s23, $0x8;
	[sflag:s22] =	ssyncset.done $0x0;
	s12 =	rddreg [dreg:$0x11]  }
0x238: {  	[sflag:s22] =	ssyncadd.s32 $0xFFFFDC00;
	s0 =	sadd.s32 s24, s12  }
0x239: {  	[spmem:s3] =	stream.indirect.scatter.add.f32 [tilespmem:s19], [sflag:$0x7], $0x90, s2, s29, $0xb8;
	[tilespmem:$0x1F200] =	vst v63  }
0x23a: {  	s0 =	sshrl.u32 s0, $0x3  }
0x23b: {  	s8 =	sadd.s32 s6, s0  }
0x23c: {  	[tilespmem:s13], [sflag:$0x2] =	stream.linear.gather [hbm4b:s8+s4], $0x40, $0x38;
	[tilespmem:$0x1F200] =	vst v63  }
0x23d: {  	s0 =	sadd.s32 s7, s0  }
0x23e: {  	[tilespmem:s31], [sflag:$0x2] =	stream.linear.gather [hbm4b:s0+s4], $0x40, $0x38;
	[tilespmem:$0x1F200] =	vst v63  }
0x23f: {  	_ =	swait.ge [sflag:s11], $0x40  }
0x240: {  	[sflag:s11] =	ssyncset.done $0x0  }
0x241: {  	[sflag:s11] =	ssyncadd.s32 $0xFFFFFFC0  }
0x242: {  	_ =	swait.ge [sflag:s11], $0x40  }
0x243: {  	[sflag:s11] =	ssyncset.done $0x0  }
0x244: {  	s15 =	simm.s32 $0x200;
	[sflag:s11] =	ssyncadd.s32 $0xFFFFFFC0  }
0x245: {  	[tilespmem:s15], [sflag:$0x5] =	stream.indirect.gather [hbm4b:s1+s29], $0x40, s29, s29, $0xb8;
	[tilespmem:$0x1F200] =	vst v63  }
0x246: {  	s16 =	simm.s32 $0x1200  }
0x247: {  	[tilespmem:s16], [sflag:$0x6] =	stream.indirect.gather [hbm4b:s5+s29], $0x40, s4, s29, $0xb8;
	[tilespmem:$0x1F200] =	vst v63  }
0x248: {  	_ =	swait.ge [sflag:s25], $0x1000  }
0x249: {  	[sflag:s25] =	ssyncset.done $0x0  }
0x24a: {  	[sflag:s25] =	ssyncadd.s32 $0xFFFFF000  }
0x24b: {  	_ =	swait.ge [sflag:s26], $0x1000  }
0x24c: {  	[sflag:s26] =	ssyncset.done $0x0  }
0x24d: {  	s12 =	simm.s32 $0x4680;
	[sflag:s26] =	ssyncadd.s32 $0xFFFFF000  }
0x24e: {  	s16 =	simm.s32 $0x5680;
	v1 =	vld [tilespmem:s12+$0x40]  }
0x24f: {  	v2 =	vld [tilespmem:s16+$0x40];
	_ =	sdelay $0x4  }
0x250: {  	v5 =	vld [tilespmem:s16+$0xFFFFFF80];
	v3 =	vunpack.i.l.bf16.f32 v1;
	v4 =	vunpack.i.l.bf16.f32 v2  }
0x251: {  	v6 =	vld [tilespmem:s16+$0xFFFFFFC0];
	v1 =	vunpack.i.u.bf16.f32 v1;
	v2 =	vunpack.i.u.bf16.f32 v2;
	v3 =	vadd.f32 v4, v3  }
0x252: {  	v1 =	vadd.f32 v2, v1;
	v2 =	vld [tilespmem:s12+$0xFFFFFF80]  }
0x253: {  	s30 =	simm.s32 $0x6720;
	v4 =	vld [tilespmem:s12+$0xFFFFFFC0];
	v3 =	vmax.f32 v3, $0.0e+00  }
0x254: {  	v1 =	vmax.f32 v1, $0.0e+00;
	[tilespmem:s30+$0x90] =	vst v3  }
0x255: {  	[tilespmem:s30+$0xA0] =	vst v1  }
0x256: {  	v11 =	vunpack.i.l.bf16.f32 v6;
	v6 =	vunpack.i.u.bf16.f32 v6;
	v3 =	vunpack.i.u.bf16.f32 v5;
	v1 =	vld [tilespmem:s12+$0x50]  }
0x257: {  	v5 =	vunpack.i.l.bf16.f32 v5;
	v7 =	vld [tilespmem:s16+$0x50];
	v9 =	vunpack.i.u.bf16.f32 v2;
	v2 =	vunpack.i.l.bf16.f32 v2  }
0x258: {  	v8 =	vunpack.i.l.bf16.f32 v4;
	v4 =	vunpack.i.u.bf16.f32 v4;
	v2 =	vadd.f32 v5, v2  }
0x259: {  	v10 =	vld [tilespmem:s12+$0x0];
	v3 =	vadd.f32 v3, v9;
	v4 =	vadd.f32 v6, v4  }
0x25a: {  	v5 =	vld [tilespmem:s16+$0x0];
	v8 =	vadd.f32 v11, v8  }
0x25b: {  	v2 =	vmax.f32 v2, $0.0e+00;
	v3 =	vmax.f32 v3, $0.0e+00;
	v4 =	vmax.f32 v4, $0.0e+00  }
0x25c: {  	[tilespmem:s30+$0xFFFFFEE0] =	vst v2;
	v2 =	vmax.f32 v8, $0.0e+00;
	v6 =	vunpack.i.l.bf16.f32 v1;
	v8 =	vunpack.i.l.bf16.f32 v7  }
0x25d: {  	[tilespmem:s30+$0xFFFFFEF0] =	vst v3;
	v1 =	vunpack.i.u.bf16.f32 v1;
	v3 =	vunpack.i.u.bf16.f32 v7;
	v6 =	vadd.f32 v8, v6  }
0x25e: {  	v7 =	vunpack.i.u.bf16.f32 v10;
	[tilespmem:s30+$0xFFFFFF80] =	vst v4;
	v1 =	vadd.f32 v3, v1;
	v9 =	vld [tilespmem:s16+$0xFFFFFF90]  }
0x25f: {  	v8 =	vld [tilespmem:s12+$0xFFFFFF90];
	[tilespmem:s30+$0xFFFFFF70] =	vst v2;
	v2 =	vunpack.i.l.bf16.f32 v10;
	v3 =	vunpack.i.l.bf16.f32 v5;
	v4 =	vmax.f32 v6, $0.0e+00  }
0x260: {  	v5 =	vunpack.i.u.bf16.f32 v5;
	v2 =	vadd.f32 v3, v2;
	v3 =	vld [tilespmem:s12+$0xFFFFFFD0];
	v1 =	vmax.f32 v1, $0.0e+00;
	[tilespmem:s30+$0xB0] =	vst v4  }
0x261: {  	v4 =	vadd.f32 v5, v7;
	v5 =	vld [tilespmem:s16+$0xFFFFFFD0];
	[tilespmem:s30+$0xC0] =	vst v1  }
0x262: {  	v1 =	vmax.f32 v2, $0.0e+00;
	v2 =	vld [tilespmem:s12+$0x60]  }
0x263: {  	v4 =	vmax.f32 v4, $0.0e+00;
	[tilespmem:s30+$0x0] =	vst v1;
	v1 =	vld [tilespmem:s16+$0x60];
	v6 =	vunpack.i.l.bf16.f32 v9  }
0x264: {  	v9 =	vunpack.i.u.bf16.f32 v9;
	[tilespmem:s30+$0x10] =	vst v4;
	v4 =	vunpack.i.l.bf16.f32 v8;
	v8 =	vunpack.i.u.bf16.f32 v8  }
0x265: {  	v4 =	vadd.f32 v6, v4;
	v6 =	vunpack.i.u.bf16.f32 v3;
	v3 =	vunpack.i.l.bf16.f32 v3  }
0x266: {  	v7 =	vld [tilespmem:s12+$0x10];
	v8 =	vadd.f32 v9, v8;
	v10 =	vunpack.i.u.bf16.f32 v5;
	v5 =	vunpack.i.l.bf16.f32 v5  }
0x267: {  	v9 =	vld [tilespmem:s16+$0x10];
	v4 =	vmax.f32 v4, $0.0e+00;
	v3 =	vadd.f32 v5, v3  }
0x268: {  	[tilespmem:s30+$0xFFFFFF00] =	vst v4;
	v4 =	vmax.f32 v8, $0.0e+00;
	v8 =	vunpack.i.l.bf16.f32 v2;
	v11 =	vunpack.i.l.bf16.f32 v1  }
0x269: {  	v2 =	vunpack.i.u.bf16.f32 v2;
	v1 =	vunpack.i.u.bf16.f32 v1;
	[tilespmem:s30+$0xFFFFFF10] =	vst v4;
	v4 =	vadd.f32 v11, v8  }
0x26a: {  	v6 =	vadd.f32 v10, v6;
	v1 =	vadd.f32 v1, v2;
	v8 =	vld [tilespmem:s12+$0xFFFFFFA0]  }
0x26b: {  	v5 =	vunpack.i.u.bf16.f32 v7;
	v2 =	vunpack.i.l.bf16.f32 v7;
	v7 =	vld [tilespmem:s16+$0xFFFFFFA0];
	v4 =	vmax.f32 v4, $0.0e+00  }
0x26c: {  	s15 =	simm.s32 $0x5780;
	v10 =	vunpack.i.u.bf16.f32 v9;
	v9 =	vunpack.i.l.bf16.f32 v9;
	v1 =	vmax.f32 v1, $0.0e+00;
	[tilespmem:s30+$0xD0] =	vst v4  }
0x26d: {  	v48 =	vld [tilespmem:s15+$0xFFFFFFC0];
	v3 =	vmax.f32 v3, $0.0e+00;
	v2 =	vadd.f32 v9, v2;
	v4 =	vadd.f32 v10, v5;
	[tilespmem:s30+$0xE0] =	vst v1  }
0x26e: {  	[tilespmem:s30+$0xFFFFFF90] =	vst v3;
	v1 =	vmax.f32 v6, $0.0e+00;
	v3 =	vld [tilespmem:s12+$0x70]  }
0x26f: {  	v2 =	vmax.f32 v2, $0.0e+00;
	[tilespmem:s30+$0xFFFFFFA0] =	vst v1;
	v5 =	vld [tilespmem:s16+$0x70];
	v4 =	vmax.f32 v4, $0.0e+00  }
0x270: {  	[tilespmem:s30+$0x20] =	vst v2;
	v1 =	vunpack.i.u.bf16.f32 v8;
	v6 =	vunpack.i.l.bf16.f32 v8;
	v2 =	vunpack.i.u.bf16.f32 v7;
	v8 =	vld [tilespmem:s12+$0xFFFFFFE0]  }
0x271: {  	v7 =	vunpack.i.l.bf16.f32 v7;
	[tilespmem:s30+$0x30] =	vst v4;
	v1 =	vadd.f32 v2, v1;
	v2 =	vld [tilespmem:s16+$0xFFFFFFE0]  }
0x272: {  	v4 =	vadd.f32 v7, v6;
	v6 =	vld [tilespmem:s12+$0x20]  }
0x273: {  	s0 =	simm.s32 $0x4780;
	v16 =	vunpack.i.l.bf16.f32 v48;
	v9 =	vld [tilespmem:s16+$0x20];
	v7 =	vmax.f32 v1, $0.0e+00;
	v1 =	vunpack.i.l.bf16.f32 v3  }
0x274: {  	v15 =	vld [tilespmem:s0+$0xFFFFFFC0];
	v3 =	vunpack.i.u.bf16.f32 v3;
	v10 =	vunpack.i.u.bf16.f32 v5;
	v5 =	vunpack.i.l.bf16.f32 v5  }
0x275: {  	v11 =	vld [tilespmem:s0+$0x40];
	v4 =	vmax.f32 v4, $0.0e+00;
	v3 =	vadd.f32 v10, v3;
	v1 =	vadd.f32 v5, v1  }
0x276: {  	v10 =	vld [tilespmem:s15+$0x40];
	v12 =	vunpack.i.u.bf16.f32 v8;
	v8 =	vunpack.i.l.bf16.f32 v8;
	v13 =	vunpack.i.u.bf16.f32 v2  }
0x277: {  	v2 =	vunpack.i.l.bf16.f32 v2;
	v14 =	vunpack.i.u.bf16.f32 v6;
	v6 =	vunpack.i.l.bf16.f32 v6  }
0x278: {  	v5 =	vld [tilespmem:s15+$0xFFFFFF80];
	v2 =	vadd.f32 v2, v8;
	v8 =	vunpack.i.u.bf16.f32 v9;
	v9 =	vunpack.i.l.bf16.f32 v9  }
0x279: {  	[tilespmem:s30+$0xFFFFFF30] =	vst v7;
	v7 =	vunpack.i.u.bf16.f32 v15;
	v12 =	vadd.f32 v13, v12;
	v6 =	vadd.f32 v9, v6  }
0x27a: {  	v18 =	vld [tilespmem:s0+$0xFFFFFF80];
	[tilespmem:s30+$0xFFFFFF20] =	vst v4;
	v8 =	vadd.f32 v8, v14;
	v14 =	vunpack.i.l.bf16.f32 v11;
	v2 =	vmax.f32 v2, $0.0e+00  }
0x27b: {  	v13 =	vld [tilespmem:s15+$0x0];
	v11 =	vunpack.i.u.bf16.f32 v11;
	v17 =	vunpack.i.l.bf16.f32 v10;
	v12 =	vmax.f32 v12, $0.0e+00;
	[tilespmem:s30+$0xFFFFFFB0] =	vst v2  }
0x27c: {  	v9 =	vld [tilespmem:s0+$0x0];
	v10 =	vunpack.i.u.bf16.f32 v10;
	v14 =	vadd.f32 v17, v14;
	[tilespmem:s30+$0xFFFFFFC0] =	vst v12;
	v6 =	vmax.f32 v6, $0.0e+00  }
0x27d: {  	v4 =	vunpack.i.u.bf16.f32 v5;
	v10 =	vadd.f32 v10, v11;
	[tilespmem:s30+$0x40] =	vst v6;
	v6 =	vmax.f32 v8, $0.0e+00  }
0x27e: {  	s8 =	simm.s32 $0x6960;
	v5 =	vunpack.i.l.bf16.f32 v5;
	v11 =	vunpack.i.l.bf16.f32 v15;
	v14 =	vmax.f32 v14, $0.0e+00;
	[tilespmem:s30+$0x50] =	vst v6  }
0x27f: {  	v15 =	vunpack.i.u.bf16.f32 v48;
	v2 =	vunpack.i.u.bf16.f32 v18;
	v8 =	vld [tilespmem:s12+$0xFFFFFFF0];
	v10 =	vmax.f32 v10, $0.0e+00;
	[tilespmem:s8+$0x90] =	vst v14  }
0x280: {  	v2 =	vadd.f32 v4, v2;
	v7 =	vadd.f32 v15, v7;
	v19 =	vunpack.i.u.bf16.f32 v13;
	v6 =	vld [tilespmem:s16+$0xFFFFFFF0];
	[tilespmem:s8+$0xA0] =	vst v10  }
0x281: {  	v13 =	vunpack.i.l.bf16.f32 v13;
	v49 =	vunpack.i.u.bf16.f32 v9;
	v10 =	vunpack.i.l.bf16.f32 v18;
	v50 =	vld [tilespmem:s0+$0x50]  }
0x282: {  	v9 =	vunpack.i.l.bf16.f32 v9;
	v2 =	vmax.f32 v2, $0.0e+00;
	v5 =	vadd.f32 v5, v10;
	v4 =	vld [tilespmem:s15+$0x50]  }
0x283: {  	v14 =	vld [tilespmem:s12+$0xFFFFFFB0];
	v7 =	vmax.f32 v7, $0.0e+00;
	v9 =	vadd.f32 v13, v9;
	v12 =	vadd.f32 v19, v49;
	[tilespmem:s8+$0xFFFFFEF0] =	vst v2  }
0x284: {  	v11 =	vadd.f32 v16, v11;
	v23 =	vld [tilespmem:s16+$0x30];
	[tilespmem:s8+$0xFFFFFF80] =	vst v7;
	v5 =	vmax.f32 v5, $0.0e+00  }
0x285: {  	v10 =	vld [tilespmem:s16+$0xFFFFFFB0];
	v2 =	vmax.f32 v9, $0.0e+00;
	v9 =	vmax.f32 v12, $0.0e+00;
	[tilespmem:s8+$0xFFFFFEE0] =	vst v5  }
0x286: {  	v3 =	vmax.f32 v3, $0.0e+00;
	v5 =	vmax.f32 v11, $0.0e+00;
	v11 =	vld [tilespmem:s12+$0x30];
	[tilespmem:s8+$0x10] =	vst v9  }
0x287: {  	v9 =	vunpack.i.u.bf16.f32 v8;
	v13 =	vld [tilespmem:s0+$0xFFFFFF90];
	[tilespmem:s8+$0xFFFFFF70] =	vst v5;
	v5 =	vunpack.i.l.bf16.f32 v50;
	v15 =	vunpack.i.l.bf16.f32 v4  }
0x288: {  	[tilespmem:s8+$0x0] =	vst v2;
	v51 =	vld [tilespmem:s15+$0xFFFFFF90];
	v7 =	vunpack.i.u.bf16.f32 v50;
	v4 =	vunpack.i.u.bf16.f32 v4;
	v5 =	vadd.f32 v15, v5  }
0x289: {  	v8 =	vunpack.i.l.bf16.f32 v8;
	v12 =	vunpack.i.u.bf16.f32 v14;
	v52 =	vld [tilespmem:s0+$0x10];
	v2 =	vadd.f32 v4, v7  }
0x28a: {  	v14 =	vunpack.i.l.bf16.f32 v14;
	v54 =	vld [tilespmem:s15+$0x10];
	v63 =	vunpack.i.l.bf16.f32 v23;
	v5 =	vmax.f32 v5, $0.0e+00  }
0x28b: {  	v15 =	vld [tilespmem:s0+$0xFFFFFFD0];
	v4 =	vunpack.i.u.bf16.f32 v10;
	v7 =	vunpack.i.l.bf16.f32 v10;
	v2 =	vmax.f32 v2, $0.0e+00;
	[tilespmem:s8+$0xB0] =	vst v5  }
0x28c: {  	v10 =	vld [tilespmem:s15+$0xFFFFFFD0];
	v7 =	vadd.f32 v7, v14;
	v4 =	vadd.f32 v4, v12;
	v12 =	vmax.f32 v1, $0.0e+00;
	[tilespmem:s8+$0xC0] =	vst v2  }
0x28d: {  	v20 =	vunpack.i.u.bf16.f32 v11;
	v11 =	vunpack.i.l.bf16.f32 v11;
	v5 =	vunpack.i.u.bf16.f32 v6;
	v21 =	vld [tilespmem:s0+$0x60]  }
0x28e: {  	v6 =	vunpack.i.l.bf16.f32 v6;
	v53 =	vunpack.i.u.bf16.f32 v13;
	v13 =	vunpack.i.l.bf16.f32 v13;
	v22 =	vld [tilespmem:s15+$0x60]  }
0x28f: {  	v2 =	vunpack.i.u.bf16.f32 v51;
	v16 =	vunpack.i.l.bf16.f32 v51;
	v57 =	vunpack.i.u.bf16.f32 v52  }
0x290: {  	v17 =	vunpack.i.l.bf16.f32 v52;
	v13 =	vadd.f32 v16, v13;
	v2 =	vadd.f32 v2, v53  }
0x291: {  	v55 =	vunpack.i.u.bf16.f32 v15;
	v15 =	vunpack.i.l.bf16.f32 v15;
	v56 =	vunpack.i.l.bf16.f32 v10  }
0x292: {  	[tilespmem:s30+$0x100] =	vst v3;
	v58 =	vunpack.i.l.bf16.f32 v54;
	v15 =	vadd.f32 v56, v15;
	v13 =	vmax.f32 v13, $0.0e+00  }
0x293: {  	v2 =	vmax.f32 v2, $0.0e+00;
	[tilespmem:s8+$0xFFFFFF00] =	vst v13;
	v13 =	vunpack.i.l.bf16.f32 v21;
	v59 =	vunpack.i.l.bf16.f32 v22  }
0x294: {  	[tilespmem:s8+$0xFFFFFF10] =	vst v2;
	v2 =	vunpack.i.u.bf16.f32 v21;
	v60 =	vunpack.i.u.bf16.f32 v22;
	v13 =	vadd.f32 v59, v13  }
0x295: {  	[tilespmem:s30+$0xF0] =	vst v12;
	v10 =	vunpack.i.u.bf16.f32 v10;
	v61 =	vld [tilespmem:s0+$0xFFFFFFA0];
	v15 =	vmax.f32 v15, $0.0e+00;
	v2 =	vadd.f32 v60, v2  }
0x296: {  	v19 =	vunpack.i.u.bf16.f32 v54;
	v10 =	vadd.f32 v10, v55;
	v62 =	vld [tilespmem:s15+$0xFFFFFFA0];
	[tilespmem:s8+$0xFFFFFF90] =	vst v15;
	v13 =	vmax.f32 v13, $0.0e+00  }
0x297: {  	v16 =	vadd.f32 v58, v17;
	v3 =	vadd.f32 v19, v57;
	v2 =	vmax.f32 v2, $0.0e+00;
	[tilespmem:s8+$0xD0] =	vst v13  }
0x298: {  	v12 =	vmax.f32 v4, $0.0e+00;
	v6 =	vadd.f32 v6, v8;
	v10 =	vmax.f32 v10, $0.0e+00;
	[tilespmem:s8+$0xE0] =	vst v2  }
0x299: {  	v8 =	vadd.f32 v5, v9;
	v3 =	vmax.f32 v3, $0.0e+00;
	v15 =	vmax.f32 v16, $0.0e+00;
	[tilespmem:s8+$0xFFFFFFA0] =	vst v10;
	v10 =	vld [tilespmem:s0+$0x70]  }
0x29a: {  	v13 =	vunpack.i.u.bf16.f32 v23;
	v5 =	vunpack.i.u.bf16.f32 v61;
	v9 =	vunpack.i.l.bf16.f32 v61;
	v14 =	vld [tilespmem:s15+$0x70]  }
0x29b: {  	[tilespmem:s8+$0x20] =	vst v15;
	v1 =	vld [tilespmem:s0+$0xFFFFFFE0];
	v2 =	vadd.f32 v63, v11;
	v11 =	vunpack.i.u.bf16.f32 v62;
	v15 =	vunpack.i.l.bf16.f32 v62  }
0x29c: {  	[tilespmem:s8+$0x30] =	vst v3;
	v9 =	vadd.f32 v15, v9;
	v11 =	vadd.f32 v11, v5;
	v5 =	vmax.f32 v7, $0.0e+00;
	v7 =	vld [tilespmem:s15+$0xFFFFFFE0]  }
0x29d: {  	v4 =	vmax.f32 v8, $0.0e+00;
	v8 =	vld [tilespmem:s0+$0x20];
	v3 =	vadd.f32 v13, v20;
	[tilespmem:s30+$0xFFFFFF40] =	vst v5;
	v5 =	vmax.f32 v6, $0.0e+00  }
0x29e: {  	[tilespmem:s30+$0xFFFFFF50] =	vst v12;
	v15 =	vmax.f32 v9, $0.0e+00;
	v13 =	vmax.f32 v11, $0.0e+00;
	v9 =	vld [tilespmem:s15+$0x20];
	v6 =	vunpack.i.l.bf16.f32 v10  }
0x29f: {  	s28 =	simm.s32 $0x4;
	s16 =	simm.s32 $0x5780;
	s12 =	simm.s32 $0x4880;
	[tilespmem:s8+$0xFFFFFF20] =	vst v15;
	v11 =	vunpack.i.u.bf16.f32 v10;
	v12 =	vunpack.i.u.bf16.f32 v14;
	v10 =	vunpack.i.l.bf16.f32 v14  }
.LBB2_11:
0x2a0: {  	v14 =	vld [tilespmem:s12+$0x40];
	[tilespmem:s8+$0xFFFFFF30] =	vst v13;
	v13 =	vunpack.i.u.bf16.f32 v1;
	v15 =	vunpack.i.l.bf16.f32 v1;
	v11 =	vadd.f32 v12, v11;
	s15 =	sadd.s32 $0x100, s15  }
0x2a1: {  	v1 =	vadd.f32 v10, v6;
	v12 =	vld [tilespmem:s15+$0x40];
	v16 =	vunpack.i.u.bf16.f32 v7;
	v7 =	vunpack.i.l.bf16.f32 v7;
	[tilespmem:s30+$0xFFFFFFD0] =	vst v5  }
0x2a2: {  	v5 =	vld [tilespmem:s15+$0xFFFFFF80];
	v6 =	vunpack.i.u.bf16.f32 v8;
	v8 =	vunpack.i.l.bf16.f32 v8;
	v10 =	vmax.f32 v11, $0.0e+00;
	[tilespmem:s30+$0xFFFFFFE0] =	vst v4  }
0x2a3: {  	v7 =	vadd.f32 v7, v15;
	v4 =	vld [tilespmem:s12+$0xFFFFFFC0];
	v11 =	vunpack.i.u.bf16.f32 v9;
	v9 =	vunpack.i.l.bf16.f32 v9;
	[tilespmem:s8+$0x100] =	vst v10  }
0x2a4: {  	v2 =	vmax.f32 v2, $0.0e+00;
	v13 =	vadd.f32 v16, v13;
	v10 =	vld [tilespmem:s15+$0xFFFFFFC0];
	v8 =	vadd.f32 v9, v8  }
0x2a5: {  	v7 =	vmax.f32 v7, $0.0e+00;
	v6 =	vadd.f32 v11, v6;
	v9 =	vld [tilespmem:s12+$0x0];
	[tilespmem:s30+$0x60] =	vst v2;
	v2 =	vmax.f32 v3, $0.0e+00  }
0x2a6: {  	v11 =	vunpack.i.l.bf16.f32 v14;
	v3 =	vld [tilespmem:s15+$0x0];
	v15 =	vunpack.i.l.bf16.f32 v12;
	[tilespmem:s8+$0xFFFFFFB0] =	vst v7;
	v7 =	vmax.f32 v13, $0.0e+00  }
0x2a7: {  	s28 =	sadd.s32 $0x4, s28;
	v14 =	vunpack.i.u.bf16.f32 v14;
	v12 =	vunpack.i.u.bf16.f32 v12;
	v13 =	vld [tilespmem:s12+$0xFFFFFF80];
	v11 =	vadd.f32 v15, v11;
	[tilespmem:s8+$0xFFFFFFC0] =	vst v7  }
0x2a8: {  	p0 =	slt.u32 s28, $0x3C;
	v7 =	vunpack.i.u.bf16.f32 v5;
	v5 =	vunpack.i.l.bf16.f32 v5;
	v12 =	vadd.f32 v12, v14;
	v14 =	vld [tilespmem:s0+$0xFFFFFFB0];
	[tilespmem:s30+$0x70] =	vst v2;
	s30 =	smov.u32 s8  }
0x2a9: {  	v2 =	vunpack.i.u.bf16.f32 v4;
	v4 =	vunpack.i.l.bf16.f32 v4;
	s8 =	sadd.s32 $0x240, s8;
	v11 =	vmax.f32 v11, $0.0e+00;
	v15 =	vld [tilespmem:s16+$0xFFFFFFB0]  }
0x2aa: {  	v16 =	vunpack.i.u.bf16.f32 v10;
	v10 =	vunpack.i.l.bf16.f32 v10;
	[tilespmem:s8+$0x90] =	vst v11;
	v11 =	vmax.f32 v12, $0.0e+00;
	v12 =	vld [tilespmem:s0+$0xFFFFFFF0]  }
0x2ab: {  	v17 =	vunpack.i.u.bf16.f32 v9;
	v9 =	vunpack.i.l.bf16.f32 v9;
	v18 =	vunpack.i.u.bf16.f32 v3;
	[tilespmem:s8+$0xA0] =	vst v11;
	v11 =	vld [tilespmem:s16+$0xFFFFFFF0]  }
0x2ac: {  	v3 =	vunpack.i.l.bf16.f32 v3;
	v19 =	vunpack.i.u.bf16.f32 v13;
	v13 =	vunpack.i.l.bf16.f32 v13;
	v20 =	vld [tilespmem:s12+$0x50]  }
0x2ad: {  	v8 =	vmax.f32 v8, $0.0e+00;
	v5 =	vadd.f32 v5, v13;
	v7 =	vadd.f32 v7, v19;
	v13 =	vld [tilespmem:s15+$0x50]  }
0x2ae: {  	v6 =	vmax.f32 v6, $0.0e+00;
	v4 =	vadd.f32 v10, v4;
	v2 =	vadd.f32 v16, v2;
	[tilespmem:s30+$0x40] =	vst v8  }
0x2af: {  	v3 =	vadd.f32 v3, v9;
	v8 =	vadd.f32 v18, v17;
	v5 =	vmax.f32 v5, $0.0e+00;
	[tilespmem:s30+$0x50] =	vst v6  }
0x2b0: {  	v4 =	vmax.f32 v4, $0.0e+00;
	v2 =	vmax.f32 v2, $0.0e+00;
	[tilespmem:s8+$0xFFFFFEE0] =	vst v5;
	v5 =	vmax.f32 v7, $0.0e+00;
	v6 =	vld [tilespmem:s0+$0x30];
	s0 =	smov.u32 s12  }
0x2b1: {  	v3 =	vmax.f32 v3, $0.0e+00;
	v7 =	vunpack.i.u.bf16.f32 v14;
	[tilespmem:s8+$0xFFFFFEF0] =	vst v5;
	v5 =	vmax.f32 v8, $0.0e+00;
	v8 =	vld [tilespmem:s16+$0x30];
	s16 =	smov.u32 s15  }
0x2b2: {  	v14 =	vunpack.i.l.bf16.f32 v14;
	v9 =	vld [tilespmem:s12+$0xFFFFFF90];
	[tilespmem:s8+$0xFFFFFF70] =	vst v4;
	v4 =	vunpack.i.l.bf16.f32 v20;
	v10 =	vunpack.i.l.bf16.f32 v13  }
0x2b3: {  	v13 =	vunpack.i.u.bf16.f32 v13;
	v16 =	vld [tilespmem:s15+$0xFFFFFF90];
	[tilespmem:s8+$0xFFFFFF80] =	vst v2;
	v2 =	vunpack.i.u.bf16.f32 v20;
	v4 =	vadd.f32 v10, v4  }
0x2b4: {  	v10 =	vld [tilespmem:s12+$0xFFFFFFD0];
	[tilespmem:s8+$0x0] =	vst v3;
	v2 =	vadd.f32 v13, v2;
	v3 =	vunpack.i.u.bf16.f32 v15;
	v13 =	vunpack.i.l.bf16.f32 v15  }
0x2b5: {  	v15 =	vld [tilespmem:s15+$0xFFFFFFD0];
	[tilespmem:s8+$0x10] =	vst v5;
	v4 =	vmax.f32 v4, $0.0e+00;
	v5 =	vunpack.i.u.bf16.f32 v12;
	v12 =	vunpack.i.l.bf16.f32 v12  }
0x2b6: {  	v17 =	vld [tilespmem:s12+$0x10];
	[tilespmem:s8+$0xB0] =	vst v4;
	v2 =	vmax.f32 v2, $0.0e+00;
	v4 =	vunpack.i.u.bf16.f32 v11;
	v11 =	vunpack.i.l.bf16.f32 v11  }
0x2b7: {  	v20 =	vunpack.i.u.bf16.f32 v6;
	v18 =	vunpack.i.u.bf16.f32 v9;
	v9 =	vunpack.i.l.bf16.f32 v9;
	v19 =	vld [tilespmem:s15+$0x10];
	[tilespmem:s8+$0xC0] =	vst v2  }
0x2b8: {  	v6 =	vunpack.i.l.bf16.f32 v6;
	v2 =	vunpack.i.u.bf16.f32 v16;
	v16 =	vunpack.i.l.bf16.f32 v16;
	v21 =	vld [tilespmem:s12+$0x60]  }
0x2b9: {  	v9 =	vadd.f32 v16, v9;
	v16 =	vunpack.i.u.bf16.f32 v10;
	v10 =	vunpack.i.l.bf16.f32 v10;
	v22 =	vld [tilespmem:s15+$0x60]  }
0x2ba: {  	v2 =	vadd.f32 v2, v18;
	v18 =	vunpack.i.u.bf16.f32 v15;
	v15 =	vunpack.i.l.bf16.f32 v15  }
0x2bb: {  	v10 =	vadd.f32 v15, v10;
	v15 =	vunpack.i.u.bf16.f32 v17;
	v17 =	vunpack.i.l.bf16.f32 v17  }
0x2bc: {  	v16 =	vadd.f32 v18, v16;
	v18 =	vunpack.i.u.bf16.f32 v19;
	v19 =	vunpack.i.l.bf16.f32 v19  }
0x2bd: {  	v9 =	vmax.f32 v9, $0.0e+00;
	v17 =	vadd.f32 v19, v17;
	v15 =	vadd.f32 v18, v15  }
0x2be: {  	v2 =	vmax.f32 v2, $0.0e+00;
	[tilespmem:s8+$0xFFFFFF00] =	vst v9;
	v9 =	vunpack.i.l.bf16.f32 v21;
	v18 =	vunpack.i.l.bf16.f32 v22  }
0x2bf: {  	v19 =	vunpack.i.u.bf16.f32 v22;
	[tilespmem:s8+$0xFFFFFF10] =	vst v2;
	v2 =	vunpack.i.u.bf16.f32 v21;
	v9 =	vadd.f32 v18, v9  }
0x2c0: {  	v10 =	vmax.f32 v10, $0.0e+00;
	v16 =	vmax.f32 v16, $0.0e+00;
	v18 =	vld [tilespmem:s12+$0xFFFFFFA0];
	v2 =	vadd.f32 v19, v2  }
0x2c1: {  	v15 =	vmax.f32 v15, $0.0e+00;
	v19 =	vld [tilespmem:s15+$0xFFFFFFA0];
	[tilespmem:s8+$0xFFFFFF90] =	vst v10;
	v10 =	vmax.f32 v17, $0.0e+00;
	v9 =	vmax.f32 v9, $0.0e+00  }
0x2c2: {  	[tilespmem:s8+$0xD0] =	vst v9;
	v2 =	vmax.f32 v2, $0.0e+00;
	v9 =	vunpack.i.u.bf16.f32 v8;
	v8 =	vunpack.i.l.bf16.f32 v8  }
0x2c3: {  	v13 =	vadd.f32 v13, v14;
	v14 =	vadd.f32 v3, v7;
	v17 =	vmax.f32 v1, $0.0e+00;
	[tilespmem:s8+$0xE0] =	vst v2  }
0x2c4: {  	v11 =	vadd.f32 v11, v12;
	v4 =	vadd.f32 v4, v5;
	[tilespmem:s8+$0xFFFFFFA0] =	vst v16;
	v16 =	vld [tilespmem:s12+$0x70]  }
0x2c5: {  	v2 =	vadd.f32 v8, v6;
	v5 =	vunpack.i.u.bf16.f32 v18;
	v7 =	vunpack.i.l.bf16.f32 v18;
	[tilespmem:s8+$0x20] =	vst v10;
	v10 =	vld [tilespmem:s15+$0x70]  }
.Ltmp4:
0x2c6: {  	v3 =	vadd.f32 v9, v20;
	v6 =	vunpack.i.u.bf16.f32 v19;
	v8 =	vunpack.i.l.bf16.f32 v19;
	v1 =	vld [tilespmem:s12+$0xFFFFFFE0];
	[tilespmem:s8+$0x30] =	vst v15;
	(pc) =	sbr.rel @p0 .LBB2_11-.Ltmp4, $4  }
0x2c7: {  	v9 =	vadd.f32 v8, v7;
	v6 =	vadd.f32 v6, v5;
	v7 =	vld [tilespmem:s15+$0xFFFFFFE0];
	v5 =	vmax.f32 v13, $0.0e+00;
	[tilespmem:s30+$0xF0] =	vst v17  }
0x2c8: {  	v12 =	vmax.f32 v14, $0.0e+00;
	v4 =	vmax.f32 v4, $0.0e+00;
	v8 =	vld [tilespmem:s12+$0x20];
	[tilespmem:s30+$0xFFFFFF40] =	vst v5;
	v5 =	vmax.f32 v11, $0.0e+00  }
0x2c9: {  	v11 =	vmax.f32 v9, $0.0e+00;
	v13 =	vmax.f32 v6, $0.0e+00;
	v9 =	vld [tilespmem:s15+$0x20];
	v6 =	vunpack.i.l.bf16.f32 v16;
	[tilespmem:s30+$0xFFFFFF50] =	vst v12  }
0x2ca: {  	s12 =	sadd.s32 $0x100, s12;
	[tilespmem:s8+$0xFFFFFF20] =	vst v11;
	v11 =	vunpack.i.u.bf16.f32 v16;
	v12 =	vunpack.i.u.bf16.f32 v10;
	v10 =	vunpack.i.l.bf16.f32 v10  }
0x2cb: {  	_ = 	snop  }
0x2cc: {  	v14 =	vunpack.i.u.bf16.f32 v1;
	v1 =	vunpack.i.l.bf16.f32 v1;
	v15 =	vunpack.i.l.bf16.f32 v7  }
0x2cd: {  	v7 =	vunpack.i.u.bf16.f32 v7;
	v1 =	vadd.f32 v15, v1  }
0x2ce: {  	v16 =	vunpack.i.u.bf16.f32 v8;
	v7 =	vadd.f32 v7, v14  }
0x2cf: {  	[tilespmem:s8+$0xFFFFFF30] =	vst v13;
	v8 =	vunpack.i.l.bf16.f32 v8;
	v15 =	vunpack.i.l.bf16.f32 v9;
	v1 =	vmax.f32 v1, $0.0e+00  }
0x2d0: {  	v9 =	vunpack.i.u.bf16.f32 v9;
	v8 =	vadd.f32 v15, v8;
	[tilespmem:s8+$0xFFFFFFB0] =	vst v1;
	v1 =	vmax.f32 v7, $0.0e+00;
	v7 =	vld [tilespmem:s0+$0xFFFFFFB0]  }
0x2d1: {  	v9 =	vadd.f32 v9, v16;
	[tilespmem:s8+$0xFFFFFFC0] =	vst v1;
	v1 =	vld [tilespmem:s16+$0xFFFFFFB0]  }
0x2d2: {  	v8 =	vmax.f32 v8, $0.0e+00;
	v13 =	vld [tilespmem:s0+$0xFFFFFFF0]  }
0x2d3: {  	v6 =	vadd.f32 v10, v6;
	[tilespmem:s8+$0x40] =	vst v8;
	v8 =	vmax.f32 v9, $0.0e+00;
	v9 =	vadd.f32 v12, v11;
	v11 =	vld [tilespmem:s16+$0xFFFFFFF0]  }
0x2d4: {  	[tilespmem:s8+$0x50] =	vst v8  }
0x2d5: {  	[tilespmem:s30+$0xFFFFFFD0] =	vst v5;
	v2 =	vmax.f32 v2, $0.0e+00;
	v3 =	vmax.f32 v3, $0.0e+00;
	v6 =	vmax.f32 v6, $0.0e+00;
	v8 =	vld [tilespmem:s0+$0x30]  }
0x2d6: {  	[tilespmem:s30+$0xFFFFFFE0] =	vst v4;
	v5 =	vmax.f32 v9, $0.0e+00;
	v9 =	vld [tilespmem:s16+$0x30];
	v4 =	vunpack.i.u.bf16.f32 v7;
	v7 =	vunpack.i.l.bf16.f32 v7  }
0x2d7: {  	[tilespmem:s8+$0x100] =	vst v5;
	v10 =	vunpack.i.u.bf16.f32 v1;
	v1 =	vunpack.i.l.bf16.f32 v1;
	v5 =	vunpack.i.u.bf16.f32 v13  }
0x2d8: {  	[tilespmem:s30+$0x60] =	vst v2;
	v12 =	vunpack.i.l.bf16.f32 v13;
	v2 =	vunpack.i.u.bf16.f32 v11;
	v1 =	vadd.f32 v1, v7  }
0x2d9: {  	[tilespmem:s30+$0x70] =	vst v3;
	v11 =	vunpack.i.l.bf16.f32 v11;
	v4 =	vadd.f32 v10, v4;
	v2 =	vadd.f32 v2, v5  }
0x2da: {  	[tilespmem:s8+$0xF0] =	vst v6;
	v3 =	vunpack.i.u.bf16.f32 v8;
	v7 =	vunpack.i.l.bf16.f32 v8;
	v1 =	vmax.f32 v1, $0.0e+00  }
0x2db: {  	v8 =	vadd.f32 v11, v12;
	v6 =	vunpack.i.l.bf16.f32 v9;
	[tilespmem:s8+$0xFFFFFF40] =	vst v1;
	v1 =	vmax.f32 v4, $0.0e+00  }
0x2dc: {  	v4 =	vunpack.i.u.bf16.f32 v9;
	v5 =	vadd.f32 v6, v7;
	v2 =	vmax.f32 v2, $0.0e+00;
	[tilespmem:s8+$0xFFFFFF50] =	vst v1  }
0x2dd: {  	v6 =	vmax.f32 v8, $0.0e+00;
	v1 =	vadd.f32 v4, v3;
	[tilespmem:s8+$0xFFFFFFE0] =	vst v2  }
0x2de: {  	[tilespmem:s8+$0xFFFFFFD0] =	vst v6;
	v2 =	vmax.f32 v5, $0.0e+00  }
0x2df: {  	[tilespmem:s8+$0x60] =	vst v2;
	v1 =	vmax.f32 v1, $0.0e+00  }
0x2e0: {  	[tilespmem:s8+$0x70] =	vst v1  }
0x2e1: {  	_ =	swait.ge [sflag:s10], $0x2400  }
0x2e2: {  	[sflag:s10] =	ssyncset.done $0x0;
	s15 =	rddreg [dreg:$0x12]  }
0x2e3: {  	s12 =	simm.s32 $0x6600;
	[sflag:s10] =	ssyncadd.s32 $0xFFFFDC00;
	s0 =	sadd.s32 s24, s15  }
0x2e4: {  	[spmem:s3] =	stream.indirect.scatter.add.f32 [tilespmem:s12], [sflag:$0xA], $0x90, s9, s29, $0xb8;
	[tilespmem:$0x1F200] =	vst v63  }
0x2e5: {  	s0 =	sshrl.u32 s0, $0x3  }
0x2e6: {  	s12 =	simm.s32 $0x100;
	s16 =	sadd.s32 s6, s0  }
0x2e7: {  	[tilespmem:s12], [sflag:$0x3] =	stream.linear.gather [hbm4b:s16+s4], $0x40, $0x38;
	[tilespmem:$0x1F200] =	vst v63  }
0x2e8: {  	s0 =	sadd.s32 s7, s0  }
0x2e9: {  	[tilespmem:s2], [sflag:$0x3] =	stream.linear.gather [hbm4b:s0+s4], $0x40, $0x38;
	[tilespmem:$0x1F200] =	vst v63  }
0x2ea: {  	_ =	swait.ge [sflag:s14], $0x40  }
0x2eb: {  	[sflag:s14] =	ssyncset.done $0x0  }
0x2ec: {  	[sflag:s14] =	ssyncadd.s32 $0xFFFFFFC0  }
0x2ed: {  	_ =	swait.ge [sflag:s14], $0x40  }
0x2ee: {  	[sflag:s14] =	ssyncset.done $0x0  }
0x2ef: {  	s15 =	simm.s32 $0x4600;
	[sflag:s14] =	ssyncadd.s32 $0xFFFFFFC0  }
0x2f0: {  	[tilespmem:s15], [sflag:$0x8] =	stream.indirect.gather [hbm4b:s1+s29], $0x40, s31, s29, $0xb8;
	[tilespmem:$0x1F200] =	vst v63  }
0x2f1: {  	s16 =	simm.s32 $0x5600  }
0x2f2: {  	[tilespmem:s16], [sflag:$0x9] =	stream.indirect.gather [hbm4b:s5+s29], $0x40, s13, s29, $0xb8;
	[tilespmem:$0x1F200] =	vst v63  }
0x2f3: {  	_ =	swait.ge [sflag:s17], $0x1000  }
0x2f4: {  	[sflag:s17] =	ssyncset.done $0x0  }
0x2f5: {  	[sflag:s17] =	ssyncadd.s32 $0xFFFFF000  }
0x2f6: {  	_ =	swait.ge [sflag:s18], $0x1000  }
0x2f7: {  	[sflag:s18] =	ssyncset.done $0x0  }
0x2f8: {  	s12 =	simm.s32 $0x280;
	[sflag:s18] =	ssyncadd.s32 $0xFFFFF000  }
0x2f9: {  	s16 =	simm.s32 $0x1280;
	v1 =	vld [tilespmem:s12+$0x40]  }
0x2fa: {  	v2 =	vld [tilespmem:s16+$0x40];
	_ =	sdelay $0x4  }
0x2fb: {  	v5 =	vld [tilespmem:s16+$0xFFFFFF80];
	v3 =	vunpack.i.l.bf16.f32 v1;
	v4 =	vunpack.i.l.bf16.f32 v2  }
0x2fc: {  	v6 =	vld [tilespmem:s16+$0xFFFFFFC0];
	v1 =	vunpack.i.u.bf16.f32 v1;
	v2 =	vunpack.i.u.bf16.f32 v2;
	v3 =	vadd.f32 v4, v3  }
0x2fd: {  	v1 =	vadd.f32 v2, v1;
	v2 =	vld [tilespmem:s12+$0xFFFFFF80]  }
0x2fe: {  	s30 =	simm.s32 $0x2320;
	v4 =	vld [tilespmem:s12+$0xFFFFFFC0];
	v3 =	vmax.f32 v3, $0.0e+00  }
0x2ff: {  	v1 =	vmax.f32 v1, $0.0e+00;
	[tilespmem:s30+$0x90] =	vst v3  }
0x300: {  	[tilespmem:s30+$0xA0] =	vst v1  }
0x301: {  	v11 =	vunpack.i.l.bf16.f32 v6;
	v6 =	vunpack.i.u.bf16.f32 v6;
	v3 =	vunpack.i.u.bf16.f32 v5;
	v1 =	vld [tilespmem:s12+$0x50]  }
0x302: {  	v5 =	vunpack.i.l.bf16.f32 v5;
	v7 =	vld [tilespmem:s16+$0x50];
	v9 =	vunpack.i.u.bf16.f32 v2;
	v2 =	vunpack.i.l.bf16.f32 v2  }
0x303: {  	v8 =	vunpack.i.l.bf16.f32 v4;
	v4 =	vunpack.i.u.bf16.f32 v4;
	v2 =	vadd.f32 v5, v2  }
0x304: {  	v10 =	vld [tilespmem:s12+$0x0];
	v3 =	vadd.f32 v3, v9;
	v4 =	vadd.f32 v6, v4  }
0x305: {  	v5 =	vld [tilespmem:s16+$0x0];
	v8 =	vadd.f32 v11, v8  }
0x306: {  	v2 =	vmax.f32 v2, $0.0e+00;
	v3 =	vmax.f32 v3, $0.0e+00;
	v4 =	vmax.f32 v4, $0.0e+00  }
0x307: {  	[tilespmem:s30+$0xFFFFFEE0] =	vst v2;
	v2 =	vmax.f32 v8, $0.0e+00;
	v6 =	vunpack.i.l.bf16.f32 v1;
	v8 =	vunpack.i.l.bf16.f32 v7  }
0x308: {  	[tilespmem:s30+$0xFFFFFEF0] =	vst v3;
	v1 =	vunpack.i.u.bf16.f32 v1;
	v3 =	vunpack.i.u.bf16.f32 v7;
	v6 =	vadd.f32 v8, v6  }
0x309: {  	v7 =	vunpack.i.u.bf16.f32 v10;
	[tilespmem:s30+$0xFFFFFF80] =	vst v4;
	v1 =	vadd.f32 v3, v1;
	v9 =	vld [tilespmem:s16+$0xFFFFFF90]  }
0x30a: {  	v8 =	vld [tilespmem:s12+$0xFFFFFF90];
	[tilespmem:s30+$0xFFFFFF70] =	vst v2;
	v2 =	vunpack.i.l.bf16.f32 v10;
	v3 =	vunpack.i.l.bf16.f32 v5;
	v4 =	vmax.f32 v6, $0.0e+00  }
0x30b: {  	v5 =	vunpack.i.u.bf16.f32 v5;
	v2 =	vadd.f32 v3, v2;
	v3 =	vld [tilespmem:s12+$0xFFFFFFD0];
	v1 =	vmax.f32 v1, $0.0e+00;
	[tilespmem:s30+$0xB0] =	vst v4  }
0x30c: {  	v4 =	vadd.f32 v5, v7;
	v5 =	vld [tilespmem:s16+$0xFFFFFFD0];
	[tilespmem:s30+$0xC0] =	vst v1  }
0x30d: {  	v1 =	vmax.f32 v2, $0.0e+00;
	v2 =	vld [tilespmem:s12+$0x60]  }
0x30e: {  	v4 =	vmax.f32 v4, $0.0e+00;
	[tilespmem:s30+$0x0] =	vst v1;
	v1 =	vld [tilespmem:s16+$0x60];
	v6 =	vunpack.i.l.bf16.f32 v9  }
0x30f: {  	v9 =	vunpack.i.u.bf16.f32 v9;
	[tilespmem:s30+$0x10] =	vst v4;
	v4 =	vunpack.i.l.bf16.f32 v8;
	v8 =	vunpack.i.u.bf16.f32 v8  }
0x310: {  	v4 =	vadd.f32 v6, v4;
	v6 =	vunpack.i.u.bf16.f32 v3;
	v3 =	vunpack.i.l.bf16.f32 v3  }
0x311: {  	v7 =	vld [tilespmem:s12+$0x10];
	v8 =	vadd.f32 v9, v8;
	v10 =	vunpack.i.u.bf16.f32 v5;
	v5 =	vunpack.i.l.bf16.f32 v5  }
0x312: {  	v9 =	vld [tilespmem:s16+$0x10];
	v4 =	vmax.f32 v4, $0.0e+00;
	v3 =	vadd.f32 v5, v3  }
0x313: {  	[tilespmem:s30+$0xFFFFFF00] =	vst v4;
	v4 =	vmax.f32 v8, $0.0e+00;
	v8 =	vunpack.i.l.bf16.f32 v2;
	v11 =	vunpack.i.l.bf16.f32 v1  }
0x314: {  	v2 =	vunpack.i.u.bf16.f32 v2;
	v1 =	vunpack.i.u.bf16.f32 v1;
	[tilespmem:s30+$0xFFFFFF10] =	vst v4;
	v4 =	vadd.f32 v11, v8  }
0x315: {  	v6 =	vadd.f32 v10, v6;
	v1 =	vadd.f32 v1, v2;
	v8 =	vld [tilespmem:s12+$0xFFFFFFA0]  }
0x316: {  	v5 =	vunpack.i.u.bf16.f32 v7;
	v2 =	vunpack.i.l.bf16.f32 v7;
	v7 =	vld [tilespmem:s16+$0xFFFFFFA0];
	v4 =	vmax.f32 v4, $0.0e+00  }
0x317: {  	s15 =	simm.s32 $0x1380;
	v10 =	vunpack.i.u.bf16.f32 v9;
	v9 =	vunpack.i.l.bf16.f32 v9;
	v1 =	vmax.f32 v1, $0.0e+00;
	[tilespmem:s30+$0xD0] =	vst v4  }
0x318: {  	v48 =	vld [tilespmem:s15+$0xFFFFFFC0];
	v3 =	vmax.f32 v3, $0.0e+00;
	v2 =	vadd.f32 v9, v2;
	v4 =	vadd.f32 v10, v5;
	[tilespmem:s30+$0xE0] =	vst v1  }
0x319: {  	[tilespmem:s30+$0xFFFFFF90] =	vst v3;
	v1 =	vmax.f32 v6, $0.0e+00;
	v3 =	vld [tilespmem:s12+$0x70]  }
0x31a: {  	v2 =	vmax.f32 v2, $0.0e+00;
	[tilespmem:s30+$0xFFFFFFA0] =	vst v1;
	v5 =	vld [tilespmem:s16+$0x70];
	v4 =	vmax.f32 v4, $0.0e+00  }
0x31b: {  	[tilespmem:s30+$0x20] =	vst v2;
	v1 =	vunpack.i.u.bf16.f32 v8;
	v6 =	vunpack.i.l.bf16.f32 v8;
	v2 =	vunpack.i.u.bf16.f32 v7;
	v8 =	vld [tilespmem:s12+$0xFFFFFFE0]  }
0x31c: {  	v7 =	vunpack.i.l.bf16.f32 v7;
	[tilespmem:s30+$0x30] =	vst v4;
	v1 =	vadd.f32 v2, v1;
	v2 =	vld [tilespmem:s16+$0xFFFFFFE0]  }
0x31d: {  	v4 =	vadd.f32 v7, v6;
	v6 =	vld [tilespmem:s12+$0x20]  }
0x31e: {  	s0 =	simm.s32 $0x380;
	v16 =	vunpack.i.l.bf16.f32 v48;
	v9 =	vld [tilespmem:s16+$0x20];
	v7 =	vmax.f32 v1, $0.0e+00;
	v1 =	vunpack.i.l.bf16.f32 v3  }
0x31f: {  	v15 =	vld [tilespmem:s0+$0xFFFFFFC0];
	v3 =	vunpack.i.u.bf16.f32 v3;
	v10 =	vunpack.i.u.bf16.f32 v5;
	v5 =	vunpack.i.l.bf16.f32 v5  }
0x320: {  	v11 =	vld [tilespmem:s0+$0x40];
	v4 =	vmax.f32 v4, $0.0e+00;
	v3 =	vadd.f32 v10, v3;
	v1 =	vadd.f32 v5, v1  }
0x321: {  	v10 =	vld [tilespmem:s15+$0x40];
	v12 =	vunpack.i.u.bf16.f32 v8;
	v8 =	vunpack.i.l.bf16.f32 v8;
	v13 =	vunpack.i.u.bf16.f32 v2  }
0x322: {  	v2 =	vunpack.i.l.bf16.f32 v2;
	v14 =	vunpack.i.u.bf16.f32 v6;
	v6 =	vunpack.i.l.bf16.f32 v6  }
0x323: {  	v5 =	vld [tilespmem:s15+$0xFFFFFF80];
	v2 =	vadd.f32 v2, v8;
	v8 =	vunpack.i.u.bf16.f32 v9;
	v9 =	vunpack.i.l.bf16.f32 v9  }
0x324: {  	[tilespmem:s30+$0xFFFFFF30] =	vst v7;
	v7 =	vunpack.i.u.bf16.f32 v15;
	v12 =	vadd.f32 v13, v12;
	v6 =	vadd.f32 v9, v6  }
0x325: {  	v18 =	vld [tilespmem:s0+$0xFFFFFF80];
	[tilespmem:s30+$0xFFFFFF20] =	vst v4;
	v8 =	vadd.f32 v8, v14;
	v14 =	vunpack.i.l.bf16.f32 v11;
	v2 =	vmax.f32 v2, $0.0e+00  }
0x326: {  	v13 =	vld [tilespmem:s15+$0x0];
	v11 =	vunpack.i.u.bf16.f32 v11;
	v17 =	vunpack.i.l.bf16.f32 v10;
	v12 =	vmax.f32 v12, $0.0e+00;
	[tilespmem:s30+$0xFFFFFFB0] =	vst v2  }
0x327: {  	v9 =	vld [tilespmem:s0+$0x0];
	v10 =	vunpack.i.u.bf16.f32 v10;
	v14 =	vadd.f32 v17, v14;
	[tilespmem:s30+$0xFFFFFFC0] =	vst v12;
	v6 =	vmax.f32 v6, $0.0e+00  }
0x328: {  	v4 =	vunpack.i.u.bf16.f32 v5;
	v10 =	vadd.f32 v10, v11;
	[tilespmem:s30+$0x40] =	vst v6;
	v6 =	vmax.f32 v8, $0.0e+00  }
0x329: {  	s8 =	simm.s32 $0x2560;
	v5 =	vunpack.i.l.bf16.f32 v5;
	v11 =	vunpack.i.l.bf16.f32 v15;
	v14 =	vmax.f32 v14, $0.0e+00;
	[tilespmem:s30+$0x50] =	vst v6  }
0x32a: {  	v15 =	vunpack.i.u.bf16.f32 v48;
	v2 =	vunpack.i.u.bf16.f32 v18;
	v8 =	vld [tilespmem:s12+$0xFFFFFFF0];
	v10 =	vmax.f32 v10, $0.0e+00;
	[tilespmem:s8+$0x90] =	vst v14  }
0x32b: {  	v2 =	vadd.f32 v4, v2;
	v7 =	vadd.f32 v15, v7;
	v19 =	vunpack.i.u.bf16.f32 v13;
	v6 =	vld [tilespmem:s16+$0xFFFFFFF0];
	[tilespmem:s8+$0xA0] =	vst v10  }
0x32c: {  	v13 =	vunpack.i.l.bf16.f32 v13;
	v49 =	vunpack.i.u.bf16.f32 v9;
	v10 =	vunpack.i.l.bf16.f32 v18;
	v50 =	vld [tilespmem:s0+$0x50]  }
0x32d: {  	v9 =	vunpack.i.l.bf16.f32 v9;
	v2 =	vmax.f32 v2, $0.0e+00;
	v5 =	vadd.f32 v5, v10;
	v4 =	vld [tilespmem:s15+$0x50]  }
0x32e: {  	v14 =	vld [tilespmem:s12+$0xFFFFFFB0];
	v7 =	vmax.f32 v7, $0.0e+00;
	v9 =	vadd.f32 v13, v9;
	v12 =	vadd.f32 v19, v49;
	[tilespmem:s8+$0xFFFFFEF0] =	vst v2  }
0x32f: {  	v11 =	vadd.f32 v16, v11;
	v23 =	vld [tilespmem:s16+$0x30];
	[tilespmem:s8+$0xFFFFFF80] =	vst v7;
	v5 =	vmax.f32 v5, $0.0e+00  }
0x330: {  	v10 =	vld [tilespmem:s16+$0xFFFFFFB0];
	v2 =	vmax.f32 v9, $0.0e+00;
	v9 =	vmax.f32 v12, $0.0e+00;
	[tilespmem:s8+$0xFFFFFEE0] =	vst v5  }
0x331: {  	v3 =	vmax.f32 v3, $0.0e+00;
	v5 =	vmax.f32 v11, $0.0e+00;
	v11 =	vld [tilespmem:s12+$0x30];
	[tilespmem:s8+$0x10] =	vst v9  }
0x332: {  	v9 =	vunpack.i.u.bf16.f32 v8;
	v13 =	vld [tilespmem:s0+$0xFFFFFF90];
	[tilespmem:s8+$0xFFFFFF70] =	vst v5;
	v5 =	vunpack.i.l.bf16.f32 v50;
	v15 =	vunpack.i.l.bf16.f32 v4  }
0x333: {  	[tilespmem:s8+$0x0] =	vst v2;
	v51 =	vld [tilespmem:s15+$0xFFFFFF90];
	v7 =	vunpack.i.u.bf16.f32 v50;
	v4 =	vunpack.i.u.bf16.f32 v4;
	v5 =	vadd.f32 v15, v5  }
0x334: {  	v8 =	vunpack.i.l.bf16.f32 v8;
	v12 =	vunpack.i.u.bf16.f32 v14;
	v52 =	vld [tilespmem:s0+$0x10];
	v2 =	vadd.f32 v4, v7  }
0x335: {  	v14 =	vunpack.i.l.bf16.f32 v14;
	v54 =	vld [tilespmem:s15+$0x10];
	v63 =	vunpack.i.l.bf16.f32 v23;
	v5 =	vmax.f32 v5, $0.0e+00  }
0x336: {  	v15 =	vld [tilespmem:s0+$0xFFFFFFD0];
	v4 =	vunpack.i.u.bf16.f32 v10;
	v7 =	vunpack.i.l.bf16.f32 v10;
	v2 =	vmax.f32 v2, $0.0e+00;
	[tilespmem:s8+$0xB0] =	vst v5  }
0x337: {  	v10 =	vld [tilespmem:s15+$0xFFFFFFD0];
	v7 =	vadd.f32 v7, v14;
	v4 =	vadd.f32 v4, v12;
	v12 =	vmax.f32 v1, $0.0e+00;
	[tilespmem:s8+$0xC0] =	vst v2  }
0x338: {  	v20 =	vunpack.i.u.bf16.f32 v11;
	v11 =	vunpack.i.l.bf16.f32 v11;
	v5 =	vunpack.i.u.bf16.f32 v6;
	v21 =	vld [tilespmem:s0+$0x60]  }
0x339: {  	v6 =	vunpack.i.l.bf16.f32 v6;
	v53 =	vunpack.i.u.bf16.f32 v13;
	v13 =	vunpack.i.l.bf16.f32 v13;
	v22 =	vld [tilespmem:s15+$0x60]  }
0x33a: {  	v2 =	vunpack.i.u.bf16.f32 v51;
	v16 =	vunpack.i.l.bf16.f32 v51;
	v57 =	vunpack.i.u.bf16.f32 v52  }
0x33b: {  	v17 =	vunpack.i.l.bf16.f32 v52;
	v13 =	vadd.f32 v16, v13;
	v2 =	vadd.f32 v2, v53  }
0x33c: {  	v55 =	vunpack.i.u.bf16.f32 v15;
	v15 =	vunpack.i.l.bf16.f32 v15;
	v56 =	vunpack.i.l.bf16.f32 v10  }
0x33d: {  	[tilespmem:s30+$0x100] =	vst v3;
	v58 =	vunpack.i.l.bf16.f32 v54;
	v15 =	vadd.f32 v56, v15;
	v13 =	vmax.f32 v13, $0.0e+00  }
0x33e: {  	v2 =	vmax.f32 v2, $0.0e+00;
	[tilespmem:s8+$0xFFFFFF00] =	vst v13;
	v13 =	vunpack.i.l.bf16.f32 v21;
	v59 =	vunpack.i.l.bf16.f32 v22  }
0x33f: {  	[tilespmem:s8+$0xFFFFFF10] =	vst v2;
	v2 =	vunpack.i.u.bf16.f32 v21;
	v60 =	vunpack.i.u.bf16.f32 v22;
	v13 =	vadd.f32 v59, v13  }
0x340: {  	[tilespmem:s30+$0xF0] =	vst v12;
	v10 =	vunpack.i.u.bf16.f32 v10;
	v61 =	vld [tilespmem:s0+$0xFFFFFFA0];
	v15 =	vmax.f32 v15, $0.0e+00;
	v2 =	vadd.f32 v60, v2  }
0x341: {  	v19 =	vunpack.i.u.bf16.f32 v54;
	v10 =	vadd.f32 v10, v55;
	v62 =	vld [tilespmem:s15+$0xFFFFFFA0];
	[tilespmem:s8+$0xFFFFFF90] =	vst v15;
	v13 =	vmax.f32 v13, $0.0e+00  }
0x342: {  	v16 =	vadd.f32 v58, v17;
	v3 =	vadd.f32 v19, v57;
	v2 =	vmax.f32 v2, $0.0e+00;
	[tilespmem:s8+$0xD0] =	vst v13  }
0x343: {  	v12 =	vmax.f32 v4, $0.0e+00;
	v6 =	vadd.f32 v6, v8;
	v10 =	vmax.f32 v10, $0.0e+00;
	[tilespmem:s8+$0xE0] =	vst v2  }
0x344: {  	v8 =	vadd.f32 v5, v9;
	v3 =	vmax.f32 v3, $0.0e+00;
	v15 =	vmax.f32 v16, $0.0e+00;
	[tilespmem:s8+$0xFFFFFFA0] =	vst v10;
	v10 =	vld [tilespmem:s0+$0x70]  }
0x345: {  	v13 =	vunpack.i.u.bf16.f32 v23;
	v5 =	vunpack.i.u.bf16.f32 v61;
	v9 =	vunpack.i.l.bf16.f32 v61;
	v14 =	vld [tilespmem:s15+$0x70]  }
0x346: {  	[tilespmem:s8+$0x20] =	vst v15;
	v1 =	vld [tilespmem:s0+$0xFFFFFFE0];
	v2 =	vadd.f32 v63, v11;
	v11 =	vunpack.i.u.bf16.f32 v62;
	v15 =	vunpack.i.l.bf16.f32 v62  }
0x347: {  	[tilespmem:s8+$0x30] =	vst v3;
	v9 =	vadd.f32 v15, v9;
	v11 =	vadd.f32 v11, v5;
	v5 =	vmax.f32 v7, $0.0e+00;
	v7 =	vld [tilespmem:s15+$0xFFFFFFE0]  }
0x348: {  	v4 =	vmax.f32 v8, $0.0e+00;
	v8 =	vld [tilespmem:s0+$0x20];
	v3 =	vadd.f32 v13, v20;
	[tilespmem:s30+$0xFFFFFF40] =	vst v5;
	v5 =	vmax.f32 v6, $0.0e+00  }
0x349: {  	[tilespmem:s30+$0xFFFFFF50] =	vst v12;
	v15 =	vmax.f32 v9, $0.0e+00;
	v13 =	vmax.f32 v11, $0.0e+00;
	v9 =	vld [tilespmem:s15+$0x20];
	v6 =	vunpack.i.l.bf16.f32 v10  }
0x34a: {  	s28 =	simm.s32 $0x4;
	s16 =	simm.s32 $0x1380;
	s12 =	simm.s32 $0x480;
	[tilespmem:s8+$0xFFFFFF20] =	vst v15;
	v11 =	vunpack.i.u.bf16.f32 v10;
	v12 =	vunpack.i.u.bf16.f32 v14;
	v10 =	vunpack.i.l.bf16.f32 v14  }
.LBB2_13:
0x34b: {  	v14 =	vld [tilespmem:s12+$0x40];
	[tilespmem:s8+$0xFFFFFF30] =	vst v13;
	v13 =	vunpack.i.u.bf16.f32 v1;
	v15 =	vunpack.i.l.bf16.f32 v1;
	v11 =	vadd.f32 v12, v11;
	s15 =	sadd.s32 $0x100, s15  }
0x34c: {  	v1 =	vadd.f32 v10, v6;
	v12 =	vld [tilespmem:s15+$0x40];
	v16 =	vunpack.i.u.bf16.f32 v7;
	v7 =	vunpack.i.l.bf16.f32 v7;
	[tilespmem:s30+$0xFFFFFFD0] =	vst v5  }
0x34d: {  	v5 =	vld [tilespmem:s15+$0xFFFFFF80];
	v6 =	vunpack.i.u.bf16.f32 v8;
	v8 =	vunpack.i.l.bf16.f32 v8;
	v10 =	vmax.f32 v11, $0.0e+00;
	[tilespmem:s30+$0xFFFFFFE0] =	vst v4  }
0x34e: {  	v7 =	vadd.f32 v7, v15;
	v4 =	vld [tilespmem:s12+$0xFFFFFFC0];
	v11 =	vunpack.i.u.bf16.f32 v9;
	v9 =	vunpack.i.l.bf16.f32 v9;
	[tilespmem:s8+$0x100] =	vst v10  }
0x34f: {  	v2 =	vmax.f32 v2, $0.0e+00;
	v13 =	vadd.f32 v16, v13;
	v10 =	vld [tilespmem:s15+$0xFFFFFFC0];
	v8 =	vadd.f32 v9, v8  }
0x350: {  	v7 =	vmax.f32 v7, $0.0e+00;
	v6 =	vadd.f32 v11, v6;
	v9 =	vld [tilespmem:s12+$0x0];
	[tilespmem:s30+$0x60] =	vst v2;
	v2 =	vmax.f32 v3, $0.0e+00  }
0x351: {  	v11 =	vunpack.i.l.bf16.f32 v14;
	v3 =	vld [tilespmem:s15+$0x0];
	v15 =	vunpack.i.l.bf16.f32 v12;
	[tilespmem:s8+$0xFFFFFFB0] =	vst v7;
	v7 =	vmax.f32 v13, $0.0e+00  }
0x352: {  	s28 =	sadd.s32 $0x4, s28;
	v14 =	vunpack.i.u.bf16.f32 v14;
	v12 =	vunpack.i.u.bf16.f32 v12;
	v13 =	vld [tilespmem:s12+$0xFFFFFF80];
	v11 =	vadd.f32 v15, v11;
	[tilespmem:s8+$0xFFFFFFC0] =	vst v7  }
0x353: {  	p0 =	slt.u32 s28, $0x3C;
	v7 =	vunpack.i.u.bf16.f32 v5;
	v5 =	vunpack.i.l.bf16.f32 v5;
	v12 =	vadd.f32 v12, v14;
	v14 =	vld [tilespmem:s0+$0xFFFFFFB0];
	[tilespmem:s30+$0x70] =	vst v2;
	s30 =	smov.u32 s8  }
0x354: {  	v2 =	vunpack.i.u.bf16.f32 v4;
	v4 =	vunpack.i.l.bf16.f32 v4;
	s8 =	sadd.s32 $0x240, s8;
	v11 =	vmax.f32 v11, $0.0e+00;
	v15 =	vld [tilespmem:s16+$0xFFFFFFB0]  }
0x355: {  	v16 =	vunpack.i.u.bf16.f32 v10;
	v10 =	vunpack.i.l.bf16.f32 v10;
	[tilespmem:s8+$0x90] =	vst v11;
	v11 =	vmax.f32 v12, $0.0e+00;
	v12 =	vld [tilespmem:s0+$0xFFFFFFF0]  }
0x356: {  	v17 =	vunpack.i.u.bf16.f32 v9;
	v9 =	vunpack.i.l.bf16.f32 v9;
	v18 =	vunpack.i.u.bf16.f32 v3;
	[tilespmem:s8+$0xA0] =	vst v11;
	v11 =	vld [tilespmem:s16+$0xFFFFFFF0]  }
0x357: {  	v3 =	vunpack.i.l.bf16.f32 v3;
	v19 =	vunpack.i.u.bf16.f32 v13;
	v13 =	vunpack.i.l.bf16.f32 v13;
	v20 =	vld [tilespmem:s12+$0x50]  }
0x358: {  	v8 =	vmax.f32 v8, $0.0e+00;
	v5 =	vadd.f32 v5, v13;
	v7 =	vadd.f32 v7, v19;
	v13 =	vld [tilespmem:s15+$0x50]  }
0x359: {  	v6 =	vmax.f32 v6, $0.0e+00;
	v4 =	vadd.f32 v10, v4;
	v2 =	vadd.f32 v16, v2;
	[tilespmem:s30+$0x40] =	vst v8  }
0x35a: {  	v3 =	vadd.f32 v3, v9;
	v8 =	vadd.f32 v18, v17;
	v5 =	vmax.f32 v5, $0.0e+00;
	[tilespmem:s30+$0x50] =	vst v6  }
0x35b: {  	v4 =	vmax.f32 v4, $0.0e+00;
	v2 =	vmax.f32 v2, $0.0e+00;
	[tilespmem:s8+$0xFFFFFEE0] =	vst v5;
	v5 =	vmax.f32 v7, $0.0e+00;
	v6 =	vld [tilespmem:s0+$0x30];
	s0 =	smov.u32 s12  }
0x35c: {  	v3 =	vmax.f32 v3, $0.0e+00;
	v7 =	vunpack.i.u.bf16.f32 v14;
	[tilespmem:s8+$0xFFFFFEF0] =	vst v5;
	v5 =	vmax.f32 v8, $0.0e+00;
	v8 =	vld [tilespmem:s16+$0x30];
	s16 =	smov.u32 s15  }
0x35d: {  	v14 =	vunpack.i.l.bf16.f32 v14;
	v9 =	vld [tilespmem:s12+$0xFFFFFF90];
	[tilespmem:s8+$0xFFFFFF70] =	vst v4;
	v4 =	vunpack.i.l.bf16.f32 v20;
	v10 =	vunpack.i.l.bf16.f32 v13  }
0x35e: {  	v13 =	vunpack.i.u.bf16.f32 v13;
	v16 =	vld [tilespmem:s15+$0xFFFFFF90];
	[tilespmem:s8+$0xFFFFFF80] =	vst v2;
	v2 =	vunpack.i.u.bf16.f32 v20;
	v4 =	vadd.f32 v10, v4  }
0x35f: {  	v10 =	vld [tilespmem:s12+$0xFFFFFFD0];
	[tilespmem:s8+$0x0] =	vst v3;
	v2 =	vadd.f32 v13, v2;
	v3 =	vunpack.i.u.bf16.f32 v15;
	v13 =	vunpack.i.l.bf16.f32 v15  }
0x360: {  	v15 =	vld [tilespmem:s15+$0xFFFFFFD0];
	[tilespmem:s8+$0x10] =	vst v5;
	v4 =	vmax.f32 v4, $0.0e+00;
	v5 =	vunpack.i.u.bf16.f32 v12;
	v12 =	vunpack.i.l.bf16.f32 v12  }
0x361: {  	v17 =	vld [tilespmem:s12+$0x10];
	[tilespmem:s8+$0xB0] =	vst v4;
	v2 =	vmax.f32 v2, $0.0e+00;
	v4 =	vunpack.i.u.bf16.f32 v11;
	v11 =	vunpack.i.l.bf16.f32 v11  }
0x362: {  	v20 =	vunpack.i.u.bf16.f32 v6;
	v18 =	vunpack.i.u.bf16.f32 v9;
	v9 =	vunpack.i.l.bf16.f32 v9;
	v19 =	vld [tilespmem:s15+$0x10];
	[tilespmem:s8+$0xC0] =	vst v2  }
0x363: {  	v6 =	vunpack.i.l.bf16.f32 v6;
	v2 =	vunpack.i.u.bf16.f32 v16;
	v16 =	vunpack.i.l.bf16.f32 v16;
	v21 =	vld [tilespmem:s12+$0x60]  }
0x364: {  	v9 =	vadd.f32 v16, v9;
	v16 =	vunpack.i.u.bf16.f32 v10;
	v10 =	vunpack.i.l.bf16.f32 v10;
	v22 =	vld [tilespmem:s15+$0x60]  }
0x365: {  	v2 =	vadd.f32 v2, v18;
	v18 =	vunpack.i.u.bf16.f32 v15;
	v15 =	vunpack.i.l.bf16.f32 v15  }
0x366: {  	v10 =	vadd.f32 v15, v10;
	v15 =	vunpack.i.u.bf16.f32 v17;
	v17 =	vunpack.i.l.bf16.f32 v17  }
0x367: {  	v16 =	vadd.f32 v18, v16;
	v18 =	vunpack.i.u.bf16.f32 v19;
	v19 =	vunpack.i.l.bf16.f32 v19  }
0x368: {  	v9 =	vmax.f32 v9, $0.0e+00;
	v17 =	vadd.f32 v19, v17;
	v15 =	vadd.f32 v18, v15  }
0x369: {  	v2 =	vmax.f32 v2, $0.0e+00;
	[tilespmem:s8+$0xFFFFFF00] =	vst v9;
	v9 =	vunpack.i.l.bf16.f32 v21;
	v18 =	vunpack.i.l.bf16.f32 v22  }
0x36a: {  	v19 =	vunpack.i.u.bf16.f32 v22;
	[tilespmem:s8+$0xFFFFFF10] =	vst v2;
	v2 =	vunpack.i.u.bf16.f32 v21;
	v9 =	vadd.f32 v18, v9  }
0x36b: {  	v10 =	vmax.f32 v10, $0.0e+00;
	v16 =	vmax.f32 v16, $0.0e+00;
	v18 =	vld [tilespmem:s12+$0xFFFFFFA0];
	v2 =	vadd.f32 v19, v2  }
0x36c: {  	v15 =	vmax.f32 v15, $0.0e+00;
	v19 =	vld [tilespmem:s15+$0xFFFFFFA0];
	[tilespmem:s8+$0xFFFFFF90] =	vst v10;
	v10 =	vmax.f32 v17, $0.0e+00;
	v9 =	vmax.f32 v9, $0.0e+00  }
0x36d: {  	[tilespmem:s8+$0xD0] =	vst v9;
	v2 =	vmax.f32 v2, $0.0e+00;
	v9 =	vunpack.i.u.bf16.f32 v8;
	v8 =	vunpack.i.l.bf16.f32 v8  }
0x36e: {  	v13 =	vadd.f32 v13, v14;
	v14 =	vadd.f32 v3, v7;
	v17 =	vmax.f32 v1, $0.0e+00;
	[tilespmem:s8+$0xE0] =	vst v2  }
0x36f: {  	v11 =	vadd.f32 v11, v12;
	v4 =	vadd.f32 v4, v5;
	[tilespmem:s8+$0xFFFFFFA0] =	vst v16;
	v16 =	vld [tilespmem:s12+$0x70]  }
0x370: {  	v2 =	vadd.f32 v8, v6;
	v5 =	vunpack.i.u.bf16.f32 v18;
	v7 =	vunpack.i.l.bf16.f32 v18;
	[tilespmem:s8+$0x20] =	vst v10;
	v10 =	vld [tilespmem:s15+$0x70]  }
.Ltmp5:
0x371: {  	v3 =	vadd.f32 v9, v20;
	v6 =	vunpack.i.u.bf16.f32 v19;
	v8 =	vunpack.i.l.bf16.f32 v19;
	v1 =	vld [tilespmem:s12+$0xFFFFFFE0];
	[tilespmem:s8+$0x30] =	vst v15;
	(pc) =	sbr.rel @p0 .LBB2_13-.Ltmp5, $4  }
0x372: {  	v9 =	vadd.f32 v8, v7;
	v6 =	vadd.f32 v6, v5;
	v7 =	vld [tilespmem:s15+$0xFFFFFFE0];
	v5 =	vmax.f32 v13, $0.0e+00;
	[tilespmem:s30+$0xF0] =	vst v17  }
0x373: {  	v12 =	vmax.f32 v14, $0.0e+00;
	v4 =	vmax.f32 v4, $0.0e+00;
	v8 =	vld [tilespmem:s12+$0x20];
	[tilespmem:s30+$0xFFFFFF40] =	vst v5;
	v5 =	vmax.f32 v11, $0.0e+00  }
0x374: {  	v11 =	vmax.f32 v9, $0.0e+00;
	v13 =	vmax.f32 v6, $0.0e+00;
	v9 =	vld [tilespmem:s15+$0x20];
	v6 =	vunpack.i.l.bf16.f32 v16;
	[tilespmem:s30+$0xFFFFFF50] =	vst v12  }
0x375: {  	s12 =	sadd.s32 $0x100, s12;
	[tilespmem:s8+$0xFFFFFF20] =	vst v11;
	v11 =	vunpack.i.u.bf16.f32 v16;
	v12 =	vunpack.i.u.bf16.f32 v10;
	v10 =	vunpack.i.l.bf16.f32 v10  }
0x376: {  	_ = 	snop  }
0x377: {  	v14 =	vunpack.i.u.bf16.f32 v1;
	v1 =	vunpack.i.l.bf16.f32 v1;
	v15 =	vunpack.i.l.bf16.f32 v7  }
0x378: {  	v7 =	vunpack.i.u.bf16.f32 v7;
	v1 =	vadd.f32 v15, v1  }
0x379: {  	v16 =	vunpack.i.u.bf16.f32 v8;
	v7 =	vadd.f32 v7, v14  }
0x37a: {  	[tilespmem:s8+$0xFFFFFF30] =	vst v13;
	v8 =	vunpack.i.l.bf16.f32 v8;
	v15 =	vunpack.i.l.bf16.f32 v9;
	v1 =	vmax.f32 v1, $0.0e+00  }
0x37b: {  	v9 =	vunpack.i.u.bf16.f32 v9;
	v8 =	vadd.f32 v15, v8;
	[tilespmem:s8+$0xFFFFFFB0] =	vst v1;
	v1 =	vmax.f32 v7, $0.0e+00;
	v7 =	vld [tilespmem:s0+$0xFFFFFFB0]  }
0x37c: {  	v9 =	vadd.f32 v9, v16;
	[tilespmem:s8+$0xFFFFFFC0] =	vst v1;
	v1 =	vld [tilespmem:s16+$0xFFFFFFB0]  }
0x37d: {  	v8 =	vmax.f32 v8, $0.0e+00;
	v13 =	vld [tilespmem:s0+$0xFFFFFFF0]  }
0x37e: {  	v6 =	vadd.f32 v10, v6;
	[tilespmem:s8+$0x40] =	vst v8;
	v8 =	vmax.f32 v9, $0.0e+00;
	v9 =	vadd.f32 v12, v11;
	v11 =	vld [tilespmem:s16+$0xFFFFFFF0]  }
0x37f: {  	[tilespmem:s8+$0x50] =	vst v8  }
0x380: {  	[tilespmem:s30+$0xFFFFFFD0] =	vst v5;
	v2 =	vmax.f32 v2, $0.0e+00;
	v3 =	vmax.f32 v3, $0.0e+00;
	v6 =	vmax.f32 v6, $0.0e+00;
	v8 =	vld [tilespmem:s0+$0x30]  }
0x381: {  	[tilespmem:s30+$0xFFFFFFE0] =	vst v4;
	v5 =	vmax.f32 v9, $0.0e+00;
	v9 =	vld [tilespmem:s16+$0x30];
	v4 =	vunpack.i.u.bf16.f32 v7;
	v7 =	vunpack.i.l.bf16.f32 v7  }
0x382: {  	[tilespmem:s8+$0x100] =	vst v5;
	v10 =	vunpack.i.u.bf16.f32 v1;
	v1 =	vunpack.i.l.bf16.f32 v1;
	v5 =	vunpack.i.u.bf16.f32 v13  }
0x383: {  	[tilespmem:s30+$0x60] =	vst v2;
	v12 =	vunpack.i.l.bf16.f32 v13;
	v2 =	vunpack.i.u.bf16.f32 v11;
	v1 =	vadd.f32 v1, v7  }
0x384: {  	[tilespmem:s30+$0x70] =	vst v3;
	v11 =	vunpack.i.l.bf16.f32 v11;
	v4 =	vadd.f32 v10, v4;
	v2 =	vadd.f32 v2, v5  }
0x385: {  	[tilespmem:s8+$0xF0] =	vst v6;
	v3 =	vunpack.i.u.bf16.f32 v8;
	v7 =	vunpack.i.l.bf16.f32 v8;
	v1 =	vmax.f32 v1, $0.0e+00  }
0x386: {  	v8 =	vadd.f32 v11, v12;
	v6 =	vunpack.i.l.bf16.f32 v9;
	[tilespmem:s8+$0xFFFFFF40] =	vst v1;
	v1 =	vmax.f32 v4, $0.0e+00  }
0x387: {  	v4 =	vunpack.i.u.bf16.f32 v9;
	v5 =	vadd.f32 v6, v7;
	v2 =	vmax.f32 v2, $0.0e+00;
	[tilespmem:s8+$0xFFFFFF50] =	vst v1  }
0x388: {  	v6 =	vmax.f32 v8, $0.0e+00;
	v1 =	vadd.f32 v4, v3;
	[tilespmem:s8+$0xFFFFFFE0] =	vst v2  }
0x389: {  	[tilespmem:s8+$0xFFFFFFD0] =	vst v6;
	v2 =	vmax.f32 v5, $0.0e+00  }
0x38a: {  	[tilespmem:s8+$0x60] =	vst v2;
	v1 =	vmax.f32 v1, $0.0e+00  }
0x38b: {  	[tilespmem:s8+$0x70] =	vst v1  }
0x38c: {  	_ =	swait.ge [sflag:s22], $0x2400  }
0x38d: {  	[sflag:s22] =	ssyncset.done $0x0;
	s15 =	rddreg [dreg:$0x13]  }
0x38e: {  	[sflag:s22] =	ssyncadd.s32 $0xFFFFDC00;
	s0 =	sadd.s32 s24, s15  }
0x38f: {  	[spmem:s3] =	stream.indirect.scatter.add.f32 [tilespmem:s19], [sflag:$0x7], $0x90, s29, s29, $0xb8;
	[tilespmem:$0x1F200] =	vst v63  }
0x390: {  	s0 =	sshrl.u32 s0, $0x3  }
0x391: {  	s12 =	simm.s32 $0x180;
	s16 =	sadd.s32 s6, s0  }
0x392: {  	[tilespmem:s12], [sflag:$0x4] =	stream.linear.gather [hbm4b:s16+s4], $0x40, $0x38;
	[tilespmem:$0x1F200] =	vst v63  }
0x393: {  	s0 =	sadd.s32 s7, s0  }
0x394: {  	[tilespmem:s9], [sflag:$0x4] =	stream.linear.gather [hbm4b:s0+s4], $0x40, $0x38;
	[tilespmem:$0x1F200] =	vst v63  }
0x395: {  	_ =	swait.ge [sflag:s20], $0x40  }
0x396: {  	[sflag:s20] =	ssyncset.done $0x0  }
0x397: {  	[sflag:s20] =	ssyncadd.s32 $0xFFFFFFC0  }
0x398: {  	_ =	swait.ge [sflag:s20], $0x40  }
0x399: {  	[sflag:s20] =	ssyncset.done $0x0  }
0x39a: {  	s12 =	simm.s32 $0x200;
	[sflag:s20] =	ssyncadd.s32 $0xFFFFFFC0  }
0x39b: {  	[tilespmem:s12], [sflag:$0x5] =	stream.indirect.gather [hbm4b:s1+s29], $0x40, s2, s29, $0xb8;
	[tilespmem:$0x1F200] =	vst v63  }
0x39c: {  	s15 =	simm.s32 $0x100;
	s16 =	simm.s32 $0x1200  }
0x39d: {  	[tilespmem:s16], [sflag:$0x6] =	stream.indirect.gather [hbm4b:s5+s29], $0x40, s15, s29, $0xb8;
	[tilespmem:$0x1F200] =	vst v63  }
0x39e: {  	_ =	swait.ge [sflag:s25], $0x1000  }
0x39f: {  	[sflag:s25] =	ssyncset.done $0x0  }
0x3a0: {  	[sflag:s25] =	ssyncadd.s32 $0xFFFFF000  }
0x3a1: {  	_ =	swait.ge [sflag:s26], $0x1000  }
0x3a2: {  	[sflag:s26] =	ssyncset.done $0x0  }
0x3a3: {  	s12 =	simm.s32 $0x4680;
	[sflag:s26] =	ssyncadd.s32 $0xFFFFF000  }
0x3a4: {  	s16 =	simm.s32 $0x5680;
	v1 =	vld [tilespmem:s12+$0x40]  }
0x3a5: {  	v2 =	vld [tilespmem:s16+$0x40];
	_ =	sdelay $0x4  }
0x3a6: {  	v5 =	vld [tilespmem:s16+$0xFFFFFF80];
	v3 =	vunpack.i.l.bf16.f32 v1;
	v4 =	vunpack.i.l.bf16.f32 v2  }
0x3a7: {  	v6 =	vld [tilespmem:s16+$0xFFFFFFC0];
	v1 =	vunpack.i.u.bf16.f32 v1;
	v2 =	vunpack.i.u.bf16.f32 v2;
	v3 =	vadd.f32 v4, v3  }
0x3a8: {  	v1 =	vadd.f32 v2, v1;
	v2 =	vld [tilespmem:s12+$0xFFFFFF80]  }
0x3a9: {  	s30 =	simm.s32 $0x6720;
	v4 =	vld [tilespmem:s12+$0xFFFFFFC0];
	v3 =	vmax.f32 v3, $0.0e+00  }
0x3aa: {  	v1 =	vmax.f32 v1, $0.0e+00;
	[tilespmem:s30+$0x90] =	vst v3  }
0x3ab: {  	[tilespmem:s30+$0xA0] =	vst v1  }
0x3ac: {  	v11 =	vunpack.i.l.bf16.f32 v6;
	v6 =	vunpack.i.u.bf16.f32 v6;
	v3 =	vunpack.i.u.bf16.f32 v5;
	v1 =	vld [tilespmem:s12+$0x50]  }
0x3ad: {  	v5 =	vunpack.i.l.bf16.f32 v5;
	v7 =	vld [tilespmem:s16+$0x50];
	v9 =	vunpack.i.u.bf16.f32 v2;
	v2 =	vunpack.i.l.bf16.f32 v2  }
0x3ae: {  	v8 =	vunpack.i.l.bf16.f32 v4;
	v4 =	vunpack.i.u.bf16.f32 v4;
	v2 =	vadd.f32 v5, v2  }
0x3af: {  	v10 =	vld [tilespmem:s12+$0x0];
	v3 =	vadd.f32 v3, v9;
	v4 =	vadd.f32 v6, v4  }
0x3b0: {  	v5 =	vld [tilespmem:s16+$0x0];
	v8 =	vadd.f32 v11, v8  }
0x3b1: {  	v2 =	vmax.f32 v2, $0.0e+00;
	v3 =	vmax.f32 v3, $0.0e+00;
	v4 =	vmax.f32 v4, $0.0e+00  }
0x3b2: {  	[tilespmem:s30+$0xFFFFFEE0] =	vst v2;
	v2 =	vmax.f32 v8, $0.0e+00;
	v6 =	vunpack.i.l.bf16.f32 v1;
	v8 =	vunpack.i.l.bf16.f32 v7  }
0x3b3: {  	[tilespmem:s30+$0xFFFFFEF0] =	vst v3;
	v1 =	vunpack.i.u.bf16.f32 v1;
	v3 =	vunpack.i.u.bf16.f32 v7;
	v6 =	vadd.f32 v8, v6  }
0x3b4: {  	v7 =	vunpack.i.u.bf16.f32 v10;
	[tilespmem:s30+$0xFFFFFF80] =	vst v4;
	v1 =	vadd.f32 v3, v1;
	v9 =	vld [tilespmem:s16+$0xFFFFFF90]  }
0x3b5: {  	v8 =	vld [tilespmem:s12+$0xFFFFFF90];
	[tilespmem:s30+$0xFFFFFF70] =	vst v2;
	v2 =	vunpack.i.l.bf16.f32 v10;
	v3 =	vunpack.i.l.bf16.f32 v5;
	v4 =	vmax.f32 v6, $0.0e+00  }
0x3b6: {  	v5 =	vunpack.i.u.bf16.f32 v5;
	v2 =	vadd.f32 v3, v2;
	v3 =	vld [tilespmem:s12+$0xFFFFFFD0];
	v1 =	vmax.f32 v1, $0.0e+00;
	[tilespmem:s30+$0xB0] =	vst v4  }
0x3b7: {  	v4 =	vadd.f32 v5, v7;
	v5 =	vld [tilespmem:s16+$0xFFFFFFD0];
	[tilespmem:s30+$0xC0] =	vst v1  }
0x3b8: {  	v1 =	vmax.f32 v2, $0.0e+00;
	v2 =	vld [tilespmem:s12+$0x60]  }
0x3b9: {  	v4 =	vmax.f32 v4, $0.0e+00;
	[tilespmem:s30+$0x0] =	vst v1;
	v1 =	vld [tilespmem:s16+$0x60];
	v6 =	vunpack.i.l.bf16.f32 v9  }
0x3ba: {  	v9 =	vunpack.i.u.bf16.f32 v9;
	[tilespmem:s30+$0x10] =	vst v4;
	v4 =	vunpack.i.l.bf16.f32 v8;
	v8 =	vunpack.i.u.bf16.f32 v8  }
0x3bb: {  	v4 =	vadd.f32 v6, v4;
	v6 =	vunpack.i.u.bf16.f32 v3;
	v3 =	vunpack.i.l.bf16.f32 v3  }
0x3bc: {  	v7 =	vld [tilespmem:s12+$0x10];
	v8 =	vadd.f32 v9, v8;
	v10 =	vunpack.i.u.bf16.f32 v5;
	v5 =	vunpack.i.l.bf16.f32 v5  }
0x3bd: {  	v9 =	vld [tilespmem:s16+$0x10];
	v4 =	vmax.f32 v4, $0.0e+00;
	v3 =	vadd.f32 v5, v3  }
0x3be: {  	[tilespmem:s30+$0xFFFFFF00] =	vst v4;
	v4 =	vmax.f32 v8, $0.0e+00;
	v8 =	vunpack.i.l.bf16.f32 v2;
	v11 =	vunpack.i.l.bf16.f32 v1  }
0x3bf: {  	v2 =	vunpack.i.u.bf16.f32 v2;
	v1 =	vunpack.i.u.bf16.f32 v1;
	[tilespmem:s30+$0xFFFFFF10] =	vst v4;
	v4 =	vadd.f32 v11, v8  }
0x3c0: {  	v6 =	vadd.f32 v10, v6;
	v1 =	vadd.f32 v1, v2;
	v8 =	vld [tilespmem:s12+$0xFFFFFFA0]  }
0x3c1: {  	v5 =	vunpack.i.u.bf16.f32 v7;
	v2 =	vunpack.i.l.bf16.f32 v7;
	v7 =	vld [tilespmem:s16+$0xFFFFFFA0];
	v4 =	vmax.f32 v4, $0.0e+00  }
0x3c2: {  	s15 =	simm.s32 $0x5780;
	v10 =	vunpack.i.u.bf16.f32 v9;
	v9 =	vunpack.i.l.bf16.f32 v9;
	v1 =	vmax.f32 v1, $0.0e+00;
	[tilespmem:s30+$0xD0] =	vst v4  }
0x3c3: {  	v48 =	vld [tilespmem:s15+$0xFFFFFFC0];
	v3 =	vmax.f32 v3, $0.0e+00;
	v2 =	vadd.f32 v9, v2;
	v4 =	vadd.f32 v10, v5;
	[tilespmem:s30+$0xE0] =	vst v1  }
0x3c4: {  	[tilespmem:s30+$0xFFFFFF90] =	vst v3;
	v1 =	vmax.f32 v6, $0.0e+00;
	v3 =	vld [tilespmem:s12+$0x70]  }
0x3c5: {  	v2 =	vmax.f32 v2, $0.0e+00;
	[tilespmem:s30+$0xFFFFFFA0] =	vst v1;
	v5 =	vld [tilespmem:s16+$0x70];
	v4 =	vmax.f32 v4, $0.0e+00  }
0x3c6: {  	[tilespmem:s30+$0x20] =	vst v2;
	v1 =	vunpack.i.u.bf16.f32 v8;
	v6 =	vunpack.i.l.bf16.f32 v8;
	v2 =	vunpack.i.u.bf16.f32 v7;
	v8 =	vld [tilespmem:s12+$0xFFFFFFE0]  }
0x3c7: {  	v7 =	vunpack.i.l.bf16.f32 v7;
	[tilespmem:s30+$0x30] =	vst v4;
	v1 =	vadd.f32 v2, v1;
	v2 =	vld [tilespmem:s16+$0xFFFFFFE0]  }
0x3c8: {  	v4 =	vadd.f32 v7, v6;
	v6 =	vld [tilespmem:s12+$0x20]  }
0x3c9: {  	s0 =	simm.s32 $0x4780;
	v16 =	vunpack.i.l.bf16.f32 v48;
	v9 =	vld [tilespmem:s16+$0x20];
	v7 =	vmax.f32 v1, $0.0e+00;
	v1 =	vunpack.i.l.bf16.f32 v3  }
0x3ca: {  	v15 =	vld [tilespmem:s0+$0xFFFFFFC0];
	v3 =	vunpack.i.u.bf16.f32 v3;
	v10 =	vunpack.i.u.bf16.f32 v5;
	v5 =	vunpack.i.l.bf16.f32 v5  }
0x3cb: {  	v11 =	vld [tilespmem:s0+$0x40];
	v4 =	vmax.f32 v4, $0.0e+00;
	v3 =	vadd.f32 v10, v3;
	v1 =	vadd.f32 v5, v1  }
0x3cc: {  	v10 =	vld [tilespmem:s15+$0x40];
	v12 =	vunpack.i.u.bf16.f32 v8;
	v8 =	vunpack.i.l.bf16.f32 v8;
	v13 =	vunpack.i.u.bf16.f32 v2  }
0x3cd: {  	v2 =	vunpack.i.l.bf16.f32 v2;
	v14 =	vunpack.i.u.bf16.f32 v6;
	v6 =	vunpack.i.l.bf16.f32 v6  }
0x3ce: {  	v5 =	vld [tilespmem:s15+$0xFFFFFF80];
	v2 =	vadd.f32 v2, v8;
	v8 =	vunpack.i.u.bf16.f32 v9;
	v9 =	vunpack.i.l.bf16.f32 v9  }
0x3cf: {  	[tilespmem:s30+$0xFFFFFF30] =	vst v7;
	v7 =	vunpack.i.u.bf16.f32 v15;
	v12 =	vadd.f32 v13, v12;
	v6 =	vadd.f32 v9, v6  }
0x3d0: {  	v18 =	vld [tilespmem:s0+$0xFFFFFF80];
	[tilespmem:s30+$0xFFFFFF20] =	vst v4;
	v8 =	vadd.f32 v8, v14;
	v14 =	vunpack.i.l.bf16.f32 v11;
	v2 =	vmax.f32 v2, $0.0e+00  }
0x3d1: {  	v13 =	vld [tilespmem:s15+$0x0];
	v11 =	vunpack.i.u.bf16.f32 v11;
	v17 =	vunpack.i.l.bf16.f32 v10;
	v12 =	vmax.f32 v12, $0.0e+00;
	[tilespmem:s30+$0xFFFFFFB0] =	vst v2  }
0x3d2: {  	v9 =	vld [tilespmem:s0+$0x0];
	v10 =	vunpack.i.u.bf16.f32 v10;
	v14 =	vadd.f32 v17, v14;
	[tilespmem:s30+$0xFFFFFFC0] =	vst v12;
	v6 =	vmax.f32 v6, $0.0e+00  }
0x3d3: {  	v4 =	vunpack.i.u.bf16.f32 v5;
	v10 =	vadd.f32 v10, v11;
	[tilespmem:s30+$0x40] =	vst v6;
	v6 =	vmax.f32 v8, $0.0e+00  }
0x3d4: {  	s8 =	simm.s32 $0x6960;
	v5 =	vunpack.i.l.bf16.f32 v5;
	v11 =	vunpack.i.l.bf16.f32 v15;
	v14 =	vmax.f32 v14, $0.0e+00;
	[tilespmem:s30+$0x50] =	vst v6  }
0x3d5: {  	v15 =	vunpack.i.u.bf16.f32 v48;
	v2 =	vunpack.i.u.bf16.f32 v18;
	v8 =	vld [tilespmem:s12+$0xFFFFFFF0];
	v10 =	vmax.f32 v10, $0.0e+00;
	[tilespmem:s8+$0x90] =	vst v14  }
0x3d6: {  	v2 =	vadd.f32 v4, v2;
	v7 =	vadd.f32 v15, v7;
	v19 =	vunpack.i.u.bf16.f32 v13;
	v6 =	vld [tilespmem:s16+$0xFFFFFFF0];
	[tilespmem:s8+$0xA0] =	vst v10  }
0x3d7: {  	v13 =	vunpack.i.l.bf16.f32 v13;
	v49 =	vunpack.i.u.bf16.f32 v9;
	v10 =	vunpack.i.l.bf16.f32 v18;
	v50 =	vld [tilespmem:s0+$0x50]  }
0x3d8: {  	v9 =	vunpack.i.l.bf16.f32 v9;
	v2 =	vmax.f32 v2, $0.0e+00;
	v5 =	vadd.f32 v5, v10;
	v4 =	vld [tilespmem:s15+$0x50]  }
0x3d9: {  	v14 =	vld [tilespmem:s12+$0xFFFFFFB0];
	v7 =	vmax.f32 v7, $0.0e+00;
	v9 =	vadd.f32 v13, v9;
	v12 =	vadd.f32 v19, v49;
	[tilespmem:s8+$0xFFFFFEF0] =	vst v2  }
0x3da: {  	v11 =	vadd.f32 v16, v11;
	v23 =	vld [tilespmem:s16+$0x30];
	[tilespmem:s8+$0xFFFFFF80] =	vst v7;
	v5 =	vmax.f32 v5, $0.0e+00  }
0x3db: {  	v10 =	vld [tilespmem:s16+$0xFFFFFFB0];
	v2 =	vmax.f32 v9, $0.0e+00;
	v9 =	vmax.f32 v12, $0.0e+00;
	[tilespmem:s8+$0xFFFFFEE0] =	vst v5  }
0x3dc: {  	v3 =	vmax.f32 v3, $0.0e+00;
	v5 =	vmax.f32 v11, $0.0e+00;
	v11 =	vld [tilespmem:s12+$0x30];
	[tilespmem:s8+$0x10] =	vst v9  }
0x3dd: {  	v9 =	vunpack.i.u.bf16.f32 v8;
	v13 =	vld [tilespmem:s0+$0xFFFFFF90];
	[tilespmem:s8+$0xFFFFFF70] =	vst v5;
	v5 =	vunpack.i.l.bf16.f32 v50;
	v15 =	vunpack.i.l.bf16.f32 v4  }
0x3de: {  	[tilespmem:s8+$0x0] =	vst v2;
	v51 =	vld [tilespmem:s15+$0xFFFFFF90];
	v7 =	vunpack.i.u.bf16.f32 v50;
	v4 =	vunpack.i.u.bf16.f32 v4;
	v5 =	vadd.f32 v15, v5  }
0x3df: {  	v8 =	vunpack.i.l.bf16.f32 v8;
	v12 =	vunpack.i.u.bf16.f32 v14;
	v52 =	vld [tilespmem:s0+$0x10];
	v2 =	vadd.f32 v4, v7  }
0x3e0: {  	v14 =	vunpack.i.l.bf16.f32 v14;
	v54 =	vld [tilespmem:s15+$0x10];
	v63 =	vunpack.i.l.bf16.f32 v23;
	v5 =	vmax.f32 v5, $0.0e+00  }
0x3e1: {  	v15 =	vld [tilespmem:s0+$0xFFFFFFD0];
	v4 =	vunpack.i.u.bf16.f32 v10;
	v7 =	vunpack.i.l.bf16.f32 v10;
	v2 =	vmax.f32 v2, $0.0e+00;
	[tilespmem:s8+$0xB0] =	vst v5  }
0x3e2: {  	v10 =	vld [tilespmem:s15+$0xFFFFFFD0];
	v7 =	vadd.f32 v7, v14;
	v4 =	vadd.f32 v4, v12;
	v12 =	vmax.f32 v1, $0.0e+00;
	[tilespmem:s8+$0xC0] =	vst v2  }
0x3e3: {  	v20 =	vunpack.i.u.bf16.f32 v11;
	v11 =	vunpack.i.l.bf16.f32 v11;
	v5 =	vunpack.i.u.bf16.f32 v6;
	v21 =	vld [tilespmem:s0+$0x60]  }
0x3e4: {  	v6 =	vunpack.i.l.bf16.f32 v6;
	v53 =	vunpack.i.u.bf16.f32 v13;
	v13 =	vunpack.i.l.bf16.f32 v13;
	v22 =	vld [tilespmem:s15+$0x60]  }
0x3e5: {  	v2 =	vunpack.i.u.bf16.f32 v51;
	v16 =	vunpack.i.l.bf16.f32 v51;
	v57 =	vunpack.i.u.bf16.f32 v52  }
0x3e6: {  	v17 =	vunpack.i.l.bf16.f32 v52;
	v13 =	vadd.f32 v16, v13;
	v2 =	vadd.f32 v2, v53  }
0x3e7: {  	v55 =	vunpack.i.u.bf16.f32 v15;
	v15 =	vunpack.i.l.bf16.f32 v15;
	v56 =	vunpack.i.l.bf16.f32 v10  }
0x3e8: {  	v58 =	vunpack.i.l.bf16.f32 v54;
	v15 =	vadd.f32 v56, v15;
	v13 =	vmax.f32 v13, $0.0e+00  }
0x3e9: {  	v2 =	vmax.f32 v2, $0.0e+00;
	[tilespmem:s8+$0xFFFFFF00] =	vst v13;
	v13 =	vunpack.i.l.bf16.f32 v21;
	v59 =	vunpack.i.l.bf16.f32 v22  }
0x3ea: {  	[tilespmem:s8+$0xFFFFFF10] =	vst v2;
	v2 =	vunpack.i.u.bf16.f32 v21;
	v60 =	vunpack.i.u.bf16.f32 v22;
	v13 =	vadd.f32 v59, v13  }
0x3eb: {  	[tilespmem:s30+$0x100] =	vst v3;
	v10 =	vunpack.i.u.bf16.f32 v10;
	v61 =	vld [tilespmem:s0+$0xFFFFFFA0];
	v15 =	vmax.f32 v15, $0.0e+00;
	v2 =	vadd.f32 v60, v2  }
0x3ec: {  	v19 =	vunpack.i.u.bf16.f32 v54;
	v10 =	vadd.f32 v10, v55;
	v62 =	vld [tilespmem:s15+$0xFFFFFFA0];
	[tilespmem:s8+$0xFFFFFF90] =	vst v15;
	v13 =	vmax.f32 v13, $0.0e+00  }
0x3ed: {  	v16 =	vadd.f32 v58, v17;
	v3 =	vadd.f32 v19, v57;
	v2 =	vmax.f32 v2, $0.0e+00;
	[tilespmem:s8+$0xD0] =	vst v13  }
0x3ee: {  	v6 =	vadd.f32 v6, v8;
	v9 =	vadd.f32 v5, v9;
	v10 =	vmax.f32 v10, $0.0e+00;
	[tilespmem:s8+$0xE0] =	vst v2  }
0x3ef: {  	v3 =	vmax.f32 v3, $0.0e+00;
	v15 =	vmax.f32 v16, $0.0e+00;
	[tilespmem:s8+$0xFFFFFFA0] =	vst v10;
	v13 =	vunpack.i.u.bf16.f32 v23;
	v10 =	vld [tilespmem:s0+$0x70]  }
0x3f0: {  	[tilespmem:s8+$0x30] =	vst v3;
	v5 =	vunpack.i.u.bf16.f32 v61;
	v8 =	vunpack.i.l.bf16.f32 v61;
	v2 =	vadd.f32 v63, v11;
	v14 =	vld [tilespmem:s15+$0x70]  }
0x3f1: {  	[tilespmem:s8+$0x20] =	vst v15;
	v1 =	vld [tilespmem:s0+$0xFFFFFFE0];
	v11 =	vunpack.i.u.bf16.f32 v62;
	v15 =	vunpack.i.l.bf16.f32 v62;
	v3 =	vadd.f32 v13, v20  }
0x3f2: {  	[tilespmem:s30+$0xF0] =	vst v12;
	v13 =	vadd.f32 v15, v8;
	v11 =	vadd.f32 v11, v5;
	v5 =	vmax.f32 v7, $0.0e+00;
	v8 =	vld [tilespmem:s15+$0xFFFFFFE0]  }
0x3f3: {  	v12 =	vmax.f32 v4, $0.0e+00;
	v4 =	vmax.f32 v9, $0.0e+00;
	[tilespmem:s30+$0xFFFFFF40] =	vst v5;
	v5 =	vmax.f32 v6, $0.0e+00;
	v6 =	vld [tilespmem:s0+$0x20]  }
0x3f4: {  	[tilespmem:s30+$0xFFFFFF50] =	vst v12;
	v9 =	vld [tilespmem:s15+$0x20];
	v15 =	vmax.f32 v13, $0.0e+00;
	v13 =	vmax.f32 v11, $0.0e+00;
	v7 =	vunpack.i.l.bf16.f32 v10  }
0x3f5: {  	s28 =	simm.s32 $0x4;
	s16 =	simm.s32 $0x5780;
	s12 =	simm.s32 $0x4880;
	[tilespmem:s8+$0xFFFFFF20] =	vst v15;
	v11 =	vunpack.i.u.bf16.f32 v10;
	v12 =	vunpack.i.u.bf16.f32 v14;
	v10 =	vunpack.i.l.bf16.f32 v14  }
.LBB2_15:
0x3f6: {  	v14 =	vld [tilespmem:s12+$0x40];
	[tilespmem:s8+$0xFFFFFF30] =	vst v13;
	v13 =	vunpack.i.u.bf16.f32 v1;
	v15 =	vunpack.i.l.bf16.f32 v1;
	v11 =	vadd.f32 v12, v11;
	s15 =	sadd.s32 $0x100, s15  }
0x3f7: {  	v1 =	vadd.f32 v10, v7;
	v12 =	vld [tilespmem:s15+$0x40];
	v16 =	vunpack.i.u.bf16.f32 v8;
	v8 =	vunpack.i.l.bf16.f32 v8;
	[tilespmem:s30+$0xFFFFFFD0] =	vst v5  }
0x3f8: {  	v5 =	vld [tilespmem:s15+$0xFFFFFF80];
	v7 =	vunpack.i.u.bf16.f32 v6;
	v6 =	vunpack.i.l.bf16.f32 v6;
	v10 =	vmax.f32 v11, $0.0e+00;
	[tilespmem:s30+$0xFFFFFFE0] =	vst v4  }
0x3f9: {  	v8 =	vadd.f32 v8, v15;
	v4 =	vld [tilespmem:s12+$0xFFFFFFC0];
	v11 =	vunpack.i.u.bf16.f32 v9;
	v9 =	vunpack.i.l.bf16.f32 v9;
	[tilespmem:s8+$0x100] =	vst v10  }
0x3fa: {  	v2 =	vmax.f32 v2, $0.0e+00;
	v13 =	vadd.f32 v16, v13;
	v10 =	vld [tilespmem:s15+$0xFFFFFFC0];
	v6 =	vadd.f32 v9, v6  }
0x3fb: {  	v8 =	vmax.f32 v8, $0.0e+00;
	v7 =	vadd.f32 v11, v7;
	v9 =	vld [tilespmem:s12+$0x0];
	[tilespmem:s30+$0x60] =	vst v2;
	v2 =	vmax.f32 v3, $0.0e+00  }
0x3fc: {  	v11 =	vunpack.i.l.bf16.f32 v14;
	v3 =	vld [tilespmem:s15+$0x0];
	v15 =	vunpack.i.l.bf16.f32 v12;
	[tilespmem:s8+$0xFFFFFFB0] =	vst v8;
	v8 =	vmax.f32 v13, $0.0e+00  }
0x3fd: {  	s28 =	sadd.s32 $0x4, s28;
	v14 =	vunpack.i.u.bf16.f32 v14;
	v12 =	vunpack.i.u.bf16.f32 v12;
	v13 =	vld [tilespmem:s12+$0xFFFFFF80];
	v11 =	vadd.f32 v15, v11;
	[tilespmem:s8+$0xFFFFFFC0] =	vst v8  }
0x3fe: {  	p0 =	slt.u32 s28, $0x3C;
	v8 =	vunpack.i.u.bf16.f32 v5;
	v5 =	vunpack.i.l.bf16.f32 v5;
	v12 =	vadd.f32 v12, v14;
	v14 =	vld [tilespmem:s0+$0xFFFFFFB0];
	[tilespmem:s30+$0x70] =	vst v2;
	s30 =	smov.u32 s8  }
0x3ff: {  	v2 =	vunpack.i.u.bf16.f32 v4;
	v4 =	vunpack.i.l.bf16.f32 v4;
	s8 =	sadd.s32 $0x240, s8;
	v11 =	vmax.f32 v11, $0.0e+00;
	v15 =	vld [tilespmem:s16+$0xFFFFFFB0]  }
0x400: {  	v16 =	vunpack.i.u.bf16.f32 v10;
	v10 =	vunpack.i.l.bf16.f32 v10;
	[tilespmem:s8+$0x90] =	vst v11;
	v11 =	vmax.f32 v12, $0.0e+00;
	v12 =	vld [tilespmem:s0+$0xFFFFFFF0]  }
0x401: {  	v17 =	vunpack.i.u.bf16.f32 v9;
	v9 =	vunpack.i.l.bf16.f32 v9;
	v18 =	vunpack.i.u.bf16.f32 v3;
	[tilespmem:s8+$0xA0] =	vst v11;
	v11 =	vld [tilespmem:s16+$0xFFFFFFF0]  }
0x402: {  	v3 =	vunpack.i.l.bf16.f32 v3;
	v19 =	vunpack.i.u.bf16.f32 v13;
	v13 =	vunpack.i.l.bf16.f32 v13;
	v20 =	vld [tilespmem:s12+$0x50]  }
0x403: {  	v6 =	vmax.f32 v6, $0.0e+00;
	v5 =	vadd.f32 v5, v13;
	v8 =	vadd.f32 v8, v19;
	v13 =	vld [tilespmem:s15+$0x50]  }
0x404: {  	v4 =	vadd.f32 v10, v4;
	v2 =	vadd.f32 v16, v2;
	[tilespmem:s30+$0x40] =	vst v6;
	v6 =	vmax.f32 v7, $0.0e+00  }
0x405: {  	v3 =	vadd.f32 v3, v9;
	v7 =	vadd.f32 v18, v17;
	v5 =	vmax.f32 v5, $0.0e+00;
	[tilespmem:s30+$0x50] =	vst v6  }
0x406: {  	v4 =	vmax.f32 v4, $0.0e+00;
	v2 =	vmax.f32 v2, $0.0e+00;
	[tilespmem:s8+$0xFFFFFEE0] =	vst v5;
	v5 =	vmax.f32 v8, $0.0e+00;
	v6 =	vld [tilespmem:s0+$0x30];
	s0 =	smov.u32 s12  }
0x407: {  	v3 =	vmax.f32 v3, $0.0e+00;
	[tilespmem:s8+$0xFFFFFEF0] =	vst v5;
	v5 =	vmax.f32 v7, $0.0e+00;
	v7 =	vunpack.i.u.bf16.f32 v14;
	v8 =	vld [tilespmem:s16+$0x30];
	s16 =	smov.u32 s15  }
0x408: {  	v14 =	vunpack.i.l.bf16.f32 v14;
	v9 =	vld [tilespmem:s12+$0xFFFFFF90];
	[tilespmem:s8+$0xFFFFFF70] =	vst v4;
	v4 =	vunpack.i.l.bf16.f32 v20;
	v10 =	vunpack.i.l.bf16.f32 v13  }
0x409: {  	v13 =	vunpack.i.u.bf16.f32 v13;
	v16 =	vld [tilespmem:s15+$0xFFFFFF90];
	[tilespmem:s8+$0xFFFFFF80] =	vst v2;
	v2 =	vunpack.i.u.bf16.f32 v20;
	v4 =	vadd.f32 v10, v4  }
0x40a: {  	v10 =	vld [tilespmem:s12+$0xFFFFFFD0];
	[tilespmem:s8+$0x0] =	vst v3;
	v2 =	vadd.f32 v13, v2;
	v3 =	vunpack.i.u.bf16.f32 v15;
	v13 =	vunpack.i.l.bf16.f32 v15  }
0x40b: {  	v15 =	vld [tilespmem:s15+$0xFFFFFFD0];
	[tilespmem:s8+$0x10] =	vst v5;
	v4 =	vmax.f32 v4, $0.0e+00;
	v5 =	vunpack.i.u.bf16.f32 v12;
	v12 =	vunpack.i.l.bf16.f32 v12  }
0x40c: {  	v17 =	vld [tilespmem:s12+$0x10];
	[tilespmem:s8+$0xB0] =	vst v4;
	v2 =	vmax.f32 v2, $0.0e+00;
	v4 =	vunpack.i.u.bf16.f32 v11;
	v11 =	vunpack.i.l.bf16.f32 v11  }
0x40d: {  	v20 =	vunpack.i.u.bf16.f32 v6;
	v18 =	vunpack.i.u.bf16.f32 v9;
	v9 =	vunpack.i.l.bf16.f32 v9;
	v19 =	vld [tilespmem:s15+$0x10];
	[tilespmem:s8+$0xC0] =	vst v2  }
0x40e: {  	v6 =	vunpack.i.l.bf16.f32 v6;
	v2 =	vunpack.i.u.bf16.f32 v16;
	v16 =	vunpack.i.l.bf16.f32 v16;
	v21 =	vld [tilespmem:s12+$0x60]  }
0x40f: {  	v9 =	vadd.f32 v16, v9;
	v16 =	vunpack.i.u.bf16.f32 v10;
	v10 =	vunpack.i.l.bf16.f32 v10;
	v22 =	vld [tilespmem:s15+$0x60]  }
0x410: {  	v2 =	vadd.f32 v2, v18;
	v18 =	vunpack.i.u.bf16.f32 v15;
	v15 =	vunpack.i.l.bf16.f32 v15  }
0x411: {  	v10 =	vadd.f32 v15, v10;
	v15 =	vunpack.i.u.bf16.f32 v17;
	v17 =	vunpack.i.l.bf16.f32 v17  }
0x412: {  	v16 =	vadd.f32 v18, v16;
	v18 =	vunpack.i.u.bf16.f32 v19;
	v19 =	vunpack.i.l.bf16.f32 v19  }
0x413: {  	v9 =	vmax.f32 v9, $0.0e+00;
	v17 =	vadd.f32 v19, v17;
	v15 =	vadd.f32 v18, v15  }
0x414: {  	v2 =	vmax.f32 v2, $0.0e+00;
	[tilespmem:s8+$0xFFFFFF00] =	vst v9;
	v9 =	vunpack.i.l.bf16.f32 v21;
	v18 =	vunpack.i.l.bf16.f32 v22  }
0x415: {  	v19 =	vunpack.i.u.bf16.f32 v22;
	[tilespmem:s8+$0xFFFFFF10] =	vst v2;
	v2 =	vunpack.i.u.bf16.f32 v21;
	v9 =	vadd.f32 v18, v9  }
0x416: {  	v10 =	vmax.f32 v10, $0.0e+00;
	v16 =	vmax.f32 v16, $0.0e+00;
	v18 =	vld [tilespmem:s12+$0xFFFFFFA0];
	v2 =	vadd.f32 v19, v2  }
0x417: {  	v15 =	vmax.f32 v15, $0.0e+00;
	v19 =	vld [tilespmem:s15+$0xFFFFFFA0];
	[tilespmem:s8+$0xFFFFFF90] =	vst v10;
	v10 =	vmax.f32 v17, $0.0e+00;
	v9 =	vmax.f32 v9, $0.0e+00  }
0x418: {  	[tilespmem:s8+$0xD0] =	vst v9;
	v2 =	vmax.f32 v2, $0.0e+00;
	v9 =	vunpack.i.u.bf16.f32 v8;
	v8 =	vunpack.i.l.bf16.f32 v8  }
0x419: {  	v13 =	vadd.f32 v13, v14;
	v7 =	vadd.f32 v3, v7;
	v14 =	vmax.f32 v1, $0.0e+00;
	[tilespmem:s8+$0xE0] =	vst v2  }
0x41a: {  	v11 =	vadd.f32 v11, v12;
	v4 =	vadd.f32 v4, v5;
	[tilespmem:s8+$0xFFFFFFA0] =	vst v16;
	v16 =	vld [tilespmem:s12+$0x70]  }
0x41b: {  	v2 =	vadd.f32 v8, v6;
	v5 =	vunpack.i.u.bf16.f32 v18;
	v12 =	vunpack.i.l.bf16.f32 v18;
	[tilespmem:s8+$0x20] =	vst v10;
	v10 =	vld [tilespmem:s15+$0x70]  }
.Ltmp6:
0x41c: {  	v3 =	vadd.f32 v9, v20;
	v6 =	vunpack.i.u.bf16.f32 v19;
	v8 =	vunpack.i.l.bf16.f32 v19;
	v1 =	vld [tilespmem:s12+$0xFFFFFFE0];
	[tilespmem:s8+$0x30] =	vst v15;
	(pc) =	sbr.rel @p0 .LBB2_15-.Ltmp6, $4  }
0x41d: {  	v9 =	vadd.f32 v8, v12;
	v12 =	vadd.f32 v6, v5;
	v8 =	vld [tilespmem:s15+$0xFFFFFFE0];
	v5 =	vmax.f32 v13, $0.0e+00;
	[tilespmem:s30+$0xF0] =	vst v14  }
0x41e: {  	v4 =	vmax.f32 v4, $0.0e+00;
	v14 =	vmax.f32 v7, $0.0e+00;
	v6 =	vld [tilespmem:s12+$0x20];
	[tilespmem:s30+$0xFFFFFF40] =	vst v5;
	v5 =	vmax.f32 v11, $0.0e+00  }
0x41f: {  	v11 =	vmax.f32 v9, $0.0e+00;
	v13 =	vmax.f32 v12, $0.0e+00;
	v9 =	vld [tilespmem:s15+$0x20];
	v7 =	vunpack.i.l.bf16.f32 v16;
	[tilespmem:s30+$0xFFFFFF50] =	vst v14  }
0x420: {  	s12 =	sadd.s32 $0x100, s12;
	[tilespmem:s8+$0xFFFFFF20] =	vst v11;
	v11 =	vunpack.i.u.bf16.f32 v16;
	v12 =	vunpack.i.u.bf16.f32 v10;
	v10 =	vunpack.i.l.bf16.f32 v10  }
0x421: {  	_ = 	snop  }
0x422: {  	v14 =	vunpack.i.u.bf16.f32 v1;
	v1 =	vunpack.i.l.bf16.f32 v1;
	v43 =	vunpack.i.l.bf16.f32 v8  }
0x423: {  	v15 =	vunpack.i.u.bf16.f32 v8;
	v16 =	vunpack.i.l.bf16.f32 v6;
	v1 =	vadd.f32 v43, v1  }
0x424: {  	v14 =	vadd.f32 v15, v14;
	v45 =	vunpack.i.u.bf16.f32 v6;
	v44 =	vunpack.i.l.bf16.f32 v9  }
0x425: {  	[tilespmem:s8+$0xFFFFFF30] =	vst v13;
	v46 =	vunpack.i.u.bf16.f32 v9;
	v8 =	vadd.f32 v44, v16;
	v1 =	vmax.f32 v1, $0.0e+00  }
0x426: {  	v47 =	vld [tilespmem:s0+$0xFFFFFFB0];
	v6 =	vadd.f32 v46, v45;
	[tilespmem:s8+$0xFFFFFFB0] =	vst v1;
	v1 =	vmax.f32 v14, $0.0e+00  }
0x427: {  	[tilespmem:s8+$0xFFFFFFC0] =	vst v1;
	v1 =	vld [tilespmem:s16+$0xFFFFFFB0];
	v8 =	vmax.f32 v8, $0.0e+00  }
0x428: {  	v6 =	vmax.f32 v6, $0.0e+00;
	v48 =	vld [tilespmem:s0+$0xFFFFFFF0];
	[tilespmem:s8+$0x40] =	vst v8  }
0x429: {  	v49 =	vadd.f32 v12, v11;
	v50 =	vld [tilespmem:s16+$0xFFFFFFF0];
	[tilespmem:s8+$0x50] =	vst v6  }
0x42a: {  	v51 =	vadd.f32 v10, v7;
	v52 =	vld [tilespmem:s0+$0x30]  }
0x42b: {  	[tilespmem:s30+$0xFFFFFFD0] =	vst v5;
	v2 =	vmax.f32 v2, $0.0e+00;
	v3 =	vmax.f32 v3, $0.0e+00;
	v53 =	vmax.f32 v49, $0.0e+00  }
0x42c: {  	[tilespmem:s30+$0xFFFFFFE0] =	vst v4;
	v54 =	vunpack.i.u.bf16.f32 v47;
	v9 =	vunpack.i.l.bf16.f32 v47;
	v6 =	vmax.f32 v51, $0.0e+00;
	v55 =	vld [tilespmem:s16+$0x30]  }
0x42d: {  	[tilespmem:s30+$0x60] =	vst v2;
	v56 =	vunpack.i.u.bf16.f32 v1;
	v1 =	vunpack.i.l.bf16.f32 v1;
	v57 =	vunpack.i.u.bf16.f32 v48  }
0x42e: {  	[tilespmem:s30+$0x70] =	vst v3;
	v58 =	vunpack.i.l.bf16.f32 v48;
	v2 =	vunpack.i.u.bf16.f32 v50;
	v1 =	vadd.f32 v1, v9  }
0x42f: {  	[tilespmem:s8+$0x100] =	vst v53;
	v11 =	vunpack.i.l.bf16.f32 v50;
	v4 =	vadd.f32 v56, v54;
	v3 =	vunpack.i.u.bf16.f32 v52  }
0x430: {  	[tilespmem:s8+$0xF0] =	vst v6;
	v7 =	vunpack.i.l.bf16.f32 v52;
	v59 =	vadd.f32 v11, v58;
	v1 =	vmax.f32 v1, $0.0e+00  }
0x431: {  	v60 =	vunpack.i.l.bf16.f32 v55;
	v2 =	vadd.f32 v2, v57;
	[tilespmem:s8+$0xFFFFFF40] =	vst v1;
	v1 =	vmax.f32 v4, $0.0e+00  }
0x432: {  	v61 =	vunpack.i.u.bf16.f32 v55;
	v62 =	vadd.f32 v60, v7;
	v63 =	vmax.f32 v59, $0.0e+00;
	[tilespmem:s8+$0xFFFFFF50] =	vst v1  }
0x433: {  	v2 =	vmax.f32 v2, $0.0e+00;
	v1 =	vadd.f32 v61, v3;
	[tilespmem:s8+$0xFFFFFFD0] =	vst v63  }
0x434: {  	[tilespmem:s8+$0xFFFFFFE0] =	vst v2;
	v2 =	vmax.f32 v62, $0.0e+00  }
0x435: {  	[tilespmem:s8+$0x60] =	vst v2;
	v1 =	vmax.f32 v1, $0.0e+00  }
0x436: {  	[tilespmem:s8+$0x70] =	vst v1  }
0x437: {  	_ =	swait.ge [sflag:s10], $0x2400  }
0x438: {  	[sflag:s10] =	ssyncset.done $0x0;
	s15 =	rddreg [dreg:$0x14]  }
0x439: {  	s12 =	simm.s32 $0x6600;
	[sflag:s10] =	ssyncadd.s32 $0xFFFFDC00;
	s0 =	sadd.s32 s24, s15  }
0x43a: {  	[spmem:s3] =	stream.indirect.scatter.add.f32 [tilespmem:s12], [sflag:$0xA], $0x90, s31, s29, $0xb8;
	[tilespmem:$0x1F200] =	vst v63  }
0x43b: {  	s0 =	sshrl.u32 s0, $0x3  }
0x43c: {  	s16 =	sadd.s32 s6, s0  }
0x43d: {  	[tilespmem:s4], [sflag:$0x1] =	stream.linear.gather [hbm4b:s16+s4], $0x40, $0x38;
	[tilespmem:$0x1F200] =	vst v63  }
0x43e: {  	s0 =	sadd.s32 s7, s0  }
0x43f: {  	[tilespmem:s29], [sflag:$0x1] =	stream.linear.gather [hbm4b:s0+s4], $0x40, $0x38;
	[tilespmem:$0x1F200] =	vst v63  }
0x440: {  	_ =	swait.ge [sflag:s21], $0x40  }
0x441: {  	[sflag:s21] =	ssyncset.done $0x0  }
0x442: {  	s23 =	sadd.s32 $0x1, s23;
	[sflag:s21] =	ssyncadd.s32 $0xFFFFFFC0  }
0x443: {  	p0 =	sne.s32 s23, $0x26;
	_ =	swait.ge [sflag:s21], $0x40  }
.Ltmp7:
0x444: {  	[sflag:s21] =	ssyncset.done $0x0;
	(pc) =	sbr.rel @p0 .LBB2_8-.Ltmp7, $4  }
0x445: {  	s24 =	simm.s32 $0x4600;
	[sflag:s21] =	ssyncadd.s32 $0xFFFFFFC0  }
0x446: {  	[tilespmem:s24], [sflag:$0x8] =	stream.indirect.gather [hbm4b:s1+s29], $0x40, s9, s29, $0xb8;
	[tilespmem:$0x1F200] =	vst v63  }
0x447: {  	s28 =	simm.s32 $0x180;
	s30 =	simm.s32 $0x5600  }
0x448: {  	[tilespmem:s30], [sflag:$0x9] =	stream.indirect.gather [hbm4b:s5+s29], $0x40, s28, s29, $0xb8;
	[tilespmem:$0x1F200] =	vst v63  }
0x449: {  	_ =	swait.ge [sflag:s17], $0x1000  }
0x44a: {  	[sflag:s17] =	ssyncset.done $0x0  }
0x44b: {  	[sflag:s17] =	ssyncadd.s32 $0xFFFFF000  }
0x44c: {  	_ =	swait.ge [sflag:s18], $0x1000  }
0x44d: {  	[sflag:s18] =	ssyncset.done $0x0  }
0x44e: {  	s12 =	simm.s32 $0x280;
	[sflag:s18] =	ssyncadd.s32 $0xFFFFF000  }
0x44f: {  	s16 =	simm.s32 $0x1280;
	v1 =	vld [tilespmem:s12+$0x40]  }
0x450: {  	v2 =	vld [tilespmem:s16+$0x40];
	_ =	sdelay $0x4  }
0x451: {  	v5 =	vld [tilespmem:s16+$0xFFFFFF80];
	v3 =	vunpack.i.l.bf16.f32 v1;
	v4 =	vunpack.i.l.bf16.f32 v2  }
0x452: {  	v6 =	vld [tilespmem:s16+$0xFFFFFFC0];
	v1 =	vunpack.i.u.bf16.f32 v1;
	v2 =	vunpack.i.u.bf16.f32 v2;
	v3 =	vadd.f32 v4, v3  }
0x453: {  	v1 =	vadd.f32 v2, v1;
	v2 =	vld [tilespmem:s12+$0xFFFFFF80]  }
0x454: {  	s23 =	simm.s32 $0x2320;
	v4 =	vld [tilespmem:s12+$0xFFFFFFC0];
	v3 =	vmax.f32 v3, $0.0e+00  }
0x455: {  	v1 =	vmax.f32 v1, $0.0e+00;
	[tilespmem:s23+$0x90] =	vst v3  }
0x456: {  	[tilespmem:s23+$0xA0] =	vst v1  }
0x457: {  	v11 =	vunpack.i.l.bf16.f32 v6;
	v6 =	vunpack.i.u.bf16.f32 v6;
	v3 =	vunpack.i.u.bf16.f32 v5;
	v1 =	vld [tilespmem:s12+$0x50]  }
0x458: {  	v5 =	vunpack.i.l.bf16.f32 v5;
	v7 =	vld [tilespmem:s16+$0x50];
	v9 =	vunpack.i.u.bf16.f32 v2;
	v2 =	vunpack.i.l.bf16.f32 v2  }
0x459: {  	v8 =	vunpack.i.l.bf16.f32 v4;
	v4 =	vunpack.i.u.bf16.f32 v4;
	v2 =	vadd.f32 v5, v2  }
0x45a: {  	v10 =	vld [tilespmem:s12+$0x0];
	v3 =	vadd.f32 v3, v9;
	v4 =	vadd.f32 v6, v4  }
0x45b: {  	v5 =	vld [tilespmem:s16+$0x0];
	v8 =	vadd.f32 v11, v8  }
0x45c: {  	v2 =	vmax.f32 v2, $0.0e+00;
	v3 =	vmax.f32 v3, $0.0e+00;
	v4 =	vmax.f32 v4, $0.0e+00  }
0x45d: {  	[tilespmem:s23+$0xFFFFFEE0] =	vst v2;
	v2 =	vmax.f32 v8, $0.0e+00;
	v6 =	vunpack.i.l.bf16.f32 v1;
	v8 =	vunpack.i.l.bf16.f32 v7  }
0x45e: {  	[tilespmem:s23+$0xFFFFFEF0] =	vst v3;
	v1 =	vunpack.i.u.bf16.f32 v1;
	v3 =	vunpack.i.u.bf16.f32 v7;
	v6 =	vadd.f32 v8, v6  }
0x45f: {  	v7 =	vunpack.i.u.bf16.f32 v10;
	[tilespmem:s23+$0xFFFFFF80] =	vst v4;
	v1 =	vadd.f32 v3, v1;
	v9 =	vld [tilespmem:s16+$0xFFFFFF90]  }
0x460: {  	v8 =	vld [tilespmem:s12+$0xFFFFFF90];
	[tilespmem:s23+$0xFFFFFF70] =	vst v2;
	v2 =	vunpack.i.l.bf16.f32 v10;
	v3 =	vunpack.i.l.bf16.f32 v5;
	v4 =	vmax.f32 v6, $0.0e+00  }
0x461: {  	v5 =	vunpack.i.u.bf16.f32 v5;
	v2 =	vadd.f32 v3, v2;
	v3 =	vld [tilespmem:s12+$0xFFFFFFD0];
	v1 =	vmax.f32 v1, $0.0e+00;
	[tilespmem:s23+$0xB0] =	vst v4  }
0x462: {  	v4 =	vadd.f32 v5, v7;
	v5 =	vld [tilespmem:s16+$0xFFFFFFD0];
	[tilespmem:s23+$0xC0] =	vst v1  }
0x463: {  	v1 =	vmax.f32 v2, $0.0e+00;
	v2 =	vld [tilespmem:s12+$0x60]  }
0x464: {  	v4 =	vmax.f32 v4, $0.0e+00;
	[tilespmem:s23+$0x0] =	vst v1;
	v1 =	vld [tilespmem:s16+$0x60];
	v6 =	vunpack.i.l.bf16.f32 v9  }
0x465: {  	v9 =	vunpack.i.u.bf16.f32 v9;
	[tilespmem:s23+$0x10] =	vst v4;
	v4 =	vunpack.i.l.bf16.f32 v8;
	v8 =	vunpack.i.u.bf16.f32 v8  }
0x466: {  	v4 =	vadd.f32 v6, v4;
	v6 =	vunpack.i.u.bf16.f32 v3;
	v3 =	vunpack.i.l.bf16.f32 v3  }
0x467: {  	v7 =	vld [tilespmem:s12+$0x10];
	v8 =	vadd.f32 v9, v8;
	v10 =	vunpack.i.u.bf16.f32 v5;
	v5 =	vunpack.i.l.bf16.f32 v5  }
0x468: {  	v9 =	vld [tilespmem:s16+$0x10];
	v4 =	vmax.f32 v4, $0.0e+00;
	v3 =	vadd.f32 v5, v3  }
0x469: {  	[tilespmem:s23+$0xFFFFFF00] =	vst v4;
	v4 =	vmax.f32 v8, $0.0e+00;
	v8 =	vunpack.i.l.bf16.f32 v2;
	v11 =	vunpack.i.l.bf16.f32 v1  }
0x46a: {  	v2 =	vunpack.i.u.bf16.f32 v2;
	v1 =	vunpack.i.u.bf16.f32 v1;
	[tilespmem:s23+$0xFFFFFF10] =	vst v4;
	v4 =	vadd.f32 v11, v8  }
0x46b: {  	v6 =	vadd.f32 v10, v6;
	v1 =	vadd.f32 v1, v2;
	v8 =	vld [tilespmem:s12+$0xFFFFFFA0]  }
0x46c: {  	v5 =	vunpack.i.u.bf16.f32 v7;
	v2 =	vunpack.i.l.bf16.f32 v7;
	v7 =	vld [tilespmem:s16+$0xFFFFFFA0];
	v4 =	vmax.f32 v4, $0.0e+00  }
0x46d: {  	v10 =	vunpack.i.u.bf16.f32 v9;
	v9 =	vunpack.i.l.bf16.f32 v9;
	v1 =	vmax.f32 v1, $0.0e+00;
	[tilespmem:s23+$0xD0] =	vst v4  }
0x46e: {  	v3 =	vmax.f32 v3, $0.0e+00;
	v2 =	vadd.f32 v9, v2;
	v4 =	vadd.f32 v10, v5;
	[tilespmem:s23+$0xE0] =	vst v1  }
0x46f: {  	[tilespmem:s23+$0xFFFFFF90] =	vst v3;
	v1 =	vmax.f32 v6, $0.0e+00;
	v3 =	vld [tilespmem:s12+$0x70]  }
0x470: {  	v2 =	vmax.f32 v2, $0.0e+00;
	[tilespmem:s23+$0xFFFFFFA0] =	vst v1;
	v5 =	vld [tilespmem:s16+$0x70];
	v4 =	vmax.f32 v4, $0.0e+00;
	v1 =	vunpack.i.u.bf16.f32 v8  }
0x471: {  	[tilespmem:s23+$0x20] =	vst v2;
	v6 =	vunpack.i.l.bf16.f32 v8;
	v2 =	vunpack.i.u.bf16.f32 v7;
	v7 =	vunpack.i.l.bf16.f32 v7;
	v8 =	vld [tilespmem:s12+$0xFFFFFFE0]  }
0x472: {  	[tilespmem:s23+$0x30] =	vst v4;
	v4 =	vadd.f32 v7, v6;
	v1 =	vadd.f32 v2, v1;
	v2 =	vld [tilespmem:s16+$0xFFFFFFE0]  }
0x473: {  	v6 =	vld [tilespmem:s12+$0x20]  }
0x474: {  	s0 =	simm.s32 $0x380;
	v9 =	vld [tilespmem:s16+$0x20];
	v4 =	vmax.f32 v4, $0.0e+00;
	v7 =	vmax.f32 v1, $0.0e+00;
	v1 =	vunpack.i.l.bf16.f32 v3  }
0x475: {  	v15 =	vld [tilespmem:s0+$0xFFFFFFC0];
	v3 =	vunpack.i.u.bf16.f32 v3;
	v10 =	vunpack.i.u.bf16.f32 v5;
	v5 =	vunpack.i.l.bf16.f32 v5  }
0x476: {  	s15 =	simm.s32 $0x1380;
	v11 =	vld [tilespmem:s0+$0x40];
	v3 =	vadd.f32 v10, v3;
	v1 =	vadd.f32 v5, v1;
	v12 =	vunpack.i.u.bf16.f32 v8  }
0x477: {  	v10 =	vld [tilespmem:s15+$0x40];
	v8 =	vunpack.i.l.bf16.f32 v8;
	v13 =	vunpack.i.u.bf16.f32 v2;
	v2 =	vunpack.i.l.bf16.f32 v2  }
0x478: {  	v5 =	vld [tilespmem:s15+$0xFFFFFF80];
	v14 =	vunpack.i.u.bf16.f32 v6;
	v6 =	vunpack.i.l.bf16.f32 v6;
	v2 =	vadd.f32 v2, v8  }
0x479: {  	v8 =	vunpack.i.u.bf16.f32 v9;
	v9 =	vunpack.i.l.bf16.f32 v9;
	v12 =	vadd.f32 v13, v12  }
0x47a: {  	v16 =	vld [tilespmem:s15+$0xFFFFFFC0];
	[tilespmem:s23+$0xFFFFFF30] =	vst v7;
	v7 =	vunpack.i.u.bf16.f32 v15;
	v6 =	vadd.f32 v9, v6;
	v8 =	vadd.f32 v8, v14  }
0x47b: {  	v18 =	vld [tilespmem:s0+$0xFFFFFF80];
	[tilespmem:s23+$0xFFFFFF20] =	vst v4;
	v14 =	vunpack.i.l.bf16.f32 v11;
	v11 =	vunpack.i.u.bf16.f32 v11;
	v2 =	vmax.f32 v2, $0.0e+00  }
0x47c: {  	v13 =	vld [tilespmem:s15+$0x0];
	v17 =	vunpack.i.l.bf16.f32 v10;
	v12 =	vmax.f32 v12, $0.0e+00;
	v10 =	vunpack.i.u.bf16.f32 v10;
	[tilespmem:s23+$0xFFFFFFB0] =	vst v2  }
0x47d: {  	v9 =	vld [tilespmem:s0+$0x0];
	v4 =	vunpack.i.u.bf16.f32 v5;
	v14 =	vadd.f32 v17, v14;
	[tilespmem:s23+$0xFFFFFFC0] =	vst v12;
	v6 =	vmax.f32 v6, $0.0e+00  }
0x47e: {  	v5 =	vunpack.i.l.bf16.f32 v5;
	v10 =	vadd.f32 v10, v11;
	[tilespmem:s23+$0x40] =	vst v6;
	v6 =	vmax.f32 v8, $0.0e+00  }
0x47f: {  	s8 =	simm.s32 $0x2560;
	v11 =	vunpack.i.l.bf16.f32 v15;
	v15 =	vunpack.i.u.bf16.f32 v16;
	v14 =	vmax.f32 v14, $0.0e+00;
	[tilespmem:s23+$0x50] =	vst v6  }
0x480: {  	v16 =	vunpack.i.l.bf16.f32 v16;
	v2 =	vunpack.i.u.bf16.f32 v18;
	v8 =	vld [tilespmem:s12+$0xFFFFFFF0];
	v10 =	vmax.f32 v10, $0.0e+00;
	[tilespmem:s8+$0x90] =	vst v14  }
0x481: {  	v2 =	vadd.f32 v4, v2;
	v7 =	vadd.f32 v15, v7;
	v19 =	vunpack.i.u.bf16.f32 v13;
	v6 =	vld [tilespmem:s16+$0xFFFFFFF0];
	[tilespmem:s8+$0xA0] =	vst v10  }
0x482: {  	v13 =	vunpack.i.l.bf16.f32 v13;
	v49 =	vunpack.i.u.bf16.f32 v9;
	v10 =	vunpack.i.l.bf16.f32 v18;
	v50 =	vld [tilespmem:s0+$0x50]  }
0x483: {  	v9 =	vunpack.i.l.bf16.f32 v9;
	v2 =	vmax.f32 v2, $0.0e+00;
	v5 =	vadd.f32 v5, v10;
	v4 =	vld [tilespmem:s15+$0x50]  }
0x484: {  	v14 =	vld [tilespmem:s12+$0xFFFFFFB0];
	v7 =	vmax.f32 v7, $0.0e+00;
	v9 =	vadd.f32 v13, v9;
	v12 =	vadd.f32 v19, v49;
	[tilespmem:s8+$0xFFFFFEF0] =	vst v2  }
0x485: {  	v11 =	vadd.f32 v16, v11;
	v23 =	vld [tilespmem:s16+$0x30];
	[tilespmem:s8+$0xFFFFFF80] =	vst v7;
	v5 =	vmax.f32 v5, $0.0e+00  }
0x486: {  	v10 =	vld [tilespmem:s16+$0xFFFFFFB0];
	v2 =	vmax.f32 v9, $0.0e+00;
	v9 =	vmax.f32 v12, $0.0e+00;
	[tilespmem:s8+$0xFFFFFEE0] =	vst v5  }
0x487: {  	v3 =	vmax.f32 v3, $0.0e+00;
	v5 =	vmax.f32 v11, $0.0e+00;
	v11 =	vld [tilespmem:s12+$0x30];
	[tilespmem:s8+$0x10] =	vst v9  }
0x488: {  	v9 =	vunpack.i.u.bf16.f32 v8;
	v13 =	vld [tilespmem:s0+$0xFFFFFF90];
	[tilespmem:s8+$0xFFFFFF70] =	vst v5;
	v5 =	vunpack.i.l.bf16.f32 v50;
	v15 =	vunpack.i.l.bf16.f32 v4  }
0x489: {  	[tilespmem:s8+$0x0] =	vst v2;
	v51 =	vld [tilespmem:s15+$0xFFFFFF90];
	v7 =	vunpack.i.u.bf16.f32 v50;
	v4 =	vunpack.i.u.bf16.f32 v4;
	v5 =	vadd.f32 v15, v5  }
0x48a: {  	v8 =	vunpack.i.l.bf16.f32 v8;
	v12 =	vunpack.i.u.bf16.f32 v14;
	v52 =	vld [tilespmem:s0+$0x10];
	v2 =	vadd.f32 v4, v7  }
0x48b: {  	v14 =	vunpack.i.l.bf16.f32 v14;
	v54 =	vld [tilespmem:s15+$0x10];
	v63 =	vunpack.i.l.bf16.f32 v23;
	v5 =	vmax.f32 v5, $0.0e+00  }
0x48c: {  	v15 =	vld [tilespmem:s0+$0xFFFFFFD0];
	v4 =	vunpack.i.u.bf16.f32 v10;
	v7 =	vunpack.i.l.bf16.f32 v10;
	v2 =	vmax.f32 v2, $0.0e+00;
	[tilespmem:s8+$0xB0] =	vst v5  }
0x48d: {  	v10 =	vld [tilespmem:s15+$0xFFFFFFD0];
	v7 =	vadd.f32 v7, v14;
	v4 =	vadd.f32 v4, v12;
	v12 =	vmax.f32 v1, $0.0e+00;
	[tilespmem:s8+$0xC0] =	vst v2  }
0x48e: {  	v20 =	vunpack.i.u.bf16.f32 v11;
	v11 =	vunpack.i.l.bf16.f32 v11;
	v5 =	vunpack.i.u.bf16.f32 v6;
	v21 =	vld [tilespmem:s0+$0x60]  }
0x48f: {  	v6 =	vunpack.i.l.bf16.f32 v6;
	v53 =	vunpack.i.u.bf16.f32 v13;
	v13 =	vunpack.i.l.bf16.f32 v13;
	v22 =	vld [tilespmem:s15+$0x60]  }
0x490: {  	v2 =	vunpack.i.u.bf16.f32 v51;
	v16 =	vunpack.i.l.bf16.f32 v51;
	v57 =	vunpack.i.u.bf16.f32 v52  }
0x491: {  	v17 =	vunpack.i.l.bf16.f32 v52;
	v13 =	vadd.f32 v16, v13;
	v2 =	vadd.f32 v2, v53  }
0x492: {  	v55 =	vunpack.i.u.bf16.f32 v15;
	v15 =	vunpack.i.l.bf16.f32 v15;
	v56 =	vunpack.i.l.bf16.f32 v10  }
0x493: {  	[tilespmem:s23+$0x100] =	vst v3;
	v58 =	vunpack.i.l.bf16.f32 v54;
	v15 =	vadd.f32 v56, v15;
	v13 =	vmax.f32 v13, $0.0e+00  }
0x494: {  	v2 =	vmax.f32 v2, $0.0e+00;
	[tilespmem:s8+$0xFFFFFF00] =	vst v13;
	v13 =	vunpack.i.l.bf16.f32 v21;
	v59 =	vunpack.i.l.bf16.f32 v22  }
0x495: {  	[tilespmem:s8+$0xFFFFFF10] =	vst v2;
	v2 =	vunpack.i.u.bf16.f32 v21;
	v60 =	vunpack.i.u.bf16.f32 v22;
	v13 =	vadd.f32 v59, v13  }
0x496: {  	[tilespmem:s23+$0xF0] =	vst v12;
	v10 =	vunpack.i.u.bf16.f32 v10;
	v61 =	vld [tilespmem:s0+$0xFFFFFFA0];
	v15 =	vmax.f32 v15, $0.0e+00;
	v2 =	vadd.f32 v60, v2  }
0x497: {  	v19 =	vunpack.i.u.bf16.f32 v54;
	v10 =	vadd.f32 v10, v55;
	v62 =	vld [tilespmem:s15+$0xFFFFFFA0];
	[tilespmem:s8+$0xFFFFFF90] =	vst v15;
	v13 =	vmax.f32 v13, $0.0e+00  }
0x498: {  	v16 =	vadd.f32 v58, v17;
	v3 =	vadd.f32 v19, v57;
	v2 =	vmax.f32 v2, $0.0e+00;
	[tilespmem:s8+$0xD0] =	vst v13  }
0x499: {  	v12 =	vmax.f32 v4, $0.0e+00;
	v6 =	vadd.f32 v6, v8;
	v10 =	vmax.f32 v10, $0.0e+00;
	[tilespmem:s8+$0xE0] =	vst v2  }
0x49a: {  	v8 =	vadd.f32 v5, v9;
	v3 =	vmax.f32 v3, $0.0e+00;
	v15 =	vmax.f32 v16, $0.0e+00;
	[tilespmem:s8+$0xFFFFFFA0] =	vst v10;
	v10 =	vld [tilespmem:s0+$0x70]  }
0x49b: {  	v13 =	vunpack.i.u.bf16.f32 v23;
	v5 =	vunpack.i.u.bf16.f32 v61;
	v9 =	vunpack.i.l.bf16.f32 v61;
	v14 =	vld [tilespmem:s15+$0x70]  }
0x49c: {  	[tilespmem:s8+$0x20] =	vst v15;
	v1 =	vld [tilespmem:s0+$0xFFFFFFE0];
	v2 =	vadd.f32 v63, v11;
	v11 =	vunpack.i.u.bf16.f32 v62;
	v15 =	vunpack.i.l.bf16.f32 v62  }
0x49d: {  	[tilespmem:s8+$0x30] =	vst v3;
	v9 =	vadd.f32 v15, v9;
	v11 =	vadd.f32 v11, v5;
	v5 =	vmax.f32 v7, $0.0e+00;
	v7 =	vld [tilespmem:s15+$0xFFFFFFE0]  }
0x49e: {  	v4 =	vmax.f32 v8, $0.0e+00;
	v8 =	vld [tilespmem:s0+$0x20];
	v3 =	vadd.f32 v13, v20;
	[tilespmem:s23+$0xFFFFFF40] =	vst v5;
	v5 =	vmax.f32 v6, $0.0e+00  }
0x49f: {  	[tilespmem:s23+$0xFFFFFF50] =	vst v12;
	v15 =	vmax.f32 v9, $0.0e+00;
	v13 =	vmax.f32 v11, $0.0e+00;
	v9 =	vld [tilespmem:s15+$0x20];
	v6 =	vunpack.i.l.bf16.f32 v10  }
0x4a0: {  	s24 =	simm.s32 $0x4;
	s16 =	simm.s32 $0x1380;
	s12 =	simm.s32 $0x480;
	[tilespmem:s8+$0xFFFFFF20] =	vst v15;
	v11 =	vunpack.i.u.bf16.f32 v10;
	v12 =	vunpack.i.u.bf16.f32 v14;
	v10 =	vunpack.i.l.bf16.f32 v14  }
.LBB2_18:
0x4a1: {  	v14 =	vld [tilespmem:s12+$0x40];
	[tilespmem:s8+$0xFFFFFF30] =	vst v13;
	v13 =	vunpack.i.u.bf16.f32 v1;
	v15 =	vunpack.i.l.bf16.f32 v1;
	v11 =	vadd.f32 v12, v11;
	s15 =	sadd.s32 $0x100, s15  }
0x4a2: {  	v1 =	vadd.f32 v10, v6;
	v12 =	vld [tilespmem:s15+$0x40];
	v16 =	vunpack.i.u.bf16.f32 v7;
	v7 =	vunpack.i.l.bf16.f32 v7;
	[tilespmem:s23+$0xFFFFFFD0] =	vst v5  }
0x4a3: {  	v5 =	vld [tilespmem:s15+$0xFFFFFF80];
	v6 =	vunpack.i.u.bf16.f32 v8;
	v8 =	vunpack.i.l.bf16.f32 v8;
	v10 =	vmax.f32 v11, $0.0e+00;
	[tilespmem:s23+$0xFFFFFFE0] =	vst v4  }
0x4a4: {  	v7 =	vadd.f32 v7, v15;
	v4 =	vld [tilespmem:s12+$0xFFFFFFC0];
	v11 =	vunpack.i.u.bf16.f32 v9;
	v9 =	vunpack.i.l.bf16.f32 v9;
	[tilespmem:s8+$0x100] =	vst v10  }
0x4a5: {  	v2 =	vmax.f32 v2, $0.0e+00;
	v13 =	vadd.f32 v16, v13;
	v10 =	vld [tilespmem:s15+$0xFFFFFFC0];
	v8 =	vadd.f32 v9, v8  }
0x4a6: {  	v7 =	vmax.f32 v7, $0.0e+00;
	v6 =	vadd.f32 v11, v6;
	v9 =	vld [tilespmem:s12+$0x0];
	[tilespmem:s23+$0x60] =	vst v2;
	v2 =	vmax.f32 v3, $0.0e+00  }
0x4a7: {  	v11 =	vunpack.i.l.bf16.f32 v14;
	v3 =	vld [tilespmem:s15+$0x0];
	v15 =	vunpack.i.l.bf16.f32 v12;
	[tilespmem:s8+$0xFFFFFFB0] =	vst v7;
	v7 =	vmax.f32 v13, $0.0e+00  }
0x4a8: {  	s24 =	sadd.s32 $0x4, s24;
	v14 =	vunpack.i.u.bf16.f32 v14;
	v12 =	vunpack.i.u.bf16.f32 v12;
	v13 =	vld [tilespmem:s12+$0xFFFFFF80];
	v11 =	vadd.f32 v15, v11;
	[tilespmem:s8+$0xFFFFFFC0] =	vst v7  }
0x4a9: {  	p0 =	slt.u32 s24, $0x3C;
	v7 =	vunpack.i.u.bf16.f32 v5;
	v5 =	vunpack.i.l.bf16.f32 v5;
	v12 =	vadd.f32 v12, v14;
	v14 =	vld [tilespmem:s0+$0xFFFFFFB0];
	[tilespmem:s23+$0x70] =	vst v2;
	s23 =	smov.u32 s8  }
0x4aa: {  	v2 =	vunpack.i.u.bf16.f32 v4;
	v4 =	vunpack.i.l.bf16.f32 v4;
	s8 =	sadd.s32 $0x240, s8;
	v11 =	vmax.f32 v11, $0.0e+00;
	v15 =	vld [tilespmem:s16+$0xFFFFFFB0]  }
0x4ab: {  	v16 =	vunpack.i.u.bf16.f32 v10;
	v10 =	vunpack.i.l.bf16.f32 v10;
	[tilespmem:s8+$0x90] =	vst v11;
	v11 =	vmax.f32 v12, $0.0e+00;
	v12 =	vld [tilespmem:s0+$0xFFFFFFF0]  }
0x4ac: {  	v17 =	vunpack.i.u.bf16.f32 v9;
	v9 =	vunpack.i.l.bf16.f32 v9;
	v18 =	vunpack.i.u.bf16.f32 v3;
	[tilespmem:s8+$0xA0] =	vst v11;
	v11 =	vld [tilespmem:s16+$0xFFFFFFF0]  }
0x4ad: {  	v3 =	vunpack.i.l.bf16.f32 v3;
	v19 =	vunpack.i.u.bf16.f32 v13;
	v13 =	vunpack.i.l.bf16.f32 v13;
	v20 =	vld [tilespmem:s12+$0x50]  }
0x4ae: {  	v8 =	vmax.f32 v8, $0.0e+00;
	v5 =	vadd.f32 v5, v13;
	v7 =	vadd.f32 v7, v19;
	v13 =	vld [tilespmem:s15+$0x50]  }
0x4af: {  	v6 =	vmax.f32 v6, $0.0e+00;
	v4 =	vadd.f32 v10, v4;
	v2 =	vadd.f32 v16, v2;
	[tilespmem:s23+$0x40] =	vst v8  }
0x4b0: {  	v3 =	vadd.f32 v3, v9;
	v8 =	vadd.f32 v18, v17;
	v5 =	vmax.f32 v5, $0.0e+00;
	[tilespmem:s23+$0x50] =	vst v6  }
0x4b1: {  	v4 =	vmax.f32 v4, $0.0e+00;
	v2 =	vmax.f32 v2, $0.0e+00;
	[tilespmem:s8+$0xFFFFFEE0] =	vst v5;
	v5 =	vmax.f32 v7, $0.0e+00;
	v6 =	vld [tilespmem:s0+$0x30];
	s0 =	smov.u32 s12  }
0x4b2: {  	v3 =	vmax.f32 v3, $0.0e+00;
	v7 =	vunpack.i.u.bf16.f32 v14;
	[tilespmem:s8+$0xFFFFFEF0] =	vst v5;
	v5 =	vmax.f32 v8, $0.0e+00;
	v8 =	vld [tilespmem:s16+$0x30];
	s16 =	smov.u32 s15  }
0x4b3: {  	v14 =	vunpack.i.l.bf16.f32 v14;
	v9 =	vld [tilespmem:s12+$0xFFFFFF90];
	[tilespmem:s8+$0xFFFFFF70] =	vst v4;
	v4 =	vunpack.i.l.bf16.f32 v20;
	v10 =	vunpack.i.l.bf16.f32 v13  }
0x4b4: {  	v13 =	vunpack.i.u.bf16.f32 v13;
	v16 =	vld [tilespmem:s15+$0xFFFFFF90];
	[tilespmem:s8+$0xFFFFFF80] =	vst v2;
	v2 =	vunpack.i.u.bf16.f32 v20;
	v4 =	vadd.f32 v10, v4  }
0x4b5: {  	v10 =	vld [tilespmem:s12+$0xFFFFFFD0];
	[tilespmem:s8+$0x0] =	vst v3;
	v2 =	vadd.f32 v13, v2;
	v3 =	vunpack.i.u.bf16.f32 v15;
	v13 =	vunpack.i.l.bf16.f32 v15  }
0x4b6: {  	v15 =	vld [tilespmem:s15+$0xFFFFFFD0];
	[tilespmem:s8+$0x10] =	vst v5;
	v4 =	vmax.f32 v4, $0.0e+00;
	v5 =	vunpack.i.u.bf16.f32 v12;
	v12 =	vunpack.i.l.bf16.f32 v12  }
0x4b7: {  	v17 =	vld [tilespmem:s12+$0x10];
	[tilespmem:s8+$0xB0] =	vst v4;
	v2 =	vmax.f32 v2, $0.0e+00;
	v4 =	vunpack.i.u.bf16.f32 v11;
	v11 =	vunpack.i.l.bf16.f32 v11  }
0x4b8: {  	v20 =	vunpack.i.u.bf16.f32 v6;
	v18 =	vunpack.i.u.bf16.f32 v9;
	v9 =	vunpack.i.l.bf16.f32 v9;
	v19 =	vld [tilespmem:s15+$0x10];
	[tilespmem:s8+$0xC0] =	vst v2  }
0x4b9: {  	v6 =	vunpack.i.l.bf16.f32 v6;
	v2 =	vunpack.i.u.bf16.f32 v16;
	v16 =	vunpack.i.l.bf16.f32 v16;
	v21 =	vld [tilespmem:s12+$0x60]  }
0x4ba: {  	v9 =	vadd.f32 v16, v9;
	v16 =	vunpack.i.u.bf16.f32 v10;
	v10 =	vunpack.i.l.bf16.f32 v10;
	v22 =	vld [tilespmem:s15+$0x60]  }
0x4bb: {  	v2 =	vadd.f32 v2, v18;
	v18 =	vunpack.i.u.bf16.f32 v15;
	v15 =	vunpack.i.l.bf16.f32 v15  }
0x4bc: {  	v10 =	vadd.f32 v15, v10;
	v15 =	vunpack.i.u.bf16.f32 v17;
	v17 =	vunpack.i.l.bf16.f32 v17  }
0x4bd: {  	v16 =	vadd.f32 v18, v16;
	v18 =	vunpack.i.u.bf16.f32 v19;
	v19 =	vunpack.i.l.bf16.f32 v19  }
0x4be: {  	v9 =	vmax.f32 v9, $0.0e+00;
	v17 =	vadd.f32 v19, v17;
	v15 =	vadd.f32 v18, v15  }
0x4bf: {  	v2 =	vmax.f32 v2, $0.0e+00;
	[tilespmem:s8+$0xFFFFFF00] =	vst v9;
	v9 =	vunpack.i.l.bf16.f32 v21;
	v18 =	vunpack.i.l.bf16.f32 v22  }
0x4c0: {  	v19 =	vunpack.i.u.bf16.f32 v22;
	[tilespmem:s8+$0xFFFFFF10] =	vst v2;
	v2 =	vunpack.i.u.bf16.f32 v21;
	v9 =	vadd.f32 v18, v9  }
0x4c1: {  	v10 =	vmax.f32 v10, $0.0e+00;
	v16 =	vmax.f32 v16, $0.0e+00;
	v18 =	vld [tilespmem:s12+$0xFFFFFFA0];
	v2 =	vadd.f32 v19, v2  }
0x4c2: {  	v15 =	vmax.f32 v15, $0.0e+00;
	v19 =	vld [tilespmem:s15+$0xFFFFFFA0];
	[tilespmem:s8+$0xFFFFFF90] =	vst v10;
	v10 =	vmax.f32 v17, $0.0e+00;
	v9 =	vmax.f32 v9, $0.0e+00  }
0x4c3: {  	[tilespmem:s8+$0xD0] =	vst v9;
	v2 =	vmax.f32 v2, $0.0e+00;
	v9 =	vunpack.i.u.bf16.f32 v8;
	v8 =	vunpack.i.l.bf16.f32 v8  }
0x4c4: {  	v13 =	vadd.f32 v13, v14;
	v14 =	vadd.f32 v3, v7;
	v17 =	vmax.f32 v1, $0.0e+00;
	[tilespmem:s8+$0xE0] =	vst v2  }
0x4c5: {  	v11 =	vadd.f32 v11, v12;
	v4 =	vadd.f32 v4, v5;
	[tilespmem:s8+$0xFFFFFFA0] =	vst v16;
	v16 =	vld [tilespmem:s12+$0x70]  }
0x4c6: {  	v2 =	vadd.f32 v8, v6;
	v5 =	vunpack.i.u.bf16.f32 v18;
	v7 =	vunpack.i.l.bf16.f32 v18;
	[tilespmem:s8+$0x20] =	vst v10;
	v10 =	vld [tilespmem:s15+$0x70]  }
.Ltmp8:
0x4c7: {  	v3 =	vadd.f32 v9, v20;
	v6 =	vunpack.i.u.bf16.f32 v19;
	v8 =	vunpack.i.l.bf16.f32 v19;
	v1 =	vld [tilespmem:s12+$0xFFFFFFE0];
	[tilespmem:s8+$0x30] =	vst v15;
	(pc) =	sbr.rel @p0 .LBB2_18-.Ltmp8, $4  }
0x4c8: {  	v9 =	vadd.f32 v8, v7;
	v6 =	vadd.f32 v6, v5;
	v7 =	vld [tilespmem:s15+$0xFFFFFFE0];
	v5 =	vmax.f32 v13, $0.0e+00;
	[tilespmem:s23+$0xF0] =	vst v17  }
0x4c9: {  	v12 =	vmax.f32 v14, $0.0e+00;
	v4 =	vmax.f32 v4, $0.0e+00;
	v8 =	vld [tilespmem:s12+$0x20];
	[tilespmem:s23+$0xFFFFFF40] =	vst v5;
	v5 =	vmax.f32 v11, $0.0e+00  }
0x4ca: {  	v11 =	vmax.f32 v9, $0.0e+00;
	v13 =	vmax.f32 v6, $0.0e+00;
	v9 =	vld [tilespmem:s15+$0x20];
	v6 =	vunpack.i.l.bf16.f32 v16;
	[tilespmem:s23+$0xFFFFFF50] =	vst v12  }
0x4cb: {  	s12 =	sadd.s32 $0x100, s12;
	[tilespmem:s8+$0xFFFFFF20] =	vst v11;
	v11 =	vunpack.i.u.bf16.f32 v16;
	v12 =	vunpack.i.u.bf16.f32 v10;
	v10 =	vunpack.i.l.bf16.f32 v10  }
0x4cc: {  	_ = 	snop  }
0x4cd: {  	v14 =	vunpack.i.u.bf16.f32 v1;
	v1 =	vunpack.i.l.bf16.f32 v1;
	v15 =	vunpack.i.l.bf16.f32 v7  }
0x4ce: {  	v7 =	vunpack.i.u.bf16.f32 v7;
	v1 =	vadd.f32 v15, v1  }
0x4cf: {  	v16 =	vunpack.i.u.bf16.f32 v8;
	v7 =	vadd.f32 v7, v14  }
0x4d0: {  	[tilespmem:s8+$0xFFFFFF30] =	vst v13;
	v8 =	vunpack.i.l.bf16.f32 v8;
	v15 =	vunpack.i.l.bf16.f32 v9;
	v1 =	vmax.f32 v1, $0.0e+00  }
0x4d1: {  	v9 =	vunpack.i.u.bf16.f32 v9;
	v8 =	vadd.f32 v15, v8;
	[tilespmem:s8+$0xFFFFFFB0] =	vst v1;
	v1 =	vmax.f32 v7, $0.0e+00;
	v7 =	vld [tilespmem:s0+$0xFFFFFFB0]  }
0x4d2: {  	v9 =	vadd.f32 v9, v16;
	[tilespmem:s8+$0xFFFFFFC0] =	vst v1;
	v1 =	vld [tilespmem:s16+$0xFFFFFFB0]  }
0x4d3: {  	v8 =	vmax.f32 v8, $0.0e+00;
	v13 =	vld [tilespmem:s0+$0xFFFFFFF0]  }
0x4d4: {  	v6 =	vadd.f32 v10, v6;
	[tilespmem:s8+$0x40] =	vst v8;
	v8 =	vmax.f32 v9, $0.0e+00;
	v9 =	vadd.f32 v12, v11;
	v11 =	vld [tilespmem:s16+$0xFFFFFFF0]  }
0x4d5: {  	[tilespmem:s8+$0x50] =	vst v8  }
0x4d6: {  	[tilespmem:s23+$0xFFFFFFD0] =	vst v5;
	v2 =	vmax.f32 v2, $0.0e+00;
	v3 =	vmax.f32 v3, $0.0e+00;
	v6 =	vmax.f32 v6, $0.0e+00;
	v8 =	vld [tilespmem:s0+$0x30]  }
0x4d7: {  	[tilespmem:s23+$0xFFFFFFE0] =	vst v4;
	v5 =	vmax.f32 v9, $0.0e+00;
	v9 =	vld [tilespmem:s16+$0x30];
	v4 =	vunpack.i.u.bf16.f32 v7;
	v7 =	vunpack.i.l.bf16.f32 v7  }
0x4d8: {  	[tilespmem:s8+$0x100] =	vst v5;
	v10 =	vunpack.i.u.bf16.f32 v1;
	v1 =	vunpack.i.l.bf16.f32 v1;
	v5 =	vunpack.i.u.bf16.f32 v13  }
0x4d9: {  	[tilespmem:s23+$0x60] =	vst v2;
	v12 =	vunpack.i.l.bf16.f32 v13;
	v2 =	vunpack.i.u.bf16.f32 v11;
	v1 =	vadd.f32 v1, v7  }
0x4da: {  	[tilespmem:s23+$0x70] =	vst v3;
	v11 =	vunpack.i.l.bf16.f32 v11;
	v4 =	vadd.f32 v10, v4;
	v2 =	vadd.f32 v2, v5  }
0x4db: {  	[tilespmem:s8+$0xF0] =	vst v6;
	v3 =	vunpack.i.u.bf16.f32 v8;
	v7 =	vunpack.i.l.bf16.f32 v8;
	v1 =	vmax.f32 v1, $0.0e+00  }
0x4dc: {  	v8 =	vadd.f32 v11, v12;
	v6 =	vunpack.i.l.bf16.f32 v9;
	[tilespmem:s8+$0xFFFFFF40] =	vst v1;
	v1 =	vmax.f32 v4, $0.0e+00  }
0x4dd: {  	v4 =	vunpack.i.u.bf16.f32 v9;
	v5 =	vadd.f32 v6, v7;
	v2 =	vmax.f32 v2, $0.0e+00;
	[tilespmem:s8+$0xFFFFFF50] =	vst v1  }
0x4de: {  	v6 =	vmax.f32 v8, $0.0e+00;
	v1 =	vadd.f32 v4, v3;
	[tilespmem:s8+$0xFFFFFFE0] =	vst v2  }
0x4df: {  	[tilespmem:s8+$0xFFFFFFD0] =	vst v6;
	v2 =	vmax.f32 v5, $0.0e+00  }
0x4e0: {  	[tilespmem:s8+$0x60] =	vst v2;
	v1 =	vmax.f32 v1, $0.0e+00  }
0x4e1: {  	[tilespmem:s8+$0x70] =	vst v1  }
0x4e2: {  	_ =	swait.ge [sflag:s22], $0x2400  }
0x4e3: {  	[sflag:s22] =	ssyncset.done $0x0  }
0x4e4: {  	[sflag:s22] =	ssyncadd.s32 $0xFFFFDC00  }
0x4e5: {  	[spmem:s3] =	stream.indirect.scatter.add.f32 [tilespmem:s19], [sflag:$0x7], $0x90, s2, s29, $0xb8;
	[tilespmem:$0x1F200] =	vst v63  }
0x4e6: {  	_ =	swait.ge [sflag:s11], $0x40  }
0x4e7: {  	[sflag:s11] =	ssyncset.done $0x0  }
0x4e8: {  	[sflag:s11] =	ssyncadd.s32 $0xFFFFFFC0  }
0x4e9: {  	_ =	swait.ge [sflag:s11], $0x40  }
0x4ea: {  	[sflag:s11] =	ssyncset.done $0x0  }
0x4eb: {  	s24 =	simm.s32 $0x200;
	[sflag:s11] =	ssyncadd.s32 $0xFFFFFFC0  }
0x4ec: {  	[tilespmem:s24], [sflag:$0x5] =	stream.indirect.gather [hbm4b:s1+s29], $0x40, s29, s29, $0xb8;
	[tilespmem:$0x1F200] =	vst v63  }
0x4ed: {  	s28 =	simm.s32 $0x1200  }
0x4ee: {  	[tilespmem:s28], [sflag:$0x6] =	stream.indirect.gather [hbm4b:s5+s29], $0x40, s4, s29, $0xb8;
	[tilespmem:$0x1F200] =	vst v63  }
0x4ef: {  	_ =	swait.ge [sflag:s25], $0x1000  }
0x4f0: {  	[sflag:s25] =	ssyncset.done $0x0  }
0x4f1: {  	[sflag:s25] =	ssyncadd.s32 $0xFFFFF000  }
0x4f2: {  	_ =	swait.ge [sflag:s26], $0x1000  }
0x4f3: {  	[sflag:s26] =	ssyncset.done $0x0  }
0x4f4: {  	s12 =	simm.s32 $0x4680;
	[sflag:s26] =	ssyncadd.s32 $0xFFFFF000  }
0x4f5: {  	s30 =	simm.s32 $0x5680;
	v1 =	vld [tilespmem:s12+$0x40]  }
0x4f6: {  	v2 =	vld [tilespmem:s30+$0x40];
	_ =	sdelay $0x4  }
0x4f7: {  	v5 =	vld [tilespmem:s30+$0xFFFFFF80];
	v3 =	vunpack.i.l.bf16.f32 v1;
	v4 =	vunpack.i.l.bf16.f32 v2  }
0x4f8: {  	v6 =	vld [tilespmem:s30+$0xFFFFFFC0];
	v1 =	vunpack.i.u.bf16.f32 v1;
	v2 =	vunpack.i.u.bf16.f32 v2;
	v3 =	vadd.f32 v4, v3  }
0x4f9: {  	v1 =	vadd.f32 v2, v1;
	v2 =	vld [tilespmem:s12+$0xFFFFFF80]  }
0x4fa: {  	s23 =	simm.s32 $0x6720;
	v4 =	vld [tilespmem:s12+$0xFFFFFFC0];
	v3 =	vmax.f32 v3, $0.0e+00  }
0x4fb: {  	v1 =	vmax.f32 v1, $0.0e+00;
	[tilespmem:s23+$0x90] =	vst v3  }
0x4fc: {  	[tilespmem:s23+$0xA0] =	vst v1  }
0x4fd: {  	v11 =	vunpack.i.l.bf16.f32 v6;
	v6 =	vunpack.i.u.bf16.f32 v6;
	v3 =	vunpack.i.u.bf16.f32 v5;
	v1 =	vld [tilespmem:s12+$0x50]  }
0x4fe: {  	v5 =	vunpack.i.l.bf16.f32 v5;
	v7 =	vld [tilespmem:s30+$0x50];
	v9 =	vunpack.i.u.bf16.f32 v2;
	v2 =	vunpack.i.l.bf16.f32 v2  }
0x4ff: {  	v8 =	vunpack.i.l.bf16.f32 v4;
	v4 =	vunpack.i.u.bf16.f32 v4;
	v2 =	vadd.f32 v5, v2  }
0x500: {  	v10 =	vld [tilespmem:s12+$0x0];
	v3 =	vadd.f32 v3, v9;
	v4 =	vadd.f32 v6, v4  }
0x501: {  	v5 =	vld [tilespmem:s30+$0x0];
	v8 =	vadd.f32 v11, v8  }
0x502: {  	v2 =	vmax.f32 v2, $0.0e+00;
	v3 =	vmax.f32 v3, $0.0e+00;
	v4 =	vmax.f32 v4, $0.0e+00  }
0x503: {  	[tilespmem:s23+$0xFFFFFEE0] =	vst v2;
	v2 =	vmax.f32 v8, $0.0e+00;
	v6 =	vunpack.i.l.bf16.f32 v1;
	v8 =	vunpack.i.l.bf16.f32 v7  }
0x504: {  	[tilespmem:s23+$0xFFFFFEF0] =	vst v3;
	v1 =	vunpack.i.u.bf16.f32 v1;
	v3 =	vunpack.i.u.bf16.f32 v7;
	v6 =	vadd.f32 v8, v6  }
0x505: {  	v7 =	vunpack.i.u.bf16.f32 v10;
	[tilespmem:s23+$0xFFFFFF80] =	vst v4;
	v1 =	vadd.f32 v3, v1;
	v9 =	vld [tilespmem:s30+$0xFFFFFF90]  }
0x506: {  	v8 =	vld [tilespmem:s12+$0xFFFFFF90];
	[tilespmem:s23+$0xFFFFFF70] =	vst v2;
	v2 =	vunpack.i.l.bf16.f32 v10;
	v3 =	vunpack.i.l.bf16.f32 v5;
	v4 =	vmax.f32 v6, $0.0e+00  }
0x507: {  	v5 =	vunpack.i.u.bf16.f32 v5;
	v2 =	vadd.f32 v3, v2;
	v3 =	vld [tilespmem:s12+$0xFFFFFFD0];
	v1 =	vmax.f32 v1, $0.0e+00;
	[tilespmem:s23+$0xB0] =	vst v4  }
0x508: {  	v4 =	vadd.f32 v5, v7;
	v5 =	vld [tilespmem:s30+$0xFFFFFFD0];
	[tilespmem:s23+$0xC0] =	vst v1  }
0x509: {  	v1 =	vmax.f32 v2, $0.0e+00;
	v2 =	vld [tilespmem:s12+$0x60]  }
0x50a: {  	v4 =	vmax.f32 v4, $0.0e+00;
	[tilespmem:s23+$0x0] =	vst v1;
	v1 =	vld [tilespmem:s30+$0x60];
	v6 =	vunpack.i.l.bf16.f32 v9  }
0x50b: {  	v9 =	vunpack.i.u.bf16.f32 v9;
	[tilespmem:s23+$0x10] =	vst v4;
	v4 =	vunpack.i.l.bf16.f32 v8;
	v8 =	vunpack.i.u.bf16.f32 v8  }
0x50c: {  	v4 =	vadd.f32 v6, v4;
	v6 =	vunpack.i.u.bf16.f32 v3;
	v3 =	vunpack.i.l.bf16.f32 v3  }
0x50d: {  	v7 =	vld [tilespmem:s12+$0x10];
	v8 =	vadd.f32 v9, v8;
	v10 =	vunpack.i.u.bf16.f32 v5;
	v5 =	vunpack.i.l.bf16.f32 v5  }
0x50e: {  	v9 =	vld [tilespmem:s30+$0x10];
	v4 =	vmax.f32 v4, $0.0e+00;
	v3 =	vadd.f32 v5, v3  }
0x50f: {  	[tilespmem:s23+$0xFFFFFF00] =	vst v4;
	v4 =	vmax.f32 v8, $0.0e+00;
	v8 =	vunpack.i.l.bf16.f32 v2;
	v11 =	vunpack.i.l.bf16.f32 v1  }
0x510: {  	v2 =	vunpack.i.u.bf16.f32 v2;
	v1 =	vunpack.i.u.bf16.f32 v1;
	[tilespmem:s23+$0xFFFFFF10] =	vst v4;
	v4 =	vadd.f32 v11, v8  }
0x511: {  	v6 =	vadd.f32 v10, v6;
	v1 =	vadd.f32 v1, v2;
	v8 =	vld [tilespmem:s12+$0xFFFFFFA0]  }
0x512: {  	v5 =	vunpack.i.u.bf16.f32 v7;
	v2 =	vunpack.i.l.bf16.f32 v7;
	v7 =	vld [tilespmem:s30+$0xFFFFFFA0];
	v4 =	vmax.f32 v4, $0.0e+00  }
0x513: {  	s15 =	simm.s32 $0x5780;
	v10 =	vunpack.i.u.bf16.f32 v9;
	v9 =	vunpack.i.l.bf16.f32 v9;
	v1 =	vmax.f32 v1, $0.0e+00;
	[tilespmem:s23+$0xD0] =	vst v4  }
0x514: {  	v48 =	vld [tilespmem:s15+$0xFFFFFFC0];
	v3 =	vmax.f32 v3, $0.0e+00;
	v2 =	vadd.f32 v9, v2;
	v4 =	vadd.f32 v10, v5;
	[tilespmem:s23+$0xE0] =	vst v1  }
0x515: {  	[tilespmem:s23+$0xFFFFFF90] =	vst v3;
	v1 =	vmax.f32 v6, $0.0e+00;
	v3 =	vld [tilespmem:s12+$0x70]  }
0x516: {  	v2 =	vmax.f32 v2, $0.0e+00;
	[tilespmem:s23+$0xFFFFFFA0] =	vst v1;
	v5 =	vld [tilespmem:s30+$0x70];
	v4 =	vmax.f32 v4, $0.0e+00  }
0x517: {  	[tilespmem:s23+$0x20] =	vst v2;
	v1 =	vunpack.i.u.bf16.f32 v8;
	v6 =	vunpack.i.l.bf16.f32 v8;
	v2 =	vunpack.i.u.bf16.f32 v7;
	v8 =	vld [tilespmem:s12+$0xFFFFFFE0]  }
0x518: {  	v7 =	vunpack.i.l.bf16.f32 v7;
	[tilespmem:s23+$0x30] =	vst v4;
	v1 =	vadd.f32 v2, v1;
	v2 =	vld [tilespmem:s30+$0xFFFFFFE0]  }
0x519: {  	v4 =	vadd.f32 v7, v6;
	v6 =	vld [tilespmem:s12+$0x20]  }
0x51a: {  	s0 =	simm.s32 $0x4780;
	v16 =	vunpack.i.l.bf16.f32 v48;
	v9 =	vld [tilespmem:s30+$0x20];
	v7 =	vmax.f32 v1, $0.0e+00;
	v1 =	vunpack.i.l.bf16.f32 v3  }
0x51b: {  	v15 =	vld [tilespmem:s0+$0xFFFFFFC0];
	v3 =	vunpack.i.u.bf16.f32 v3;
	v10 =	vunpack.i.u.bf16.f32 v5;
	v5 =	vunpack.i.l.bf16.f32 v5  }
0x51c: {  	v11 =	vld [tilespmem:s0+$0x40];
	v4 =	vmax.f32 v4, $0.0e+00;
	v3 =	vadd.f32 v10, v3;
	v1 =	vadd.f32 v5, v1  }
0x51d: {  	v10 =	vld [tilespmem:s15+$0x40];
	v12 =	vunpack.i.u.bf16.f32 v8;
	v8 =	vunpack.i.l.bf16.f32 v8;
	v13 =	vunpack.i.u.bf16.f32 v2  }
0x51e: {  	v2 =	vunpack.i.l.bf16.f32 v2;
	v14 =	vunpack.i.u.bf16.f32 v6;
	v6 =	vunpack.i.l.bf16.f32 v6  }
0x51f: {  	v5 =	vld [tilespmem:s15+$0xFFFFFF80];
	v2 =	vadd.f32 v2, v8;
	v8 =	vunpack.i.u.bf16.f32 v9;
	v9 =	vunpack.i.l.bf16.f32 v9  }
0x520: {  	[tilespmem:s23+$0xFFFFFF30] =	vst v7;
	v7 =	vunpack.i.u.bf16.f32 v15;
	v12 =	vadd.f32 v13, v12;
	v6 =	vadd.f32 v9, v6  }
0x521: {  	v18 =	vld [tilespmem:s0+$0xFFFFFF80];
	[tilespmem:s23+$0xFFFFFF20] =	vst v4;
	v8 =	vadd.f32 v8, v14;
	v14 =	vunpack.i.l.bf16.f32 v11;
	v2 =	vmax.f32 v2, $0.0e+00  }
0x522: {  	v13 =	vld [tilespmem:s15+$0x0];
	v11 =	vunpack.i.u.bf16.f32 v11;
	v17 =	vunpack.i.l.bf16.f32 v10;
	v12 =	vmax.f32 v12, $0.0e+00;
	[tilespmem:s23+$0xFFFFFFB0] =	vst v2  }
0x523: {  	v9 =	vld [tilespmem:s0+$0x0];
	v10 =	vunpack.i.u.bf16.f32 v10;
	v14 =	vadd.f32 v17, v14;
	[tilespmem:s23+$0xFFFFFFC0] =	vst v12;
	v6 =	vmax.f32 v6, $0.0e+00  }
0x524: {  	v4 =	vunpack.i.u.bf16.f32 v5;
	v10 =	vadd.f32 v10, v11;
	[tilespmem:s23+$0x40] =	vst v6;
	v6 =	vmax.f32 v8, $0.0e+00  }
0x525: {  	s8 =	simm.s32 $0x6960;
	v5 =	vunpack.i.l.bf16.f32 v5;
	v11 =	vunpack.i.l.bf16.f32 v15;
	v14 =	vmax.f32 v14, $0.0e+00;
	[tilespmem:s23+$0x50] =	vst v6  }
0x526: {  	v15 =	vunpack.i.u.bf16.f32 v48;
	v2 =	vunpack.i.u.bf16.f32 v18;
	v8 =	vld [tilespmem:s12+$0xFFFFFFF0];
	v10 =	vmax.f32 v10, $0.0e+00;
	[tilespmem:s8+$0x90] =	vst v14  }
0x527: {  	v2 =	vadd.f32 v4, v2;
	v7 =	vadd.f32 v15, v7;
	v19 =	vunpack.i.u.bf16.f32 v13;
	v6 =	vld [tilespmem:s30+$0xFFFFFFF0];
	[tilespmem:s8+$0xA0] =	vst v10  }
0x528: {  	v13 =	vunpack.i.l.bf16.f32 v13;
	v49 =	vunpack.i.u.bf16.f32 v9;
	v10 =	vunpack.i.l.bf16.f32 v18;
	v50 =	vld [tilespmem:s0+$0x50]  }
0x529: {  	v9 =	vunpack.i.l.bf16.f32 v9;
	v2 =	vmax.f32 v2, $0.0e+00;
	v5 =	vadd.f32 v5, v10;
	v4 =	vld [tilespmem:s15+$0x50]  }
0x52a: {  	v14 =	vld [tilespmem:s12+$0xFFFFFFB0];
	v7 =	vmax.f32 v7, $0.0e+00;
	v9 =	vadd.f32 v13, v9;
	v12 =	vadd.f32 v19, v49;
	[tilespmem:s8+$0xFFFFFEF0] =	vst v2  }
0x52b: {  	v11 =	vadd.f32 v16, v11;
	v23 =	vld [tilespmem:s30+$0x30];
	[tilespmem:s8+$0xFFFFFF80] =	vst v7;
	v5 =	vmax.f32 v5, $0.0e+00  }
0x52c: {  	v10 =	vld [tilespmem:s30+$0xFFFFFFB0];
	v2 =	vmax.f32 v9, $0.0e+00;
	v9 =	vmax.f32 v12, $0.0e+00;
	[tilespmem:s8+$0xFFFFFEE0] =	vst v5  }
0x52d: {  	v3 =	vmax.f32 v3, $0.0e+00;
	v5 =	vmax.f32 v11, $0.0e+00;
	v11 =	vld [tilespmem:s12+$0x30];
	[tilespmem:s8+$0x10] =	vst v9  }
0x52e: {  	v9 =	vunpack.i.u.bf16.f32 v8;
	v13 =	vld [tilespmem:s0+$0xFFFFFF90];
	[tilespmem:s8+$0xFFFFFF70] =	vst v5;
	v5 =	vunpack.i.l.bf16.f32 v50;
	v15 =	vunpack.i.l.bf16.f32 v4  }
0x52f: {  	[tilespmem:s8+$0x0] =	vst v2;
	v51 =	vld [tilespmem:s15+$0xFFFFFF90];
	v7 =	vunpack.i.u.bf16.f32 v50;
	v4 =	vunpack.i.u.bf16.f32 v4;
	v5 =	vadd.f32 v15, v5  }
0x530: {  	v8 =	vunpack.i.l.bf16.f32 v8;
	v12 =	vunpack.i.u.bf16.f32 v14;
	v52 =	vld [tilespmem:s0+$0x10];
	v2 =	vadd.f32 v4, v7  }
0x531: {  	v14 =	vunpack.i.l.bf16.f32 v14;
	v54 =	vld [tilespmem:s15+$0x10];
	v63 =	vunpack.i.l.bf16.f32 v23;
	v5 =	vmax.f32 v5, $0.0e+00  }
0x532: {  	v15 =	vld [tilespmem:s0+$0xFFFFFFD0];
	v4 =	vunpack.i.u.bf16.f32 v10;
	v7 =	vunpack.i.l.bf16.f32 v10;
	v2 =	vmax.f32 v2, $0.0e+00;
	[tilespmem:s8+$0xB0] =	vst v5  }
0x533: {  	v10 =	vld [tilespmem:s15+$0xFFFFFFD0];
	v7 =	vadd.f32 v7, v14;
	v4 =	vadd.f32 v4, v12;
	v12 =	vmax.f32 v1, $0.0e+00;
	[tilespmem:s8+$0xC0] =	vst v2  }
0x534: {  	v20 =	vunpack.i.u.bf16.f32 v11;
	v11 =	vunpack.i.l.bf16.f32 v11;
	v5 =	vunpack.i.u.bf16.f32 v6;
	v21 =	vld [tilespmem:s0+$0x60]  }
0x535: {  	v53 =	vunpack.i.u.bf16.f32 v13;
	v13 =	vunpack.i.l.bf16.f32 v13;
	v16 =	vunpack.i.l.bf16.f32 v51;
	v22 =	vld [tilespmem:s15+$0x60]  }
0x536: {  	v6 =	vunpack.i.l.bf16.f32 v6;
	v2 =	vunpack.i.u.bf16.f32 v51;
	v13 =	vadd.f32 v16, v13  }
0x537: {  	v57 =	vunpack.i.u.bf16.f32 v52;
	v17 =	vunpack.i.l.bf16.f32 v52;
	v2 =	vadd.f32 v2, v53  }
0x538: {  	v58 =	vunpack.i.l.bf16.f32 v54;
	v55 =	vunpack.i.u.bf16.f32 v15;
	v13 =	vmax.f32 v13, $0.0e+00  }
0x539: {  	v15 =	vunpack.i.l.bf16.f32 v15;
	v56 =	vunpack.i.l.bf16.f32 v10;
	v2 =	vmax.f32 v2, $0.0e+00;
	[tilespmem:s8+$0xFFFFFF00] =	vst v13  }
0x53a: {  	v15 =	vadd.f32 v56, v15;
	[tilespmem:s8+$0xFFFFFF10] =	vst v2;
	v13 =	vunpack.i.l.bf16.f32 v21;
	v59 =	vunpack.i.l.bf16.f32 v22  }
0x53b: {  	[tilespmem:s23+$0x100] =	vst v3;
	v61 =	vld [tilespmem:s0+$0xFFFFFFA0];
	v2 =	vunpack.i.u.bf16.f32 v21;
	v60 =	vunpack.i.u.bf16.f32 v22;
	v13 =	vadd.f32 v59, v13  }
0x53c: {  	[tilespmem:s23+$0xF0] =	vst v12;
	v10 =	vunpack.i.u.bf16.f32 v10;
	v15 =	vmax.f32 v15, $0.0e+00;
	v62 =	vld [tilespmem:s15+$0xFFFFFFA0];
	v2 =	vadd.f32 v60, v2  }
0x53d: {  	v19 =	vunpack.i.u.bf16.f32 v54;
	v10 =	vadd.f32 v10, v55;
	[tilespmem:s8+$0xFFFFFF90] =	vst v15;
	v13 =	vmax.f32 v13, $0.0e+00  }
0x53e: {  	v16 =	vadd.f32 v58, v17;
	v3 =	vadd.f32 v19, v57;
	v2 =	vmax.f32 v2, $0.0e+00;
	[tilespmem:s8+$0xD0] =	vst v13  }
0x53f: {  	v12 =	vmax.f32 v4, $0.0e+00;
	v6 =	vadd.f32 v6, v8;
	v10 =	vmax.f32 v10, $0.0e+00;
	[tilespmem:s8+$0xE0] =	vst v2  }
0x540: {  	v8 =	vadd.f32 v5, v9;
	v3 =	vmax.f32 v3, $0.0e+00;
	v15 =	vmax.f32 v16, $0.0e+00;
	[tilespmem:s8+$0xFFFFFFA0] =	vst v10;
	v10 =	vld [tilespmem:s0+$0x70]  }
0x541: {  	[tilespmem:s8+$0x20] =	vst v15;
	v5 =	vunpack.i.u.bf16.f32 v61;
	v9 =	vunpack.i.l.bf16.f32 v61;
	v15 =	vunpack.i.l.bf16.f32 v62;
	v14 =	vld [tilespmem:s15+$0x70]  }
0x542: {  	[tilespmem:s23+$0xFFFFFF50] =	vst v12;
	v1 =	vld [tilespmem:s0+$0xFFFFFFE0];
	v2 =	vadd.f32 v63, v11;
	v11 =	vunpack.i.u.bf16.f32 v62;
	v9 =	vadd.f32 v15, v9  }
0x543: {  	[tilespmem:s8+$0x30] =	vst v3;
	v13 =	vunpack.i.u.bf16.f32 v23;
	v11 =	vadd.f32 v11, v5;
	v5 =	vmax.f32 v7, $0.0e+00;
	v7 =	vld [tilespmem:s15+$0xFFFFFFE0]  }
0x544: {  	v4 =	vmax.f32 v8, $0.0e+00;
	v8 =	vld [tilespmem:s0+$0x20];
	v3 =	vadd.f32 v13, v20;
	[tilespmem:s23+$0xFFFFFF40] =	vst v5;
	v15 =	vmax.f32 v9, $0.0e+00  }
0x545: {  	s16 =	simm.s32 $0x5780;
	v5 =	vmax.f32 v6, $0.0e+00;
	v13 =	vmax.f32 v11, $0.0e+00;
	v9 =	vld [tilespmem:s15+$0x20];
	[tilespmem:s8+$0xFFFFFF20] =	vst v15;
	v6 =	vunpack.i.l.bf16.f32 v10  }
0x546: {  	s24 =	simm.s32 $0x4;
	s12 =	simm.s32 $0x4880;
	s13 =	rddreg [dreg:$0x17];
	v11 =	vunpack.i.u.bf16.f32 v10;
	v12 =	vunpack.i.u.bf16.f32 v14;
	v10 =	vunpack.i.l.bf16.f32 v14  }
.LBB2_20:
0x547: {  	v14 =	vld [tilespmem:s12+$0x40];
	[tilespmem:s8+$0xFFFFFF30] =	vst v13;
	v13 =	vunpack.i.u.bf16.f32 v1;
	v15 =	vunpack.i.l.bf16.f32 v1;
	v11 =	vadd.f32 v12, v11;
	s15 =	sadd.s32 $0x100, s15  }
0x548: {  	v1 =	vadd.f32 v10, v6;
	v12 =	vld [tilespmem:s15+$0x40];
	v16 =	vunpack.i.u.bf16.f32 v7;
	v7 =	vunpack.i.l.bf16.f32 v7;
	[tilespmem:s23+$0xFFFFFFD0] =	vst v5  }
0x549: {  	v5 =	vld [tilespmem:s15+$0xFFFFFF80];
	v6 =	vunpack.i.u.bf16.f32 v8;
	v8 =	vunpack.i.l.bf16.f32 v8;
	v10 =	vmax.f32 v11, $0.0e+00;
	[tilespmem:s23+$0xFFFFFFE0] =	vst v4  }
0x54a: {  	v7 =	vadd.f32 v7, v15;
	v4 =	vld [tilespmem:s12+$0xFFFFFFC0];
	v11 =	vunpack.i.u.bf16.f32 v9;
	v9 =	vunpack.i.l.bf16.f32 v9;
	[tilespmem:s8+$0x100] =	vst v10  }
0x54b: {  	v2 =	vmax.f32 v2, $0.0e+00;
	v13 =	vadd.f32 v16, v13;
	v10 =	vld [tilespmem:s15+$0xFFFFFFC0];
	v8 =	vadd.f32 v9, v8  }
0x54c: {  	v7 =	vmax.f32 v7, $0.0e+00;
	v6 =	vadd.f32 v11, v6;
	v9 =	vld [tilespmem:s12+$0x0];
	[tilespmem:s23+$0x60] =	vst v2;
	v2 =	vmax.f32 v3, $0.0e+00  }
0x54d: {  	v11 =	vunpack.i.l.bf16.f32 v14;
	v3 =	vld [tilespmem:s15+$0x0];
	v15 =	vunpack.i.l.bf16.f32 v12;
	[tilespmem:s8+$0xFFFFFFB0] =	vst v7;
	v7 =	vmax.f32 v13, $0.0e+00  }
0x54e: {  	s24 =	sadd.s32 $0x4, s24;
	v14 =	vunpack.i.u.bf16.f32 v14;
	v12 =	vunpack.i.u.bf16.f32 v12;
	v13 =	vld [tilespmem:s12+$0xFFFFFF80];
	v11 =	vadd.f32 v15, v11;
	[tilespmem:s8+$0xFFFFFFC0] =	vst v7  }
0x54f: {  	p0 =	slt.u32 s24, $0x3C;
	v7 =	vunpack.i.u.bf16.f32 v5;
	v5 =	vunpack.i.l.bf16.f32 v5;
	v12 =	vadd.f32 v12, v14;
	v14 =	vld [tilespmem:s0+$0xFFFFFFB0];
	[tilespmem:s23+$0x70] =	vst v2;
	s23 =	smov.u32 s8  }
0x550: {  	v2 =	vunpack.i.u.bf16.f32 v4;
	v4 =	vunpack.i.l.bf16.f32 v4;
	s8 =	sadd.s32 $0x240, s8;
	v11 =	vmax.f32 v11, $0.0e+00;
	v15 =	vld [tilespmem:s16+$0xFFFFFFB0]  }
0x551: {  	v16 =	vunpack.i.u.bf16.f32 v10;
	v10 =	vunpack.i.l.bf16.f32 v10;
	[tilespmem:s8+$0x90] =	vst v11;
	v11 =	vmax.f32 v12, $0.0e+00;
	v12 =	vld [tilespmem:s0+$0xFFFFFFF0]  }
0x552: {  	v17 =	vunpack.i.u.bf16.f32 v9;
	v9 =	vunpack.i.l.bf16.f32 v9;
	v18 =	vunpack.i.u.bf16.f32 v3;
	[tilespmem:s8+$0xA0] =	vst v11;
	v11 =	vld [tilespmem:s16+$0xFFFFFFF0]  }
0x553: {  	v3 =	vunpack.i.l.bf16.f32 v3;
	v19 =	vunpack.i.u.bf16.f32 v13;
	v13 =	vunpack.i.l.bf16.f32 v13;
	v20 =	vld [tilespmem:s12+$0x50]  }
0x554: {  	v8 =	vmax.f32 v8, $0.0e+00;
	v5 =	vadd.f32 v5, v13;
	v7 =	vadd.f32 v7, v19;
	v13 =	vld [tilespmem:s15+$0x50]  }
0x555: {  	v6 =	vmax.f32 v6, $0.0e+00;
	v4 =	vadd.f32 v10, v4;
	v2 =	vadd.f32 v16, v2;
	[tilespmem:s23+$0x40] =	vst v8  }
0x556: {  	v3 =	vadd.f32 v3, v9;
	v8 =	vadd.f32 v18, v17;
	v5 =	vmax.f32 v5, $0.0e+00;
	[tilespmem:s23+$0x50] =	vst v6  }
0x557: {  	v4 =	vmax.f32 v4, $0.0e+00;
	v2 =	vmax.f32 v2, $0.0e+00;
	[tilespmem:s8+$0xFFFFFEE0] =	vst v5;
	v5 =	vmax.f32 v7, $0.0e+00;
	v6 =	vld [tilespmem:s0+$0x30];
	s0 =	smov.u32 s12  }
0x558: {  	v3 =	vmax.f32 v3, $0.0e+00;
	v7 =	vunpack.i.u.bf16.f32 v14;
	[tilespmem:s8+$0xFFFFFEF0] =	vst v5;
	v5 =	vmax.f32 v8, $0.0e+00;
	v8 =	vld [tilespmem:s16+$0x30];
	s16 =	smov.u32 s15  }
0x559: {  	v14 =	vunpack.i.l.bf16.f32 v14;
	v9 =	vld [tilespmem:s12+$0xFFFFFF90];
	[tilespmem:s8+$0xFFFFFF70] =	vst v4;
	v4 =	vunpack.i.l.bf16.f32 v20;
	v10 =	vunpack.i.l.bf16.f32 v13  }
0x55a: {  	v13 =	vunpack.i.u.bf16.f32 v13;
	v16 =	vld [tilespmem:s15+$0xFFFFFF90];
	[tilespmem:s8+$0xFFFFFF80] =	vst v2;
	v2 =	vunpack.i.u.bf16.f32 v20;
	v4 =	vadd.f32 v10, v4  }
0x55b: {  	v10 =	vld [tilespmem:s12+$0xFFFFFFD0];
	[tilespmem:s8+$0x0] =	vst v3;
	v2 =	vadd.f32 v13, v2;
	v3 =	vunpack.i.u.bf16.f32 v15;
	v13 =	vunpack.i.l.bf16.f32 v15  }
0x55c: {  	v15 =	vld [tilespmem:s15+$0xFFFFFFD0];
	[tilespmem:s8+$0x10] =	vst v5;
	v4 =	vmax.f32 v4, $0.0e+00;
	v5 =	vunpack.i.u.bf16.f32 v12;
	v12 =	vunpack.i.l.bf16.f32 v12  }
0x55d: {  	v17 =	vld [tilespmem:s12+$0x10];
	[tilespmem:s8+$0xB0] =	vst v4;
	v2 =	vmax.f32 v2, $0.0e+00;
	v4 =	vunpack.i.u.bf16.f32 v11;
	v11 =	vunpack.i.l.bf16.f32 v11  }
0x55e: {  	v20 =	vunpack.i.u.bf16.f32 v6;
	v18 =	vunpack.i.u.bf16.f32 v9;
	v9 =	vunpack.i.l.bf16.f32 v9;
	v19 =	vld [tilespmem:s15+$0x10];
	[tilespmem:s8+$0xC0] =	vst v2  }
0x55f: {  	v6 =	vunpack.i.l.bf16.f32 v6;
	v2 =	vunpack.i.u.bf16.f32 v16;
	v16 =	vunpack.i.l.bf16.f32 v16;
	v21 =	vld [tilespmem:s12+$0x60]  }
0x560: {  	v9 =	vadd.f32 v16, v9;
	v16 =	vunpack.i.u.bf16.f32 v10;
	v10 =	vunpack.i.l.bf16.f32 v10;
	v22 =	vld [tilespmem:s15+$0x60]  }
0x561: {  	v2 =	vadd.f32 v2, v18;
	v18 =	vunpack.i.u.bf16.f32 v15;
	v15 =	vunpack.i.l.bf16.f32 v15  }
0x562: {  	v10 =	vadd.f32 v15, v10;
	v15 =	vunpack.i.u.bf16.f32 v17;
	v17 =	vunpack.i.l.bf16.f32 v17  }
0x563: {  	v16 =	vadd.f32 v18, v16;
	v18 =	vunpack.i.u.bf16.f32 v19;
	v19 =	vunpack.i.l.bf16.f32 v19  }
0x564: {  	v9 =	vmax.f32 v9, $0.0e+00;
	v17 =	vadd.f32 v19, v17;
	v15 =	vadd.f32 v18, v15  }
0x565: {  	v2 =	vmax.f32 v2, $0.0e+00;
	[tilespmem:s8+$0xFFFFFF00] =	vst v9;
	v9 =	vunpack.i.l.bf16.f32 v21;
	v18 =	vunpack.i.l.bf16.f32 v22  }
0x566: {  	v19 =	vunpack.i.u.bf16.f32 v22;
	[tilespmem:s8+$0xFFFFFF10] =	vst v2;
	v2 =	vunpack.i.u.bf16.f32 v21;
	v9 =	vadd.f32 v18, v9  }
0x567: {  	v10 =	vmax.f32 v10, $0.0e+00;
	v16 =	vmax.f32 v16, $0.0e+00;
	v18 =	vld [tilespmem:s12+$0xFFFFFFA0];
	v2 =	vadd.f32 v19, v2  }
0x568: {  	v15 =	vmax.f32 v15, $0.0e+00;
	v19 =	vld [tilespmem:s15+$0xFFFFFFA0];
	[tilespmem:s8+$0xFFFFFF90] =	vst v10;
	v10 =	vmax.f32 v17, $0.0e+00;
	v9 =	vmax.f32 v9, $0.0e+00  }
0x569: {  	[tilespmem:s8+$0xD0] =	vst v9;
	v2 =	vmax.f32 v2, $0.0e+00;
	v9 =	vunpack.i.u.bf16.f32 v8;
	v8 =	vunpack.i.l.bf16.f32 v8  }
0x56a: {  	v13 =	vadd.f32 v13, v14;
	v14 =	vadd.f32 v3, v7;
	v17 =	vmax.f32 v1, $0.0e+00;
	[tilespmem:s8+$0xE0] =	vst v2  }
0x56b: {  	v11 =	vadd.f32 v11, v12;
	v4 =	vadd.f32 v4, v5;
	[tilespmem:s8+$0xFFFFFFA0] =	vst v16;
	v16 =	vld [tilespmem:s12+$0x70]  }
0x56c: {  	v2 =	vadd.f32 v8, v6;
	v5 =	vunpack.i.u.bf16.f32 v18;
	v7 =	vunpack.i.l.bf16.f32 v18;
	[tilespmem:s8+$0x20] =	vst v10;
	v10 =	vld [tilespmem:s15+$0x70]  }
.Ltmp9:
0x56d: {  	v3 =	vadd.f32 v9, v20;
	v6 =	vunpack.i.u.bf16.f32 v19;
	v8 =	vunpack.i.l.bf16.f32 v19;
	v1 =	vld [tilespmem:s12+$0xFFFFFFE0];
	[tilespmem:s8+$0x30] =	vst v15;
	(pc) =	sbr.rel @p0 .LBB2_20-.Ltmp9, $4  }
0x56e: {  	v9 =	vadd.f32 v8, v7;
	v6 =	vadd.f32 v6, v5;
	v7 =	vld [tilespmem:s15+$0xFFFFFFE0];
	v5 =	vmax.f32 v13, $0.0e+00;
	[tilespmem:s23+$0xF0] =	vst v17  }
0x56f: {  	v12 =	vmax.f32 v14, $0.0e+00;
	v4 =	vmax.f32 v4, $0.0e+00;
	v8 =	vld [tilespmem:s12+$0x20];
	[tilespmem:s23+$0xFFFFFF40] =	vst v5;
	v5 =	vmax.f32 v11, $0.0e+00  }
0x570: {  	v11 =	vmax.f32 v9, $0.0e+00;
	v13 =	vmax.f32 v6, $0.0e+00;
	v9 =	vld [tilespmem:s15+$0x20];
	v6 =	vunpack.i.l.bf16.f32 v16;
	[tilespmem:s23+$0xFFFFFF50] =	vst v12  }
0x571: {  	s12 =	sadd.s32 $0x100, s12;
	[tilespmem:s8+$0xFFFFFF20] =	vst v11;
	v11 =	vunpack.i.u.bf16.f32 v16;
	v12 =	vunpack.i.u.bf16.f32 v10;
	v10 =	vunpack.i.l.bf16.f32 v10  }
0x572: {  	_ = 	snop  }
0x573: {  	v14 =	vunpack.i.u.bf16.f32 v1;
	v1 =	vunpack.i.l.bf16.f32 v1;
	v15 =	vunpack.i.l.bf16.f32 v7  }
0x574: {  	v7 =	vunpack.i.u.bf16.f32 v7;
	v1 =	vadd.f32 v15, v1  }
0x575: {  	v16 =	vunpack.i.u.bf16.f32 v8;
	v7 =	vadd.f32 v7, v14  }
0x576: {  	[tilespmem:s8+$0xFFFFFF30] =	vst v13;
	v8 =	vunpack.i.l.bf16.f32 v8;
	v15 =	vunpack.i.l.bf16.f32 v9;
	v1 =	vmax.f32 v1, $0.0e+00  }
0x577: {  	v9 =	vunpack.i.u.bf16.f32 v9;
	v8 =	vadd.f32 v15, v8;
	[tilespmem:s8+$0xFFFFFFB0] =	vst v1;
	v1 =	vmax.f32 v7, $0.0e+00;
	v7 =	vld [tilespmem:s0+$0xFFFFFFB0]  }
0x578: {  	v9 =	vadd.f32 v9, v16;
	[tilespmem:s8+$0xFFFFFFC0] =	vst v1;
	v1 =	vld [tilespmem:s16+$0xFFFFFFB0]  }
0x579: {  	v8 =	vmax.f32 v8, $0.0e+00;
	v13 =	vld [tilespmem:s0+$0xFFFFFFF0]  }
0x57a: {  	v6 =	vadd.f32 v10, v6;
	[tilespmem:s8+$0x40] =	vst v8;
	v8 =	vmax.f32 v9, $0.0e+00;
	v9 =	vadd.f32 v12, v11;
	v11 =	vld [tilespmem:s16+$0xFFFFFFF0]  }
0x57b: {  	[tilespmem:s8+$0x50] =	vst v8  }
0x57c: {  	[tilespmem:s23+$0xFFFFFFD0] =	vst v5;
	v2 =	vmax.f32 v2, $0.0e+00;
	v3 =	vmax.f32 v3, $0.0e+00;
	v6 =	vmax.f32 v6, $0.0e+00;
	v8 =	vld [tilespmem:s0+$0x30]  }
0x57d: {  	[tilespmem:s23+$0xFFFFFFE0] =	vst v4;
	v5 =	vmax.f32 v9, $0.0e+00;
	v9 =	vld [tilespmem:s16+$0x30];
	v4 =	vunpack.i.u.bf16.f32 v7;
	v7 =	vunpack.i.l.bf16.f32 v7  }
0x57e: {  	[tilespmem:s8+$0x100] =	vst v5;
	v10 =	vunpack.i.u.bf16.f32 v1;
	v1 =	vunpack.i.l.bf16.f32 v1;
	v5 =	vunpack.i.u.bf16.f32 v13  }
0x57f: {  	[tilespmem:s23+$0x60] =	vst v2;
	v12 =	vunpack.i.l.bf16.f32 v13;
	v2 =	vunpack.i.u.bf16.f32 v11;
	v1 =	vadd.f32 v1, v7  }
0x580: {  	[tilespmem:s23+$0x70] =	vst v3;
	v11 =	vunpack.i.l.bf16.f32 v11;
	v4 =	vadd.f32 v10, v4;
	v2 =	vadd.f32 v2, v5  }
0x581: {  	[tilespmem:s8+$0xF0] =	vst v6;
	v3 =	vunpack.i.u.bf16.f32 v8;
	v7 =	vunpack.i.l.bf16.f32 v8;
	v1 =	vmax.f32 v1, $0.0e+00  }
0x582: {  	v8 =	vadd.f32 v11, v12;
	v6 =	vunpack.i.l.bf16.f32 v9;
	[tilespmem:s8+$0xFFFFFF40] =	vst v1;
	v1 =	vmax.f32 v4, $0.0e+00  }
0x583: {  	v4 =	vunpack.i.u.bf16.f32 v9;
	v5 =	vadd.f32 v6, v7;
	v2 =	vmax.f32 v2, $0.0e+00;
	[tilespmem:s8+$0xFFFFFF50] =	vst v1  }
0x584: {  	v6 =	vmax.f32 v8, $0.0e+00;
	v1 =	vadd.f32 v4, v3;
	[tilespmem:s8+$0xFFFFFFE0] =	vst v2  }
0x585: {  	[tilespmem:s8+$0xFFFFFFD0] =	vst v6;
	v2 =	vmax.f32 v5, $0.0e+00  }
0x586: {  	[tilespmem:s8+$0x60] =	vst v2;
	v1 =	vmax.f32 v1, $0.0e+00  }
0x587: {  	[tilespmem:s8+$0x70] =	vst v1  }
0x588: {  	_ =	swait.ge [sflag:s10], $0x2400  }
0x589: {  	[sflag:s10] =	ssyncset.done $0x0  }
0x58a: {  	s28 =	simm.s32 $0x6600;
	[sflag:s10] =	ssyncadd.s32 $0xFFFFDC00  }
0x58b: {  	[spmem:s3] =	stream.indirect.scatter.add.f32 [tilespmem:s28], [sflag:$0xA], $0x90, s9, s29, $0xb8;
	[tilespmem:$0x1F200] =	vst v63  }
0x58c: {  	_ =	swait.ge [sflag:s17], $0x1000  }
0x58d: {  	[sflag:s17] =	ssyncset.done $0x0  }
0x58e: {  	[sflag:s17] =	ssyncadd.s32 $0xFFFFF000  }
0x58f: {  	_ =	swait.ge [sflag:s18], $0x1000  }
0x590: {  	[sflag:s18] =	ssyncset.done $0x0  }
0x591: {  	s12 =	simm.s32 $0x280;
	[sflag:s18] =	ssyncadd.s32 $0xFFFFF000  }
0x592: {  	s30 =	simm.s32 $0x1280;
	v1 =	vld [tilespmem:s12+$0x40]  }
0x593: {  	v2 =	vld [tilespmem:s30+$0x40];
	_ =	sdelay $0x4  }
0x594: {  	v5 =	vld [tilespmem:s30+$0xFFFFFF80];
	v3 =	vunpack.i.l.bf16.f32 v1;
	v4 =	vunpack.i.l.bf16.f32 v2  }
0x595: {  	v6 =	vld [tilespmem:s30+$0xFFFFFFC0];
	v1 =	vunpack.i.u.bf16.f32 v1;
	v2 =	vunpack.i.u.bf16.f32 v2;
	v3 =	vadd.f32 v4, v3  }
0x596: {  	v1 =	vadd.f32 v2, v1;
	v2 =	vld [tilespmem:s12+$0xFFFFFF80]  }
0x597: {  	s23 =	simm.s32 $0x2320;
	v4 =	vld [tilespmem:s12+$0xFFFFFFC0];
	v3 =	vmax.f32 v3, $0.0e+00  }
0x598: {  	v1 =	vmax.f32 v1, $0.0e+00;
	[tilespmem:s23+$0x90] =	vst v3  }
0x599: {  	[tilespmem:s23+$0xA0] =	vst v1  }
0x59a: {  	v11 =	vunpack.i.l.bf16.f32 v6;
	v6 =	vunpack.i.u.bf16.f32 v6;
	v3 =	vunpack.i.u.bf16.f32 v5;
	v1 =	vld [tilespmem:s12+$0x50]  }
0x59b: {  	v5 =	vunpack.i.l.bf16.f32 v5;
	v7 =	vld [tilespmem:s30+$0x50];
	v9 =	vunpack.i.u.bf16.f32 v2;
	v2 =	vunpack.i.l.bf16.f32 v2  }
0x59c: {  	v8 =	vunpack.i.l.bf16.f32 v4;
	v4 =	vunpack.i.u.bf16.f32 v4;
	v2 =	vadd.f32 v5, v2  }
0x59d: {  	v10 =	vld [tilespmem:s12+$0x0];
	v3 =	vadd.f32 v3, v9;
	v4 =	vadd.f32 v6, v4  }
0x59e: {  	v5 =	vld [tilespmem:s30+$0x0];
	v8 =	vadd.f32 v11, v8  }
0x59f: {  	v2 =	vmax.f32 v2, $0.0e+00;
	v3 =	vmax.f32 v3, $0.0e+00;
	v4 =	vmax.f32 v4, $0.0e+00  }
0x5a0: {  	[tilespmem:s23+$0xFFFFFEE0] =	vst v2;
	v2 =	vmax.f32 v8, $0.0e+00;
	v6 =	vunpack.i.l.bf16.f32 v1;
	v8 =	vunpack.i.l.bf16.f32 v7  }
0x5a1: {  	[tilespmem:s23+$0xFFFFFEF0] =	vst v3;
	v1 =	vunpack.i.u.bf16.f32 v1;
	v3 =	vunpack.i.u.bf16.f32 v7;
	v6 =	vadd.f32 v8, v6  }
0x5a2: {  	v7 =	vunpack.i.u.bf16.f32 v10;
	[tilespmem:s23+$0xFFFFFF80] =	vst v4;
	v1 =	vadd.f32 v3, v1;
	v9 =	vld [tilespmem:s30+$0xFFFFFF90]  }
0x5a3: {  	v8 =	vld [tilespmem:s12+$0xFFFFFF90];
	[tilespmem:s23+$0xFFFFFF70] =	vst v2;
	v2 =	vunpack.i.l.bf16.f32 v10;
	v3 =	vunpack.i.l.bf16.f32 v5;
	v4 =	vmax.f32 v6, $0.0e+00  }
0x5a4: {  	v5 =	vunpack.i.u.bf16.f32 v5;
	v2 =	vadd.f32 v3, v2;
	v3 =	vld [tilespmem:s12+$0xFFFFFFD0];
	v1 =	vmax.f32 v1, $0.0e+00;
	[tilespmem:s23+$0xB0] =	vst v4  }
0x5a5: {  	v4 =	vadd.f32 v5, v7;
	v5 =	vld [tilespmem:s30+$0xFFFFFFD0];
	[tilespmem:s23+$0xC0] =	vst v1  }
0x5a6: {  	v1 =	vmax.f32 v2, $0.0e+00;
	v2 =	vld [tilespmem:s12+$0x60]  }
0x5a7: {  	v4 =	vmax.f32 v4, $0.0e+00;
	[tilespmem:s23+$0x0] =	vst v1;
	v1 =	vld [tilespmem:s30+$0x60];
	v6 =	vunpack.i.l.bf16.f32 v9  }
0x5a8: {  	v9 =	vunpack.i.u.bf16.f32 v9;
	[tilespmem:s23+$0x10] =	vst v4;
	v4 =	vunpack.i.l.bf16.f32 v8;
	v8 =	vunpack.i.u.bf16.f32 v8  }
0x5a9: {  	v4 =	vadd.f32 v6, v4;
	v6 =	vunpack.i.u.bf16.f32 v3;
	v3 =	vunpack.i.l.bf16.f32 v3  }
0x5aa: {  	v7 =	vld [tilespmem:s12+$0x10];
	v8 =	vadd.f32 v9, v8;
	v10 =	vunpack.i.u.bf16.f32 v5;
	v5 =	vunpack.i.l.bf16.f32 v5  }
0x5ab: {  	v9 =	vld [tilespmem:s30+$0x10];
	v4 =	vmax.f32 v4, $0.0e+00;
	v3 =	vadd.f32 v5, v3  }
0x5ac: {  	[tilespmem:s23+$0xFFFFFF00] =	vst v4;
	v4 =	vmax.f32 v8, $0.0e+00;
	v8 =	vunpack.i.l.bf16.f32 v2;
	v11 =	vunpack.i.l.bf16.f32 v1  }
0x5ad: {  	v2 =	vunpack.i.u.bf16.f32 v2;
	v1 =	vunpack.i.u.bf16.f32 v1;
	[tilespmem:s23+$0xFFFFFF10] =	vst v4;
	v4 =	vadd.f32 v11, v8  }
0x5ae: {  	v6 =	vadd.f32 v10, v6;
	v1 =	vadd.f32 v1, v2;
	v8 =	vld [tilespmem:s12+$0xFFFFFFA0]  }
0x5af: {  	v5 =	vunpack.i.u.bf16.f32 v7;
	v2 =	vunpack.i.l.bf16.f32 v7;
	v7 =	vld [tilespmem:s30+$0xFFFFFFA0];
	v4 =	vmax.f32 v4, $0.0e+00  }
0x5b0: {  	s15 =	simm.s32 $0x1380;
	v10 =	vunpack.i.u.bf16.f32 v9;
	v9 =	vunpack.i.l.bf16.f32 v9;
	v1 =	vmax.f32 v1, $0.0e+00;
	[tilespmem:s23+$0xD0] =	vst v4  }
0x5b1: {  	v48 =	vld [tilespmem:s15+$0xFFFFFFC0];
	v3 =	vmax.f32 v3, $0.0e+00;
	v2 =	vadd.f32 v9, v2;
	v4 =	vadd.f32 v10, v5;
	[tilespmem:s23+$0xE0] =	vst v1  }
0x5b2: {  	[tilespmem:s23+$0xFFFFFF90] =	vst v3;
	v1 =	vmax.f32 v6, $0.0e+00;
	v3 =	vld [tilespmem:s12+$0x70]  }
0x5b3: {  	v2 =	vmax.f32 v2, $0.0e+00;
	[tilespmem:s23+$0xFFFFFFA0] =	vst v1;
	v5 =	vld [tilespmem:s30+$0x70];
	v4 =	vmax.f32 v4, $0.0e+00  }
0x5b4: {  	[tilespmem:s23+$0x20] =	vst v2;
	v1 =	vunpack.i.u.bf16.f32 v8;
	v6 =	vunpack.i.l.bf16.f32 v8;
	v2 =	vunpack.i.u.bf16.f32 v7;
	v8 =	vld [tilespmem:s12+$0xFFFFFFE0]  }
0x5b5: {  	v7 =	vunpack.i.l.bf16.f32 v7;
	[tilespmem:s23+$0x30] =	vst v4;
	v1 =	vadd.f32 v2, v1;
	v2 =	vld [tilespmem:s30+$0xFFFFFFE0]  }
0x5b6: {  	v4 =	vadd.f32 v7, v6;
	v6 =	vld [tilespmem:s12+$0x20]  }
0x5b7: {  	s0 =	simm.s32 $0x380;
	v16 =	vunpack.i.l.bf16.f32 v48;
	v9 =	vld [tilespmem:s30+$0x20];
	v7 =	vmax.f32 v1, $0.0e+00;
	v1 =	vunpack.i.l.bf16.f32 v3  }
0x5b8: {  	v15 =	vld [tilespmem:s0+$0xFFFFFFC0];
	v3 =	vunpack.i.u.bf16.f32 v3;
	v10 =	vunpack.i.u.bf16.f32 v5;
	v5 =	vunpack.i.l.bf16.f32 v5  }
0x5b9: {  	v11 =	vld [tilespmem:s0+$0x40];
	v4 =	vmax.f32 v4, $0.0e+00;
	v3 =	vadd.f32 v10, v3;
	v1 =	vadd.f32 v5, v1  }
0x5ba: {  	v10 =	vld [tilespmem:s15+$0x40];
	v12 =	vunpack.i.u.bf16.f32 v8;
	v8 =	vunpack.i.l.bf16.f32 v8;
	v13 =	vunpack.i.u.bf16.f32 v2  }
0x5bb: {  	v2 =	vunpack.i.l.bf16.f32 v2;
	v14 =	vunpack.i.u.bf16.f32 v6;
	v6 =	vunpack.i.l.bf16.f32 v6  }
0x5bc: {  	v5 =	vld [tilespmem:s15+$0xFFFFFF80];
	v2 =	vadd.f32 v2, v8;
	v8 =	vunpack.i.u.bf16.f32 v9;
	v9 =	vunpack.i.l.bf16.f32 v9  }
0x5bd: {  	[tilespmem:s23+$0xFFFFFF30] =	vst v7;
	v7 =	vunpack.i.u.bf16.f32 v15;
	v12 =	vadd.f32 v13, v12;
	v6 =	vadd.f32 v9, v6  }
0x5be: {  	v18 =	vld [tilespmem:s0+$0xFFFFFF80];
	[tilespmem:s23+$0xFFFFFF20] =	vst v4;
	v8 =	vadd.f32 v8, v14;
	v14 =	vunpack.i.l.bf16.f32 v11;
	v2 =	vmax.f32 v2, $0.0e+00  }
0x5bf: {  	v13 =	vld [tilespmem:s15+$0x0];
	v11 =	vunpack.i.u.bf16.f32 v11;
	v17 =	vunpack.i.l.bf16.f32 v10;
	v12 =	vmax.f32 v12, $0.0e+00;
	[tilespmem:s23+$0xFFFFFFB0] =	vst v2  }
0x5c0: {  	v9 =	vld [tilespmem:s0+$0x0];
	v10 =	vunpack.i.u.bf16.f32 v10;
	v14 =	vadd.f32 v17, v14;
	[tilespmem:s23+$0xFFFFFFC0] =	vst v12;
	v6 =	vmax.f32 v6, $0.0e+00  }
0x5c1: {  	v4 =	vunpack.i.u.bf16.f32 v5;
	v10 =	vadd.f32 v10, v11;
	[tilespmem:s23+$0x40] =	vst v6;
	v6 =	vmax.f32 v8, $0.0e+00  }
0x5c2: {  	s8 =	simm.s32 $0x2560;
	v5 =	vunpack.i.l.bf16.f32 v5;
	v11 =	vunpack.i.l.bf16.f32 v15;
	v14 =	vmax.f32 v14, $0.0e+00;
	[tilespmem:s23+$0x50] =	vst v6  }
0x5c3: {  	v15 =	vunpack.i.u.bf16.f32 v48;
	v2 =	vunpack.i.u.bf16.f32 v18;
	v8 =	vld [tilespmem:s12+$0xFFFFFFF0];
	v10 =	vmax.f32 v10, $0.0e+00;
	[tilespmem:s8+$0x90] =	vst v14  }
0x5c4: {  	v2 =	vadd.f32 v4, v2;
	v7 =	vadd.f32 v15, v7;
	v19 =	vunpack.i.u.bf16.f32 v13;
	v6 =	vld [tilespmem:s30+$0xFFFFFFF0];
	[tilespmem:s8+$0xA0] =	vst v10  }
0x5c5: {  	v13 =	vunpack.i.l.bf16.f32 v13;
	v49 =	vunpack.i.u.bf16.f32 v9;
	v10 =	vunpack.i.l.bf16.f32 v18;
	v50 =	vld [tilespmem:s0+$0x50]  }
0x5c6: {  	v9 =	vunpack.i.l.bf16.f32 v9;
	v2 =	vmax.f32 v2, $0.0e+00;
	v5 =	vadd.f32 v5, v10;
	v4 =	vld [tilespmem:s15+$0x50]  }
0x5c7: {  	v14 =	vld [tilespmem:s12+$0xFFFFFFB0];
	v7 =	vmax.f32 v7, $0.0e+00;
	v9 =	vadd.f32 v13, v9;
	v12 =	vadd.f32 v19, v49;
	[tilespmem:s8+$0xFFFFFEF0] =	vst v2  }
0x5c8: {  	v11 =	vadd.f32 v16, v11;
	v23 =	vld [tilespmem:s30+$0x30];
	[tilespmem:s8+$0xFFFFFF80] =	vst v7;
	v5 =	vmax.f32 v5, $0.0e+00  }
0x5c9: {  	v10 =	vld [tilespmem:s30+$0xFFFFFFB0];
	v2 =	vmax.f32 v9, $0.0e+00;
	v9 =	vmax.f32 v12, $0.0e+00;
	[tilespmem:s8+$0xFFFFFEE0] =	vst v5  }
0x5ca: {  	v3 =	vmax.f32 v3, $0.0e+00;
	v5 =	vmax.f32 v11, $0.0e+00;
	v11 =	vld [tilespmem:s12+$0x30];
	[tilespmem:s8+$0x10] =	vst v9  }
0x5cb: {  	v9 =	vunpack.i.u.bf16.f32 v8;
	v13 =	vld [tilespmem:s0+$0xFFFFFF90];
	[tilespmem:s8+$0xFFFFFF70] =	vst v5;
	v5 =	vunpack.i.l.bf16.f32 v50;
	v15 =	vunpack.i.l.bf16.f32 v4  }
0x5cc: {  	[tilespmem:s8+$0x0] =	vst v2;
	v51 =	vld [tilespmem:s15+$0xFFFFFF90];
	v7 =	vunpack.i.u.bf16.f32 v50;
	v4 =	vunpack.i.u.bf16.f32 v4;
	v5 =	vadd.f32 v15, v5  }
0x5cd: {  	v8 =	vunpack.i.l.bf16.f32 v8;
	v12 =	vunpack.i.u.bf16.f32 v14;
	v52 =	vld [tilespmem:s0+$0x10];
	v2 =	vadd.f32 v4, v7  }
0x5ce: {  	v14 =	vunpack.i.l.bf16.f32 v14;
	v54 =	vld [tilespmem:s15+$0x10];
	v63 =	vunpack.i.l.bf16.f32 v23;
	v5 =	vmax.f32 v5, $0.0e+00  }
0x5cf: {  	v15 =	vld [tilespmem:s0+$0xFFFFFFD0];
	v4 =	vunpack.i.u.bf16.f32 v10;
	v7 =	vunpack.i.l.bf16.f32 v10;
	v2 =	vmax.f32 v2, $0.0e+00;
	[tilespmem:s8+$0xB0] =	vst v5  }
0x5d0: {  	v10 =	vld [tilespmem:s15+$0xFFFFFFD0];
	v7 =	vadd.f32 v7, v14;
	v4 =	vadd.f32 v4, v12;
	v12 =	vmax.f32 v1, $0.0e+00;
	[tilespmem:s8+$0xC0] =	vst v2  }
0x5d1: {  	v20 =	vunpack.i.u.bf16.f32 v11;
	v11 =	vunpack.i.l.bf16.f32 v11;
	v5 =	vunpack.i.u.bf16.f32 v6;
	v21 =	vld [tilespmem:s0+$0x60]  }
0x5d2: {  	v6 =	vunpack.i.l.bf16.f32 v6;
	v53 =	vunpack.i.u.bf16.f32 v13;
	v13 =	vunpack.i.l.bf16.f32 v13;
	v22 =	vld [tilespmem:s15+$0x60]  }
0x5d3: {  	v2 =	vunpack.i.u.bf16.f32 v51;
	v16 =	vunpack.i.l.bf16.f32 v51;
	v57 =	vunpack.i.u.bf16.f32 v52  }
0x5d4: {  	v17 =	vunpack.i.l.bf16.f32 v52;
	v13 =	vadd.f32 v16, v13;
	v2 =	vadd.f32 v2, v53  }
0x5d5: {  	v55 =	vunpack.i.u.bf16.f32 v15;
	v15 =	vunpack.i.l.bf16.f32 v15;
	v56 =	vunpack.i.l.bf16.f32 v10  }
0x5d6: {  	v58 =	vunpack.i.l.bf16.f32 v54;
	v15 =	vadd.f32 v56, v15;
	v13 =	vmax.f32 v13, $0.0e+00  }
0x5d7: {  	v2 =	vmax.f32 v2, $0.0e+00;
	[tilespmem:s8+$0xFFFFFF00] =	vst v13;
	v13 =	vunpack.i.l.bf16.f32 v21;
	v59 =	vunpack.i.l.bf16.f32 v22  }
0x5d8: {  	[tilespmem:s8+$0xFFFFFF10] =	vst v2;
	v2 =	vunpack.i.u.bf16.f32 v21;
	v60 =	vunpack.i.u.bf16.f32 v22;
	v13 =	vadd.f32 v59, v13  }
0x5d9: {  	[tilespmem:s23+$0x100] =	vst v3;
	v10 =	vunpack.i.u.bf16.f32 v10;
	v61 =	vld [tilespmem:s0+$0xFFFFFFA0];
	v15 =	vmax.f32 v15, $0.0e+00;
	v2 =	vadd.f32 v60, v2  }
0x5da: {  	v19 =	vunpack.i.u.bf16.f32 v54;
	v10 =	vadd.f32 v10, v55;
	v62 =	vld [tilespmem:s15+$0xFFFFFFA0];
	[tilespmem:s8+$0xFFFFFF90] =	vst v15;
	v13 =	vmax.f32 v13, $0.0e+00  }
0x5db: {  	v16 =	vadd.f32 v58, v17;
	v3 =	vadd.f32 v19, v57;
	v2 =	vmax.f32 v2, $0.0e+00;
	[tilespmem:s8+$0xD0] =	vst v13  }
0x5dc: {  	v6 =	vadd.f32 v6, v8;
	v9 =	vadd.f32 v5, v9;
	v10 =	vmax.f32 v10, $0.0e+00;
	[tilespmem:s8+$0xE0] =	vst v2  }
0x5dd: {  	v3 =	vmax.f32 v3, $0.0e+00;
	v15 =	vmax.f32 v16, $0.0e+00;
	[tilespmem:s8+$0xFFFFFFA0] =	vst v10;
	v13 =	vunpack.i.u.bf16.f32 v23;
	v10 =	vld [tilespmem:s0+$0x70]  }
0x5de: {  	[tilespmem:s8+$0x30] =	vst v3;
	v5 =	vunpack.i.u.bf16.f32 v61;
	v8 =	vunpack.i.l.bf16.f32 v61;
	v2 =	vadd.f32 v63, v11;
	v14 =	vld [tilespmem:s15+$0x70]  }
0x5df: {  	[tilespmem:s8+$0x20] =	vst v15;
	v1 =	vld [tilespmem:s0+$0xFFFFFFE0];
	v11 =	vunpack.i.u.bf16.f32 v62;
	v15 =	vunpack.i.l.bf16.f32 v62;
	v3 =	vadd.f32 v13, v20  }
0x5e0: {  	[tilespmem:s23+$0xF0] =	vst v12;
	v13 =	vadd.f32 v15, v8;
	v11 =	vadd.f32 v11, v5;
	v5 =	vmax.f32 v7, $0.0e+00;
	v8 =	vld [tilespmem:s15+$0xFFFFFFE0]  }
0x5e1: {  	v12 =	vmax.f32 v4, $0.0e+00;
	v4 =	vmax.f32 v9, $0.0e+00;
	[tilespmem:s23+$0xFFFFFF40] =	vst v5;
	v5 =	vmax.f32 v6, $0.0e+00;
	v6 =	vld [tilespmem:s0+$0x20]  }
0x5e2: {  	[tilespmem:s23+$0xFFFFFF50] =	vst v12;
	v9 =	vld [tilespmem:s15+$0x20];
	v15 =	vmax.f32 v13, $0.0e+00;
	v13 =	vmax.f32 v11, $0.0e+00;
	v7 =	vunpack.i.l.bf16.f32 v10  }
0x5e3: {  	s24 =	simm.s32 $0x4;
	s16 =	simm.s32 $0x1380;
	s12 =	simm.s32 $0x480;
	[tilespmem:s8+$0xFFFFFF20] =	vst v15;
	v11 =	vunpack.i.u.bf16.f32 v10;
	v12 =	vunpack.i.u.bf16.f32 v14;
	v10 =	vunpack.i.l.bf16.f32 v14  }
.LBB2_22:
0x5e4: {  	v14 =	vld [tilespmem:s12+$0x40];
	[tilespmem:s8+$0xFFFFFF30] =	vst v13;
	v13 =	vunpack.i.u.bf16.f32 v1;
	v15 =	vunpack.i.l.bf16.f32 v1;
	v11 =	vadd.f32 v12, v11;
	s15 =	sadd.s32 $0x100, s15  }
0x5e5: {  	v1 =	vadd.f32 v10, v7;
	v12 =	vld [tilespmem:s15+$0x40];
	v16 =	vunpack.i.u.bf16.f32 v8;
	v8 =	vunpack.i.l.bf16.f32 v8;
	[tilespmem:s23+$0xFFFFFFD0] =	vst v5  }
0x5e6: {  	v5 =	vld [tilespmem:s15+$0xFFFFFF80];
	v7 =	vunpack.i.u.bf16.f32 v6;
	v6 =	vunpack.i.l.bf16.f32 v6;
	v10 =	vmax.f32 v11, $0.0e+00;
	[tilespmem:s23+$0xFFFFFFE0] =	vst v4  }
0x5e7: {  	v8 =	vadd.f32 v8, v15;
	v4 =	vld [tilespmem:s12+$0xFFFFFFC0];
	v11 =	vunpack.i.u.bf16.f32 v9;
	v9 =	vunpack.i.l.bf16.f32 v9;
	[tilespmem:s8+$0x100] =	vst v10  }
0x5e8: {  	v2 =	vmax.f32 v2, $0.0e+00;
	v13 =	vadd.f32 v16, v13;
	v10 =	vld [tilespmem:s15+$0xFFFFFFC0];
	v6 =	vadd.f32 v9, v6  }
0x5e9: {  	v8 =	vmax.f32 v8, $0.0e+00;
	v7 =	vadd.f32 v11, v7;
	v9 =	vld [tilespmem:s12+$0x0];
	[tilespmem:s23+$0x60] =	vst v2;
	v2 =	vmax.f32 v3, $0.0e+00  }
0x5ea: {  	v11 =	vunpack.i.l.bf16.f32 v14;
	v3 =	vld [tilespmem:s15+$0x0];
	v15 =	vunpack.i.l.bf16.f32 v12;
	[tilespmem:s8+$0xFFFFFFB0] =	vst v8;
	v8 =	vmax.f32 v13, $0.0e+00  }
0x5eb: {  	s24 =	sadd.s32 $0x4, s24;
	v14 =	vunpack.i.u.bf16.f32 v14;
	v12 =	vunpack.i.u.bf16.f32 v12;
	v13 =	vld [tilespmem:s12+$0xFFFFFF80];
	v11 =	vadd.f32 v15, v11;
	[tilespmem:s8+$0xFFFFFFC0] =	vst v8  }
0x5ec: {  	p0 =	slt.u32 s24, $0x3C;
	v8 =	vunpack.i.u.bf16.f32 v5;
	v5 =	vunpack.i.l.bf16.f32 v5;
	v12 =	vadd.f32 v12, v14;
	v14 =	vld [tilespmem:s0+$0xFFFFFFB0];
	[tilespmem:s23+$0x70] =	vst v2;
	s23 =	smov.u32 s8  }
0x5ed: {  	v2 =	vunpack.i.u.bf16.f32 v4;
	v4 =	vunpack.i.l.bf16.f32 v4;
	s8 =	sadd.s32 $0x240, s8;
	v11 =	vmax.f32 v11, $0.0e+00;
	v15 =	vld [tilespmem:s16+$0xFFFFFFB0]  }
0x5ee: {  	v16 =	vunpack.i.u.bf16.f32 v10;
	v10 =	vunpack.i.l.bf16.f32 v10;
	[tilespmem:s8+$0x90] =	vst v11;
	v11 =	vmax.f32 v12, $0.0e+00;
	v12 =	vld [tilespmem:s0+$0xFFFFFFF0]  }
0x5ef: {  	v17 =	vunpack.i.u.bf16.f32 v9;
	v9 =	vunpack.i.l.bf16.f32 v9;
	v18 =	vunpack.i.u.bf16.f32 v3;
	[tilespmem:s8+$0xA0] =	vst v11;
	v11 =	vld [tilespmem:s16+$0xFFFFFFF0]  }
0x5f0: {  	v3 =	vunpack.i.l.bf16.f32 v3;
	v19 =	vunpack.i.u.bf16.f32 v13;
	v13 =	vunpack.i.l.bf16.f32 v13;
	v20 =	vld [tilespmem:s12+$0x50]  }
0x5f1: {  	v6 =	vmax.f32 v6, $0.0e+00;
	v5 =	vadd.f32 v5, v13;
	v8 =	vadd.f32 v8, v19;
	v13 =	vld [tilespmem:s15+$0x50]  }
0x5f2: {  	v4 =	vadd.f32 v10, v4;
	v2 =	vadd.f32 v16, v2;
	[tilespmem:s23+$0x40] =	vst v6;
	v6 =	vmax.f32 v7, $0.0e+00  }
0x5f3: {  	v3 =	vadd.f32 v3, v9;
	v7 =	vadd.f32 v18, v17;
	v5 =	vmax.f32 v5, $0.0e+00;
	[tilespmem:s23+$0x50] =	vst v6  }
0x5f4: {  	v4 =	vmax.f32 v4, $0.0e+00;
	v2 =	vmax.f32 v2, $0.0e+00;
	[tilespmem:s8+$0xFFFFFEE0] =	vst v5;
	v5 =	vmax.f32 v8, $0.0e+00;
	v6 =	vld [tilespmem:s0+$0x30];
	s0 =	smov.u32 s12  }
0x5f5: {  	v3 =	vmax.f32 v3, $0.0e+00;
	[tilespmem:s8+$0xFFFFFEF0] =	vst v5;
	v5 =	vmax.f32 v7, $0.0e+00;
	v7 =	vunpack.i.u.bf16.f32 v14;
	v8 =	vld [tilespmem:s16+$0x30];
	s16 =	smov.u32 s15  }
0x5f6: {  	v14 =	vunpack.i.l.bf16.f32 v14;
	v9 =	vld [tilespmem:s12+$0xFFFFFF90];
	[tilespmem:s8+$0xFFFFFF70] =	vst v4;
	v4 =	vunpack.i.l.bf16.f32 v20;
	v10 =	vunpack.i.l.bf16.f32 v13  }
0x5f7: {  	v13 =	vunpack.i.u.bf16.f32 v13;
	v16 =	vld [tilespmem:s15+$0xFFFFFF90];
	[tilespmem:s8+$0xFFFFFF80] =	vst v2;
	v2 =	vunpack.i.u.bf16.f32 v20;
	v4 =	vadd.f32 v10, v4  }
0x5f8: {  	v10 =	vld [tilespmem:s12+$0xFFFFFFD0];
	[tilespmem:s8+$0x0] =	vst v3;
	v2 =	vadd.f32 v13, v2;
	v3 =	vunpack.i.u.bf16.f32 v15;
	v13 =	vunpack.i.l.bf16.f32 v15  }
0x5f9: {  	v15 =	vld [tilespmem:s15+$0xFFFFFFD0];
	[tilespmem:s8+$0x10] =	vst v5;
	v4 =	vmax.f32 v4, $0.0e+00;
	v5 =	vunpack.i.u.bf16.f32 v12;
	v12 =	vunpack.i.l.bf16.f32 v12  }
0x5fa: {  	v17 =	vld [tilespmem:s12+$0x10];
	[tilespmem:s8+$0xB0] =	vst v4;
	v2 =	vmax.f32 v2, $0.0e+00;
	v4 =	vunpack.i.u.bf16.f32 v11;
	v11 =	vunpack.i.l.bf16.f32 v11  }
0x5fb: {  	v20 =	vunpack.i.u.bf16.f32 v6;
	v18 =	vunpack.i.u.bf16.f32 v9;
	v9 =	vunpack.i.l.bf16.f32 v9;
	v19 =	vld [tilespmem:s15+$0x10];
	[tilespmem:s8+$0xC0] =	vst v2  }
0x5fc: {  	v6 =	vunpack.i.l.bf16.f32 v6;
	v2 =	vunpack.i.u.bf16.f32 v16;
	v16 =	vunpack.i.l.bf16.f32 v16;
	v21 =	vld [tilespmem:s12+$0x60]  }
0x5fd: {  	v9 =	vadd.f32 v16, v9;
	v16 =	vunpack.i.u.bf16.f32 v10;
	v10 =	vunpack.i.l.bf16.f32 v10;
	v22 =	vld [tilespmem:s15+$0x60]  }
0x5fe: {  	v2 =	vadd.f32 v2, v18;
	v18 =	vunpack.i.u.bf16.f32 v15;
	v15 =	vunpack.i.l.bf16.f32 v15  }
0x5ff: {  	v10 =	vadd.f32 v15, v10;
	v15 =	vunpack.i.u.bf16.f32 v17;
	v17 =	vunpack.i.l.bf16.f32 v17  }
0x600: {  	v16 =	vadd.f32 v18, v16;
	v18 =	vunpack.i.u.bf16.f32 v19;
	v19 =	vunpack.i.l.bf16.f32 v19  }
0x601: {  	v9 =	vmax.f32 v9, $0.0e+00;
	v17 =	vadd.f32 v19, v17;
	v15 =	vadd.f32 v18, v15  }
0x602: {  	v2 =	vmax.f32 v2, $0.0e+00;
	[tilespmem:s8+$0xFFFFFF00] =	vst v9;
	v9 =	vunpack.i.l.bf16.f32 v21;
	v18 =	vunpack.i.l.bf16.f32 v22  }
0x603: {  	v19 =	vunpack.i.u.bf16.f32 v22;
	[tilespmem:s8+$0xFFFFFF10] =	vst v2;
	v2 =	vunpack.i.u.bf16.f32 v21;
	v9 =	vadd.f32 v18, v9  }
0x604: {  	v10 =	vmax.f32 v10, $0.0e+00;
	v16 =	vmax.f32 v16, $0.0e+00;
	v18 =	vld [tilespmem:s12+$0xFFFFFFA0];
	v2 =	vadd.f32 v19, v2  }
0x605: {  	v15 =	vmax.f32 v15, $0.0e+00;
	v19 =	vld [tilespmem:s15+$0xFFFFFFA0];
	[tilespmem:s8+$0xFFFFFF90] =	vst v10;
	v10 =	vmax.f32 v17, $0.0e+00;
	v9 =	vmax.f32 v9, $0.0e+00  }
0x606: {  	[tilespmem:s8+$0xD0] =	vst v9;
	v2 =	vmax.f32 v2, $0.0e+00;
	v9 =	vunpack.i.u.bf16.f32 v8;
	v8 =	vunpack.i.l.bf16.f32 v8  }
0x607: {  	v13 =	vadd.f32 v13, v14;
	v7 =	vadd.f32 v3, v7;
	v14 =	vmax.f32 v1, $0.0e+00;
	[tilespmem:s8+$0xE0] =	vst v2  }
0x608: {  	v11 =	vadd.f32 v11, v12;
	v4 =	vadd.f32 v4, v5;
	[tilespmem:s8+$0xFFFFFFA0] =	vst v16;
	v16 =	vld [tilespmem:s12+$0x70]  }
0x609: {  	v2 =	vadd.f32 v8, v6;
	v5 =	vunpack.i.u.bf16.f32 v18;
	v12 =	vunpack.i.l.bf16.f32 v18;
	[tilespmem:s8+$0x20] =	vst v10;
	v10 =	vld [tilespmem:s15+$0x70]  }
.Ltmp10:
0x60a: {  	v3 =	vadd.f32 v9, v20;
	v6 =	vunpack.i.u.bf16.f32 v19;
	v8 =	vunpack.i.l.bf16.f32 v19;
	v1 =	vld [tilespmem:s12+$0xFFFFFFE0];
	[tilespmem:s8+$0x30] =	vst v15;
	(pc) =	sbr.rel @p0 .LBB2_22-.Ltmp10, $4  }
0x60b: {  	v9 =	vadd.f32 v8, v12;
	v12 =	vadd.f32 v6, v5;
	v8 =	vld [tilespmem:s15+$0xFFFFFFE0];
	v5 =	vmax.f32 v13, $0.0e+00;
	[tilespmem:s23+$0xF0] =	vst v14  }
0x60c: {  	v4 =	vmax.f32 v4, $0.0e+00;
	v14 =	vmax.f32 v7, $0.0e+00;
	v6 =	vld [tilespmem:s12+$0x20];
	[tilespmem:s23+$0xFFFFFF40] =	vst v5;
	v5 =	vmax.f32 v11, $0.0e+00  }
0x60d: {  	v11 =	vmax.f32 v9, $0.0e+00;
	v13 =	vmax.f32 v12, $0.0e+00;
	v9 =	vld [tilespmem:s15+$0x20];
	v7 =	vunpack.i.l.bf16.f32 v16;
	[tilespmem:s23+$0xFFFFFF50] =	vst v14  }
0x60e: {  	s12 =	sadd.s32 $0x100, s12;
	[tilespmem:s8+$0xFFFFFF20] =	vst v11;
	v11 =	vunpack.i.u.bf16.f32 v16;
	v12 =	vunpack.i.u.bf16.f32 v10;
	v10 =	vunpack.i.l.bf16.f32 v10  }
0x60f: {  	_ = 	snop  }
0x610: {  	v14 =	vunpack.i.u.bf16.f32 v1;
	v1 =	vunpack.i.l.bf16.f32 v1;
	v43 =	vunpack.i.l.bf16.f32 v8  }
0x611: {  	v15 =	vunpack.i.u.bf16.f32 v8;
	v16 =	vunpack.i.l.bf16.f32 v6;
	v1 =	vadd.f32 v43, v1  }
0x612: {  	v14 =	vadd.f32 v15, v14;
	v45 =	vunpack.i.u.bf16.f32 v6;
	v44 =	vunpack.i.l.bf16.f32 v9  }
0x613: {  	[tilespmem:s8+$0xFFFFFF30] =	vst v13;
	v46 =	vunpack.i.u.bf16.f32 v9;
	v8 =	vadd.f32 v44, v16;
	v1 =	vmax.f32 v1, $0.0e+00  }
0x614: {  	v47 =	vld [tilespmem:s0+$0xFFFFFFB0];
	v6 =	vadd.f32 v46, v45;
	[tilespmem:s8+$0xFFFFFFB0] =	vst v1;
	v1 =	vmax.f32 v14, $0.0e+00  }
0x615: {  	[tilespmem:s8+$0xFFFFFFC0] =	vst v1;
	v1 =	vld [tilespmem:s16+$0xFFFFFFB0];
	v8 =	vmax.f32 v8, $0.0e+00  }
0x616: {  	v6 =	vmax.f32 v6, $0.0e+00;
	v48 =	vld [tilespmem:s0+$0xFFFFFFF0];
	[tilespmem:s8+$0x40] =	vst v8  }
0x617: {  	v49 =	vadd.f32 v12, v11;
	v50 =	vld [tilespmem:s16+$0xFFFFFFF0];
	[tilespmem:s8+$0x50] =	vst v6  }
0x618: {  	v51 =	vadd.f32 v10, v7;
	v52 =	vld [tilespmem:s0+$0x30]  }
0x619: {  	[tilespmem:s23+$0xFFFFFFD0] =	vst v5;
	v2 =	vmax.f32 v2, $0.0e+00;
	v3 =	vmax.f32 v3, $0.0e+00;
	v53 =	vmax.f32 v49, $0.0e+00  }
0x61a: {  	[tilespmem:s23+$0xFFFFFFE0] =	vst v4;
	v54 =	vunpack.i.u.bf16.f32 v47;
	v9 =	vunpack.i.l.bf16.f32 v47;
	v6 =	vmax.f32 v51, $0.0e+00;
	v55 =	vld [tilespmem:s16+$0x30]  }
0x61b: {  	[tilespmem:s23+$0x60] =	vst v2;
	v56 =	vunpack.i.u.bf16.f32 v1;
	v1 =	vunpack.i.l.bf16.f32 v1;
	v57 =	vunpack.i.u.bf16.f32 v48  }
0x61c: {  	[tilespmem:s23+$0x70] =	vst v3;
	v58 =	vunpack.i.l.bf16.f32 v48;
	v2 =	vunpack.i.u.bf16.f32 v50;
	v1 =	vadd.f32 v1, v9  }
0x61d: {  	[tilespmem:s8+$0x100] =	vst v53;
	v11 =	vunpack.i.l.bf16.f32 v50;
	v4 =	vadd.f32 v56, v54;
	v3 =	vunpack.i.u.bf16.f32 v52  }
0x61e: {  	[tilespmem:s8+$0xF0] =	vst v6;
	v7 =	vunpack.i.l.bf16.f32 v52;
	v59 =	vadd.f32 v11, v58;
	v1 =	vmax.f32 v1, $0.0e+00  }
0x61f: {  	v60 =	vunpack.i.l.bf16.f32 v55;
	v2 =	vadd.f32 v2, v57;
	[tilespmem:s8+$0xFFFFFF40] =	vst v1;
	v1 =	vmax.f32 v4, $0.0e+00  }
0x620: {  	v61 =	vunpack.i.u.bf16.f32 v55;
	v62 =	vadd.f32 v60, v7;
	v63 =	vmax.f32 v59, $0.0e+00;
	[tilespmem:s8+$0xFFFFFF50] =	vst v1  }
0x621: {  	v2 =	vmax.f32 v2, $0.0e+00;
	v1 =	vadd.f32 v61, v3;
	[tilespmem:s8+$0xFFFFFFD0] =	vst v63  }
0x622: {  	[tilespmem:s8+$0xFFFFFFE0] =	vst v2;
	v2 =	vmax.f32 v62, $0.0e+00  }
0x623: {  	[tilespmem:s8+$0x60] =	vst v2;
	v1 =	vmax.f32 v1, $0.0e+00  }
0x624: {  	[tilespmem:s8+$0x70] =	vst v1  }
0x625: {  	_ =	swait.ge [sflag:s22], $0x2400  }
0x626: {  	[sflag:s22] =	ssyncset.done $0x0  }
0x627: {  	[sflag:s22] =	ssyncadd.s32 $0xFFFFDC00  }
0x628: {  	[spmem:s3] =	stream.indirect.scatter.add.f32 [tilespmem:s19], [sflag:$0x7], $0x90, s29, s29, $0xb8;
	[tilespmem:$0x1F200] =	vst v63  }
0x629: {  	_ =	swait.ge [sflag:s10], $0x2400  }
0x62a: {  	[sflag:s10] =	ssyncset.done $0x0  }
0x62b: {  	[sflag:s10] =	ssyncadd.s32 $0xFFFFDC00  }
0x62c: {  	[bflag:$0x0] =	sbarrier.arrive $0xFFFF  }
0x62d: {  	s12 =	rddreg [dreg:$0x6]  }
0x62e: {  	s24 =	rddreg [dreg:$0x15]  }
0x62f: {  	s8 =	simm.s32 $0xB;
	s28 =	rddreg [dreg:$0x18]  }
0x630: {  	[hbm:s24], [sflag:s12] =	dma.local [spmem:s28], $0x2D00  }
0x631: {  	_ =	swait.ge [sflag:s8], $0x2D00  }
0x632: {  	s13 =	sadd.s32 $0x1, s13;
	s30 =	rddreg [dreg:$0x16]  }
0x633: {  	p0 =	sne.s32 s13, s30  }
.Ltmp11:
0x634: {  	_ = 	snop;
	(pc) =	sbr.rel @p0 .LBB2_1-.Ltmp11, $3  }
0x635: {  	_ =	sdelay $0x1  }
0x636: {  	[sflag:s8] =	ssyncset.done $0x0  }
0x637: {  	[sflag:s8] =	ssyncadd.s32 $0xFFFFD300  }
0x638: {  	_ =	sfence.sel $0x180000  }
0x639: {  	[bflag:$0x0] =	sbarrier.arrive $0xFFFF  }
0x63a: {  	_ =	strace $0x90000047  }
0x63b: {  	s0 =	stileid.u32;
	[bflag:$0x2] =	sbarrier.arrive $0xFFFF  }
0x63c: {  	p0 =	sne.s32 s0, $0x0;
	s0 =	rddreg [dreg:$0x3]  }
0x63d: {  	s0 =	sadd.s32 @!p0 $0x100000, s0  }
0x63e: {  	[sflag:s0] =	ssyncadd.tile.s32 @!p0 $0x1;
	_ =	shalt  }
.Lfunc_end2:
_tile_overlayer_lowered:
.L_overlay_start_2:
0x63f: {  	(tag) =	ssettag $0x2  }
0x640: {  	s0 =	rddreg [dreg:$0x0];
	s2 =	stileid.u32  }
0x641: {  	s1 =	rddreg [dreg:$0x1];
	p0 =	sne.s32 s2, $0x0  }
0x642: {  	s3 =	rddreg [dreg:$0x2];
	[bflag:$0x3] =	sbarrier.arrive $0xFFFF;
	s2 =	simm.s32 @!p0 $0x1C0B  }
0x643: {  	[timem:s3], [sflag:s2] =	dma.local @!p0 [hbm:s0], s1  }
0x644: {  	s0 =	simm.s32 @!p0 $0xB  }
0x645: {  	_ =	swait.ge @!p0 [sflag:s0], s1  }
0x646: {  	s1 =	ssub.s32 @!p0 $0x0, s1;
	[sflag:s0] =	ssyncset.done @!p0 $0x0  }
0x647: {  	[sflag:s0] =	ssyncadd.s32 @!p0 s1  }
0x648: {  	[bflag:$0x3] =	sbarrier.arrive $0xFFFF  }
0x649: {  	_ =	shalt  }

</sc_bundles>
